<compile_context>
chip_gen: v7x
topology: tpu7x:2x2x1
jax: 0.10.2.dev20260603
libtpu: 0.0.44.dev20260713+nightly
codegen_flags: <defaults>
</compile_context>

<pallas_src>
import functools

import jax
import jax.numpy as jnp
import numpy as np
from jax import lax
from jax.experimental import pallas as pl
from jax.experimental.pallas import tpu as pltpu
from jax.experimental.pallas import tpu_sc as plsc

NCLS = 19
SMOOTH_V = 1e-05

NC = 2
NS = 16
L = 16
NW = NC * NS

B, H, W = 4, 512, 512
SC_B = 2
ROWS_PER_W = (SC_B * H) // NW
CHUNK = 16
NCHUNK = ROWS_PER_W // CHUNK
GRP = 8
NACC = 4
ACC = NCLS * L

EXTRA_ROWS = 8
TC_BLK = 256
TC_ROW0 = SC_B * H + NW * EXTRA_ROWS
TC_STEPS = (B * H - TC_ROW0) // TC_BLK


def _sc_body(o_hbm, g_hbm, part_hbm, o_v, g_v, o_x, g_x, sem_o, sem_g, *accs):
    acc_a = accs[:NACC]
    acc_b = accs[NACC:]
    wid = lax.axis_index("s") * NC + lax.axis_index("c")
    wpb = NW // SC_B
    b = wid // wpb
    r0 = (wid % wpb) * ROWS_PER_W

    def start(c, slot):
        ro = r0 + c * CHUNK
        co = pltpu.async_copy(
            o_hbm.at[b, 0, pl.ds(ro, CHUNK), :], o_v.at[slot], sem_o.at[slot]
        )
        cg = pltpu.async_copy(
            g_hbm.at[b, 0, pl.ds(ro, CHUNK), :], g_v.at[slot], sem_g.at[slot]
        )
        return co, cg

    pend = start(0, 0)
    rx = wid * EXTRA_ROWS
    cox = pltpu.async_copy(
        o_hbm.at[SC_B, 0, pl.ds(rx, EXTRA_ROWS), :], o_x, sem_o.at[2]
    )
    cgx = pltpu.async_copy(
        g_hbm.at[SC_B, 0, pl.ds(rx, EXTRA_ROWS), :], g_x, sem_g.at[2]
    )

    zeros = jnp.zeros((L,), jnp.float32)
    for a in accs:
        for r in range(ACC // L):
            a[pl.ds(r * L, L)] = zeros

    lane = lax.iota(jnp.int32, L)
    ones = jnp.ones((L,), jnp.float32)

    def walk(load_g, load_o, nrows):
        def row_body(r, carry):
            for grp in range(W // (L * GRP)):
                gs, os_ = [], []
                for j in range(GRP):
                    col = (grp * GRP + j) * L
                    gs.append(load_g(r, col))
                    os_.append(load_o(r, col))
                d2s, idxs = [], []
                for j in range(GRP):
                    d = gs[j].astype(jnp.float32) - os_[j]
                    d2s.append(d * d)
                    idxs.append(gs[j] * L + lane)
                for j in range(GRP):
                    plsc.addupdate_scatter(acc_a[j % NACC], [idxs[j]], d2s[j])
                    plsc.addupdate_scatter(acc_b[j % NACC], [idxs[j]], ones)
            return carry

        lax.fori_loop(0, nrows, row_body, 0)

    for c in range(NCHUNK):
        co, cg = pend
        co.wait()
        cg.wait()
        if c + 1 < NCHUNK:
            pend = start(c + 1, (c + 1) % 2)
        slot = c % 2
        walk(
            lambda r, col: g_v[slot, r, pl.ds(col, L)],
            lambda r, col: o_v[slot, r, pl.ds(col, L)],
            CHUNK,
        )

    cox.wait()
    cgx.wait()
    walk(
        lambda r, col: g_x[r, pl.ds(col, L)],
        lambda r, col: o_x[r, pl.ds(col, L)],
        EXTRA_ROWS,
    )

    for r in range(ACC // L):
        sl = pl.ds(r * L, L)
        acc_a[0][sl] += acc_a[1][sl] + acc_a[2][sl] + acc_a[3][sl]
        acc_b[0][sl] += acc_b[1][sl] + acc_b[2][sl] + acc_b[3][sl]
    pltpu.sync_copy(acc_a[0], part_hbm.at[wid, 0])
    pltpu.sync_copy(acc_b[0], part_hbm.at[wid, 1])


def _tc_body(o_ref, g_ref, s152_ref, d2_ref, cnt_ref, d2v_ref, ctv_ref):
    i = pl.program_id(0)

    @pl.when(i == 0)
    def _():
        d2_ref[...] = jnp.zeros((NCLS * 8, W), jnp.float32)
        cnt_ref[...] = jnp.zeros((NCLS * 8, W), jnp.float32)

    g = g_ref[0, 0]
    o = o_ref[0, 0]
    d = g.astype(jnp.float32) - o
    d2 = d * d
    for c in range(NCLS):
        m = g == c
        s8 = jnp.sum(jnp.where(m, d2, 0.0).reshape(TC_BLK // 8, 8, W), axis=0)
        n8 = jnp.sum(jnp.where(m, 1.0, 0.0).reshape(TC_BLK // 8, 8, W), axis=0)
        d2_ref[pl.ds(c * 8, 8), :] += s8
        cnt_ref[pl.ds(c * 8, 8), :] += n8

    @pl.when(i == TC_STEPS - 1)
    def _():
        dims = (((1,), (0,)), ((), ()))
        hi = lax.Precision.HIGHEST
        t1 = lax.dot_general(
            s152_ref[...], d2_ref[...], dims, precision=hi,
            preferred_element_type=jnp.float32,
        )
        t2 = lax.dot_general(
            s152_ref[...], cnt_ref[...], dims, precision=hi,
            preferred_element_type=jnp.float32,
        )
        d2v_ref[...] = jnp.sum(t1, axis=1)
        ctv_ref[...] = jnp.sum(t2, axis=1)


def _fin_body(part_ref, d2v_ref, ctv_ref, s304_ref, out_ref):
    dims = (((1,), (0,)), ((), ()))
    hi = lax.Precision.HIGHEST
    total = jnp.sum(part_ref[...], axis=0)
    a = lax.dot_general(
        total, s304_ref[...], dims, precision=hi,
        preferred_element_type=jnp.float32,
    )
    d2 = a[0] + d2v_ref[...]
    ct = a[1] + ctv_ref[...]
    out_ref[...] = d2 / jnp.maximum(ct, SMOOTH_V)


@jax.jit
def _both_call(o, g):
    sc_k = functools.partial(
        pl.kernel,
        out_type=jax.ShapeDtypeStruct((NW, 2, ACC), jnp.float32),
        mesh=plsc.VectorSubcoreMesh(core_axis_name="c", subcore_axis_name="s"),
        compiler_params=pltpu.CompilerParams(needs_layout_passes=False),
        scratch_types=[
            pltpu.VMEM((2, CHUNK, W), jnp.float32),
            pltpu.VMEM((2, CHUNK, W), jnp.int32),
            pltpu.VMEM((EXTRA_ROWS, W), jnp.float32),
            pltpu.VMEM((EXTRA_ROWS, W), jnp.int32),
            pltpu.SemaphoreType.DMA((3,)),
            pltpu.SemaphoreType.DMA((3,)),
        ]
        + [pltpu.VMEM((ACC,), jnp.float32) for _ in range(2 * NACC)],
    )(_sc_body)
    part = sc_k(o, g)

    s304 = jnp.asarray(
        np.eye(NCLS, dtype=np.float32)[np.arange(ACC) // L]
    )
    s152 = jnp.asarray(
        np.eye(NCLS, dtype=np.float32)[np.arange(NCLS * 8) // 8].T
    )

    blk0 = TC_ROW0 // TC_BLK
    rows_per_img = H // TC_BLK
    _, _, tc_d2v, tc_ctv = pl.pallas_call(
        _tc_body,
        grid=(TC_STEPS,),
        in_specs=[
            pl.BlockSpec(
                (1, 1, TC_BLK, W),
                lambda i: ((blk0 + i) // rows_per_img, 0, (blk0 + i) % rows_per_img, 0),
            ),
            pl.BlockSpec(
                (1, 1, TC_BLK, W),
                lambda i: ((blk0 + i) // rows_per_img, 0, (blk0 + i) % rows_per_img, 0),
            ),
            pl.BlockSpec((NCLS, NCLS * 8), lambda i: (0, 0)),
        ],
        out_specs=[
            pl.BlockSpec((NCLS * 8, W), lambda i: (0, 0)),
            pl.BlockSpec((NCLS * 8, W), lambda i: (0, 0)),
            pl.BlockSpec((NCLS,), lambda i: (0,)),
            pl.BlockSpec((NCLS,), lambda i: (0,)),
        ],
        out_shape=[
            jax.ShapeDtypeStruct((NCLS * 8, W), jnp.float32),
            jax.ShapeDtypeStruct((NCLS * 8, W), jnp.float32),
            jax.ShapeDtypeStruct((NCLS,), jnp.float32),
            jax.ShapeDtypeStruct((NCLS,), jnp.float32),
        ],
    )(o, g, s152)

    mse = pl.pallas_call(
        _fin_body,
        out_shape=jax.ShapeDtypeStruct((NCLS,), jnp.float32),
    )(part, tc_d2v, tc_ctv, s304)
    return mse


def kernel(outputs, gt):
    return _both_call(outputs, gt)

# --- scband reference (transcript-rebuilt; emitter-appended) ---
"""Pipeline reference for scband-my-mse-7000796692659 (READ-ONLY COPY).

The authoritative reference and input builder live on the scoring server;
editing this copy changes nothing except your own understanding.
"""

import jax, jax.numpy as jnp
import numpy as np

N_CLASSES = 19
SMOOTH = 1e-05


def _scatter(t, idx, n_classes):
    # torch: result.scatter_(1, idx, t) with idx/t of shape [B,1,H,W]
    # result[b, idx[b,0,h,w], h, w] = t[b,0,h,w]; zero elsewhere.
    oh = jax.nn.one_hot(idx[:, 0], n_classes, axis=1, dtype=t.dtype)  # [B,C,H,W]
    return oh * t  # t is [B,1,H,W], broadcasts over class axis


def setup_inputs(seed: int = 0) -> dict:
    key = jax.random.key(seed)
    k1, k2 = jax.random.split(key)
    outputs = jax.random.normal(k1, (4, 1, 512, 512), dtype=jnp.float32)
    gt = jax.random.randint(k2, (4, 1, 512, 512), 0, N_CLASSES, dtype=jnp.int32)
    return {"outputs": outputs, "gt": gt}


def reference(outputs, gt):
    gt_f = gt.astype(jnp.float32)
    gt_scattered = _scatter(gt_f, gt, N_CLASSES)
    out_scattered = _scatter(outputs, gt, N_CLASSES)
    # count_elements: one-hot scatter of 1.0 then sum over batch + spatial == bincount
    counts = jnp.bincount(gt.reshape(-1), length=N_CLASSES).astype(jnp.float32)
    counts = jnp.maximum(counts, SMOOTH)  # clamp(min=smooth)
    diff = gt_scattered - out_scattered
    diff = (diff ** 2).sum(axis=(0, 2, 3))  # sum over batch and all spatial dims
    mse = diff / counts
    return mse

if __name__ == "__main__":
    import jax
    _d = setup_inputs()
    print(jax.jit(kernel)(*tuple(_d.values())))

</pallas_src>

<mosaic_0001>
#map = affine_map<(d0, d1) -> (0, 0, 0, 0)>
#map1 = affine_map<(d0, d1) -> (0, 0, 0)>
module attributes {stable_mosaic.version = 14 : i64} {
  func.func @_sc_body(%arg0: i32, %arg1: i32, %arg2: memref<4x1x512x512xf32, #tpu.memory_space<hbm>>, %arg3: memref<4x1x512x512xi32, #tpu.memory_space<hbm>>, %arg4: memref<32x2x304xf32, #tpu.memory_space<hbm>>, %arg5: memref<2x16x512xf32, #tpu.memory_space<vmem>>, %arg6: memref<2x16x512xi32, #tpu.memory_space<vmem>>, %arg7: memref<8x512xf32, #tpu.memory_space<vmem>>, %arg8: memref<8x512xi32, #tpu.memory_space<vmem>>, %arg9: memref<3x!tpu.dma_semaphore, #tpu.memory_space<semaphore_mem>>, %arg10: memref<3x!tpu.dma_semaphore, #tpu.memory_space<semaphore_mem>>, %arg11: memref<304xf32, #tpu.memory_space<vmem>>, %arg12: memref<304xf32, #tpu.memory_space<vmem>>, %arg13: memref<304xf32, #tpu.memory_space<vmem>>, %arg14: memref<304xf32, #tpu.memory_space<vmem>>, %arg15: memref<304xf32, #tpu.memory_space<vmem>>, %arg16: memref<304xf32, #tpu.memory_space<vmem>>, %arg17: memref<304xf32, #tpu.memory_space<vmem>>, %arg18: memref<304xf32, #tpu.memory_space<vmem>>) attributes {dimension_semantics = [#tpu.dimension_semantics<core_parallel>, #tpu.dimension_semantics<subcore_parallel>], iteration_bounds = array<i64: 2, 16>, scalar_prefetch = 0 : i64, scratch_operands = 14 : i64, tpu.core_type = #tpu.core_type<sc_vector_subcore>, window_params = [{transform_indices = #map}, {transform_indices = #map}, {transform_indices = #map1}]} {
    %mul3A = arith.constant 2 : i32
    %mul3A_0 = arith.muli %arg1, %mul3A : i32
    %add3A = arith.addi %mul3A_0, %arg0 : i32
    %jit3A = arith.constant 16 : i32
    %div3A = arith.divsi %add3A, %jit3A : i32
    %sign3A = arith.constant 0 : i32
    %sign3A_1 = arith.cmpi sgt, %add3A, %sign3A : i32
    %sign3A_2 = arith.extui %sign3A_1 : i1 to i32
    %sign3A_3 = arith.constant 0 : i32
    %sign3A_4 = arith.cmpi slt, %add3A, %sign3A_3 : i32
    %sign3A_5 = arith.extui %sign3A_4 : i1 to i32
    %sign3A_6 = arith.subi %sign3A_2, %sign3A_5 : i32
    %sign3A_7 = arith.constant 0 : i32
    %sign3A_8 = arith.cmpi sgt, %jit3A, %sign3A_7 : i32
    %sign3A_9 = arith.extui %sign3A_8 : i1 to i32
    %sign3A_10 = arith.constant 0 : i32
    %sign3A_11 = arith.cmpi slt, %jit3A, %sign3A_10 : i32
    %sign3A_12 = arith.extui %sign3A_11 : i1 to i32
    %sign3A_13 = arith.subi %sign3A_9, %sign3A_12 : i32
    %ne3A = arith.cmpi ne, %sign3A_6, %sign3A_13 : i32
    %rem3A = arith.remsi %add3A, %jit3A : i32
    %ne3A_14 = arith.constant 0 : i32
    %ne3A_15 = arith.cmpi ne, %rem3A, %ne3A_14 : i32
    %and3A = arith.andi %ne3A, %ne3A_15 : i1
    %sub3A = arith.constant 1 : i32
    %sub3A_16 = arith.subi %div3A, %sub3A : i32
    %select_n3A = arith.select %and3A, %sub3A_16, %div3A : i32
    %jit3A_17 = arith.constant 16 : i32
    %eq3A = arith.constant 0 : i32
    %eq3A_18 = arith.cmpi eq, %jit3A_17, %eq3A : i32
    %jit3A_19 = arith.constant 1 : i32
    %select_n3A_20 = arith.select %eq3A_18, %jit3A_19, %jit3A_17 : i32
    %rem3A_21 = arith.remsi %add3A, %select_n3A_20 : i32
    %ne3A_22 = arith.constant 0 : i32
    %ne3A_23 = arith.cmpi ne, %rem3A_21, %ne3A_22 : i32
    %lt3A = arith.constant 0 : i32
    %lt3A_24 = arith.cmpi slt, %rem3A_21, %lt3A : i32
    %lt3A_25 = arith.constant 0 : i32
    %lt3A_26 = arith.cmpi slt, %select_n3A_20, %lt3A_25 : i32
    %ne3A_27 = arith.xori %lt3A_24, %lt3A_26 : i1
    %and3A_28 = arith.andi %ne3A_27, %ne3A_23 : i1
    %add3A_29 = arith.addi %rem3A_21, %select_n3A_20 : i32
    %select_n3A_30 = arith.select %and3A_28, %add3A_29, %rem3A_21 : i32
    %mul3A_31 = arith.constant 32 : i32
    %mul3A_32 = arith.muli %select_n3A_30, %mul3A_31 : i32
    %add3A_33 = arith.constant 0 : i32
    %add3A_34 = arith.addi %mul3A_32, %add3A_33 : i32
    %dma_start3A = arith.constant 0 : i32
    %dma_start3A_35 = arith.constant 0 : i32
    %dma_start3A_36 = arith.constant 0 : i32
    %dma_start3A_37 = arith.constant 0 : i32
    %dma_start3A_38 = arith.constant 0 : i32
    %dma_start3A_39 = tpu.memref_slice %arg5[%dma_start3A_35, %dma_start3A_37, %dma_start3A_38] : memref<2x16x512xf32, #tpu.memory_space<vmem>> -> memref<1x16x512xf32, #tpu.memory_space<vmem>>
    %dma_start3A_40 = tpu.memref_squeeze %dma_start3A_39 : memref<1x16x512xf32, #tpu.memory_space<vmem>> -> memref<16x512xf32, #tpu.memory_space<vmem>>
    %dma_start3A_41 = arith.constant 0 : i32
    %dma_start3A_42 = tpu.memref_slice %arg2[%select_n3A, %dma_start3A, %add3A_34, %dma_start3A_41] : memref<4x1x512x512xf32, #tpu.memory_space<hbm>> -> memref<1x1x16x512xf32, #tpu.memory_space<hbm>>
    %dma_start3A_43 = tpu.memref_squeeze %dma_start3A_42 : memref<1x1x16x512xf32, #tpu.memory_space<hbm>> -> memref<16x512xf32, #tpu.memory_space<hbm>>
    %dma_start3A_44 = tpu.memref_slice %arg9[%dma_start3A_36] : memref<3x!tpu.dma_semaphore, #tpu.memory_space<semaphore_mem>> -> memref<1x!tpu.dma_semaphore, #tpu.memory_space<semaphore_mem>>
    %dma_start3A_45 = tpu.memref_squeeze %dma_start3A_44 : memref<1x!tpu.dma_semaphore, #tpu.memory_space<semaphore_mem>> -> memref<!tpu.dma_semaphore, #tpu.memory_space<semaphore_mem>>
    %dma_start3A_46 = arith.constant 0 : i32
    %dma_start3A_47 = arith.constant 0 : i32
    %dma_start3A_48 = tpu.memref_slice %arg5[%dma_start3A_35, %dma_start3A_46, %dma_start3A_47] : memref<2x16x512xf32, #tpu.memory_space<vmem>> -> memref<1x16x512xf32, #tpu.memory_space<vmem>>
    %dma_start3A_49 = tpu.memref_squeeze %dma_start3A_48 : memref<1x16x512xf32, #tpu.memory_space<vmem>> -> memref<16x512xf32, #tpu.memory_space<vmem>>
    %dma_start3A_50 = arith.constant 0 : i32
    %dma_start3A_51 = tpu.memref_slice %arg2[%select_n3A, %dma_start3A, %add3A_34, %dma_start3A_50] : memref<4x1x512x512xf32, #tpu.memory_space<hbm>> -> memref<1x1x16x512xf32, #tpu.memory_space<hbm>>
    %dma_start3A_52 = tpu.memref_squeeze %dma_start3A_51 : memref<1x1x16x512xf32, #tpu.memory_space<hbm>> -> memref<16x512xf32, #tpu.memory_space<hbm>>
    tpu.enqueue_dma source(%dma_start3A_52 : memref<16x512xf32, #tpu.memory_space<hbm>>) target(%dma_start3A_49 : memref<16x512xf32, #tpu.memory_space<vmem>>) target_semaphore(%dma_start3A_45 : memref<!tpu.dma_semaphore, #tpu.memory_space<semaphore_mem>>)
    %dma_start3A_53 = arith.constant 0 : i32
    %dma_start3A_54 = arith.constant 0 : i32
    %dma_start3A_55 = arith.constant 0 : i32
    %dma_start3A_56 = arith.constant 0 : i32
    %dma_start3A_57 = arith.constant 0 : i32
    %dma_start3A_58 = tpu.memref_slice %arg6[%dma_start3A_54, %dma_start3A_56, %dma_start3A_57] : memref<2x16x512xi32, #tpu.memory_space<vmem>> -> memref<1x16x512xi32, #tpu.memory_space<vmem>>
    %dma_start3A_59 = tpu.memref_squeeze %dma_start3A_58 : memref<1x16x512xi32, #tpu.memory_space<vmem>> -> memref<16x512xi32, #tpu.memory_space<vmem>>
    %dma_start3A_60 = arith.constant 0 : i32
    %dma_start3A_61 = tpu.memref_slice %arg3[%select_n3A, %dma_start3A_53, %add3A_34, %dma_start3A_60] : memref<4x1x512x512xi32, #tpu.memory_space<hbm>> -> memref<1x1x16x512xi32, #tpu.memory_space<hbm>>
    %dma_start3A_62 = tpu.memref_squeeze %dma_start3A_61 : memref<1x1x16x512xi32, #tpu.memory_space<hbm>> -> memref<16x512xi32, #tpu.memory_space<hbm>>
    %dma_start3A_63 = tpu.memref_slice %arg10[%dma_start3A_55] : memref<3x!tpu.dma_semaphore, #tpu.memory_space<semaphore_mem>> -> memref<1x!tpu.dma_semaphore, #tpu.memory_space<semaphore_mem>>
    %dma_start3A_64 = tpu.memref_squeeze %dma_start3A_63 : memref<1x!tpu.dma_semaphore, #tpu.memory_space<semaphore_mem>> -> memref<!tpu.dma_semaphore, #tpu.memory_space<semaphore_mem>>
    %dma_start3A_65 = arith.constant 0 : i32
    %dma_start3A_66 = arith.constant 0 : i32
    %dma_start3A_67 = tpu.memref_slice %arg6[%dma_start3A_54, %dma_start3A_65, %dma_start3A_66] : memref<2x16x512xi32, #tpu.memory_space<vmem>> -> memref<1x16x512xi32, #tpu.memory_space<vmem>>
    %dma_start3A_68 = tpu.memref_squeeze %dma_start3A_67 : memref<1x16x512xi32, #tpu.memory_space<vmem>> -> memref<16x512xi32, #tpu.memory_space<vmem>>
    %dma_start3A_69 = arith.constant 0 : i32
    %dma_start3A_70 = tpu.memref_slice %arg3[%select_n3A, %dma_start3A_53, %add3A_34, %dma_start3A_69] : memref<4x1x512x512xi32, #tpu.memory_space<hbm>> -> memref<1x1x16x512xi32, #tpu.memory_space<hbm>>
    %dma_start3A_71 = tpu.memref_squeeze %dma_start3A_70 : memref<1x1x16x512xi32, #tpu.memory_space<hbm>> -> memref<16x512xi32, #tpu.memory_space<hbm>>
    tpu.enqueue_dma source(%dma_start3A_71 : memref<16x512xi32, #tpu.memory_space<hbm>>) target(%dma_start3A_68 : memref<16x512xi32, #tpu.memory_space<vmem>>) target_semaphore(%dma_start3A_64 : memref<!tpu.dma_semaphore, #tpu.memory_space<semaphore_mem>>)
    %mul3A_72 = arith.constant 8 : i32
    %mul3A_73 = arith.muli %add3A, %mul3A_72 : i32
    %dma_start3A_74 = arith.constant 2 : i32
    %dma_start3A_75 = arith.constant 0 : i32
    %dma_start3A_76 = arith.constant 2 : i32
    %dma_start3A_77 = arith.constant 0 : i32
    %dma_start3A_78 = tpu.memref_slice %arg2[%dma_start3A_74, %dma_start3A_75, %mul3A_73, %dma_start3A_77] : memref<4x1x512x512xf32, #tpu.memory_space<hbm>> -> memref<1x1x8x512xf32, #tpu.memory_space<hbm>>
    %dma_start3A_79 = tpu.memref_squeeze %dma_start3A_78 : memref<1x1x8x512xf32, #tpu.memory_space<hbm>> -> memref<8x512xf32, #tpu.memory_space<hbm>>
    %dma_start3A_80 = tpu.memref_slice %arg9[%dma_start3A_76] : memref<3x!tpu.dma_semaphore, #tpu.memory_space<semaphore_mem>> -> memref<1x!tpu.dma_semaphore, #tpu.memory_space<semaphore_mem>>
    %dma_start3A_81 = tpu.memref_squeeze %dma_start3A_80 : memref<1x!tpu.dma_semaphore, #tpu.memory_space<semaphore_mem>> -> memref<!tpu.dma_semaphore, #tpu.memory_space<semaphore_mem>>
    %dma_start3A_82 = arith.constant 0 : i32
    %dma_start3A_83 = tpu.memref_slice %arg2[%dma_start3A_74, %dma_start3A_75, %mul3A_73, %dma_start3A_82] : memref<4x1x512x512xf32, #tpu.memory_space<hbm>> -> memref<1x1x8x512xf32, #tpu.memory_space<hbm>>
    %dma_start3A_84 = tpu.memref_squeeze %dma_start3A_83 : memref<1x1x8x512xf32, #tpu.memory_space<hbm>> -> memref<8x512xf32, #tpu.memory_space<hbm>>
    tpu.enqueue_dma source(%dma_start3A_84 : memref<8x512xf32, #tpu.memory_space<hbm>>) target(%arg7 : memref<8x512xf32, #tpu.memory_space<vmem>>) target_semaphore(%dma_start3A_81 : memref<!tpu.dma_semaphore, #tpu.memory_space<semaphore_mem>>)
    %dma_start3A_85 = arith.constant 2 : i32
    %dma_start3A_86 = arith.constant 0 : i32
    %dma_start3A_87 = arith.constant 2 : i32
    %dma_start3A_88 = arith.constant 0 : i32
    %dma_start3A_89 = tpu.memref_slice %arg3[%dma_start3A_85, %dma_start3A_86, %mul3A_73, %dma_start3A_88] : memref<4x1x512x512xi32, #tpu.memory_space<hbm>> -> memref<1x1x8x512xi32, #tpu.memory_space<hbm>>
    %dma_start3A_90 = tpu.memref_squeeze %dma_start3A_89 : memref<1x1x8x512xi32, #tpu.memory_space<hbm>> -> memref<8x512xi32, #tpu.memory_space<hbm>>
    %dma_start3A_91 = tpu.memref_slice %arg10[%dma_start3A_87] : memref<3x!tpu.dma_semaphore, #tpu.memory_space<semaphore_mem>> -> memref<1x!tpu.dma_semaphore, #tpu.memory_space<semaphore_mem>>
    %dma_start3A_92 = tpu.memref_squeeze %dma_start3A_91 : memref<1x!tpu.dma_semaphore, #tpu.memory_space<semaphore_mem>> -> memref<!tpu.dma_semaphore, #tpu.memory_space<semaphore_mem>>
    %dma_start3A_93 = arith.constant 0 : i32
    %dma_start3A_94 = tpu.memref_slice %arg3[%dma_start3A_85, %dma_start3A_86, %mul3A_73, %dma_start3A_93] : memref<4x1x512x512xi32, #tpu.memory_space<hbm>> -> memref<1x1x8x512xi32, #tpu.memory_space<hbm>>
    %dma_start3A_95 = tpu.memref_squeeze %dma_start3A_94 : memref<1x1x8x512xi32, #tpu.memory_space<hbm>> -> memref<8x512xi32, #tpu.memory_space<hbm>>
    tpu.enqueue_dma source(%dma_start3A_95 : memref<8x512xi32, #tpu.memory_space<hbm>>) target(%arg8 : memref<8x512xi32, #tpu.memory_space<vmem>>) target_semaphore(%dma_start3A_92 : memref<!tpu.dma_semaphore, #tpu.memory_space<semaphore_mem>>)
    %broadcast_in_dim3A = arith.constant 0.000000e+00 : f32
    %broadcast_in_dim3A_96 = vector.broadcast %broadcast_in_dim3A : f32 to vector<16xf32>
    %swap3A = arith.constant 0 : index
    %swap3A_97 = tpu.vector_load %arg11[%swap3A] {strides = array<i32>} : memref<304xf32, #tpu.memory_space<vmem>>, vector<16xf32>,
    tpu.vector_store %arg11[%swap3A], %broadcast_in_dim3A_96 {strides = array<i32>} : memref<304xf32, #tpu.memory_space<vmem>>, vector<16xf32>,
    %swap3A_98 = arith.constant 16 : index
    %swap3A_99 = tpu.vector_load %arg11[%swap3A_98] {strides = array<i32>} : memref<304xf32, #tpu.memory_space<vmem>>, vector<16xf32>,
    tpu.vector_store %arg11[%swap3A_98], %broadcast_in_dim3A_96 {strides = array<i32>} : memref<304xf32, #tpu.memory_space<vmem>>, vector<16xf32>,
    %swap3A_100 = arith.constant 32 : index
    %swap3A_101 = tpu.vector_load %arg11[%swap3A_100] {strides = array<i32>} : memref<304xf32, #tpu.memory_space<vmem>>, vector<16xf32>,
    tpu.vector_store %arg11[%swap3A_100], %broadcast_in_dim3A_96 {strides = array<i32>} : memref<304xf32, #tpu.memory_space<vmem>>, vector<16xf32>,
    %swap3A_102 = arith.constant 48 : index
    %swap3A_103 = tpu.vector_load %arg11[%swap3A_102] {strides = array<i32>} : memref<304xf32, #tpu.memory_space<vmem>>, vector<16xf32>,
    tpu.vector_store %arg11[%swap3A_102], %broadcast_in_dim3A_96 {strides = array<i32>} : memref<304xf32, #tpu.memory_space<vmem>>, vector<16xf32>,
    %swap3A_104 = arith.constant 64 : index
    %swap3A_105 = tpu.vector_load %arg11[%swap3A_104] {strides = array<i32>} : memref<304xf32, #tpu.memory_space<vmem>>, vector<16xf32>,
    tpu.vector_store %arg11[%swap3A_104], %broadcast_in_dim3A_96 {strides = array<i32>} : memref<304xf32, #tpu.memory_space<vmem>>, vector<16xf32>,
    %swap3A_106 = arith.constant 80 : index
    %swap3A_107 = tpu.vector_load %arg11[%swap3A_106] {strides = array<i32>} : memref<304xf32, #tpu.memory_space<vmem>>, vector<16xf32>,
    tpu.vector_store %arg11[%swap3A_106], %broadcast_in_dim3A_96 {strides = array<i32>} : memref<304xf32, #tpu.memory_space<vmem>>, vector<16xf32>,
    %swap3A_108 = arith.constant 96 : index
    %swap3A_109 = tpu.vector_load %arg11[%swap3A_108] {strides = array<i32>} : memref<304xf32, #tpu.memory_space<vmem>>, vector<16xf32>,
    tpu.vector_store %arg11[%swap3A_108], %broadcast_in_dim3A_96 {strides = array<i32>} : memref<304xf32, #tpu.memory_space<vmem>>, vector<16xf32>,
    %swap3A_110 = arith.constant 112 : index
    %swap3A_111 = tpu.vector_load %arg11[%swap3A_110] {strides = array<i32>} : memref<304xf32, #tpu.memory_space<vmem>>, vector<16xf32>,
    tpu.vector_store %arg11[%swap3A_110], %broadcast_in_dim3A_96 {strides = array<i32>} : memref<304xf32, #tpu.memory_space<vmem>>, vector<16xf32>,
    %swap3A_112 = arith.constant 128 : index
    %swap3A_113 = tpu.vector_load %arg11[%swap3A_112] {strides = array<i32>} : memref<304xf32, #tpu.memory_space<vmem>>, vector<16xf32>,
    tpu.vector_store %arg11[%swap3A_112], %broadcast_in_dim3A_96 {strides = array<i32>} : memref<304xf32, #tpu.memory_space<vmem>>, vector<16xf32>,
    %swap3A_114 = arith.constant 144 : index
    %swap3A_115 = tpu.vector_load %arg11[%swap3A_114] {strides = array<i32>} : memref<304xf32, #tpu.memory_space<vmem>>, vector<16xf32>,
    tpu.vector_store %arg11[%swap3A_114], %broadcast_in_dim3A_96 {strides = array<i32>} : memref<304xf32, #tpu.memory_space<vmem>>, vector<16xf32>,
    %swap3A_116 = arith.constant 160 : index
    %swap3A_117 = tpu.vector_load %arg11[%swap3A_116] {strides = array<i32>} : memref<304xf32, #tpu.memory_space<vmem>>, vector<16xf32>,
    tpu.vector_store %arg11[%swap3A_116], %broadcast_in_dim3A_96 {strides = array<i32>} : memref<304xf32, #tpu.memory_space<vmem>>, vector<16xf32>,
    %swap3A_118 = arith.constant 176 : index
    %swap3A_119 = tpu.vector_load %arg11[%swap3A_118] {strides = array<i32>} : memref<304xf32, #tpu.memory_space<vmem>>, vector<16xf32>,
    tpu.vector_store %arg11[%swap3A_118], %broadcast_in_dim3A_96 {strides = array<i32>} : memref<304xf32, #tpu.memory_space<vmem>>, vector<16xf32>,
    %swap3A_120 = arith.constant 192 : index
    %swap3A_121 = tpu.vector_load %arg11[%swap3A_120] {strides = array<i32>} : memref<304xf32, #tpu.memory_space<vmem>>, vector<16xf32>,
    tpu.vector_store %arg11[%swap3A_120], %broadcast_in_dim3A_96 {strides = array<i32>} : memref<304xf32, #tpu.memory_space<vmem>>, vector<16xf32>,
    %swap3A_122 = arith.constant 208 : index
    %swap3A_123 = tpu.vector_load %arg11[%swap3A_122] {strides = array<i32>} : memref<304xf32, #tpu.memory_space<vmem>>, vector<16xf32>,
    tpu.vector_store %arg11[%swap3A_122], %broadcast_in_dim3A_96 {strides = array<i32>} : memref<304xf32, #tpu.memory_space<vmem>>, vector<16xf32>,
    %swap3A_124 = arith.constant 224 : index
    %swap3A_125 = tpu.vector_load %arg11[%swap3A_124] {strides = array<i32>} : memref<304xf32, #tpu.memory_space<vmem>>, vector<16xf32>,
    tpu.vector_store %arg11[%swap3A_124], %broadcast_in_dim3A_96 {strides = array<i32>} : memref<304xf32, #tpu.memory_space<vmem>>, vector<16xf32>,
    %swap3A_126 = arith.constant 240 : index
    %swap3A_127 = tpu.vector_load %arg11[%swap3A_126] {strides = array<i32>} : memref<304xf32, #tpu.memory_space<vmem>>, vector<16xf32>,
    tpu.vector_store %arg11[%swap3A_126], %broadcast_in_dim3A_96 {strides = array<i32>} : memref<304xf32, #tpu.memory_space<vmem>>, vector<16xf32>,
    %swap3A_128 = arith.constant 256 : index
    %swap3A_129 = tpu.vector_load %arg11[%swap3A_128] {strides = array<i32>} : memref<304xf32, #tpu.memory_space<vmem>>, vector<16xf32>,
    tpu.vector_store %arg11[%swap3A_128], %broadcast_in_dim3A_96 {strides = array<i32>} : memref<304xf32, #tpu.memory_space<vmem>>, vector<16xf32>,
    %swap3A_130 = arith.constant 272 : index
    %swap3A_131 = tpu.vector_load %arg11[%swap3A_130] {strides = array<i32>} : memref<304xf32, #tpu.memory_space<vmem>>, vector<16xf32>,
    tpu.vector_store %arg11[%swap3A_130], %broadcast_in_dim3A_96 {strides = array<i32>} : memref<304xf32, #tpu.memory_space<vmem>>, vector<16xf32>,
    %swap3A_132 = arith.constant 288 : index
    %swap3A_133 = tpu.vector_load %arg11[%swap3A_132] {strides = array<i32>} : memref<304xf32, #tpu.memory_space<vmem>>, vector<16xf32>,
    tpu.vector_store %arg11[%swap3A_132], %broadcast_in_dim3A_96 {strides = array<i32>} : memref<304xf32, #tpu.memory_space<vmem>>, vector<16xf32>,
    %swap3A_134 = arith.constant 0 : index
    %swap3A_135 = tpu.vector_load %arg12[%swap3A_134] {strides = array<i32>} : memref<304xf32, #tpu.memory_space<vmem>>, vector<16xf32>,
    tpu.vector_store %arg12[%swap3A_134], %broadcast_in_dim3A_96 {strides = array<i32>} : memref<304xf32, #tpu.memory_space<vmem>>, vector<16xf32>,
    %swap3A_136 = arith.constant 16 : index
    %swap3A_137 = tpu.vector_load %arg12[%swap3A_136] {strides = array<i32>} : memref<304xf32, #tpu.memory_space<vmem>>, vector<16xf32>,
    tpu.vector_store %arg12[%swap3A_136], %broadcast_in_dim3A_96 {strides = array<i32>} : memref<304xf32, #tpu.memory_space<vmem>>, vector<16xf32>,
    %swap3A_138 = arith.constant 32 : index
    %swap3A_139 = tpu.vector_load %arg12[%swap3A_138] {strides = array<i32>} : memref<304xf32, #tpu.memory_space<vmem>>, vector<16xf32>,
    tpu.vector_store %arg12[%swap3A_138], %broadcast_in_dim3A_96 {strides = array<i32>} : memref<304xf32, #tpu.memory_space<vmem>>, vector<16xf32>,
    %swap3A_140 = arith.constant 48 : index
    %swap3A_141 = tpu.vector_load %arg12[%swap3A_140] {strides = array<i32>} : memref<304xf32, #tpu.memory_space<vmem>>, vector<16xf32>,
    tpu.vector_store %arg12[%swap3A_140], %broadcast_in_dim3A_96 {strides = array<i32>} : memref<304xf32, #tpu.memory_space<vmem>>, vector<16xf32>,
    %swap3A_142 = arith.constant 64 : index
    %swap3A_143 = tpu.vector_load %arg12[%swap3A_142] {strides = array<i32>} : memref<304xf32, #tpu.memory_space<vmem>>, vector<16xf32>,
    tpu.vector_store %arg12[%swap3A_142], %broadcast_in_dim3A_96 {strides = array<i32>} : memref<304xf32, #tpu.memory_space<vmem>>, vector<16xf32>,
    %swap3A_144 = arith.constant 80 : index
    %swap3A_145 = tpu.vector_load %arg12[%swap3A_144] {strides = array<i32>} : memref<304xf32, #tpu.memory_space<vmem>>, vector<16xf32>,
    tpu.vector_store %arg12[%swap3A_144], %broadcast_in_dim3A_96 {strides = array<i32>} : memref<304xf32, #tpu.memory_space<vmem>>, vector<16xf32>,
    %swap3A_146 = arith.constant 96 : index
    %swap3A_147 = tpu.vector_load %arg12[%swap3A_146] {strides = array<i32>} : memref<304xf32, #tpu.memory_space<vmem>>, vector<16xf32>,
    tpu.vector_store %arg12[%swap3A_146], %broadcast_in_dim3A_96 {strides = array<i32>} : memref<304xf32, #tpu.memory_space<vmem>>, vector<16xf32>,
    %swap3A_148 = arith.constant 112 : index
    %swap3A_149 = tpu.vector_load %arg12[%swap3A_148] {strides = array<i32>} : memref<304xf32, #tpu.memory_space<vmem>>, vector<16xf32>,
    tpu.vector_store %arg12[%swap3A_148], %broadcast_in_dim3A_96 {strides = array<i32>} : memref<304xf32, #tpu.memory_space<vmem>>, vector<16xf32>,
    %swap3A_150 = arith.constant 128 : index
    %swap3A_151 = tpu.vector_load %arg12[%swap3A_150] {strides = array<i32>} : memref<304xf32, #tpu.memory_space<vmem>>, vector<16xf32>,
    tpu.vector_store %arg12[%swap3A_150], %broadcast_in_dim3A_96 {strides = array<i32>} : memref<304xf32, #tpu.memory_space<vmem>>, vector<16xf32>,
    %swap3A_152 = arith.constant 144 : index
    %swap3A_153 = tpu.vector_load %arg12[%swap3A_152] {strides = array<i32>} : memref<304xf32, #tpu.memory_space<vmem>>, vector<16xf32>,
    tpu.vector_store %arg12[%swap3A_152], %broadcast_in_dim3A_96 {strides = array<i32>} : memref<304xf32, #tpu.memory_space<vmem>>, vector<16xf32>,
    %swap3A_154 = arith.constant 160 : index
    %swap3A_155 = tpu.vector_load %arg12[%swap3A_154] {strides = array<i32>} : memref<304xf32, #tpu.memory_space<vmem>>, vector<16xf32>,
    tpu.vector_store %arg12[%swap3A_154], %broadcast_in_dim3A_96 {strides = array<i32>} : memref<304xf32, #tpu.memory_space<vmem>>, vector<16xf32>,
    %swap3A_156 = arith.constant 176 : index
    %swap3A_157 = tpu.vector_load %arg12[%swap3A_156] {strides = array<i32>} : memref<304xf32, #tpu.memory_space<vmem>>, vector<16xf32>,
    tpu.vector_store %arg12[%swap3A_156], %broadcast_in_dim3A_96 {strides = array<i32>} : memref<304xf32, #tpu.memory_space<vmem>>, vector<16xf32>,
    %swap3A_158 = arith.constant 192 : index
    %swap3A_159 = tpu.vector_load %arg12[%swap3A_158] {strides = array<i32>} : memref<304xf32, #tpu.memory_space<vmem>>, vector<16xf32>,
    tpu.vector_store %arg12[%swap3A_158], %broadcast_in_dim3A_96 {strides = array<i32>} : memref<304xf32, #tpu.memory_space<vmem>>, vector<16xf32>,
    %swap3A_160 = arith.constant 208 : index
    %swap3A_161 = tpu.vector_load %arg12[%swap3A_160] {strides = array<i32>} : memref<304xf32, #tpu.memory_space<vmem>>, vector<16xf32>,
    tpu.vector_store %arg12[%swap3A_160], %broadcast_in_dim3A_96 {strides = array<i32>} : memref<304xf32, #tpu.memory_space<vmem>>, vector<16xf32>,
    %swap3A_162 = arith.constant 224 : index
    %swap3A_163 = tpu.vector_load %arg12[%swap3A_162] {strides = array<i32>} : memref<304xf32, #tpu.memory_space<vmem>>, vector<16xf32>,
    tpu.vector_store %arg12[%swap3A_162], %broadcast_in_dim3A_96 {strides = array<i32>} : memref<304xf32, #tpu.memory_space<vmem>>, vector<16xf32>,
    %swap3A_164 = arith.constant 240 : index
    %swap3A_165 = tpu.vector_load %arg12[%swap3A_164] {strides = array<i32>} : memref<304xf32, #tpu.memory_space<vmem>>, vector<16xf32>,
    tpu.vector_store %arg12[%swap3A_164], %broadcast_in_dim3A_96 {strides = array<i32>} : memref<304xf32, #tpu.memory_space<vmem>>, vector<16xf32>,
    %swap3A_166 = arith.constant 256 : index
    %swap3A_167 = tpu.vector_load %arg12[%swap3A_166] {strides = array<i32>} : memref<304xf32, #tpu.memory_space<vmem>>, vector<16xf32>,
    tpu.vector_store %arg12[%swap3A_166], %broadcast_in_dim3A_96 {strides = array<i32>} : memref<304xf32, #tpu.memory_space<vmem>>, vector<16xf32>,
    %swap3A_168 = arith.constant 272 : index
    %swap3A_169 = tpu.vector_load %arg12[%swap3A_168] {strides = array<i32>} : memref<304xf32, #tpu.memory_space<vmem>>, vector<16xf32>,
    tpu.vector_store %arg12[%swap3A_168], %broadcast_in_dim3A_96 {strides = array<i32>} : memref<304xf32, #tpu.memory_space<vmem>>, vector<16xf32>,
    %swap3A_170 = arith.constant 288 : index
    %swap3A_171 = tpu.vector_load %arg12[%swap3A_170] {strides = array<i32>} : memref<304xf32, #tpu.memory_space<vmem>>, vector<16xf32>,
    tpu.vector_store %arg12[%swap3A_170], %broadcast_in_dim3A_96 {strides = array<i32>} : memref<304xf32, #tpu.memory_space<vmem>>, vector<16xf32>,
    %swap3A_172 = arith.constant 0 : index
    %swap3A_173 = tpu.vector_load %arg13[%swap3A_172] {strides = array<i32>} : memref<304xf32, #tpu.memory_space<vmem>>, vector<16xf32>,
    tpu.vector_store %arg13[%swap3A_172], %broadcast_in_dim3A_96 {strides = array<i32>} : memref<304xf32, #tpu.memory_space<vmem>>, vector<16xf32>,
    %swap3A_174 = arith.constant 16 : index
    %swap3A_175 = tpu.vector_load %arg13[%swap3A_174] {strides = array<i32>} : memref<304xf32, #tpu.memory_space<vmem>>, vector<16xf32>,
    tpu.vector_store %arg13[%swap3A_174], %broadcast_in_dim3A_96 {strides = array<i32>} : memref<304xf32, #tpu.memory_space<vmem>>, vector<16xf32>,
    %swap3A_176 = arith.constant 32 : index
    %swap3A_177 = tpu.vector_load %arg13[%swap3A_176] {strides = array<i32>} : memref<304xf32, #tpu.memory_space<vmem>>, vector<16xf32>,
    tpu.vector_store %arg13[%swap3A_176], %broadcast_in_dim3A_96 {strides = array<i32>} : memref<304xf32, #tpu.memory_space<vmem>>, vector<16xf32>,
    %swap3A_178 = arith.constant 48 : index
    %swap3A_179 = tpu.vector_load %arg13[%swap3A_178] {strides = array<i32>} : memref<304xf32, #tpu.memory_space<vmem>>, vector<16xf32>,
    tpu.vector_store %arg13[%swap3A_178], %broadcast_in_dim3A_96 {strides = array<i32>} : memref<304xf32, #tpu.memory_space<vmem>>, vector<16xf32>,
    %swap3A_180 = arith.constant 64 : index
    %swap3A_181 = tpu.vector_load %arg13[%swap3A_180] {strides = array<i32>} : memref<304xf32, #tpu.memory_space<vmem>>, vector<16xf32>,
    tpu.vector_store %arg13[%swap3A_180], %broadcast_in_dim3A_96 {strides = array<i32>} : memref<304xf32, #tpu.memory_space<vmem>>, vector<16xf32>,
    %swap3A_182 = arith.constant 80 : index
    %swap3A_183 = tpu.vector_load %arg13[%swap3A_182] {strides = array<i32>} : memref<304xf32, #tpu.memory_space<vmem>>, vector<16xf32>,
    tpu.vector_store %arg13[%swap3A_182], %broadcast_in_dim3A_96 {strides = array<i32>} : memref<304xf32, #tpu.memory_space<vmem>>, vector<16xf32>,
    %swap3A_184 = arith.constant 96 : index
    %swap3A_185 = tpu.vector_load %arg13[%swap3A_184] {strides = array<i32>} : memref<304xf32, #tpu.memory_space<vmem>>, vector<16xf32>,
    tpu.vector_store %arg13[%swap3A_184], %broadcast_in_dim3A_96 {strides = array<i32>} : memref<304xf32, #tpu.memory_space<vmem>>, vector<16xf32>,
    %swap3A_186 = arith.constant 112 : index
    %swap3A_187 = tpu.vector_load %arg13[%swap3A_186] {strides = array<i32>} : memref<304xf32, #tpu.memory_space<vmem>>, vector<16xf32>,
    tpu.vector_store %arg13[%swap3A_186], %broadcast_in_dim3A_96 {strides = array<i32>} : memref<304xf32, #tpu.memory_space<vmem>>, vector<16xf32>,
    %swap3A_188 = arith.constant 128 : index
    %swap3A_189 = tpu.vector_load %arg13[%swap3A_188] {strides = array<i32>} : memref<304xf32, #tpu.memory_space<vmem>>, vector<16xf32>,
    tpu.vector_store %arg13[%swap3A_188], %broadcast_in_dim3A_96 {strides = array<i32>} : memref<304xf32, #tpu.memory_space<vmem>>, vector<16xf32>,
    %swap3A_190 = arith.constant 144 : index
    %swap3A_191 = tpu.vector_load %arg13[%swap3A_190] {strides = array<i32>} : memref<304xf32, #tpu.memory_space<vmem>>, vector<16xf32>,
    tpu.vector_store %arg13[%swap3A_190], %broadcast_in_dim3A_96 {strides = array<i32>} : memref<304xf32, #tpu.memory_space<vmem>>, vector<16xf32>,
    %swap3A_192 = arith.constant 160 : index
    %swap3A_193 = tpu.vector_load %arg13[%swap3A_192] {strides = array<i32>} : memref<304xf32, #tpu.memory_space<vmem>>, vector<16xf32>,
    tpu.vector_store %arg13[%swap3A_192], %broadcast_in_dim3A_96 {strides = array<i32>} : memref<304xf32, #tpu.memory_space<vmem>>, vector<16xf32>,
    %swap3A_194 = arith.constant 176 : index
    %swap3A_195 = tpu.vector_load %arg13[%swap3A_194] {strides = array<i32>} : memref<304xf32, #tpu.memory_space<vmem>>, vector<16xf32>,
    tpu.vector_store %arg13[%swap3A_194], %broadcast_in_dim3A_96 {strides = array<i32>} : memref<304xf32, #tpu.memory_space<vmem>>, vector<16xf32>,
    %swap3A_196 = arith.constant 192 : index
    %swap3A_197 = tpu.vector_load %arg13[%swap3A_196] {strides = array<i32>} : memref<304xf32, #tpu.memory_space<vmem>>, vector<16xf32>,
    tpu.vector_store %arg13[%swap3A_196], %broadcast_in_dim3A_96 {strides = array<i32>} : memref<304xf32, #tpu.memory_space<vmem>>, vector<16xf32>,
    %swap3A_198 = arith.constant 208 : index
    %swap3A_199 = tpu.vector_load %arg13[%swap3A_198] {strides = array<i32>} : memref<304xf32, #tpu.memory_space<vmem>>, vector<16xf32>,
    tpu.vector_store %arg13[%swap3A_198], %broadcast_in_dim3A_96 {strides = array<i32>} : memref<304xf32, #tpu.memory_space<vmem>>, vector<16xf32>,
    %swap3A_200 = arith.constant 224 : index
    %swap3A_201 = tpu.vector_load %arg13[%swap3A_200] {strides = array<i32>} : memref<304xf32, #tpu.memory_space<vmem>>, vector<16xf32>,
    tpu.vector_store %arg13[%swap3A_200], %broadcast_in_dim3A_96 {strides = array<i32>} : memref<304xf32, #tpu.memory_space<vmem>>, vector<16xf32>,
    %swap3A_202 = arith.constant 240 : index
    %swap3A_203 = tpu.vector_load %arg13[%swap3A_202] {strides = array<i32>} : memref<304xf32, #tpu.memory_space<vmem>>, vector<16xf32>,
    tpu.vector_store %arg13[%swap3A_202], %broadcast_in_dim3A_96 {strides = array<i32>} : memref<304xf32, #tpu.memory_space<vmem>>, vector<16xf32>,
    %swap3A_204 = arith.constant 256 : index
    %swap3A_205 = tpu.vector_load %arg13[%swap3A_204] {strides = array<i32>} : memref<304xf32, #tpu.memory_space<vmem>>, vector<16xf32>,
    tpu.vector_store %arg13[%swap3A_204], %broadcast_in_dim3A_96 {strides = array<i32>} : memref<304xf32, #tpu.memory_space<vmem>>, vector<16xf32>,
    %swap3A_206 = arith.constant 272 : index
    %swap3A_207 = tpu.vector_load %arg13[%swap3A_206] {strides = array<i32>} : memref<304xf32, #tpu.memory_space<vmem>>, vector<16xf32>,
    tpu.vector_store %arg13[%swap3A_206], %broadcast_in_dim3A_96 {strides = array<i32>} : memref<304xf32, #tpu.memory_space<vmem>>, vector<16xf32>,
    %swap3A_208 = arith.constant 288 : index
    %swap3A_209 = tpu.vector_load %arg13[%swap3A_208] {strides = array<i32>} : memref<304xf32, #tpu.memory_space<vmem>>, vector<16xf32>,
    tpu.vector_store %arg13[%swap3A_208], %broadcast_in_dim3A_96 {strides = array<i32>} : memref<304xf32, #tpu.memory_space<vmem>>, vector<16xf32>,
    %swap3A_210 = arith.constant 0 : index
    %swap3A_211 = tpu.vector_load %arg14[%swap3A_210] {strides = array<i32>} : memref<304xf32, #tpu.memory_space<vmem>>, vector<16xf32>,
    tpu.vector_store %arg14[%swap3A_210], %broadcast_in_dim3A_96 {strides = array<i32>} : memref<304xf32, #tpu.memory_space<vmem>>, vector<16xf32>,
    %swap3A_212 = arith.constant 16 : index
    %swap3A_213 = tpu.vector_load %arg14[%swap3A_212] {strides = array<i32>} : memref<304xf32, #tpu.memory_space<vmem>>, vector<16xf32>,
    tpu.vector_store %arg14[%swap3A_212], %broadcast_in_dim3A_96 {strides = array<i32>} : memref<304xf32, #tpu.memory_space<vmem>>, vector<16xf32>,
    %swap3A_214 = arith.constant 32 : index
    %swap3A_215 = tpu.vector_load %arg14[%swap3A_214] {strides = array<i32>} : memref<304xf32, #tpu.memory_space<vmem>>, vector<16xf32>,
    tpu.vector_store %arg14[%swap3A_214], %broadcast_in_dim3A_96 {strides = array<i32>} : memref<304xf32, #tpu.memory_space<vmem>>, vector<16xf32>,
    %swap3A_216 = arith.constant 48 : index
    %swap3A_217 = tpu.vector_load %arg14[%swap3A_216] {strides = array<i32>} : memref<304xf32, #tpu.memory_space<vmem>>, vector<16xf32>,
    tpu.vector_store %arg14[%swap3A_216], %broadcast_in_dim3A_96 {strides = array<i32>} : memref<304xf32, #tpu.memory_space<vmem>>, vector<16xf32>,
    %swap3A_218 = arith.constant 64 : index
    %swap3A_219 = tpu.vector_load %arg14[%swap3A_218] {strides = array<i32>} : memref<304xf32, #tpu.memory_space<vmem>>, vector<16xf32>,
    tpu.vector_store %arg14[%swap3A_218], %broadcast_in_dim3A_96 {strides = array<i32>} : memref<304xf32, #tpu.memory_space<vmem>>, vector<16xf32>,
    %swap3A_220 = arith.constant 80 : index
    %swap3A_221 = tpu.vector_load %arg14[%swap3A_220] {strides = array<i32>} : memref<304xf32, #tpu.memory_space<vmem>>, vector<16xf32>,
    tpu.vector_store %arg14[%swap3A_220], %broadcast_in_dim3A_96 {strides = array<i32>} : memref<304xf32, #tpu.memory_space<vmem>>, vector<16xf32>,
    %swap3A_222 = arith.constant 96 : index
    %swap3A_223 = tpu.vector_load %arg14[%swap3A_222] {strides = array<i32>} : memref<304xf32, #tpu.memory_space<vmem>>, vector<16xf32>,
    tpu.vector_store %arg14[%swap3A_222], %broadcast_in_dim3A_96 {strides = array<i32>} : memref<304xf32, #tpu.memory_space<vmem>>, vector<16xf32>,
    %swap3A_224 = arith.constant 112 : index
    %swap3A_225 = tpu.vector_load %arg14[%swap3A_224] {strides = array<i32>} : memref<304xf32, #tpu.memory_space<vmem>>, vector<16xf32>,
    tpu.vector_store %arg14[%swap3A_224], %broadcast_in_dim3A_96 {strides = array<i32>} : memref<304xf32, #tpu.memory_space<vmem>>, vector<16xf32>,
    %swap3A_226 = arith.constant 128 : index
    %swap3A_227 = tpu.vector_load %arg14[%swap3A_226] {strides = array<i32>} : memref<304xf32, #tpu.memory_space<vmem>>, vector<16xf32>,
    tpu.vector_store %arg14[%swap3A_226], %broadcast_in_dim3A_96 {strides = array<i32>} : memref<304xf32, #tpu.memory_space<vmem>>, vector<16xf32>,
    %swap3A_228 = arith.constant 144 : index
    %swap3A_229 = tpu.vector_load %arg14[%swap3A_228] {strides = array<i32>} : memref<304xf32, #tpu.memory_space<vmem>>, vector<16xf32>,
    tpu.vector_store %arg14[%swap3A_228], %broadcast_in_dim3A_96 {strides = array<i32>} : memref<304xf32, #tpu.memory_space<vmem>>, vector<16xf32>,
    %swap3A_230 = arith.constant 160 : index
    %swap3A_231 = tpu.vector_load %arg14[%swap3A_230] {strides = array<i32>} : memref<304xf32, #tpu.memory_space<vmem>>, vector<16xf32>,
    tpu.vector_store %arg14[%swap3A_230], %broadcast_in_dim3A_96 {strides = array<i32>} : memref<304xf32, #tpu.memory_space<vmem>>, vector<16xf32>,
    %swap3A_232 = arith.constant 176 : index
    %swap3A_233 = tpu.vector_load %arg14[%swap3A_232] {strides = array<i32>} : memref<304xf32, #tpu.memory_space<vmem>>, vector<16xf32>,
    tpu.vector_store %arg14[%swap3A_232], %broadcast_in_dim3A_96 {strides = array<i32>} : memref<304xf32, #tpu.memory_space<vmem>>, vector<16xf32>,
    %swap3A_234 = arith.constant 192 : index
    %swap3A_235 = tpu.vector_load %arg14[%swap3A_234] {strides = array<i32>} : memref<304xf32, #tpu.memory_space<vmem>>, vector<16xf32>,
    tpu.vector_store %arg14[%swap3A_234], %broadcast_in_dim3A_96 {strides = array<i32>} : memref<304xf32, #tpu.memory_space<vmem>>, vector<16xf32>,
    %swap3A_236 = arith.constant 208 : index
    %swap3A_237 = tpu.vector_load %arg14[%swap3A_236] {strides = array<i32>} : memref<304xf32, #tpu.memory_space<vmem>>, vector<16xf32>,
    tpu.vector_store %arg14[%swap3A_236], %broadcast_in_dim3A_96 {strides = array<i32>} : memref<304xf32, #tpu.memory_space<vmem>>, vector<16xf32>,
    %swap3A_238 = arith.constant 224 : index
    %swap3A_239 = tpu.vector_load %arg14[%swap3A_238] {strides = array<i32>} : memref<304xf32, #tpu.memory_space<vmem>>, vector<16xf32>,
    tpu.vector_store %arg14[%swap3A_238], %broadcast_in_dim3A_96 {strides = array<i32>} : memref<304xf32, #tpu.memory_space<vmem>>, vector<16xf32>,
    %swap3A_240 = arith.constant 240 : index
    %swap3A_241 = tpu.vector_load %arg14[%swap3A_240] {strides = array<i32>} : memref<304xf32, #tpu.memory_space<vmem>>, vector<16xf32>,
    tpu.vector_store %arg14[%swap3A_240], %broadcast_in_dim3A_96 {strides = array<i32>} : memref<304xf32, #tpu.memory_space<vmem>>, vector<16xf32>,
    %swap3A_242 = arith.constant 256 : index
    %swap3A_243 = tpu.vector_load %arg14[%swap3A_242] {strides = array<i32>} : memref<304xf32, #tpu.memory_space<vmem>>, vector<16xf32>,
    tpu.vector_store %arg14[%swap3A_242], %broadcast_in_dim3A_96 {strides = array<i32>} : memref<304xf32, #tpu.memory_space<vmem>>, vector<16xf32>,
    %swap3A_244 = arith.constant 272 : index
    %swap3A_245 = tpu.vector_load %arg14[%swap3A_244] {strides = array<i32>} : memref<304xf32, #tpu.memory_space<vmem>>, vector<16xf32>,
    tpu.vector_store %arg14[%swap3A_244], %broadcast_in_dim3A_96 {strides = array<i32>} : memref<304xf32, #tpu.memory_space<vmem>>, vector<16xf32>,
    %swap3A_246 = arith.constant 288 : index
    %swap3A_247 = tpu.vector_load %arg14[%swap3A_246] {strides = array<i32>} : memref<304xf32, #tpu.memory_space<vmem>>, vector<16xf32>,
    tpu.vector_store %arg14[%swap3A_246], %broadcast_in_dim3A_96 {strides = array<i32>} : memref<304xf32, #tpu.memory_space<vmem>>, vector<16xf32>,
    %swap3A_248 = arith.constant 0 : index
    %swap3A_249 = tpu.vector_load %arg15[%swap3A_248] {strides = array<i32>} : memref<304xf32, #tpu.memory_space<vmem>>, vector<16xf32>,
    tpu.vector_store %arg15[%swap3A_248], %broadcast_in_dim3A_96 {strides = array<i32>} : memref<304xf32, #tpu.memory_space<vmem>>, vector<16xf32>,
    %swap3A_250 = arith.constant 16 : index
    %swap3A_251 = tpu.vector_load %arg15[%swap3A_250] {strides = array<i32>} : memref<304xf32, #tpu.memory_space<vmem>>, vector<16xf32>,
    tpu.vector_store %arg15[%swap3A_250], %broadcast_in_dim3A_96 {strides = array<i32>} : memref<304xf32, #tpu.memory_space<vmem>>, vector<16xf32>,
    %swap3A_252 = arith.constant 32 : index
    %swap3A_253 = tpu.vector_load %arg15[%swap3A_252] {strides = array<i32>} : memref<304xf32, #tpu.memory_space<vmem>>, vector<16xf32>,
    tpu.vector_store %arg15[%swap3A_252], %broadcast_in_dim3A_96 {strides = array<i32>} : memref<304xf32, #tpu.memory_space<vmem>>, vector<16xf32>,
    %swap3A_254 = arith.constant 48 : index
    %swap3A_255 = tpu.vector_load %arg15[%swap3A_254] {strides = array<i32>} : memref<304xf32, #tpu.memory_space<vmem>>, vector<16xf32>,
    tpu.vector_store %arg15[%swap3A_254], %broadcast_in_dim3A_96 {strides = array<i32>} : memref<304xf32, #tpu.memory_space<vmem>>, vector<16xf32>,
    %swap3A_256 = arith.constant 64 : index
    %swap3A_257 = tpu.vector_load %arg15[%swap3A_256] {strides = array<i32>} : memref<304xf32, #tpu.memory_space<vmem>>, vector<16xf32>,
    tpu.vector_store %arg15[%swap3A_256], %broadcast_in_dim3A_96 {strides = array<i32>} : memref<304xf32, #tpu.memory_space<vmem>>, vector<16xf32>,
    %swap3A_258 = arith.constant 80 : index
    %swap3A_259 = tpu.vector_load %arg15[%swap3A_258] {strides = array<i32>} : memref<304xf32, #tpu.memory_space<vmem>>, vector<16xf32>,
    tpu.vector_store %arg15[%swap3A_258], %broadcast_in_dim3A_96 {strides = array<i32>} : memref<304xf32, #tpu.memory_space<vmem>>, vector<16xf32>,
    %swap3A_260 = arith.constant 96 : index
    %swap3A_261 = tpu.vector_load %arg15[%swap3A_260] {strides = array<i32>} : memref<304xf32, #tpu.memory_space<vmem>>, vector<16xf32>,
    tpu.vector_store %arg15[%swap3A_260], %broadcast_in_dim3A_96 {strides = array<i32>} : memref<304xf32, #tpu.memory_space<vmem>>, vector<16xf32>,
    %swap3A_262 = arith.constant 112 : index
    %swap3A_263 = tpu.vector_load %arg15[%swap3A_262] {strides = array<i32>} : memref<304xf32, #tpu.memory_space<vmem>>, vector<16xf32>,
    tpu.vector_store %arg15[%swap3A_262], %broadcast_in_dim3A_96 {strides = array<i32>} : memref<304xf32, #tpu.memory_space<vmem>>, vector<16xf32>,
    %swap3A_264 = arith.constant 128 : index
    %swap3A_265 = tpu.vector_load %arg15[%swap3A_264] {strides = array<i32>} : memref<304xf32, #tpu.memory_space<vmem>>, vector<16xf32>,
    tpu.vector_store %arg15[%swap3A_264], %broadcast_in_dim3A_96 {strides = array<i32>} : memref<304xf32, #tpu.memory_space<vmem>>, vector<16xf32>,
    %swap3A_266 = arith.constant 144 : index
    %swap3A_267 = tpu.vector_load %arg15[%swap3A_266] {strides = array<i32>} : memref<304xf32, #tpu.memory_space<vmem>>, vector<16xf32>,
    tpu.vector_store %arg15[%swap3A_266], %broadcast_in_dim3A_96 {strides = array<i32>} : memref<304xf32, #tpu.memory_space<vmem>>, vector<16xf32>,
    %swap3A_268 = arith.constant 160 : index
    %swap3A_269 = tpu.vector_load %arg15[%swap3A_268] {strides = array<i32>} : memref<304xf32, #tpu.memory_space<vmem>>, vector<16xf32>,
    tpu.vector_store %arg15[%swap3A_268], %broadcast_in_dim3A_96 {strides = array<i32>} : memref<304xf32, #tpu.memory_space<vmem>>, vector<16xf32>,
    %swap3A_270 = arith.constant 176 : index
    %swap3A_271 = tpu.vector_load %arg15[%swap3A_270] {strides = array<i32>} : memref<304xf32, #tpu.memory_space<vmem>>, vector<16xf32>,
    tpu.vector_store %arg15[%swap3A_270], %broadcast_in_dim3A_96 {strides = array<i32>} : memref<304xf32, #tpu.memory_space<vmem>>, vector<16xf32>,
    %swap3A_272 = arith.constant 192 : index
    %swap3A_273 = tpu.vector_load %arg15[%swap3A_272] {strides = array<i32>} : memref<304xf32, #tpu.memory_space<vmem>>, vector<16xf32>,
    tpu.vector_store %arg15[%swap3A_272], %broadcast_in_dim3A_96 {strides = array<i32>} : memref<304xf32, #tpu.memory_space<vmem>>, vector<16xf32>,
    %swap3A_274 = arith.constant 208 : index
    %swap3A_275 = tpu.vector_load %arg15[%swap3A_274] {strides = array<i32>} : memref<304xf32, #tpu.memory_space<vmem>>, vector<16xf32>,
    tpu.vector_store %arg15[%swap3A_274], %broadcast_in_dim3A_96 {strides = array<i32>} : memref<304xf32, #tpu.memory_space<vmem>>, vector<16xf32>,
    %swap3A_276 = arith.constant 224 : index
    %swap3A_277 = tpu.vector_load %arg15[%swap3A_276] {strides = array<i32>} : memref<304xf32, #tpu.memory_space<vmem>>, vector<16xf32>,
    tpu.vector_store %arg15[%swap3A_276], %broadcast_in_dim3A_96 {strides = array<i32>} : memref<304xf32, #tpu.memory_space<vmem>>, vector<16xf32>,
    %swap3A_278 = arith.constant 240 : index
    %swap3A_279 = tpu.vector_load %arg15[%swap3A_278] {strides = array<i32>} : memref<304xf32, #tpu.memory_space<vmem>>, vector<16xf32>,
    tpu.vector_store %arg15[%swap3A_278], %broadcast_in_dim3A_96 {strides = array<i32>} : memref<304xf32, #tpu.memory_space<vmem>>, vector<16xf32>,
    %swap3A_280 = arith.constant 256 : index
    %swap3A_281 = tpu.vector_load %arg15[%swap3A_280] {strides = array<i32>} : memref<304xf32, #tpu.memory_space<vmem>>, vector<16xf32>,
    tpu.vector_store %arg15[%swap3A_280], %broadcast_in_dim3A_96 {strides = array<i32>} : memref<304xf32, #tpu.memory_space<vmem>>, vector<16xf32>,
    %swap3A_282 = arith.constant 272 : index
    %swap3A_283 = tpu.vector_load %arg15[%swap3A_282] {strides = array<i32>} : memref<304xf32, #tpu.memory_space<vmem>>, vector<16xf32>,
    tpu.vector_store %arg15[%swap3A_282], %broadcast_in_dim3A_96 {strides = array<i32>} : memref<304xf32, #tpu.memory_space<vmem>>, vector<16xf32>,
    %swap3A_284 = arith.constant 288 : index
    %swap3A_285 = tpu.vector_load %arg15[%swap3A_284] {strides = array<i32>} : memref<304xf32, #tpu.memory_space<vmem>>, vector<16xf32>,
    tpu.vector_store %arg15[%swap3A_284], %broadcast_in_dim3A_96 {strides = array<i32>} : memref<304xf32, #tpu.memory_space<vmem>>, vector<16xf32>,
    %swap3A_286 = arith.constant 0 : index
    %swap3A_287 = tpu.vector_load %arg16[%swap3A_286] {strides = array<i32>} : memref<304xf32, #tpu.memory_space<vmem>>, vector<16xf32>,
    tpu.vector_store %arg16[%swap3A_286], %broadcast_in_dim3A_96 {strides = array<i32>} : memref<304xf32, #tpu.memory_space<vmem>>, vector<16xf32>,
    %swap3A_288 = arith.constant 16 : index
    %swap3A_289 = tpu.vector_load %arg16[%swap3A_288] {strides = array<i32>} : memref<304xf32, #tpu.memory_space<vmem>>, vector<16xf32>,
    tpu.vector_store %arg16[%swap3A_288], %broadcast_in_dim3A_96 {strides = array<i32>} : memref<304xf32, #tpu.memory_space<vmem>>, vector<16xf32>,
    %swap3A_290 = arith.constant 32 : index
    %swap3A_291 = tpu.vector_load %arg16[%swap3A_290] {strides = array<i32>} : memref<304xf32, #tpu.memory_space<vmem>>, vector<16xf32>,
    tpu.vector_store %arg16[%swap3A_290], %broadcast_in_dim3A_96 {strides = array<i32>} : memref<304xf32, #tpu.memory_space<vmem>>, vector<16xf32>,
    %swap3A_292 = arith.constant 48 : index
    %swap3A_293 = tpu.vector_load %arg16[%swap3A_292] {strides = array<i32>} : memref<304xf32, #tpu.memory_space<vmem>>, vector<16xf32>,
    tpu.vector_store %arg16[%swap3A_292], %broadcast_in_dim3A_96 {strides = array<i32>} : memref<304xf32, #tpu.memory_space<vmem>>, vector<16xf32>,
    %swap3A_294 = arith.constant 64 : index
    %swap3A_295 = tpu.vector_load %arg16[%swap3A_294] {strides = array<i32>} : memref<304xf32, #tpu.memory_space<vmem>>, vector<16xf32>,
    tpu.vector_store %arg16[%swap3A_294], %broadcast_in_dim3A_96 {strides = array<i32>} : memref<304xf32, #tpu.memory_space<vmem>>, vector<16xf32>,
    %swap3A_296 = arith.constant 80 : index
    %swap3A_297 = tpu.vector_load %arg16[%swap3A_296] {strides = array<i32>} : memref<304xf32, #tpu.memory_space<vmem>>, vector<16xf32>,
    tpu.vector_store %arg16[%swap3A_296], %broadcast_in_dim3A_96 {strides = array<i32>} : memref<304xf32, #tpu.memory_space<vmem>>, vector<16xf32>,
    %swap3A_298 = arith.constant 96 : index
    %swap3A_299 = tpu.vector_load %arg16[%swap3A_298] {strides = array<i32>} : memref<304xf32, #tpu.memory_space<vmem>>, vector<16xf32>,
    tpu.vector_store %arg16[%swap3A_298], %broadcast_in_dim3A_96 {strides = array<i32>} : memref<304xf32, #tpu.memory_space<vmem>>, vector<16xf32>,
    %swap3A_300 = arith.constant 112 : index
    %swap3A_301 = tpu.vector_load %arg16[%swap3A_300] {strides = array<i32>} : memref<304xf32, #tpu.memory_space<vmem>>, vector<16xf32>,
    tpu.vector_store %arg16[%swap3A_300], %broadcast_in_dim3A_96 {strides = array<i32>} : memref<304xf32, #tpu.memory_space<vmem>>, vector<16xf32>,
    %swap3A_302 = arith.constant 128 : index
    %swap3A_303 = tpu.vector_load %arg16[%swap3A_302] {strides = array<i32>} : memref<304xf32, #tpu.memory_space<vmem>>, vector<16xf32>,
    tpu.vector_store %arg16[%swap3A_302], %broadcast_in_dim3A_96 {strides = array<i32>} : memref<304xf32, #tpu.memory_space<vmem>>, vector<16xf32>,
    %swap3A_304 = arith.constant 144 : index
    %swap3A_305 = tpu.vector_load %arg16[%swap3A_304] {strides = array<i32>} : memref<304xf32, #tpu.memory_space<vmem>>, vector<16xf32>,
    tpu.vector_store %arg16[%swap3A_304], %broadcast_in_dim3A_96 {strides = array<i32>} : memref<304xf32, #tpu.memory_space<vmem>>, vector<16xf32>,
    %swap3A_306 = arith.constant 160 : index
    %swap3A_307 = tpu.vector_load %arg16[%swap3A_306] {strides = array<i32>} : memref<304xf32, #tpu.memory_space<vmem>>, vector<16xf32>,
    tpu.vector_store %arg16[%swap3A_306], %broadcast_in_dim3A_96 {strides = array<i32>} : memref<304xf32, #tpu.memory_space<vmem>>, vector<16xf32>,
    %swap3A_308 = arith.constant 176 : index
    %swap3A_309 = tpu.vector_load %arg16[%swap3A_308] {strides = array<i32>} : memref<304xf32, #tpu.memory_space<vmem>>, vector<16xf32>,
    tpu.vector_store %arg16[%swap3A_308], %broadcast_in_dim3A_96 {strides = array<i32>} : memref<304xf32, #tpu.memory_space<vmem>>, vector<16xf32>,
    %swap3A_310 = arith.constant 192 : index
    %swap3A_311 = tpu.vector_load %arg16[%swap3A_310] {strides = array<i32>} : memref<304xf32, #tpu.memory_space<vmem>>, vector<16xf32>,
    tpu.vector_store %arg16[%swap3A_310], %broadcast_in_dim3A_96 {strides = array<i32>} : memref<304xf32, #tpu.memory_space<vmem>>, vector<16xf32>,
    %swap3A_312 = arith.constant 208 : index
    %swap3A_313 = tpu.vector_load %arg16[%swap3A_312] {strides = array<i32>} : memref<304xf32, #tpu.memory_space<vmem>>, vector<16xf32>,
    tpu.vector_store %arg16[%swap3A_312], %broadcast_in_dim3A_96 {strides = array<i32>} : memref<304xf32, #tpu.memory_space<vmem>>, vector<16xf32>,
    %swap3A_314 = arith.constant 224 : index
    %swap3A_315 = tpu.vector_load %arg16[%swap3A_314] {strides = array<i32>} : memref<304xf32, #tpu.memory_space<vmem>>, vector<16xf32>,
    tpu.vector_store %arg16[%swap3A_314], %broadcast_in_dim3A_96 {strides = array<i32>} : memref<304xf32, #tpu.memory_space<vmem>>, vector<16xf32>,
    %swap3A_316 = arith.constant 240 : index
    %swap3A_317 = tpu.vector_load %arg16[%swap3A_316] {strides = array<i32>} : memref<304xf32, #tpu.memory_space<vmem>>, vector<16xf32>,
    tpu.vector_store %arg16[%swap3A_316], %broadcast_in_dim3A_96 {strides = array<i32>} : memref<304xf32, #tpu.memory_space<vmem>>, vector<16xf32>,
    %swap3A_318 = arith.constant 256 : index
    %swap3A_319 = tpu.vector_load %arg16[%swap3A_318] {strides = array<i32>} : memref<304xf32, #tpu.memory_space<vmem>>, vector<16xf32>,
    tpu.vector_store %arg16[%swap3A_318], %broadcast_in_dim3A_96 {strides = array<i32>} : memref<304xf32, #tpu.memory_space<vmem>>, vector<16xf32>,
    %swap3A_320 = arith.constant 272 : index
    %swap3A_321 = tpu.vector_load %arg16[%swap3A_320] {strides = array<i32>} : memref<304xf32, #tpu.memory_space<vmem>>, vector<16xf32>,
    tpu.vector_store %arg16[%swap3A_320], %broadcast_in_dim3A_96 {strides = array<i32>} : memref<304xf32, #tpu.memory_space<vmem>>, vector<16xf32>,
    %swap3A_322 = arith.constant 288 : index
    %swap3A_323 = tpu.vector_load %arg16[%swap3A_322] {strides = array<i32>} : memref<304xf32, #tpu.memory_space<vmem>>, vector<16xf32>,
    tpu.vector_store %arg16[%swap3A_322], %broadcast_in_dim3A_96 {strides = array<i32>} : memref<304xf32, #tpu.memory_space<vmem>>, vector<16xf32>,
    %swap3A_324 = arith.constant 0 : index
    %swap3A_325 = tpu.vector_load %arg17[%swap3A_324] {strides = array<i32>} : memref<304xf32, #tpu.memory_space<vmem>>, vector<16xf32>,
    tpu.vector_store %arg17[%swap3A_324], %broadcast_in_dim3A_96 {strides = array<i32>} : memref<304xf32, #tpu.memory_space<vmem>>, vector<16xf32>,
    %swap3A_326 = arith.constant 16 : index
    %swap3A_327 = tpu.vector_load %arg17[%swap3A_326] {strides = array<i32>} : memref<304xf32, #tpu.memory_space<vmem>>, vector<16xf32>,
    tpu.vector_store %arg17[%swap3A_326], %broadcast_in_dim3A_96 {strides = array<i32>} : memref<304xf32, #tpu.memory_space<vmem>>, vector<16xf32>,
    %swap3A_328 = arith.constant 32 : index
    %swap3A_329 = tpu.vector_load %arg17[%swap3A_328] {strides = array<i32>} : memref<304xf32, #tpu.memory_space<vmem>>, vector<16xf32>,
    tpu.vector_store %arg17[%swap3A_328], %broadcast_in_dim3A_96 {strides = array<i32>} : memref<304xf32, #tpu.memory_space<vmem>>, vector<16xf32>,
    %swap3A_330 = arith.constant 48 : index
    %swap3A_331 = tpu.vector_load %arg17[%swap3A_330] {strides = array<i32>} : memref<304xf32, #tpu.memory_space<vmem>>, vector<16xf32>,
    tpu.vector_store %arg17[%swap3A_330], %broadcast_in_dim3A_96 {strides = array<i32>} : memref<304xf32, #tpu.memory_space<vmem>>, vector<16xf32>,
    %swap3A_332 = arith.constant 64 : index
    %swap3A_333 = tpu.vector_load %arg17[%swap3A_332] {strides = array<i32>} : memref<304xf32, #tpu.memory_space<vmem>>, vector<16xf32>,
    tpu.vector_store %arg17[%swap3A_332], %broadcast_in_dim3A_96 {strides = array<i32>} : memref<304xf32, #tpu.memory_space<vmem>>, vector<16xf32>,
    %swap3A_334 = arith.constant 80 : index
    %swap3A_335 = tpu.vector_load %arg17[%swap3A_334] {strides = array<i32>} : memref<304xf32, #tpu.memory_space<vmem>>, vector<16xf32>,
    tpu.vector_store %arg17[%swap3A_334], %broadcast_in_dim3A_96 {strides = array<i32>} : memref<304xf32, #tpu.memory_space<vmem>>, vector<16xf32>,
    %swap3A_336 = arith.constant 96 : index
    %swap3A_337 = tpu.vector_load %arg17[%swap3A_336] {strides = array<i32>} : memref<304xf32, #tpu.memory_space<vmem>>, vector<16xf32>,
    tpu.vector_store %arg17[%swap3A_336], %broadcast_in_dim3A_96 {strides = array<i32>} : memref<304xf32, #tpu.memory_space<vmem>>, vector<16xf32>,
    %swap3A_338 = arith.constant 112 : index
    %swap3A_339 = tpu.vector_load %arg17[%swap3A_338] {strides = array<i32>} : memref<304xf32, #tpu.memory_space<vmem>>, vector<16xf32>,
    tpu.vector_store %arg17[%swap3A_338], %broadcast_in_dim3A_96 {strides = array<i32>} : memref<304xf32, #tpu.memory_space<vmem>>, vector<16xf32>,
    %swap3A_340 = arith.constant 128 : index
    %swap3A_341 = tpu.vector_load %arg17[%swap3A_340] {strides = array<i32>} : memref<304xf32, #tpu.memory_space<vmem>>, vector<16xf32>,
    tpu.vector_store %arg17[%swap3A_340], %broadcast_in_dim3A_96 {strides = array<i32>} : memref<304xf32, #tpu.memory_space<vmem>>, vector<16xf32>,
    %swap3A_342 = arith.constant 144 : index
    %swap3A_343 = tpu.vector_load %arg17[%swap3A_342] {strides = array<i32>} : memref<304xf32, #tpu.memory_space<vmem>>, vector<16xf32>,
    tpu.vector_store %arg17[%swap3A_342], %broadcast_in_dim3A_96 {strides = array<i32>} : memref<304xf32, #tpu.memory_space<vmem>>, vector<16xf32>,
    %swap3A_344 = arith.constant 160 : index
    %swap3A_345 = tpu.vector_load %arg17[%swap3A_344] {strides = array<i32>} : memref<304xf32, #tpu.memory_space<vmem>>, vector<16xf32>,
    tpu.vector_store %arg17[%swap3A_344], %broadcast_in_dim3A_96 {strides = array<i32>} : memref<304xf32, #tpu.memory_space<vmem>>, vector<16xf32>,
    %swap3A_346 = arith.constant 176 : index
    %swap3A_347 = tpu.vector_load %arg17[%swap3A_346] {strides = array<i32>} : memref<304xf32, #tpu.memory_space<vmem>>, vector<16xf32>,
    tpu.vector_store %arg17[%swap3A_346], %broadcast_in_dim3A_96 {strides = array<i32>} : memref<304xf32, #tpu.memory_space<vmem>>, vector<16xf32>,
    %swap3A_348 = arith.constant 192 : index
    %swap3A_349 = tpu.vector_load %arg17[%swap3A_348] {strides = array<i32>} : memref<304xf32, #tpu.memory_space<vmem>>, vector<16xf32>,
    tpu.vector_store %arg17[%swap3A_348], %broadcast_in_dim3A_96 {strides = array<i32>} : memref<304xf32, #tpu.memory_space<vmem>>, vector<16xf32>,
    %swap3A_350 = arith.constant 208 : index
    %swap3A_351 = tpu.vector_load %arg17[%swap3A_350] {strides = array<i32>} : memref<304xf32, #tpu.memory_space<vmem>>, vector<16xf32>,
    tpu.vector_store %arg17[%swap3A_350], %broadcast_in_dim3A_96 {strides = array<i32>} : memref<304xf32, #tpu.memory_space<vmem>>, vector<16xf32>,
    %swap3A_352 = arith.constant 224 : index
    %swap3A_353 = tpu.vector_load %arg17[%swap3A_352] {strides = array<i32>} : memref<304xf32, #tpu.memory_space<vmem>>, vector<16xf32>,
    tpu.vector_store %arg17[%swap3A_352], %broadcast_in_dim3A_96 {strides = array<i32>} : memref<304xf32, #tpu.memory_space<vmem>>, vector<16xf32>,
    %swap3A_354 = arith.constant 240 : index
    %swap3A_355 = tpu.vector_load %arg17[%swap3A_354] {strides = array<i32>} : memref<304xf32, #tpu.memory_space<vmem>>, vector<16xf32>,
    tpu.vector_store %arg17[%swap3A_354], %broadcast_in_dim3A_96 {strides = array<i32>} : memref<304xf32, #tpu.memory_space<vmem>>, vector<16xf32>,
    %swap3A_356 = arith.constant 256 : index
    %swap3A_357 = tpu.vector_load %arg17[%swap3A_356] {strides = array<i32>} : memref<304xf32, #tpu.memory_space<vmem>>, vector<16xf32>,
    tpu.vector_store %arg17[%swap3A_356], %broadcast_in_dim3A_96 {strides = array<i32>} : memref<304xf32, #tpu.memory_space<vmem>>, vector<16xf32>,
    %swap3A_358 = arith.constant 272 : index
    %swap3A_359 = tpu.vector_load %arg17[%swap3A_358] {strides = array<i32>} : memref<304xf32, #tpu.memory_space<vmem>>, vector<16xf32>,
    tpu.vector_store %arg17[%swap3A_358], %broadcast_in_dim3A_96 {strides = array<i32>} : memref<304xf32, #tpu.memory_space<vmem>>, vector<16xf32>,
    %swap3A_360 = arith.constant 288 : index
    %swap3A_361 = tpu.vector_load %arg17[%swap3A_360] {strides = array<i32>} : memref<304xf32, #tpu.memory_space<vmem>>, vector<16xf32>,
    tpu.vector_store %arg17[%swap3A_360], %broadcast_in_dim3A_96 {strides = array<i32>} : memref<304xf32, #tpu.memory_space<vmem>>, vector<16xf32>,
    %swap3A_362 = arith.constant 0 : index
    %swap3A_363 = tpu.vector_load %arg18[%swap3A_362] {strides = array<i32>} : memref<304xf32, #tpu.memory_space<vmem>>, vector<16xf32>,
    tpu.vector_store %arg18[%swap3A_362], %broadcast_in_dim3A_96 {strides = array<i32>} : memref<304xf32, #tpu.memory_space<vmem>>, vector<16xf32>,
    %swap3A_364 = arith.constant 16 : index
    %swap3A_365 = tpu.vector_load %arg18[%swap3A_364] {strides = array<i32>} : memref<304xf32, #tpu.memory_space<vmem>>, vector<16xf32>,
    tpu.vector_store %arg18[%swap3A_364], %broadcast_in_dim3A_96 {strides = array<i32>} : memref<304xf32, #tpu.memory_space<vmem>>, vector<16xf32>,
    %swap3A_366 = arith.constant 32 : index
    %swap3A_367 = tpu.vector_load %arg18[%swap3A_366] {strides = array<i32>} : memref<304xf32, #tpu.memory_space<vmem>>, vector<16xf32>,
    tpu.vector_store %arg18[%swap3A_366], %broadcast_in_dim3A_96 {strides = array<i32>} : memref<304xf32, #tpu.memory_space<vmem>>, vector<16xf32>,
    %swap3A_368 = arith.constant 48 : index
    %swap3A_369 = tpu.vector_load %arg18[%swap3A_368] {strides = array<i32>} : memref<304xf32, #tpu.memory_space<vmem>>, vector<16xf32>,
    tpu.vector_store %arg18[%swap3A_368], %broadcast_in_dim3A_96 {strides = array<i32>} : memref<304xf32, #tpu.memory_space<vmem>>, vector<16xf32>,
    %swap3A_370 = arith.constant 64 : index
    %swap3A_371 = tpu.vector_load %arg18[%swap3A_370] {strides = array<i32>} : memref<304xf32, #tpu.memory_space<vmem>>, vector<16xf32>,
    tpu.vector_store %arg18[%swap3A_370], %broadcast_in_dim3A_96 {strides = array<i32>} : memref<304xf32, #tpu.memory_space<vmem>>, vector<16xf32>,
    %swap3A_372 = arith.constant 80 : index
    %swap3A_373 = tpu.vector_load %arg18[%swap3A_372] {strides = array<i32>} : memref<304xf32, #tpu.memory_space<vmem>>, vector<16xf32>,
    tpu.vector_store %arg18[%swap3A_372], %broadcast_in_dim3A_96 {strides = array<i32>} : memref<304xf32, #tpu.memory_space<vmem>>, vector<16xf32>,
    %swap3A_374 = arith.constant 96 : index
    %swap3A_375 = tpu.vector_load %arg18[%swap3A_374] {strides = array<i32>} : memref<304xf32, #tpu.memory_space<vmem>>, vector<16xf32>,
    tpu.vector_store %arg18[%swap3A_374], %broadcast_in_dim3A_96 {strides = array<i32>} : memref<304xf32, #tpu.memory_space<vmem>>, vector<16xf32>,
    %swap3A_376 = arith.constant 112 : index
    %swap3A_377 = tpu.vector_load %arg18[%swap3A_376] {strides = array<i32>} : memref<304xf32, #tpu.memory_space<vmem>>, vector<16xf32>,
    tpu.vector_store %arg18[%swap3A_376], %broadcast_in_dim3A_96 {strides = array<i32>} : memref<304xf32, #tpu.memory_space<vmem>>, vector<16xf32>,
    %swap3A_378 = arith.constant 128 : index
    %swap3A_379 = tpu.vector_load %arg18[%swap3A_378] {strides = array<i32>} : memref<304xf32, #tpu.memory_space<vmem>>, vector<16xf32>,
    tpu.vector_store %arg18[%swap3A_378], %broadcast_in_dim3A_96 {strides = array<i32>} : memref<304xf32, #tpu.memory_space<vmem>>, vector<16xf32>,
    %swap3A_380 = arith.constant 144 : index
    %swap3A_381 = tpu.vector_load %arg18[%swap3A_380] {strides = array<i32>} : memref<304xf32, #tpu.memory_space<vmem>>, vector<16xf32>,
    tpu.vector_store %arg18[%swap3A_380], %broadcast_in_dim3A_96 {strides = array<i32>} : memref<304xf32, #tpu.memory_space<vmem>>, vector<16xf32>,
    %swap3A_382 = arith.constant 160 : index
    %swap3A_383 = tpu.vector_load %arg18[%swap3A_382] {strides = array<i32>} : memref<304xf32, #tpu.memory_space<vmem>>, vector<16xf32>,
    tpu.vector_store %arg18[%swap3A_382], %broadcast_in_dim3A_96 {strides = array<i32>} : memref<304xf32, #tpu.memory_space<vmem>>, vector<16xf32>,
    %swap3A_384 = arith.constant 176 : index
    %swap3A_385 = tpu.vector_load %arg18[%swap3A_384] {strides = array<i32>} : memref<304xf32, #tpu.memory_space<vmem>>, vector<16xf32>,
    tpu.vector_store %arg18[%swap3A_384], %broadcast_in_dim3A_96 {strides = array<i32>} : memref<304xf32, #tpu.memory_space<vmem>>, vector<16xf32>,
    %swap3A_386 = arith.constant 192 : index
    %swap3A_387 = tpu.vector_load %arg18[%swap3A_386] {strides = array<i32>} : memref<304xf32, #tpu.memory_space<vmem>>, vector<16xf32>,
    tpu.vector_store %arg18[%swap3A_386], %broadcast_in_dim3A_96 {strides = array<i32>} : memref<304xf32, #tpu.memory_space<vmem>>, vector<16xf32>,
    %swap3A_388 = arith.constant 208 : index
    %swap3A_389 = tpu.vector_load %arg18[%swap3A_388] {strides = array<i32>} : memref<304xf32, #tpu.memory_space<vmem>>, vector<16xf32>,
    tpu.vector_store %arg18[%swap3A_388], %broadcast_in_dim3A_96 {strides = array<i32>} : memref<304xf32, #tpu.memory_space<vmem>>, vector<16xf32>,
    %swap3A_390 = arith.constant 224 : index
    %swap3A_391 = tpu.vector_load %arg18[%swap3A_390] {strides = array<i32>} : memref<304xf32, #tpu.memory_space<vmem>>, vector<16xf32>,
    tpu.vector_store %arg18[%swap3A_390], %broadcast_in_dim3A_96 {strides = array<i32>} : memref<304xf32, #tpu.memory_space<vmem>>, vector<16xf32>,
    %swap3A_392 = arith.constant 240 : index
    %swap3A_393 = tpu.vector_load %arg18[%swap3A_392] {strides = array<i32>} : memref<304xf32, #tpu.memory_space<vmem>>, vector<16xf32>,
    tpu.vector_store %arg18[%swap3A_392], %broadcast_in_dim3A_96 {strides = array<i32>} : memref<304xf32, #tpu.memory_space<vmem>>, vector<16xf32>,
    %swap3A_394 = arith.constant 256 : index
    %swap3A_395 = tpu.vector_load %arg18[%swap3A_394] {strides = array<i32>} : memref<304xf32, #tpu.memory_space<vmem>>, vector<16xf32>,
    tpu.vector_store %arg18[%swap3A_394], %broadcast_in_dim3A_96 {strides = array<i32>} : memref<304xf32, #tpu.memory_space<vmem>>, vector<16xf32>,
    %swap3A_396 = arith.constant 272 : index
    %swap3A_397 = tpu.vector_load %arg18[%swap3A_396] {strides = array<i32>} : memref<304xf32, #tpu.memory_space<vmem>>, vector<16xf32>,
    tpu.vector_store %arg18[%swap3A_396], %broadcast_in_dim3A_96 {strides = array<i32>} : memref<304xf32, #tpu.memory_space<vmem>>, vector<16xf32>,
    %swap3A_398 = arith.constant 288 : index
    %swap3A_399 = tpu.vector_load %arg18[%swap3A_398] {strides = array<i32>} : memref<304xf32, #tpu.memory_space<vmem>>, vector<16xf32>,
    tpu.vector_store %arg18[%swap3A_398], %broadcast_in_dim3A_96 {strides = array<i32>} : memref<304xf32, #tpu.memory_space<vmem>>, vector<16xf32>,
    %iota3A = tpu.iota {dimensions = array<i32: 0>} : vector<16xi32>
    %broadcast_in_dim3A_400 = arith.constant 1.000000e+00 : f32
    %broadcast_in_dim3A_401 = vector.broadcast %broadcast_in_dim3A_400 : f32 to vector<16xf32>
    %dma_wait3A = arith.constant 0 : i32
    %dma_wait3A_402 = arith.constant 0 : i32
    %dma_wait3A_403 = arith.constant 0 : i32
    %dma_wait3A_404 = arith.constant 0 : i32
    %dma_wait3A_405 = arith.constant 0 : i32
    %dma_wait3A_406 = tpu.memref_slice %arg5[%dma_wait3A_402, %dma_wait3A_404, %dma_wait3A_405] : memref<2x16x512xf32, #tpu.memory_space<vmem>> -> memref<1x16x512xf32, #tpu.memory_space<vmem>>
    %dma_wait3A_407 = tpu.memref_squeeze %dma_wait3A_406 : memref<1x16x512xf32, #tpu.memory_space<vmem>> -> memref<16x512xf32, #tpu.memory_space<vmem>>
    %dma_wait3A_408 = arith.constant 0 : i32
    %dma_wait3A_409 = tpu.memref_slice %arg2[%select_n3A, %dma_wait3A, %add3A_34, %dma_wait3A_408] : memref<4x1x512x512xf32, #tpu.memory_space<hbm>> -> memref<1x1x16x512xf32, #tpu.memory_space<hbm>>
    %dma_wait3A_410 = tpu.memref_squeeze %dma_wait3A_409 : memref<1x1x16x512xf32, #tpu.memory_space<hbm>> -> memref<16x512xf32, #tpu.memory_space<hbm>>
    %dma_wait3A_411 = tpu.memref_slice %arg9[%dma_wait3A_403] : memref<3x!tpu.dma_semaphore, #tpu.memory_space<semaphore_mem>> -> memref<1x!tpu.dma_semaphore, #tpu.memory_space<semaphore_mem>>
    %dma_wait3A_412 = tpu.memref_squeeze %dma_wait3A_411 : memref<1x!tpu.dma_semaphore, #tpu.memory_space<semaphore_mem>> -> memref<!tpu.dma_semaphore, #tpu.memory_space<semaphore_mem>>
    %dma_wait3A_413 = arith.constant 0 : i32
    %dma_wait3A_414 = arith.constant 0 : i32
    %dma_wait3A_415 = tpu.memref_slice %arg5[%dma_wait3A_402, %dma_wait3A_413, %dma_wait3A_414] : memref<2x16x512xf32, #tpu.memory_space<vmem>> -> memref<1x16x512xf32, #tpu.memory_space<vmem>>
    %dma_wait3A_416 = tpu.memref_squeeze %dma_wait3A_415 : memref<1x16x512xf32, #tpu.memory_space<vmem>> -> memref<16x512xf32, #tpu.memory_space<vmem>>
    %dma_wait3A_417 = arith.constant 0 : i32
    %dma_wait3A_418 = tpu.memref_slice %arg2[%select_n3A, %dma_wait3A, %add3A_34, %dma_wait3A_417] : memref<4x1x512x512xf32, #tpu.memory_space<hbm>> -> memref<1x1x16x512xf32, #tpu.memory_space<hbm>>
    %dma_wait3A_419 = tpu.memref_squeeze %dma_wait3A_418 : memref<1x1x16x512xf32, #tpu.memory_space<hbm>> -> memref<16x512xf32, #tpu.memory_space<hbm>>
    tpu.wait_dma2 semaphore(%dma_wait3A_412 : memref<!tpu.dma_semaphore, #tpu.memory_space<semaphore_mem>>) src(%dma_wait3A_419 : memref<16x512xf32, #tpu.memory_space<hbm>>) dst(%dma_wait3A_416 : memref<16x512xf32, #tpu.memory_space<vmem>>)
    %dma_wait3A_420 = arith.constant 0 : i32
    %dma_wait3A_421 = arith.constant 0 : i32
    %dma_wait3A_422 = arith.constant 0 : i32
    %dma_wait3A_423 = arith.constant 0 : i32
    %dma_wait3A_424 = arith.constant 0 : i32
    %dma_wait3A_425 = tpu.memref_slice %arg6[%dma_wait3A_421, %dma_wait3A_423, %dma_wait3A_424] : memref<2x16x512xi32, #tpu.memory_space<vmem>> -> memref<1x16x512xi32, #tpu.memory_space<vmem>>
    %dma_wait3A_426 = tpu.memref_squeeze %dma_wait3A_425 : memref<1x16x512xi32, #tpu.memory_space<vmem>> -> memref<16x512xi32, #tpu.memory_space<vmem>>
    %dma_wait3A_427 = arith.constant 0 : i32
    %dma_wait3A_428 = tpu.memref_slice %arg3[%select_n3A, %dma_wait3A_420, %add3A_34, %dma_wait3A_427] : memref<4x1x512x512xi32, #tpu.memory_space<hbm>> -> memref<1x1x16x512xi32, #tpu.memory_space<hbm>>
    %dma_wait3A_429 = tpu.memref_squeeze %dma_wait3A_428 : memref<1x1x16x512xi32, #tpu.memory_space<hbm>> -> memref<16x512xi32, #tpu.memory_space<hbm>>
    %dma_wait3A_430 = tpu.memref_slice %arg10[%dma_wait3A_422] : memref<3x!tpu.dma_semaphore, #tpu.memory_space<semaphore_mem>> -> memref<1x!tpu.dma_semaphore, #tpu.memory_space<semaphore_mem>>
    %dma_wait3A_431 = tpu.memref_squeeze %dma_wait3A_430 : memref<1x!tpu.dma_semaphore, #tpu.memory_space<semaphore_mem>> -> memref<!tpu.dma_semaphore, #tpu.memory_space<semaphore_mem>>
    %dma_wait3A_432 = arith.constant 0 : i32
    %dma_wait3A_433 = arith.constant 0 : i32
    %dma_wait3A_434 = tpu.memref_slice %arg6[%dma_wait3A_421, %dma_wait3A_432, %dma_wait3A_433] : memref<2x16x512xi32, #tpu.memory_space<vmem>> -> memref<1x16x512xi32, #tpu.memory_space<vmem>>
    %dma_wait3A_435 = tpu.memref_squeeze %dma_wait3A_434 : memref<1x16x512xi32, #tpu.memory_space<vmem>> -> memref<16x512xi32, #tpu.memory_space<vmem>>
    %dma_wait3A_436 = arith.constant 0 : i32
    %dma_wait3A_437 = tpu.memref_slice %arg3[%select_n3A, %dma_wait3A_420, %add3A_34, %dma_wait3A_436] : memref<4x1x512x512xi32, #tpu.memory_space<hbm>> -> memref<1x1x16x512xi32, #tpu.memory_space<hbm>>
    %dma_wait3A_438 = tpu.memref_squeeze %dma_wait3A_437 : memref<1x1x16x512xi32, #tpu.memory_space<hbm>> -> memref<16x512xi32, #tpu.memory_space<hbm>>
    tpu.wait_dma2 semaphore(%dma_wait3A_431 : memref<!tpu.dma_semaphore, #tpu.memory_space<semaphore_mem>>) src(%dma_wait3A_438 : memref<16x512xi32, #tpu.memory_space<hbm>>) dst(%dma_wait3A_435 : memref<16x512xi32, #tpu.memory_space<vmem>>)
    %add3A_439 = arith.constant 16 : i32
    %add3A_440 = arith.addi %mul3A_32, %add3A_439 : i32
    %dma_start3A_441 = arith.constant 0 : i32
    %dma_start3A_442 = arith.constant 1 : i32
    %dma_start3A_443 = arith.constant 1 : i32
    %dma_start3A_444 = arith.constant 0 : i32
    %dma_start3A_445 = arith.constant 0 : i32
    %dma_start3A_446 = tpu.memref_slice %arg5[%dma_start3A_442, %dma_start3A_444, %dma_start3A_445] : memref<2x16x512xf32, #tpu.memory_space<vmem>> -> memref<1x16x512xf32, #tpu.memory_space<vmem>>
    %dma_start3A_447 = tpu.memref_squeeze %dma_start3A_446 : memref<1x16x512xf32, #tpu.memory_space<vmem>> -> memref<16x512xf32, #tpu.memory_space<vmem>>
    %dma_start3A_448 = arith.constant 0 : i32
    %dma_start3A_449 = tpu.memref_slice %arg2[%select_n3A, %dma_start3A_441, %add3A_440, %dma_start3A_448] : memref<4x1x512x512xf32, #tpu.memory_space<hbm>> -> memref<1x1x16x512xf32, #tpu.memory_space<hbm>>
    %dma_start3A_450 = tpu.memref_squeeze %dma_start3A_449 : memref<1x1x16x512xf32, #tpu.memory_space<hbm>> -> memref<16x512xf32, #tpu.memory_space<hbm>>
    %dma_start3A_451 = tpu.memref_slice %arg9[%dma_start3A_443] : memref<3x!tpu.dma_semaphore, #tpu.memory_space<semaphore_mem>> -> memref<1x!tpu.dma_semaphore, #tpu.memory_space<semaphore_mem>>
    %dma_start3A_452 = tpu.memref_squeeze %dma_start3A_451 : memref<1x!tpu.dma_semaphore, #tpu.memory_space<semaphore_mem>> -> memref<!tpu.dma_semaphore, #tpu.memory_space<semaphore_mem>>
    %dma_start3A_453 = arith.constant 0 : i32
    %dma_start3A_454 = arith.constant 0 : i32
    %dma_start3A_455 = tpu.memref_slice %arg5[%dma_start3A_442, %dma_start3A_453, %dma_start3A_454] : memref<2x16x512xf32, #tpu.memory_space<vmem>> -> memref<1x16x512xf32, #tpu.memory_space<vmem>>
    %dma_start3A_456 = tpu.memref_squeeze %dma_start3A_455 : memref<1x16x512xf32, #tpu.memory_space<vmem>> -> memref<16x512xf32, #tpu.memory_space<vmem>>
    %dma_start3A_457 = arith.constant 0 : i32
    %dma_start3A_458 = tpu.memref_slice %arg2[%select_n3A, %dma_start3A_441, %add3A_440, %dma_start3A_457] : memref<4x1x512x512xf32, #tpu.memory_space<hbm>> -> memref<1x1x16x512xf32, #tpu.memory_space<hbm>>
    %dma_start3A_459 = tpu.memref_squeeze %dma_start3A_458 : memref<1x1x16x512xf32, #tpu.memory_space<hbm>> -> memref<16x512xf32, #tpu.memory_space<hbm>>
    tpu.enqueue_dma source(%dma_start3A_459 : memref<16x512xf32, #tpu.memory_space<hbm>>) target(%dma_start3A_456 : memref<16x512xf32, #tpu.memory_space<vmem>>) target_semaphore(%dma_start3A_452 : memref<!tpu.dma_semaphore, #tpu.memory_space<semaphore_mem>>)
    %dma_start3A_460 = arith.constant 0 : i32
    %dma_start3A_461 = arith.constant 1 : i32
    %dma_start3A_462 = arith.constant 1 : i32
    %dma_start3A_463 = arith.constant 0 : i32
    %dma_start3A_464 = arith.constant 0 : i32
    %dma_start3A_465 = tpu.memref_slice %arg6[%dma_start3A_461, %dma_start3A_463, %dma_start3A_464] : memref<2x16x512xi32, #tpu.memory_space<vmem>> -> memref<1x16x512xi32, #tpu.memory_space<vmem>>
    %dma_start3A_466 = tpu.memref_squeeze %dma_start3A_465 : memref<1x16x512xi32, #tpu.memory_space<vmem>> -> memref<16x512xi32, #tpu.memory_space<vmem>>
    %dma_start3A_467 = arith.constant 0 : i32
    %dma_start3A_468 = tpu.memref_slice %arg3[%select_n3A, %dma_start3A_460, %add3A_440, %dma_start3A_467] : memref<4x1x512x512xi32, #tpu.memory_space<hbm>> -> memref<1x1x16x512xi32, #tpu.memory_space<hbm>>
    %dma_start3A_469 = tpu.memref_squeeze %dma_start3A_468 : memref<1x1x16x512xi32, #tpu.memory_space<hbm>> -> memref<16x512xi32, #tpu.memory_space<hbm>>
    %dma_start3A_470 = tpu.memref_slice %arg10[%dma_start3A_462] : memref<3x!tpu.dma_semaphore, #tpu.memory_space<semaphore_mem>> -> memref<1x!tpu.dma_semaphore, #tpu.memory_space<semaphore_mem>>
    %dma_start3A_471 = tpu.memref_squeeze %dma_start3A_470 : memref<1x!tpu.dma_semaphore, #tpu.memory_space<semaphore_mem>> -> memref<!tpu.dma_semaphore, #tpu.memory_space<semaphore_mem>>
    %dma_start3A_472 = arith.constant 0 : i32
    %dma_start3A_473 = arith.constant 0 : i32
    %dma_start3A_474 = tpu.memref_slice %arg6[%dma_start3A_461, %dma_start3A_472, %dma_start3A_473] : memref<2x16x512xi32, #tpu.memory_space<vmem>> -> memref<1x16x512xi32, #tpu.memory_space<vmem>>
    %dma_start3A_475 = tpu.memref_squeeze %dma_start3A_474 : memref<1x16x512xi32, #tpu.memory_space<vmem>> -> memref<16x512xi32, #tpu.memory_space<vmem>>
    %dma_start3A_476 = arith.constant 0 : i32
    %dma_start3A_477 = tpu.memref_slice %arg3[%select_n3A, %dma_start3A_460, %add3A_440, %dma_start3A_476] : memref<4x1x512x512xi32, #tpu.memory_space<hbm>> -> memref<1x1x16x512xi32, #tpu.memory_space<hbm>>
    %dma_start3A_478 = tpu.memref_squeeze %dma_start3A_477 : memref<1x1x16x512xi32, #tpu.memory_space<hbm>> -> memref<16x512xi32, #tpu.memory_space<hbm>>
    tpu.enqueue_dma source(%dma_start3A_478 : memref<16x512xi32, #tpu.memory_space<hbm>>) target(%dma_start3A_475 : memref<16x512xi32, #tpu.memory_space<vmem>>) target_semaphore(%dma_start3A_471 : memref<!tpu.dma_semaphore, #tpu.memory_space<semaphore_mem>>)
    %scan3A = arith.constant 0 : i32
    %scan3A_479 = arith.constant 0 : i32
    %scan3A_480 = arith.constant 16 : i32
    %scan3A_481 = arith.addi %scan3A_479, %scan3A_480 : i32
    %scan3A_482 = arith.constant 1 : i32
    scf.for %scan3A_1050 = %scan3A_479 to %scan3A_481 step %scan3A_482  : i32 {
      %get3A_1051 = arith.constant 0 : i32
      %get3A_1052 = arith.index_cast %get3A_1051 : i32 to index
      %get3A_1053 = arith.index_cast %scan3A_1050 : i32 to index
      %get3A_1054 = arith.constant 0 : index
      %get3A_1055 = tpu.vector_load %arg6[%get3A_1052, %get3A_1053, %get3A_1054] {strides = array<i32>} : memref<2x16x512xi32, #tpu.memory_space<vmem>>, vector<16xi32>,
      %get3A_1056 = arith.constant 0 : i32
      %get3A_1057 = arith.index_cast %get3A_1056 : i32 to index
      %get3A_1058 = arith.index_cast %scan3A_1050 : i32 to index
      %get3A_1059 = arith.constant 0 : index
      %get3A_1060 = tpu.vector_load %arg5[%get3A_1057, %get3A_1058, %get3A_1059] {strides = array<i32>} : memref<2x16x512xf32, #tpu.memory_space<vmem>>, vector<16xf32>,
      %get3A_1061 = arith.constant 0 : i32
      %get3A_1062 = arith.index_cast %get3A_1061 : i32 to index
      %get3A_1063 = arith.index_cast %scan3A_1050 : i32 to index
      %get3A_1064 = arith.constant 16 : index
      %get3A_1065 = tpu.vector_load %arg6[%get3A_1062, %get3A_1063, %get3A_1064] {strides = array<i32>} : memref<2x16x512xi32, #tpu.memory_space<vmem>>, vector<16xi32>,
      %get3A_1066 = arith.constant 0 : i32
      %get3A_1067 = arith.index_cast %get3A_1066 : i32 to index
      %get3A_1068 = arith.index_cast %scan3A_1050 : i32 to index
      %get3A_1069 = arith.constant 16 : index
      %get3A_1070 = tpu.vector_load %arg5[%get3A_1067, %get3A_1068, %get3A_1069] {strides = array<i32>} : memref<2x16x512xf32, #tpu.memory_space<vmem>>, vector<16xf32>,
      %get3A_1071 = arith.constant 0 : i32
      %get3A_1072 = arith.index_cast %get3A_1071 : i32 to index
      %get3A_1073 = arith.index_cast %scan3A_1050 : i32 to index
      %get3A_1074 = arith.constant 32 : index
      %get3A_1075 = tpu.vector_load %arg6[%get3A_1072, %get3A_1073, %get3A_1074] {strides = array<i32>} : memref<2x16x512xi32, #tpu.memory_space<vmem>>, vector<16xi32>,
      %get3A_1076 = arith.constant 0 : i32
      %get3A_1077 = arith.index_cast %get3A_1076 : i32 to index
      %get3A_1078 = arith.index_cast %scan3A_1050 : i32 to index
      %get3A_1079 = arith.constant 32 : index
      %get3A_1080 = tpu.vector_load %arg5[%get3A_1077, %get3A_1078, %get3A_1079] {strides = array<i32>} : memref<2x16x512xf32, #tpu.memory_space<vmem>>, vector<16xf32>,
      %get3A_1081 = arith.constant 0 : i32
      %get3A_1082 = arith.index_cast %get3A_1081 : i32 to index
      %get3A_1083 = arith.index_cast %scan3A_1050 : i32 to index
      %get3A_1084 = arith.constant 48 : index
      %get3A_1085 = tpu.vector_load %arg6[%get3A_1082, %get3A_1083, %get3A_1084] {strides = array<i32>} : memref<2x16x512xi32, #tpu.memory_space<vmem>>, vector<16xi32>,
      %get3A_1086 = arith.constant 0 : i32
      %get3A_1087 = arith.index_cast %get3A_1086 : i32 to index
      %get3A_1088 = arith.index_cast %scan3A_1050 : i32 to index
      %get3A_1089 = arith.constant 48 : index
      %get3A_1090 = tpu.vector_load %arg5[%get3A_1087, %get3A_1088, %get3A_1089] {strides = array<i32>} : memref<2x16x512xf32, #tpu.memory_space<vmem>>, vector<16xf32>,
      %get3A_1091 = arith.constant 0 : i32
      %get3A_1092 = arith.index_cast %get3A_1091 : i32 to index
      %get3A_1093 = arith.index_cast %scan3A_1050 : i32 to index
      %get3A_1094 = arith.constant 64 : index
      %get3A_1095 = tpu.vector_load %arg6[%get3A_1092, %get3A_1093, %get3A_1094] {strides = array<i32>} : memref<2x16x512xi32, #tpu.memory_space<vmem>>, vector<16xi32>,
      %get3A_1096 = arith.constant 0 : i32
      %get3A_1097 = arith.index_cast %get3A_1096 : i32 to index
      %get3A_1098 = arith.index_cast %scan3A_1050 : i32 to index
      %get3A_1099 = arith.constant 64 : index
      %get3A_1100 = tpu.vector_load %arg5[%get3A_1097, %get3A_1098, %get3A_1099] {strides = array<i32>} : memref<2x16x512xf32, #tpu.memory_space<vmem>>, vector<16xf32>,
      %get3A_1101 = arith.constant 0 : i32
      %get3A_1102 = arith.index_cast %get3A_1101 : i32 to index
      %get3A_1103 = arith.index_cast %scan3A_1050 : i32 to index
      %get3A_1104 = arith.constant 80 : index
      %get3A_1105 = tpu.vector_load %arg6[%get3A_1102, %get3A_1103, %get3A_1104] {strides = array<i32>} : memref<2x16x512xi32, #tpu.memory_space<vmem>>, vector<16xi32>,
      %get3A_1106 = arith.constant 0 : i32
      %get3A_1107 = arith.index_cast %get3A_1106 : i32 to index
      %get3A_1108 = arith.index_cast %scan3A_1050 : i32 to index
      %get3A_1109 = arith.constant 80 : index
      %get3A_1110 = tpu.vector_load %arg5[%get3A_1107, %get3A_1108, %get3A_1109] {strides = array<i32>} : memref<2x16x512xf32, #tpu.memory_space<vmem>>, vector<16xf32>,
      %get3A_1111 = arith.constant 0 : i32
      %get3A_1112 = arith.index_cast %get3A_1111 : i32 to index
      %get3A_1113 = arith.index_cast %scan3A_1050 : i32 to index
      %get3A_1114 = arith.constant 96 : index
      %get3A_1115 = tpu.vector_load %arg6[%get3A_1112, %get3A_1113, %get3A_1114] {strides = array<i32>} : memref<2x16x512xi32, #tpu.memory_space<vmem>>, vector<16xi32>,
      %get3A_1116 = arith.constant 0 : i32
      %get3A_1117 = arith.index_cast %get3A_1116 : i32 to index
      %get3A_1118 = arith.index_cast %scan3A_1050 : i32 to index
      %get3A_1119 = arith.constant 96 : index
      %get3A_1120 = tpu.vector_load %arg5[%get3A_1117, %get3A_1118, %get3A_1119] {strides = array<i32>} : memref<2x16x512xf32, #tpu.memory_space<vmem>>, vector<16xf32>,
      %get3A_1121 = arith.constant 0 : i32
      %get3A_1122 = arith.index_cast %get3A_1121 : i32 to index
      %get3A_1123 = arith.index_cast %scan3A_1050 : i32 to index
      %get3A_1124 = arith.constant 112 : index
      %get3A_1125 = tpu.vector_load %arg6[%get3A_1122, %get3A_1123, %get3A_1124] {strides = array<i32>} : memref<2x16x512xi32, #tpu.memory_space<vmem>>, vector<16xi32>,
      %get3A_1126 = arith.constant 0 : i32
      %get3A_1127 = arith.index_cast %get3A_1126 : i32 to index
      %get3A_1128 = arith.index_cast %scan3A_1050 : i32 to index
      %get3A_1129 = arith.constant 112 : index
      %get3A_1130 = tpu.vector_load %arg5[%get3A_1127, %get3A_1128, %get3A_1129] {strides = array<i32>} : memref<2x16x512xf32, #tpu.memory_space<vmem>>, vector<16xf32>,
      %convert_element_type3A = arith.sitofp %get3A_1055 : vector<16xi32> to vector<16xf32>
      %sub3A_1131 = arith.subf %convert_element_type3A, %get3A_1060 : vector<16xf32>
      %mul3A_1132 = arith.mulf %sub3A_1131, %sub3A_1131 : vector<16xf32>
      %mul3A_1133 = arith.constant 16 : i32
      %mul3A_1134 = vector.broadcast %mul3A_1133 : i32 to vector<16xi32>
      %mul3A_1135 = arith.muli %get3A_1055, %mul3A_1134 : vector<16xi32>
      %add3A_1136 = arith.addi %mul3A_1135, %iota3A : vector<16xi32>
      %convert_element_type3A_1137 = arith.sitofp %get3A_1065 : vector<16xi32> to vector<16xf32>
      %sub3A_1138 = arith.subf %convert_element_type3A_1137, %get3A_1070 : vector<16xf32>
      %mul3A_1139 = arith.mulf %sub3A_1138, %sub3A_1138 : vector<16xf32>
      %mul3A_1140 = arith.constant 16 : i32
      %mul3A_1141 = vector.broadcast %mul3A_1140 : i32 to vector<16xi32>
      %mul3A_1142 = arith.muli %get3A_1065, %mul3A_1141 : vector<16xi32>
      %add3A_1143 = arith.addi %mul3A_1142, %iota3A : vector<16xi32>
      %convert_element_type3A_1144 = arith.sitofp %get3A_1075 : vector<16xi32> to vector<16xf32>
      %sub3A_1145 = arith.subf %convert_element_type3A_1144, %get3A_1080 : vector<16xf32>
      %mul3A_1146 = arith.mulf %sub3A_1145, %sub3A_1145 : vector<16xf32>
      %mul3A_1147 = arith.constant 16 : i32
      %mul3A_1148 = vector.broadcast %mul3A_1147 : i32 to vector<16xi32>
      %mul3A_1149 = arith.muli %get3A_1075, %mul3A_1148 : vector<16xi32>
      %add3A_1150 = arith.addi %mul3A_1149, %iota3A : vector<16xi32>
      %convert_element_type3A_1151 = arith.sitofp %get3A_1085 : vector<16xi32> to vector<16xf32>
      %sub3A_1152 = arith.subf %convert_element_type3A_1151, %get3A_1090 : vector<16xf32>
      %mul3A_1153 = arith.mulf %sub3A_1152, %sub3A_1152 : vector<16xf32>
      %mul3A_1154 = arith.constant 16 : i32
      %mul3A_1155 = vector.broadcast %mul3A_1154 : i32 to vector<16xi32>
      %mul3A_1156 = arith.muli %get3A_1085, %mul3A_1155 : vector<16xi32>
      %add3A_1157 = arith.addi %mul3A_1156, %iota3A : vector<16xi32>
      %convert_element_type3A_1158 = arith.sitofp %get3A_1095 : vector<16xi32> to vector<16xf32>
      %sub3A_1159 = arith.subf %convert_element_type3A_1158, %get3A_1100 : vector<16xf32>
      %mul3A_1160 = arith.mulf %sub3A_1159, %sub3A_1159 : vector<16xf32>
      %mul3A_1161 = arith.constant 16 : i32
      %mul3A_1162 = vector.broadcast %mul3A_1161 : i32 to vector<16xi32>
      %mul3A_1163 = arith.muli %get3A_1095, %mul3A_1162 : vector<16xi32>
      %add3A_1164 = arith.addi %mul3A_1163, %iota3A : vector<16xi32>
      %convert_element_type3A_1165 = arith.sitofp %get3A_1105 : vector<16xi32> to vector<16xf32>
      %sub3A_1166 = arith.subf %convert_element_type3A_1165, %get3A_1110 : vector<16xf32>
      %mul3A_1167 = arith.mulf %sub3A_1166, %sub3A_1166 : vector<16xf32>
      %mul3A_1168 = arith.constant 16 : i32
      %mul3A_1169 = vector.broadcast %mul3A_1168 : i32 to vector<16xi32>
      %mul3A_1170 = arith.muli %get3A_1105, %mul3A_1169 : vector<16xi32>
      %add3A_1171 = arith.addi %mul3A_1170, %iota3A : vector<16xi32>
      %convert_element_type3A_1172 = arith.sitofp %get3A_1115 : vector<16xi32> to vector<16xf32>
      %sub3A_1173 = arith.subf %convert_element_type3A_1172, %get3A_1120 : vector<16xf32>
      %mul3A_1174 = arith.mulf %sub3A_1173, %sub3A_1173 : vector<16xf32>
      %mul3A_1175 = arith.constant 16 : i32
      %mul3A_1176 = vector.broadcast %mul3A_1175 : i32 to vector<16xi32>
      %mul3A_1177 = arith.muli %get3A_1115, %mul3A_1176 : vector<16xi32>
      %add3A_1178 = arith.addi %mul3A_1177, %iota3A : vector<16xi32>
      %convert_element_type3A_1179 = arith.sitofp %get3A_1125 : vector<16xi32> to vector<16xf32>
      %sub3A_1180 = arith.subf %convert_element_type3A_1179, %get3A_1130 : vector<16xf32>
      %mul3A_1181 = arith.mulf %sub3A_1180, %sub3A_1180 : vector<16xf32>
      %mul3A_1182 = arith.constant 16 : i32
      %mul3A_1183 = vector.broadcast %mul3A_1182 : i32 to vector<16xi32>
      %mul3A_1184 = arith.muli %get3A_1125, %mul3A_1183 : vector<16xi32>
      %add3A_1185 = arith.addi %mul3A_1184, %iota3A : vector<16xi32>
      tpu.vector_store_idx %arg11[%add3A_1136], %mul3A_1132 {add = true} : memref<304xf32, #tpu.memory_space<vmem>>[vector<16xi32>], vector<16xf32>,
      tpu.vector_store_idx %arg15[%add3A_1136], %broadcast_in_dim3A_401 {add = true} : memref<304xf32, #tpu.memory_space<vmem>>[vector<16xi32>], vector<16xf32>,
      tpu.vector_store_idx %arg12[%add3A_1143], %mul3A_1139 {add = true} : memref<304xf32, #tpu.memory_space<vmem>>[vector<16xi32>], vector<16xf32>,
      tpu.vector_store_idx %arg16[%add3A_1143], %broadcast_in_dim3A_401 {add = true} : memref<304xf32, #tpu.memory_space<vmem>>[vector<16xi32>], vector<16xf32>,
      tpu.vector_store_idx %arg13[%add3A_1150], %mul3A_1146 {add = true} : memref<304xf32, #tpu.memory_space<vmem>>[vector<16xi32>], vector<16xf32>,
      tpu.vector_store_idx %arg17[%add3A_1150], %broadcast_in_dim3A_401 {add = true} : memref<304xf32, #tpu.memory_space<vmem>>[vector<16xi32>], vector<16xf32>,
      tpu.vector_store_idx %arg14[%add3A_1157], %mul3A_1153 {add = true} : memref<304xf32, #tpu.memory_space<vmem>>[vector<16xi32>], vector<16xf32>,
      tpu.vector_store_idx %arg18[%add3A_1157], %broadcast_in_dim3A_401 {add = true} : memref<304xf32, #tpu.memory_space<vmem>>[vector<16xi32>], vector<16xf32>,
      tpu.vector_store_idx %arg11[%add3A_1164], %mul3A_1160 {add = true} : memref<304xf32, #tpu.memory_space<vmem>>[vector<16xi32>], vector<16xf32>,
      tpu.vector_store_idx %arg15[%add3A_1164], %broadcast_in_dim3A_401 {add = true} : memref<304xf32, #tpu.memory_space<vmem>>[vector<16xi32>], vector<16xf32>,
      tpu.vector_store_idx %arg12[%add3A_1171], %mul3A_1167 {add = true} : memref<304xf32, #tpu.memory_space<vmem>>[vector<16xi32>], vector<16xf32>,
      tpu.vector_store_idx %arg16[%add3A_1171], %broadcast_in_dim3A_401 {add = true} : memref<304xf32, #tpu.memory_space<vmem>>[vector<16xi32>], vector<16xf32>,
      tpu.vector_store_idx %arg13[%add3A_1178], %mul3A_1174 {add = true} : memref<304xf32, #tpu.memory_space<vmem>>[vector<16xi32>], vector<16xf32>,
      tpu.vector_store_idx %arg17[%add3A_1178], %broadcast_in_dim3A_401 {add = true} : memref<304xf32, #tpu.memory_space<vmem>>[vector<16xi32>], vector<16xf32>,
      tpu.vector_store_idx %arg14[%add3A_1185], %mul3A_1181 {add = true} : memref<304xf32, #tpu.memory_space<vmem>>[vector<16xi32>], vector<16xf32>,
      tpu.vector_store_idx %arg18[%add3A_1185], %broadcast_in_dim3A_401 {add = true} : memref<304xf32, #tpu.memory_space<vmem>>[vector<16xi32>], vector<16xf32>,
      %get3A_1186 = arith.constant 0 : i32
      %get3A_1187 = arith.index_cast %get3A_1186 : i32 to index
      %get3A_1188 = arith.index_cast %scan3A_1050 : i32 to index
      %get3A_1189 = arith.constant 128 : index
      %get3A_1190 = tpu.vector_load %arg6[%get3A_1187, %get3A_1188, %get3A_1189] {strides = array<i32>} : memref<2x16x512xi32, #tpu.memory_space<vmem>>, vector<16xi32>,
      %get3A_1191 = arith.constant 0 : i32
      %get3A_1192 = arith.index_cast %get3A_1191 : i32 to index
      %get3A_1193 = arith.index_cast %scan3A_1050 : i32 to index
      %get3A_1194 = arith.constant 128 : index
      %get3A_1195 = tpu.vector_load %arg5[%get3A_1192, %get3A_1193, %get3A_1194] {strides = array<i32>} : memref<2x16x512xf32, #tpu.memory_space<vmem>>, vector<16xf32>,
      %get3A_1196 = arith.constant 0 : i32
      %get3A_1197 = arith.index_cast %get3A_1196 : i32 to index
      %get3A_1198 = arith.index_cast %scan3A_1050 : i32 to index
      %get3A_1199 = arith.constant 144 : index
      %get3A_1200 = tpu.vector_load %arg6[%get3A_1197, %get3A_1198, %get3A_1199] {strides = array<i32>} : memref<2x16x512xi32, #tpu.memory_space<vmem>>, vector<16xi32>,
      %get3A_1201 = arith.constant 0 : i32
      %get3A_1202 = arith.index_cast %get3A_1201 : i32 to index
      %get3A_1203 = arith.index_cast %scan3A_1050 : i32 to index
      %get3A_1204 = arith.constant 144 : index
      %get3A_1205 = tpu.vector_load %arg5[%get3A_1202, %get3A_1203, %get3A_1204] {strides = array<i32>} : memref<2x16x512xf32, #tpu.memory_space<vmem>>, vector<16xf32>,
      %get3A_1206 = arith.constant 0 : i32
      %get3A_1207 = arith.index_cast %get3A_1206 : i32 to index
      %get3A_1208 = arith.index_cast %scan3A_1050 : i32 to index
      %get3A_1209 = arith.constant 160 : index
      %get3A_1210 = tpu.vector_load %arg6[%get3A_1207, %get3A_1208, %get3A_1209] {strides = array<i32>} : memref<2x16x512xi32, #tpu.memory_space<vmem>>, vector<16xi32>,
      %get3A_1211 = arith.constant 0 : i32
      %get3A_1212 = arith.index_cast %get3A_1211 : i32 to index
      %get3A_1213 = arith.index_cast %scan3A_1050 : i32 to index
      %get3A_1214 = arith.constant 160 : index
      %get3A_1215 = tpu.vector_load %arg5[%get3A_1212, %get3A_1213, %get3A_1214] {strides = array<i32>} : memref<2x16x512xf32, #tpu.memory_space<vmem>>, vector<16xf32>,
      %get3A_1216 = arith.constant 0 : i32
      %get3A_1217 = arith.index_cast %get3A_1216 : i32 to index
      %get3A_1218 = arith.index_cast %scan3A_1050 : i32 to index
      %get3A_1219 = arith.constant 176 : index
      %get3A_1220 = tpu.vector_load %arg6[%get3A_1217, %get3A_1218, %get3A_1219] {strides = array<i32>} : memref<2x16x512xi32, #tpu.memory_space<vmem>>, vector<16xi32>,
      %get3A_1221 = arith.constant 0 : i32
      %get3A_1222 = arith.index_cast %get3A_1221 : i32 to index
      %get3A_1223 = arith.index_cast %scan3A_1050 : i32 to index
      %get3A_1224 = arith.constant 176 : index
      %get3A_1225 = tpu.vector_load %arg5[%get3A_1222, %get3A_1223, %get3A_1224] {strides = array<i32>} : memref<2x16x512xf32, #tpu.memory_space<vmem>>, vector<16xf32>,
      %get3A_1226 = arith.constant 0 : i32
      %get3A_1227 = arith.index_cast %get3A_1226 : i32 to index
      %get3A_1228 = arith.index_cast %scan3A_1050 : i32 to index
      %get3A_1229 = arith.constant 192 : index
      %get3A_1230 = tpu.vector_load %arg6[%get3A_1227, %get3A_1228, %get3A_1229] {strides = array<i32>} : memref<2x16x512xi32, #tpu.memory_space<vmem>>, vector<16xi32>,
      %get3A_1231 = arith.constant 0 : i32
      %get3A_1232 = arith.index_cast %get3A_1231 : i32 to index
      %get3A_1233 = arith.index_cast %scan3A_1050 : i32 to index
      %get3A_1234 = arith.constant 192 : index
      %get3A_1235 = tpu.vector_load %arg5[%get3A_1232, %get3A_1233, %get3A_1234] {strides = array<i32>} : memref<2x16x512xf32, #tpu.memory_space<vmem>>, vector<16xf32>,
      %get3A_1236 = arith.constant 0 : i32
      %get3A_1237 = arith.index_cast %get3A_1236 : i32 to index
      %get3A_1238 = arith.index_cast %scan3A_1050 : i32 to index
      %get3A_1239 = arith.constant 208 : index
      %get3A_1240 = tpu.vector_load %arg6[%get3A_1237, %get3A_1238, %get3A_1239] {strides = array<i32>} : memref<2x16x512xi32, #tpu.memory_space<vmem>>, vector<16xi32>,
      %get3A_1241 = arith.constant 0 : i32
      %get3A_1242 = arith.index_cast %get3A_1241 : i32 to index
      %get3A_1243 = arith.index_cast %scan3A_1050 : i32 to index
      %get3A_1244 = arith.constant 208 : index
      %get3A_1245 = tpu.vector_load %arg5[%get3A_1242, %get3A_1243, %get3A_1244] {strides = array<i32>} : memref<2x16x512xf32, #tpu.memory_space<vmem>>, vector<16xf32>,
      %get3A_1246 = arith.constant 0 : i32
      %get3A_1247 = arith.index_cast %get3A_1246 : i32 to index
      %get3A_1248 = arith.index_cast %scan3A_1050 : i32 to index
      %get3A_1249 = arith.constant 224 : index
      %get3A_1250 = tpu.vector_load %arg6[%get3A_1247, %get3A_1248, %get3A_1249] {strides = array<i32>} : memref<2x16x512xi32, #tpu.memory_space<vmem>>, vector<16xi32>,
      %get3A_1251 = arith.constant 0 : i32
      %get3A_1252 = arith.index_cast %get3A_1251 : i32 to index
      %get3A_1253 = arith.index_cast %scan3A_1050 : i32 to index
      %get3A_1254 = arith.constant 224 : index
      %get3A_1255 = tpu.vector_load %arg5[%get3A_1252, %get3A_1253, %get3A_1254] {strides = array<i32>} : memref<2x16x512xf32, #tpu.memory_space<vmem>>, vector<16xf32>,
      %get3A_1256 = arith.constant 0 : i32
      %get3A_1257 = arith.index_cast %get3A_1256 : i32 to index
      %get3A_1258 = arith.index_cast %scan3A_1050 : i32 to index
      %get3A_1259 = arith.constant 240 : index
      %get3A_1260 = tpu.vector_load %arg6[%get3A_1257, %get3A_1258, %get3A_1259] {strides = array<i32>} : memref<2x16x512xi32, #tpu.memory_space<vmem>>, vector<16xi32>,
      %get3A_1261 = arith.constant 0 : i32
      %get3A_1262 = arith.index_cast %get3A_1261 : i32 to index
      %get3A_1263 = arith.index_cast %scan3A_1050 : i32 to index
      %get3A_1264 = arith.constant 240 : index
      %get3A_1265 = tpu.vector_load %arg5[%get3A_1262, %get3A_1263, %get3A_1264] {strides = array<i32>} : memref<2x16x512xf32, #tpu.memory_space<vmem>>, vector<16xf32>,
      %convert_element_type3A_1266 = arith.sitofp %get3A_1190 : vector<16xi32> to vector<16xf32>
      %sub3A_1267 = arith.subf %convert_element_type3A_1266, %get3A_1195 : vector<16xf32>
      %mul3A_1268 = arith.mulf %sub3A_1267, %sub3A_1267 : vector<16xf32>
      %mul3A_1269 = arith.constant 16 : i32
      %mul3A_1270 = vector.broadcast %mul3A_1269 : i32 to vector<16xi32>
      %mul3A_1271 = arith.muli %get3A_1190, %mul3A_1270 : vector<16xi32>
      %add3A_1272 = arith.addi %mul3A_1271, %iota3A : vector<16xi32>
      %convert_element_type3A_1273 = arith.sitofp %get3A_1200 : vector<16xi32> to vector<16xf32>
      %sub3A_1274 = arith.subf %convert_element_type3A_1273, %get3A_1205 : vector<16xf32>
      %mul3A_1275 = arith.mulf %sub3A_1274, %sub3A_1274 : vector<16xf32>
      %mul3A_1276 = arith.constant 16 : i32
      %mul3A_1277 = vector.broadcast %mul3A_1276 : i32 to vector<16xi32>
      %mul3A_1278 = arith.muli %get3A_1200, %mul3A_1277 : vector<16xi32>
      %add3A_1279 = arith.addi %mul3A_1278, %iota3A : vector<16xi32>
      %convert_element_type3A_1280 = arith.sitofp %get3A_1210 : vector<16xi32> to vector<16xf32>
      %sub3A_1281 = arith.subf %convert_element_type3A_1280, %get3A_1215 : vector<16xf32>
      %mul3A_1282 = arith.mulf %sub3A_1281, %sub3A_1281 : vector<16xf32>
      %mul3A_1283 = arith.constant 16 : i32
      %mul3A_1284 = vector.broadcast %mul3A_1283 : i32 to vector<16xi32>
      %mul3A_1285 = arith.muli %get3A_1210, %mul3A_1284 : vector<16xi32>
      %add3A_1286 = arith.addi %mul3A_1285, %iota3A : vector<16xi32>
      %convert_element_type3A_1287 = arith.sitofp %get3A_1220 : vector<16xi32> to vector<16xf32>
      %sub3A_1288 = arith.subf %convert_element_type3A_1287, %get3A_1225 : vector<16xf32>
      %mul3A_1289 = arith.mulf %sub3A_1288, %sub3A_1288 : vector<16xf32>
      %mul3A_1290 = arith.constant 16 : i32
      %mul3A_1291 = vector.broadcast %mul3A_1290 : i32 to vector<16xi32>
      %mul3A_1292 = arith.muli %get3A_1220, %mul3A_1291 : vector<16xi32>
      %add3A_1293 = arith.addi %mul3A_1292, %iota3A : vector<16xi32>
      %convert_element_type3A_1294 = arith.sitofp %get3A_1230 : vector<16xi32> to vector<16xf32>
      %sub3A_1295 = arith.subf %convert_element_type3A_1294, %get3A_1235 : vector<16xf32>
      %mul3A_1296 = arith.mulf %sub3A_1295, %sub3A_1295 : vector<16xf32>
      %mul3A_1297 = arith.constant 16 : i32
      %mul3A_1298 = vector.broadcast %mul3A_1297 : i32 to vector<16xi32>
      %mul3A_1299 = arith.muli %get3A_1230, %mul3A_1298 : vector<16xi32>
      %add3A_1300 = arith.addi %mul3A_1299, %iota3A : vector<16xi32>
      %convert_element_type3A_1301 = arith.sitofp %get3A_1240 : vector<16xi32> to vector<16xf32>
      %sub3A_1302 = arith.subf %convert_element_type3A_1301, %get3A_1245 : vector<16xf32>
      %mul3A_1303 = arith.mulf %sub3A_1302, %sub3A_1302 : vector<16xf32>
      %mul3A_1304 = arith.constant 16 : i32
      %mul3A_1305 = vector.broadcast %mul3A_1304 : i32 to vector<16xi32>
      %mul3A_1306 = arith.muli %get3A_1240, %mul3A_1305 : vector<16xi32>
      %add3A_1307 = arith.addi %mul3A_1306, %iota3A : vector<16xi32>
      %convert_element_type3A_1308 = arith.sitofp %get3A_1250 : vector<16xi32> to vector<16xf32>
      %sub3A_1309 = arith.subf %convert_element_type3A_1308, %get3A_1255 : vector<16xf32>
      %mul3A_1310 = arith.mulf %sub3A_1309, %sub3A_1309 : vector<16xf32>
      %mul3A_1311 = arith.constant 16 : i32
      %mul3A_1312 = vector.broadcast %mul3A_1311 : i32 to vector<16xi32>
      %mul3A_1313 = arith.muli %get3A_1250, %mul3A_1312 : vector<16xi32>
      %add3A_1314 = arith.addi %mul3A_1313, %iota3A : vector<16xi32>
      %convert_element_type3A_1315 = arith.sitofp %get3A_1260 : vector<16xi32> to vector<16xf32>
      %sub3A_1316 = arith.subf %convert_element_type3A_1315, %get3A_1265 : vector<16xf32>
      %mul3A_1317 = arith.mulf %sub3A_1316, %sub3A_1316 : vector<16xf32>
      %mul3A_1318 = arith.constant 16 : i32
      %mul3A_1319 = vector.broadcast %mul3A_1318 : i32 to vector<16xi32>
      %mul3A_1320 = arith.muli %get3A_1260, %mul3A_1319 : vector<16xi32>
      %add3A_1321 = arith.addi %mul3A_1320, %iota3A : vector<16xi32>
      tpu.vector_store_idx %arg11[%add3A_1272], %mul3A_1268 {add = true} : memref<304xf32, #tpu.memory_space<vmem>>[vector<16xi32>], vector<16xf32>,
      tpu.vector_store_idx %arg15[%add3A_1272], %broadcast_in_dim3A_401 {add = true} : memref<304xf32, #tpu.memory_space<vmem>>[vector<16xi32>], vector<16xf32>,
      tpu.vector_store_idx %arg12[%add3A_1279], %mul3A_1275 {add = true} : memref<304xf32, #tpu.memory_space<vmem>>[vector<16xi32>], vector<16xf32>,
      tpu.vector_store_idx %arg16[%add3A_1279], %broadcast_in_dim3A_401 {add = true} : memref<304xf32, #tpu.memory_space<vmem>>[vector<16xi32>], vector<16xf32>,
      tpu.vector_store_idx %arg13[%add3A_1286], %mul3A_1282 {add = true} : memref<304xf32, #tpu.memory_space<vmem>>[vector<16xi32>], vector<16xf32>,
      tpu.vector_store_idx %arg17[%add3A_1286], %broadcast_in_dim3A_401 {add = true} : memref<304xf32, #tpu.memory_space<vmem>>[vector<16xi32>], vector<16xf32>,
      tpu.vector_store_idx %arg14[%add3A_1293], %mul3A_1289 {add = true} : memref<304xf32, #tpu.memory_space<vmem>>[vector<16xi32>], vector<16xf32>,
      tpu.vector_store_idx %arg18[%add3A_1293], %broadcast_in_dim3A_401 {add = true} : memref<304xf32, #tpu.memory_space<vmem>>[vector<16xi32>], vector<16xf32>,
      tpu.vector_store_idx %arg11[%add3A_1300], %mul3A_1296 {add = true} : memref<304xf32, #tpu.memory_space<vmem>>[vector<16xi32>], vector<16xf32>,
      tpu.vector_store_idx %arg15[%add3A_1300], %broadcast_in_dim3A_401 {add = true} : memref<304xf32, #tpu.memory_space<vmem>>[vector<16xi32>], vector<16xf32>,
      tpu.vector_store_idx %arg12[%add3A_1307], %mul3A_1303 {add = true} : memref<304xf32, #tpu.memory_space<vmem>>[vector<16xi32>], vector<16xf32>,
      tpu.vector_store_idx %arg16[%add3A_1307], %broadcast_in_dim3A_401 {add = true} : memref<304xf32, #tpu.memory_space<vmem>>[vector<16xi32>], vector<16xf32>,
      tpu.vector_store_idx %arg13[%add3A_1314], %mul3A_1310 {add = true} : memref<304xf32, #tpu.memory_space<vmem>>[vector<16xi32>], vector<16xf32>,
      tpu.vector_store_idx %arg17[%add3A_1314], %broadcast_in_dim3A_401 {add = true} : memref<304xf32, #tpu.memory_space<vmem>>[vector<16xi32>], vector<16xf32>,
      tpu.vector_store_idx %arg14[%add3A_1321], %mul3A_1317 {add = true} : memref<304xf32, #tpu.memory_space<vmem>>[vector<16xi32>], vector<16xf32>,
      tpu.vector_store_idx %arg18[%add3A_1321], %broadcast_in_dim3A_401 {add = true} : memref<304xf32, #tpu.memory_space<vmem>>[vector<16xi32>], vector<16xf32>,
      %get3A_1322 = arith.constant 0 : i32
      %get3A_1323 = arith.index_cast %get3A_1322 : i32 to index
      %get3A_1324 = arith.index_cast %scan3A_1050 : i32 to index
      %get3A_1325 = arith.constant 256 : index
      %get3A_1326 = tpu.vector_load %arg6[%get3A_1323, %get3A_1324, %get3A_1325] {strides = array<i32>} : memref<2x16x512xi32, #tpu.memory_space<vmem>>, vector<16xi32>,
      %get3A_1327 = arith.constant 0 : i32
      %get3A_1328 = arith.index_cast %get3A_1327 : i32 to index
      %get3A_1329 = arith.index_cast %scan3A_1050 : i32 to index
      %get3A_1330 = arith.constant 256 : index
      %get3A_1331 = tpu.vector_load %arg5[%get3A_1328, %get3A_1329, %get3A_1330] {strides = array<i32>} : memref<2x16x512xf32, #tpu.memory_space<vmem>>, vector<16xf32>,
      %get3A_1332 = arith.constant 0 : i32
      %get3A_1333 = arith.index_cast %get3A_1332 : i32 to index
      %get3A_1334 = arith.index_cast %scan3A_1050 : i32 to index
      %get3A_1335 = arith.constant 272 : index
      %get3A_1336 = tpu.vector_load %arg6[%get3A_1333, %get3A_1334, %get3A_1335] {strides = array<i32>} : memref<2x16x512xi32, #tpu.memory_space<vmem>>, vector<16xi32>,
      %get3A_1337 = arith.constant 0 : i32
      %get3A_1338 = arith.index_cast %get3A_1337 : i32 to index
      %get3A_1339 = arith.index_cast %scan3A_1050 : i32 to index
      %get3A_1340 = arith.constant 272 : index
      %get3A_1341 = tpu.vector_load %arg5[%get3A_1338, %get3A_1339, %get3A_1340] {strides = array<i32>} : memref<2x16x512xf32, #tpu.memory_space<vmem>>, vector<16xf32>,
      %get3A_1342 = arith.constant 0 : i32
      %get3A_1343 = arith.index_cast %get3A_1342 : i32 to index
      %get3A_1344 = arith.index_cast %scan3A_1050 : i32 to index
      %get3A_1345 = arith.constant 288 : index
      %get3A_1346 = tpu.vector_load %arg6[%get3A_1343, %get3A_1344, %get3A_1345] {strides = array<i32>} : memref<2x16x512xi32, #tpu.memory_space<vmem>>, vector<16xi32>,
      %get3A_1347 = arith.constant 0 : i32
      %get3A_1348 = arith.index_cast %get3A_1347 : i32 to index
      %get3A_1349 = arith.index_cast %scan3A_1050 : i32 to index
      %get3A_1350 = arith.constant 288 : index
      %get3A_1351 = tpu.vector_load %arg5[%get3A_1348, %get3A_1349, %get3A_1350] {strides = array<i32>} : memref<2x16x512xf32, #tpu.memory_space<vmem>>, vector<16xf32>,
      %get3A_1352 = arith.constant 0 : i32
      %get3A_1353 = arith.index_cast %get3A_1352 : i32 to index
      %get3A_1354 = arith.index_cast %scan3A_1050 : i32 to index
      %get3A_1355 = arith.constant 304 : index
      %get3A_1356 = tpu.vector_load %arg6[%get3A_1353, %get3A_1354, %get3A_1355] {strides = array<i32>} : memref<2x16x512xi32, #tpu.memory_space<vmem>>, vector<16xi32>,
      %get3A_1357 = arith.constant 0 : i32
      %get3A_1358 = arith.index_cast %get3A_1357 : i32 to index
      %get3A_1359 = arith.index_cast %scan3A_1050 : i32 to index
      %get3A_1360 = arith.constant 304 : index
      %get3A_1361 = tpu.vector_load %arg5[%get3A_1358, %get3A_1359, %get3A_1360] {strides = array<i32>} : memref<2x16x512xf32, #tpu.memory_space<vmem>>, vector<16xf32>,
      %get3A_1362 = arith.constant 0 : i32
      %get3A_1363 = arith.index_cast %get3A_1362 : i32 to index
      %get3A_1364 = arith.index_cast %scan3A_1050 : i32 to index
      %get3A_1365 = arith.constant 320 : index
      %get3A_1366 = tpu.vector_load %arg6[%get3A_1363, %get3A_1364, %get3A_1365] {strides = array<i32>} : memref<2x16x512xi32, #tpu.memory_space<vmem>>, vector<16xi32>,
      %get3A_1367 = arith.constant 0 : i32
      %get3A_1368 = arith.index_cast %get3A_1367 : i32 to index
      %get3A_1369 = arith.index_cast %scan3A_1050 : i32 to index
      %get3A_1370 = arith.constant 320 : index
      %get3A_1371 = tpu.vector_load %arg5[%get3A_1368, %get3A_1369, %get3A_1370] {strides = array<i32>} : memref<2x16x512xf32, #tpu.memory_space<vmem>>, vector<16xf32>,
      %get3A_1372 = arith.constant 0 : i32
      %get3A_1373 = arith.index_cast %get3A_1372 : i32 to index
      %get3A_1374 = arith.index_cast %scan3A_1050 : i32 to index
      %get3A_1375 = arith.constant 336 : index
      %get3A_1376 = tpu.vector_load %arg6[%get3A_1373, %get3A_1374, %get3A_1375] {strides = array<i32>} : memref<2x16x512xi32, #tpu.memory_space<vmem>>, vector<16xi32>,
      %get3A_1377 = arith.constant 0 : i32
      %get3A_1378 = arith.index_cast %get3A_1377 : i32 to index
      %get3A_1379 = arith.index_cast %scan3A_1050 : i32 to index
      %get3A_1380 = arith.constant 336 : index
      %get3A_1381 = tpu.vector_load %arg5[%get3A_1378, %get3A_1379, %get3A_1380] {strides = array<i32>} : memref<2x16x512xf32, #tpu.memory_space<vmem>>, vector<16xf32>,
      %get3A_1382 = arith.constant 0 : i32
      %get3A_1383 = arith.index_cast %get3A_1382 : i32 to index
      %get3A_1384 = arith.index_cast %scan3A_1050 : i32 to index
      %get3A_1385 = arith.constant 352 : index
      %get3A_1386 = tpu.vector_load %arg6[%get3A_1383, %get3A_1384, %get3A_1385] {strides = array<i32>} : memref<2x16x512xi32, #tpu.memory_space<vmem>>, vector<16xi32>,
      %get3A_1387 = arith.constant 0 : i32
      %get3A_1388 = arith.index_cast %get3A_1387 : i32 to index
      %get3A_1389 = arith.index_cast %scan3A_1050 : i32 to index
      %get3A_1390 = arith.constant 352 : index
      %get3A_1391 = tpu.vector_load %arg5[%get3A_1388, %get3A_1389, %get3A_1390] {strides = array<i32>} : memref<2x16x512xf32, #tpu.memory_space<vmem>>, vector<16xf32>,
      %get3A_1392 = arith.constant 0 : i32
      %get3A_1393 = arith.index_cast %get3A_1392 : i32 to index
      %get3A_1394 = arith.index_cast %scan3A_1050 : i32 to index
      %get3A_1395 = arith.constant 368 : index
      %get3A_1396 = tpu.vector_load %arg6[%get3A_1393, %get3A_1394, %get3A_1395] {strides = array<i32>} : memref<2x16x512xi32, #tpu.memory_space<vmem>>, vector<16xi32>,
      %get3A_1397 = arith.constant 0 : i32
      %get3A_1398 = arith.index_cast %get3A_1397 : i32 to index
      %get3A_1399 = arith.index_cast %scan3A_1050 : i32 to index
      %get3A_1400 = arith.constant 368 : index
      %get3A_1401 = tpu.vector_load %arg5[%get3A_1398, %get3A_1399, %get3A_1400] {strides = array<i32>} : memref<2x16x512xf32, #tpu.memory_space<vmem>>, vector<16xf32>,
      %convert_element_type3A_1402 = arith.sitofp %get3A_1326 : vector<16xi32> to vector<16xf32>
      %sub3A_1403 = arith.subf %convert_element_type3A_1402, %get3A_1331 : vector<16xf32>
      %mul3A_1404 = arith.mulf %sub3A_1403, %sub3A_1403 : vector<16xf32>
      %mul3A_1405 = arith.constant 16 : i32
      %mul3A_1406 = vector.broadcast %mul3A_1405 : i32 to vector<16xi32>
      %mul3A_1407 = arith.muli %get3A_1326, %mul3A_1406 : vector<16xi32>
      %add3A_1408 = arith.addi %mul3A_1407, %iota3A : vector<16xi32>
      %convert_element_type3A_1409 = arith.sitofp %get3A_1336 : vector<16xi32> to vector<16xf32>
      %sub3A_1410 = arith.subf %convert_element_type3A_1409, %get3A_1341 : vector<16xf32>
      %mul3A_1411 = arith.mulf %sub3A_1410, %sub3A_1410 : vector<16xf32>
      %mul3A_1412 = arith.constant 16 : i32
      %mul3A_1413 = vector.broadcast %mul3A_1412 : i32 to vector<16xi32>
      %mul3A_1414 = arith.muli %get3A_1336, %mul3A_1413 : vector<16xi32>
      %add3A_1415 = arith.addi %mul3A_1414, %iota3A : vector<16xi32>
      %convert_element_type3A_1416 = arith.sitofp %get3A_1346 : vector<16xi32> to vector<16xf32>
      %sub3A_1417 = arith.subf %convert_element_type3A_1416, %get3A_1351 : vector<16xf32>
      %mul3A_1418 = arith.mulf %sub3A_1417, %sub3A_1417 : vector<16xf32>
      %mul3A_1419 = arith.constant 16 : i32
      %mul3A_1420 = vector.broadcast %mul3A_1419 : i32 to vector<16xi32>
      %mul3A_1421 = arith.muli %get3A_1346, %mul3A_1420 : vector<16xi32>
      %add3A_1422 = arith.addi %mul3A_1421, %iota3A : vector<16xi32>
      %convert_element_type3A_1423 = arith.sitofp %get3A_1356 : vector<16xi32> to vector<16xf32>
      %sub3A_1424 = arith.subf %convert_element_type3A_1423, %get3A_1361 : vector<16xf32>
      %mul3A_1425 = arith.mulf %sub3A_1424, %sub3A_1424 : vector<16xf32>
      %mul3A_1426 = arith.constant 16 : i32
      %mul3A_1427 = vector.broadcast %mul3A_1426 : i32 to vector<16xi32>
      %mul3A_1428 = arith.muli %get3A_1356, %mul3A_1427 : vector<16xi32>
      %add3A_1429 = arith.addi %mul3A_1428, %iota3A : vector<16xi32>
      %convert_element_type3A_1430 = arith.sitofp %get3A_1366 : vector<16xi32> to vector<16xf32>
      %sub3A_1431 = arith.subf %convert_element_type3A_1430, %get3A_1371 : vector<16xf32>
      %mul3A_1432 = arith.mulf %sub3A_1431, %sub3A_1431 : vector<16xf32>
      %mul3A_1433 = arith.constant 16 : i32
      %mul3A_1434 = vector.broadcast %mul3A_1433 : i32 to vector<16xi32>
      %mul3A_1435 = arith.muli %get3A_1366, %mul3A_1434 : vector<16xi32>
      %add3A_1436 = arith.addi %mul3A_1435, %iota3A : vector<16xi32>
      %convert_element_type3A_1437 = arith.sitofp %get3A_1376 : vector<16xi32> to vector<16xf32>
      %sub3A_1438 = arith.subf %convert_element_type3A_1437, %get3A_1381 : vector<16xf32>
      %mul3A_1439 = arith.mulf %sub3A_1438, %sub3A_1438 : vector<16xf32>
      %mul3A_1440 = arith.constant 16 : i32
      %mul3A_1441 = vector.broadcast %mul3A_1440 : i32 to vector<16xi32>
      %mul3A_1442 = arith.muli %get3A_1376, %mul3A_1441 : vector<16xi32>
      %add3A_1443 = arith.addi %mul3A_1442, %iota3A : vector<16xi32>
      %convert_element_type3A_1444 = arith.sitofp %get3A_1386 : vector<16xi32> to vector<16xf32>
      %sub3A_1445 = arith.subf %convert_element_type3A_1444, %get3A_1391 : vector<16xf32>
      %mul3A_1446 = arith.mulf %sub3A_1445, %sub3A_1445 : vector<16xf32>
      %mul3A_1447 = arith.constant 16 : i32
      %mul3A_1448 = vector.broadcast %mul3A_1447 : i32 to vector<16xi32>
      %mul3A_1449 = arith.muli %get3A_1386, %mul3A_1448 : vector<16xi32>
      %add3A_1450 = arith.addi %mul3A_1449, %iota3A : vector<16xi32>
      %convert_element_type3A_1451 = arith.sitofp %get3A_1396 : vector<16xi32> to vector<16xf32>
      %sub3A_1452 = arith.subf %convert_element_type3A_1451, %get3A_1401 : vector<16xf32>
      %mul3A_1453 = arith.mulf %sub3A_1452, %sub3A_1452 : vector<16xf32>
      %mul3A_1454 = arith.constant 16 : i32
      %mul3A_1455 = vector.broadcast %mul3A_1454 : i32 to vector<16xi32>
      %mul3A_1456 = arith.muli %get3A_1396, %mul3A_1455 : vector<16xi32>
      %add3A_1457 = arith.addi %mul3A_1456, %iota3A : vector<16xi32>
      tpu.vector_store_idx %arg11[%add3A_1408], %mul3A_1404 {add = true} : memref<304xf32, #tpu.memory_space<vmem>>[vector<16xi32>], vector<16xf32>,
      tpu.vector_store_idx %arg15[%add3A_1408], %broadcast_in_dim3A_401 {add = true} : memref<304xf32, #tpu.memory_space<vmem>>[vector<16xi32>], vector<16xf32>,
      tpu.vector_store_idx %arg12[%add3A_1415], %mul3A_1411 {add = true} : memref<304xf32, #tpu.memory_space<vmem>>[vector<16xi32>], vector<16xf32>,
      tpu.vector_store_idx %arg16[%add3A_1415], %broadcast_in_dim3A_401 {add = true} : memref<304xf32, #tpu.memory_space<vmem>>[vector<16xi32>], vector<16xf32>,
      tpu.vector_store_idx %arg13[%add3A_1422], %mul3A_1418 {add = true} : memref<304xf32, #tpu.memory_space<vmem>>[vector<16xi32>], vector<16xf32>,
      tpu.vector_store_idx %arg17[%add3A_1422], %broadcast_in_dim3A_401 {add = true} : memref<304xf32, #tpu.memory_space<vmem>>[vector<16xi32>], vector<16xf32>,
      tpu.vector_store_idx %arg14[%add3A_1429], %mul3A_1425 {add = true} : memref<304xf32, #tpu.memory_space<vmem>>[vector<16xi32>], vector<16xf32>,
      tpu.vector_store_idx %arg18[%add3A_1429], %broadcast_in_dim3A_401 {add = true} : memref<304xf32, #tpu.memory_space<vmem>>[vector<16xi32>], vector<16xf32>,
      tpu.vector_store_idx %arg11[%add3A_1436], %mul3A_1432 {add = true} : memref<304xf32, #tpu.memory_space<vmem>>[vector<16xi32>], vector<16xf32>,
      tpu.vector_store_idx %arg15[%add3A_1436], %broadcast_in_dim3A_401 {add = true} : memref<304xf32, #tpu.memory_space<vmem>>[vector<16xi32>], vector<16xf32>,
      tpu.vector_store_idx %arg12[%add3A_1443], %mul3A_1439 {add = true} : memref<304xf32, #tpu.memory_space<vmem>>[vector<16xi32>], vector<16xf32>,
      tpu.vector_store_idx %arg16[%add3A_1443], %broadcast_in_dim3A_401 {add = true} : memref<304xf32, #tpu.memory_space<vmem>>[vector<16xi32>], vector<16xf32>,
      tpu.vector_store_idx %arg13[%add3A_1450], %mul3A_1446 {add = true} : memref<304xf32, #tpu.memory_space<vmem>>[vector<16xi32>], vector<16xf32>,
      tpu.vector_store_idx %arg17[%add3A_1450], %broadcast_in_dim3A_401 {add = true} : memref<304xf32, #tpu.memory_space<vmem>>[vector<16xi32>], vector<16xf32>,
      tpu.vector_store_idx %arg14[%add3A_1457], %mul3A_1453 {add = true} : memref<304xf32, #tpu.memory_space<vmem>>[vector<16xi32>], vector<16xf32>,
      tpu.vector_store_idx %arg18[%add3A_1457], %broadcast_in_dim3A_401 {add = true} : memref<304xf32, #tpu.memory_space<vmem>>[vector<16xi32>], vector<16xf32>,
      %get3A_1458 = arith.constant 0 : i32
      %get3A_1459 = arith.index_cast %get3A_1458 : i32 to index
      %get3A_1460 = arith.index_cast %scan3A_1050 : i32 to index
      %get3A_1461 = arith.constant 384 : index
      %get3A_1462 = tpu.vector_load %arg6[%get3A_1459, %get3A_1460, %get3A_1461] {strides = array<i32>} : memref<2x16x512xi32, #tpu.memory_space<vmem>>, vector<16xi32>,
      %get3A_1463 = arith.constant 0 : i32
      %get3A_1464 = arith.index_cast %get3A_1463 : i32 to index
      %get3A_1465 = arith.index_cast %scan3A_1050 : i32 to index
      %get3A_1466 = arith.constant 384 : index
      %get3A_1467 = tpu.vector_load %arg5[%get3A_1464, %get3A_1465, %get3A_1466] {strides = array<i32>} : memref<2x16x512xf32, #tpu.memory_space<vmem>>, vector<16xf32>,
      %get3A_1468 = arith.constant 0 : i32
      %get3A_1469 = arith.index_cast %get3A_1468 : i32 to index
      %get3A_1470 = arith.index_cast %scan3A_1050 : i32 to index
      %get3A_1471 = arith.constant 400 : index
      %get3A_1472 = tpu.vector_load %arg6[%get3A_1469, %get3A_1470, %get3A_1471] {strides = array<i32>} : memref<2x16x512xi32, #tpu.memory_space<vmem>>, vector<16xi32>,
      %get3A_1473 = arith.constant 0 : i32
      %get3A_1474 = arith.index_cast %get3A_1473 : i32 to index
      %get3A_1475 = arith.index_cast %scan3A_1050 : i32 to index
      %get3A_1476 = arith.constant 400 : index
      %get3A_1477 = tpu.vector_load %arg5[%get3A_1474, %get3A_1475, %get3A_1476] {strides = array<i32>} : memref<2x16x512xf32, #tpu.memory_space<vmem>>, vector<16xf32>,
      %get3A_1478 = arith.constant 0 : i32
      %get3A_1479 = arith.index_cast %get3A_1478 : i32 to index
      %get3A_1480 = arith.index_cast %scan3A_1050 : i32 to index
      %get3A_1481 = arith.constant 416 : index
      %get3A_1482 = tpu.vector_load %arg6[%get3A_1479, %get3A_1480, %get3A_1481] {strides = array<i32>} : memref<2x16x512xi32, #tpu.memory_space<vmem>>, vector<16xi32>,
      %get3A_1483 = arith.constant 0 : i32
      %get3A_1484 = arith.index_cast %get3A_1483 : i32 to index
      %get3A_1485 = arith.index_cast %scan3A_1050 : i32 to index
      %get3A_1486 = arith.constant 416 : index
      %get3A_1487 = tpu.vector_load %arg5[%get3A_1484, %get3A_1485, %get3A_1486] {strides = array<i32>} : memref<2x16x512xf32, #tpu.memory_space<vmem>>, vector<16xf32>,
      %get3A_1488 = arith.constant 0 : i32
      %get3A_1489 = arith.index_cast %get3A_1488 : i32 to index
      %get3A_1490 = arith.index_cast %scan3A_1050 : i32 to index
      %get3A_1491 = arith.constant 432 : index
      %get3A_1492 = tpu.vector_load %arg6[%get3A_1489, %get3A_1490, %get3A_1491] {strides = array<i32>} : memref<2x16x512xi32, #tpu.memory_space<vmem>>, vector<16xi32>,
      %get3A_1493 = arith.constant 0 : i32
      %get3A_1494 = arith.index_cast %get3A_1493 : i32 to index
      %get3A_1495 = arith.index_cast %scan3A_1050 : i32 to index
      %get3A_1496 = arith.constant 432 : index
      %get3A_1497 = tpu.vector_load %arg5[%get3A_1494, %get3A_1495, %get3A_1496] {strides = array<i32>} : memref<2x16x512xf32, #tpu.memory_space<vmem>>, vector<16xf32>,
      %get3A_1498 = arith.constant 0 : i32
      %get3A_1499 = arith.index_cast %get3A_1498 : i32 to index
      %get3A_1500 = arith.index_cast %scan3A_1050 : i32 to index
      %get3A_1501 = arith.constant 448 : index
      %get3A_1502 = tpu.vector_load %arg6[%get3A_1499, %get3A_1500, %get3A_1501] {strides = array<i32>} : memref<2x16x512xi32, #tpu.memory_space<vmem>>, vector<16xi32>,
      %get3A_1503 = arith.constant 0 : i32
      %get3A_1504 = arith.index_cast %get3A_1503 : i32 to index
      %get3A_1505 = arith.index_cast %scan3A_1050 : i32 to index
      %get3A_1506 = arith.constant 448 : index
      %get3A_1507 = tpu.vector_load %arg5[%get3A_1504, %get3A_1505, %get3A_1506] {strides = array<i32>} : memref<2x16x512xf32, #tpu.memory_space<vmem>>, vector<16xf32>,
      %get3A_1508 = arith.constant 0 : i32
      %get3A_1509 = arith.index_cast %get3A_1508 : i32 to index
      %get3A_1510 = arith.index_cast %scan3A_1050 : i32 to index
      %get3A_1511 = arith.constant 464 : index
      %get3A_1512 = tpu.vector_load %arg6[%get3A_1509, %get3A_1510, %get3A_1511] {strides = array<i32>} : memref<2x16x512xi32, #tpu.memory_space<vmem>>, vector<16xi32>,
      %get3A_1513 = arith.constant 0 : i32
      %get3A_1514 = arith.index_cast %get3A_1513 : i32 to index
      %get3A_1515 = arith.index_cast %scan3A_1050 : i32 to index
      %get3A_1516 = arith.constant 464 : index
      %get3A_1517 = tpu.vector_load %arg5[%get3A_1514, %get3A_1515, %get3A_1516] {strides = array<i32>} : memref<2x16x512xf32, #tpu.memory_space<vmem>>, vector<16xf32>,
      %get3A_1518 = arith.constant 0 : i32
      %get3A_1519 = arith.index_cast %get3A_1518 : i32 to index
      %get3A_1520 = arith.index_cast %scan3A_1050 : i32 to index
      %get3A_1521 = arith.constant 480 : index
      %get3A_1522 = tpu.vector_load %arg6[%get3A_1519, %get3A_1520, %get3A_1521] {strides = array<i32>} : memref<2x16x512xi32, #tpu.memory_space<vmem>>, vector<16xi32>,
      %get3A_1523 = arith.constant 0 : i32
      %get3A_1524 = arith.index_cast %get3A_1523 : i32 to index
      %get3A_1525 = arith.index_cast %scan3A_1050 : i32 to index
      %get3A_1526 = arith.constant 480 : index
      %get3A_1527 = tpu.vector_load %arg5[%get3A_1524, %get3A_1525, %get3A_1526] {strides = array<i32>} : memref<2x16x512xf32, #tpu.memory_space<vmem>>, vector<16xf32>,
      %get3A_1528 = arith.constant 0 : i32
      %get3A_1529 = arith.index_cast %get3A_1528 : i32 to index
      %get3A_1530 = arith.index_cast %scan3A_1050 : i32 to index
      %get3A_1531 = arith.constant 496 : index
      %get3A_1532 = tpu.vector_load %arg6[%get3A_1529, %get3A_1530, %get3A_1531] {strides = array<i32>} : memref<2x16x512xi32, #tpu.memory_space<vmem>>, vector<16xi32>,
      %get3A_1533 = arith.constant 0 : i32
      %get3A_1534 = arith.index_cast %get3A_1533 : i32 to index
      %get3A_1535 = arith.index_cast %scan3A_1050 : i32 to index
      %get3A_1536 = arith.constant 496 : index
      %get3A_1537 = tpu.vector_load %arg5[%get3A_1534, %get3A_1535, %get3A_1536] {strides = array<i32>} : memref<2x16x512xf32, #tpu.memory_space<vmem>>, vector<16xf32>,
      %convert_element_type3A_1538 = arith.sitofp %get3A_1462 : vector<16xi32> to vector<16xf32>
      %sub3A_1539 = arith.subf %convert_element_type3A_1538, %get3A_1467 : vector<16xf32>
      %mul3A_1540 = arith.mulf %sub3A_1539, %sub3A_1539 : vector<16xf32>
      %mul3A_1541 = arith.constant 16 : i32
      %mul3A_1542 = vector.broadcast %mul3A_1541 : i32 to vector<16xi32>
      %mul3A_1543 = arith.muli %get3A_1462, %mul3A_1542 : vector<16xi32>
      %add3A_1544 = arith.addi %mul3A_1543, %iota3A : vector<16xi32>
      %convert_element_type3A_1545 = arith.sitofp %get3A_1472 : vector<16xi32> to vector<16xf32>
      %sub3A_1546 = arith.subf %convert_element_type3A_1545, %get3A_1477 : vector<16xf32>
      %mul3A_1547 = arith.mulf %sub3A_1546, %sub3A_1546 : vector<16xf32>
      %mul3A_1548 = arith.constant 16 : i32
      %mul3A_1549 = vector.broadcast %mul3A_1548 : i32 to vector<16xi32>
      %mul3A_1550 = arith.muli %get3A_1472, %mul3A_1549 : vector<16xi32>
      %add3A_1551 = arith.addi %mul3A_1550, %iota3A : vector<16xi32>
      %convert_element_type3A_1552 = arith.sitofp %get3A_1482 : vector<16xi32> to vector<16xf32>
      %sub3A_1553 = arith.subf %convert_element_type3A_1552, %get3A_1487 : vector<16xf32>
      %mul3A_1554 = arith.mulf %sub3A_1553, %sub3A_1553 : vector<16xf32>
      %mul3A_1555 = arith.constant 16 : i32
      %mul3A_1556 = vector.broadcast %mul3A_1555 : i32 to vector<16xi32>
      %mul3A_1557 = arith.muli %get3A_1482, %mul3A_1556 : vector<16xi32>
      %add3A_1558 = arith.addi %mul3A_1557, %iota3A : vector<16xi32>
      %convert_element_type3A_1559 = arith.sitofp %get3A_1492 : vector<16xi32> to vector<16xf32>
      %sub3A_1560 = arith.subf %convert_element_type3A_1559, %get3A_1497 : vector<16xf32>
      %mul3A_1561 = arith.mulf %sub3A_1560, %sub3A_1560 : vector<16xf32>
      %mul3A_1562 = arith.constant 16 : i32
      %mul3A_1563 = vector.broadcast %mul3A_1562 : i32 to vector<16xi32>
      %mul3A_1564 = arith.muli %get3A_1492, %mul3A_1563 : vector<16xi32>
      %add3A_1565 = arith.addi %mul3A_1564, %iota3A : vector<16xi32>
      %convert_element_type3A_1566 = arith.sitofp %get3A_1502 : vector<16xi32> to vector<16xf32>
      %sub3A_1567 = arith.subf %convert_element_type3A_1566, %get3A_1507 : vector<16xf32>
      %mul3A_1568 = arith.mulf %sub3A_1567, %sub3A_1567 : vector<16xf32>
      %mul3A_1569 = arith.constant 16 : i32
      %mul3A_1570 = vector.broadcast %mul3A_1569 : i32 to vector<16xi32>
      %mul3A_1571 = arith.muli %get3A_1502, %mul3A_1570 : vector<16xi32>
      %add3A_1572 = arith.addi %mul3A_1571, %iota3A : vector<16xi32>
      %convert_element_type3A_1573 = arith.sitofp %get3A_1512 : vector<16xi32> to vector<16xf32>
      %sub3A_1574 = arith.subf %convert_element_type3A_1573, %get3A_1517 : vector<16xf32>
      %mul3A_1575 = arith.mulf %sub3A_1574, %sub3A_1574 : vector<16xf32>
      %mul3A_1576 = arith.constant 16 : i32
      %mul3A_1577 = vector.broadcast %mul3A_1576 : i32 to vector<16xi32>
      %mul3A_1578 = arith.muli %get3A_1512, %mul3A_1577 : vector<16xi32>
      %add3A_1579 = arith.addi %mul3A_1578, %iota3A : vector<16xi32>
      %convert_element_type3A_1580 = arith.sitofp %get3A_1522 : vector<16xi32> to vector<16xf32>
      %sub3A_1581 = arith.subf %convert_element_type3A_1580, %get3A_1527 : vector<16xf32>
      %mul3A_1582 = arith.mulf %sub3A_1581, %sub3A_1581 : vector<16xf32>
      %mul3A_1583 = arith.constant 16 : i32
      %mul3A_1584 = vector.broadcast %mul3A_1583 : i32 to vector<16xi32>
      %mul3A_1585 = arith.muli %get3A_1522, %mul3A_1584 : vector<16xi32>
      %add3A_1586 = arith.addi %mul3A_1585, %iota3A : vector<16xi32>
      %convert_element_type3A_1587 = arith.sitofp %get3A_1532 : vector<16xi32> to vector<16xf32>
      %sub3A_1588 = arith.subf %convert_element_type3A_1587, %get3A_1537 : vector<16xf32>
      %mul3A_1589 = arith.mulf %sub3A_1588, %sub3A_1588 : vector<16xf32>
      %mul3A_1590 = arith.constant 16 : i32
      %mul3A_1591 = vector.broadcast %mul3A_1590 : i32 to vector<16xi32>
      %mul3A_1592 = arith.muli %get3A_1532, %mul3A_1591 : vector<16xi32>
      %add3A_1593 = arith.addi %mul3A_1592, %iota3A : vector<16xi32>
      tpu.vector_store_idx %arg11[%add3A_1544], %mul3A_1540 {add = true} : memref<304xf32, #tpu.memory_space<vmem>>[vector<16xi32>], vector<16xf32>,
      tpu.vector_store_idx %arg15[%add3A_1544], %broadcast_in_dim3A_401 {add = true} : memref<304xf32, #tpu.memory_space<vmem>>[vector<16xi32>], vector<16xf32>,
      tpu.vector_store_idx %arg12[%add3A_1551], %mul3A_1547 {add = true} : memref<304xf32, #tpu.memory_space<vmem>>[vector<16xi32>], vector<16xf32>,
      tpu.vector_store_idx %arg16[%add3A_1551], %broadcast_in_dim3A_401 {add = true} : memref<304xf32, #tpu.memory_space<vmem>>[vector<16xi32>], vector<16xf32>,
      tpu.vector_store_idx %arg13[%add3A_1558], %mul3A_1554 {add = true} : memref<304xf32, #tpu.memory_space<vmem>>[vector<16xi32>], vector<16xf32>,
      tpu.vector_store_idx %arg17[%add3A_1558], %broadcast_in_dim3A_401 {add = true} : memref<304xf32, #tpu.memory_space<vmem>>[vector<16xi32>], vector<16xf32>,
      tpu.vector_store_idx %arg14[%add3A_1565], %mul3A_1561 {add = true} : memref<304xf32, #tpu.memory_space<vmem>>[vector<16xi32>], vector<16xf32>,
      tpu.vector_store_idx %arg18[%add3A_1565], %broadcast_in_dim3A_401 {add = true} : memref<304xf32, #tpu.memory_space<vmem>>[vector<16xi32>], vector<16xf32>,
      tpu.vector_store_idx %arg11[%add3A_1572], %mul3A_1568 {add = true} : memref<304xf32, #tpu.memory_space<vmem>>[vector<16xi32>], vector<16xf32>,
      tpu.vector_store_idx %arg15[%add3A_1572], %broadcast_in_dim3A_401 {add = true} : memref<304xf32, #tpu.memory_space<vmem>>[vector<16xi32>], vector<16xf32>,
      tpu.vector_store_idx %arg12[%add3A_1579], %mul3A_1575 {add = true} : memref<304xf32, #tpu.memory_space<vmem>>[vector<16xi32>], vector<16xf32>,
      tpu.vector_store_idx %arg16[%add3A_1579], %broadcast_in_dim3A_401 {add = true} : memref<304xf32, #tpu.memory_space<vmem>>[vector<16xi32>], vector<16xf32>,
      tpu.vector_store_idx %arg13[%add3A_1586], %mul3A_1582 {add = true} : memref<304xf32, #tpu.memory_space<vmem>>[vector<16xi32>], vector<16xf32>,
      tpu.vector_store_idx %arg17[%add3A_1586], %broadcast_in_dim3A_401 {add = true} : memref<304xf32, #tpu.memory_space<vmem>>[vector<16xi32>], vector<16xf32>,
      tpu.vector_store_idx %arg14[%add3A_1593], %mul3A_1589 {add = true} : memref<304xf32, #tpu.memory_space<vmem>>[vector<16xi32>], vector<16xf32>,
      tpu.vector_store_idx %arg18[%add3A_1593], %broadcast_in_dim3A_401 {add = true} : memref<304xf32, #tpu.memory_space<vmem>>[vector<16xi32>], vector<16xf32>,
    }
    %scan3A_483 = arith.constant 16 : i32
    %dma_wait3A_484 = arith.constant 0 : i32
    %dma_wait3A_485 = arith.constant 1 : i32
    %dma_wait3A_486 = arith.constant 1 : i32
    %dma_wait3A_487 = arith.constant 0 : i32
    %dma_wait3A_488 = arith.constant 0 : i32
    %dma_wait3A_489 = tpu.memref_slice %arg5[%dma_wait3A_485, %dma_wait3A_487, %dma_wait3A_488] : memref<2x16x512xf32, #tpu.memory_space<vmem>> -> memref<1x16x512xf32, #tpu.memory_space<vmem>>
    %dma_wait3A_490 = tpu.memref_squeeze %dma_wait3A_489 : memref<1x16x512xf32, #tpu.memory_space<vmem>> -> memref<16x512xf32, #tpu.memory_space<vmem>>
    %dma_wait3A_491 = arith.constant 0 : i32
    %dma_wait3A_492 = tpu.memref_slice %arg2[%select_n3A, %dma_wait3A_484, %add3A_440, %dma_wait3A_491] : memref<4x1x512x512xf32, #tpu.memory_space<hbm>> -> memref<1x1x16x512xf32, #tpu.memory_space<hbm>>
    %dma_wait3A_493 = tpu.memref_squeeze %dma_wait3A_492 : memref<1x1x16x512xf32, #tpu.memory_space<hbm>> -> memref<16x512xf32, #tpu.memory_space<hbm>>
    %dma_wait3A_494 = tpu.memref_slice %arg9[%dma_wait3A_486] : memref<3x!tpu.dma_semaphore, #tpu.memory_space<semaphore_mem>> -> memref<1x!tpu.dma_semaphore, #tpu.memory_space<semaphore_mem>>
    %dma_wait3A_495 = tpu.memref_squeeze %dma_wait3A_494 : memref<1x!tpu.dma_semaphore, #tpu.memory_space<semaphore_mem>> -> memref<!tpu.dma_semaphore, #tpu.memory_space<semaphore_mem>>
    %dma_wait3A_496 = arith.constant 0 : i32
    %dma_wait3A_497 = arith.constant 0 : i32
    %dma_wait3A_498 = tpu.memref_slice %arg5[%dma_wait3A_485, %dma_wait3A_496, %dma_wait3A_497] : memref<2x16x512xf32, #tpu.memory_space<vmem>> -> memref<1x16x512xf32, #tpu.memory_space<vmem>>
    %dma_wait3A_499 = tpu.memref_squeeze %dma_wait3A_498 : memref<1x16x512xf32, #tpu.memory_space<vmem>> -> memref<16x512xf32, #tpu.memory_space<vmem>>
    %dma_wait3A_500 = arith.constant 0 : i32
    %dma_wait3A_501 = tpu.memref_slice %arg2[%select_n3A, %dma_wait3A_484, %add3A_440, %dma_wait3A_500] : memref<4x1x512x512xf32, #tpu.memory_space<hbm>> -> memref<1x1x16x512xf32, #tpu.memory_space<hbm>>
    %dma_wait3A_502 = tpu.memref_squeeze %dma_wait3A_501 : memref<1x1x16x512xf32, #tpu.memory_space<hbm>> -> memref<16x512xf32, #tpu.memory_space<hbm>>
    tpu.wait_dma2 semaphore(%dma_wait3A_495 : memref<!tpu.dma_semaphore, #tpu.memory_space<semaphore_mem>>) src(%dma_wait3A_502 : memref<16x512xf32, #tpu.memory_space<hbm>>) dst(%dma_wait3A_499 : memref<16x512xf32, #tpu.memory_space<vmem>>)
    %dma_wait3A_503 = arith.constant 0 : i32
    %dma_wait3A_504 = arith.constant 1 : i32
    %dma_wait3A_505 = arith.constant 1 : i32
    %dma_wait3A_506 = arith.constant 0 : i32
    %dma_wait3A_507 = arith.constant 0 : i32
    %dma_wait3A_508 = tpu.memref_slice %arg6[%dma_wait3A_504, %dma_wait3A_506, %dma_wait3A_507] : memref<2x16x512xi32, #tpu.memory_space<vmem>> -> memref<1x16x512xi32, #tpu.memory_space<vmem>>
    %dma_wait3A_509 = tpu.memref_squeeze %dma_wait3A_508 : memref<1x16x512xi32, #tpu.memory_space<vmem>> -> memref<16x512xi32, #tpu.memory_space<vmem>>
    %dma_wait3A_510 = arith.constant 0 : i32
    %dma_wait3A_511 = tpu.memref_slice %arg3[%select_n3A, %dma_wait3A_503, %add3A_440, %dma_wait3A_510] : memref<4x1x512x512xi32, #tpu.memory_space<hbm>> -> memref<1x1x16x512xi32, #tpu.memory_space<hbm>>
    %dma_wait3A_512 = tpu.memref_squeeze %dma_wait3A_511 : memref<1x1x16x512xi32, #tpu.memory_space<hbm>> -> memref<16x512xi32, #tpu.memory_space<hbm>>
    %dma_wait3A_513 = tpu.memref_slice %arg10[%dma_wait3A_505] : memref<3x!tpu.dma_semaphore, #tpu.memory_space<semaphore_mem>> -> memref<1x!tpu.dma_semaphore, #tpu.memory_space<semaphore_mem>>
    %dma_wait3A_514 = tpu.memref_squeeze %dma_wait3A_513 : memref<1x!tpu.dma_semaphore, #tpu.memory_space<semaphore_mem>> -> memref<!tpu.dma_semaphore, #tpu.memory_space<semaphore_mem>>
    %dma_wait3A_515 = arith.constant 0 : i32
    %dma_wait3A_516 = arith.constant 0 : i32
    %dma_wait3A_517 = tpu.memref_slice %arg6[%dma_wait3A_504, %dma_wait3A_515, %dma_wait3A_516] : memref<2x16x512xi32, #tpu.memory_space<vmem>> -> memref<1x16x512xi32, #tpu.memory_space<vmem>>
    %dma_wait3A_518 = tpu.memref_squeeze %dma_wait3A_517 : memref<1x16x512xi32, #tpu.memory_space<vmem>> -> memref<16x512xi32, #tpu.memory_space<vmem>>
    %dma_wait3A_519 = arith.constant 0 : i32
    %dma_wait3A_520 = tpu.memref_slice %arg3[%select_n3A, %dma_wait3A_503, %add3A_440, %dma_wait3A_519] : memref<4x1x512x512xi32, #tpu.memory_space<hbm>> -> memref<1x1x16x512xi32, #tpu.memory_space<hbm>>
    %dma_wait3A_521 = tpu.memref_squeeze %dma_wait3A_520 : memref<1x1x16x512xi32, #tpu.memory_space<hbm>> -> memref<16x512xi32, #tpu.memory_space<hbm>>
    tpu.wait_dma2 semaphore(%dma_wait3A_514 : memref<!tpu.dma_semaphore, #tpu.memory_space<semaphore_mem>>) src(%dma_wait3A_521 : memref<16x512xi32, #tpu.memory_space<hbm>>) dst(%dma_wait3A_518 : memref<16x512xi32, #tpu.memory_space<vmem>>)
    %scan3A_522 = arith.constant 0 : i32
    %scan3A_523 = arith.constant 0 : i32
    %scan3A_524 = arith.constant 16 : i32
    %scan3A_525 = arith.addi %scan3A_523, %scan3A_524 : i32
    %scan3A_526 = arith.constant 1 : i32
    scf.for %scan3A_1050 = %scan3A_523 to %scan3A_525 step %scan3A_526  : i32 {
      %get3A_1051 = arith.constant 1 : i32
      %get3A_1052 = arith.index_cast %get3A_1051 : i32 to index
      %get3A_1053 = arith.index_cast %scan3A_1050 : i32 to index
      %get3A_1054 = arith.constant 0 : index
      %get3A_1055 = tpu.vector_load %arg6[%get3A_1052, %get3A_1053, %get3A_1054] {strides = array<i32>} : memref<2x16x512xi32, #tpu.memory_space<vmem>>, vector<16xi32>,
      %get3A_1056 = arith.constant 1 : i32
      %get3A_1057 = arith.index_cast %get3A_1056 : i32 to index
      %get3A_1058 = arith.index_cast %scan3A_1050 : i32 to index
      %get3A_1059 = arith.constant 0 : index
      %get3A_1060 = tpu.vector_load %arg5[%get3A_1057, %get3A_1058, %get3A_1059] {strides = array<i32>} : memref<2x16x512xf32, #tpu.memory_space<vmem>>, vector<16xf32>,
      %get3A_1061 = arith.constant 1 : i32
      %get3A_1062 = arith.index_cast %get3A_1061 : i32 to index
      %get3A_1063 = arith.index_cast %scan3A_1050 : i32 to index
      %get3A_1064 = arith.constant 16 : index
      %get3A_1065 = tpu.vector_load %arg6[%get3A_1062, %get3A_1063, %get3A_1064] {strides = array<i32>} : memref<2x16x512xi32, #tpu.memory_space<vmem>>, vector<16xi32>,
      %get3A_1066 = arith.constant 1 : i32
      %get3A_1067 = arith.index_cast %get3A_1066 : i32 to index
      %get3A_1068 = arith.index_cast %scan3A_1050 : i32 to index
      %get3A_1069 = arith.constant 16 : index
      %get3A_1070 = tpu.vector_load %arg5[%get3A_1067, %get3A_1068, %get3A_1069] {strides = array<i32>} : memref<2x16x512xf32, #tpu.memory_space<vmem>>, vector<16xf32>,
      %get3A_1071 = arith.constant 1 : i32
      %get3A_1072 = arith.index_cast %get3A_1071 : i32 to index
      %get3A_1073 = arith.index_cast %scan3A_1050 : i32 to index
      %get3A_1074 = arith.constant 32 : index
      %get3A_1075 = tpu.vector_load %arg6[%get3A_1072, %get3A_1073, %get3A_1074] {strides = array<i32>} : memref<2x16x512xi32, #tpu.memory_space<vmem>>, vector<16xi32>,
      %get3A_1076 = arith.constant 1 : i32
      %get3A_1077 = arith.index_cast %get3A_1076 : i32 to index
      %get3A_1078 = arith.index_cast %scan3A_1050 : i32 to index
      %get3A_1079 = arith.constant 32 : index
      %get3A_1080 = tpu.vector_load %arg5[%get3A_1077, %get3A_1078, %get3A_1079] {strides = array<i32>} : memref<2x16x512xf32, #tpu.memory_space<vmem>>, vector<16xf32>,
      %get3A_1081 = arith.constant 1 : i32
      %get3A_1082 = arith.index_cast %get3A_1081 : i32 to index
      %get3A_1083 = arith.index_cast %scan3A_1050 : i32 to index
      %get3A_1084 = arith.constant 48 : index
      %get3A_1085 = tpu.vector_load %arg6[%get3A_1082, %get3A_1083, %get3A_1084] {strides = array<i32>} : memref<2x16x512xi32, #tpu.memory_space<vmem>>, vector<16xi32>,
      %get3A_1086 = arith.constant 1 : i32
      %get3A_1087 = arith.index_cast %get3A_1086 : i32 to index
      %get3A_1088 = arith.index_cast %scan3A_1050 : i32 to index
      %get3A_1089 = arith.constant 48 : index
      %get3A_1090 = tpu.vector_load %arg5[%get3A_1087, %get3A_1088, %get3A_1089] {strides = array<i32>} : memref<2x16x512xf32, #tpu.memory_space<vmem>>, vector<16xf32>,
      %get3A_1091 = arith.constant 1 : i32
      %get3A_1092 = arith.index_cast %get3A_1091 : i32 to index
      %get3A_1093 = arith.index_cast %scan3A_1050 : i32 to index
      %get3A_1094 = arith.constant 64 : index
      %get3A_1095 = tpu.vector_load %arg6[%get3A_1092, %get3A_1093, %get3A_1094] {strides = array<i32>} : memref<2x16x512xi32, #tpu.memory_space<vmem>>, vector<16xi32>,
      %get3A_1096 = arith.constant 1 : i32
      %get3A_1097 = arith.index_cast %get3A_1096 : i32 to index
      %get3A_1098 = arith.index_cast %scan3A_1050 : i32 to index
      %get3A_1099 = arith.constant 64 : index
      %get3A_1100 = tpu.vector_load %arg5[%get3A_1097, %get3A_1098, %get3A_1099] {strides = array<i32>} : memref<2x16x512xf32, #tpu.memory_space<vmem>>, vector<16xf32>,
      %get3A_1101 = arith.constant 1 : i32
      %get3A_1102 = arith.index_cast %get3A_1101 : i32 to index
      %get3A_1103 = arith.index_cast %scan3A_1050 : i32 to index
      %get3A_1104 = arith.constant 80 : index
      %get3A_1105 = tpu.vector_load %arg6[%get3A_1102, %get3A_1103, %get3A_1104] {strides = array<i32>} : memref<2x16x512xi32, #tpu.memory_space<vmem>>, vector<16xi32>,
      %get3A_1106 = arith.constant 1 : i32
      %get3A_1107 = arith.index_cast %get3A_1106 : i32 to index
      %get3A_1108 = arith.index_cast %scan3A_1050 : i32 to index
      %get3A_1109 = arith.constant 80 : index
      %get3A_1110 = tpu.vector_load %arg5[%get3A_1107, %get3A_1108, %get3A_1109] {strides = array<i32>} : memref<2x16x512xf32, #tpu.memory_space<vmem>>, vector<16xf32>,
      %get3A_1111 = arith.constant 1 : i32
      %get3A_1112 = arith.index_cast %get3A_1111 : i32 to index
      %get3A_1113 = arith.index_cast %scan3A_1050 : i32 to index
      %get3A_1114 = arith.constant 96 : index
      %get3A_1115 = tpu.vector_load %arg6[%get3A_1112, %get3A_1113, %get3A_1114] {strides = array<i32>} : memref<2x16x512xi32, #tpu.memory_space<vmem>>, vector<16xi32>,
      %get3A_1116 = arith.constant 1 : i32
      %get3A_1117 = arith.index_cast %get3A_1116 : i32 to index
      %get3A_1118 = arith.index_cast %scan3A_1050 : i32 to index
      %get3A_1119 = arith.constant 96 : index
      %get3A_1120 = tpu.vector_load %arg5[%get3A_1117, %get3A_1118, %get3A_1119] {strides = array<i32>} : memref<2x16x512xf32, #tpu.memory_space<vmem>>, vector<16xf32>,
      %get3A_1121 = arith.constant 1 : i32
      %get3A_1122 = arith.index_cast %get3A_1121 : i32 to index
      %get3A_1123 = arith.index_cast %scan3A_1050 : i32 to index
      %get3A_1124 = arith.constant 112 : index
      %get3A_1125 = tpu.vector_load %arg6[%get3A_1122, %get3A_1123, %get3A_1124] {strides = array<i32>} : memref<2x16x512xi32, #tpu.memory_space<vmem>>, vector<16xi32>,
      %get3A_1126 = arith.constant 1 : i32
      %get3A_1127 = arith.index_cast %get3A_1126 : i32 to index
      %get3A_1128 = arith.index_cast %scan3A_1050 : i32 to index
      %get3A_1129 = arith.constant 112 : index
      %get3A_1130 = tpu.vector_load %arg5[%get3A_1127, %get3A_1128, %get3A_1129] {strides = array<i32>} : memref<2x16x512xf32, #tpu.memory_space<vmem>>, vector<16xf32>,
      %convert_element_type3A = arith.sitofp %get3A_1055 : vector<16xi32> to vector<16xf32>
      %sub3A_1131 = arith.subf %convert_element_type3A, %get3A_1060 : vector<16xf32>
      %mul3A_1132 = arith.mulf %sub3A_1131, %sub3A_1131 : vector<16xf32>
      %mul3A_1133 = arith.constant 16 : i32
      %mul3A_1134 = vector.broadcast %mul3A_1133 : i32 to vector<16xi32>
      %mul3A_1135 = arith.muli %get3A_1055, %mul3A_1134 : vector<16xi32>
      %add3A_1136 = arith.addi %mul3A_1135, %iota3A : vector<16xi32>
      %convert_element_type3A_1137 = arith.sitofp %get3A_1065 : vector<16xi32> to vector<16xf32>
      %sub3A_1138 = arith.subf %convert_element_type3A_1137, %get3A_1070 : vector<16xf32>
      %mul3A_1139 = arith.mulf %sub3A_1138, %sub3A_1138 : vector<16xf32>
      %mul3A_1140 = arith.constant 16 : i32
      %mul3A_1141 = vector.broadcast %mul3A_1140 : i32 to vector<16xi32>
      %mul3A_1142 = arith.muli %get3A_1065, %mul3A_1141 : vector<16xi32>
      %add3A_1143 = arith.addi %mul3A_1142, %iota3A : vector<16xi32>
      %convert_element_type3A_1144 = arith.sitofp %get3A_1075 : vector<16xi32> to vector<16xf32>
      %sub3A_1145 = arith.subf %convert_element_type3A_1144, %get3A_1080 : vector<16xf32>
      %mul3A_1146 = arith.mulf %sub3A_1145, %sub3A_1145 : vector<16xf32>
      %mul3A_1147 = arith.constant 16 : i32
      %mul3A_1148 = vector.broadcast %mul3A_1147 : i32 to vector<16xi32>
      %mul3A_1149 = arith.muli %get3A_1075, %mul3A_1148 : vector<16xi32>
      %add3A_1150 = arith.addi %mul3A_1149, %iota3A : vector<16xi32>
      %convert_element_type3A_1151 = arith.sitofp %get3A_1085 : vector<16xi32> to vector<16xf32>
      %sub3A_1152 = arith.subf %convert_element_type3A_1151, %get3A_1090 : vector<16xf32>
      %mul3A_1153 = arith.mulf %sub3A_1152, %sub3A_1152 : vector<16xf32>
      %mul3A_1154 = arith.constant 16 : i32
      %mul3A_1155 = vector.broadcast %mul3A_1154 : i32 to vector<16xi32>
      %mul3A_1156 = arith.muli %get3A_1085, %mul3A_1155 : vector<16xi32>
      %add3A_1157 = arith.addi %mul3A_1156, %iota3A : vector<16xi32>
      %convert_element_type3A_1158 = arith.sitofp %get3A_1095 : vector<16xi32> to vector<16xf32>
      %sub3A_1159 = arith.subf %convert_element_type3A_1158, %get3A_1100 : vector<16xf32>
      %mul3A_1160 = arith.mulf %sub3A_1159, %sub3A_1159 : vector<16xf32>
      %mul3A_1161 = arith.constant 16 : i32
      %mul3A_1162 = vector.broadcast %mul3A_1161 : i32 to vector<16xi32>
      %mul3A_1163 = arith.muli %get3A_1095, %mul3A_1162 : vector<16xi32>
      %add3A_1164 = arith.addi %mul3A_1163, %iota3A : vector<16xi32>
      %convert_element_type3A_1165 = arith.sitofp %get3A_1105 : vector<16xi32> to vector<16xf32>
      %sub3A_1166 = arith.subf %convert_element_type3A_1165, %get3A_1110 : vector<16xf32>
      %mul3A_1167 = arith.mulf %sub3A_1166, %sub3A_1166 : vector<16xf32>
      %mul3A_1168 = arith.constant 16 : i32
      %mul3A_1169 = vector.broadcast %mul3A_1168 : i32 to vector<16xi32>
      %mul3A_1170 = arith.muli %get3A_1105, %mul3A_1169 : vector<16xi32>
      %add3A_1171 = arith.addi %mul3A_1170, %iota3A : vector<16xi32>
      %convert_element_type3A_1172 = arith.sitofp %get3A_1115 : vector<16xi32> to vector<16xf32>
      %sub3A_1173 = arith.subf %convert_element_type3A_1172, %get3A_1120 : vector<16xf32>
      %mul3A_1174 = arith.mulf %sub3A_1173, %sub3A_1173 : vector<16xf32>
      %mul3A_1175 = arith.constant 16 : i32
      %mul3A_1176 = vector.broadcast %mul3A_1175 : i32 to vector<16xi32>
      %mul3A_1177 = arith.muli %get3A_1115, %mul3A_1176 : vector<16xi32>
      %add3A_1178 = arith.addi %mul3A_1177, %iota3A : vector<16xi32>
      %convert_element_type3A_1179 = arith.sitofp %get3A_1125 : vector<16xi32> to vector<16xf32>
      %sub3A_1180 = arith.subf %convert_element_type3A_1179, %get3A_1130 : vector<16xf32>
      %mul3A_1181 = arith.mulf %sub3A_1180, %sub3A_1180 : vector<16xf32>
      %mul3A_1182 = arith.constant 16 : i32
      %mul3A_1183 = vector.broadcast %mul3A_1182 : i32 to vector<16xi32>
      %mul3A_1184 = arith.muli %get3A_1125, %mul3A_1183 : vector<16xi32>
      %add3A_1185 = arith.addi %mul3A_1184, %iota3A : vector<16xi32>
      tpu.vector_store_idx %arg11[%add3A_1136], %mul3A_1132 {add = true} : memref<304xf32, #tpu.memory_space<vmem>>[vector<16xi32>], vector<16xf32>,
      tpu.vector_store_idx %arg15[%add3A_1136], %broadcast_in_dim3A_401 {add = true} : memref<304xf32, #tpu.memory_space<vmem>>[vector<16xi32>], vector<16xf32>,
      tpu.vector_store_idx %arg12[%add3A_1143], %mul3A_1139 {add = true} : memref<304xf32, #tpu.memory_space<vmem>>[vector<16xi32>], vector<16xf32>,
      tpu.vector_store_idx %arg16[%add3A_1143], %broadcast_in_dim3A_401 {add = true} : memref<304xf32, #tpu.memory_space<vmem>>[vector<16xi32>], vector<16xf32>,
      tpu.vector_store_idx %arg13[%add3A_1150], %mul3A_1146 {add = true} : memref<304xf32, #tpu.memory_space<vmem>>[vector<16xi32>], vector<16xf32>,
      tpu.vector_store_idx %arg17[%add3A_1150], %broadcast_in_dim3A_401 {add = true} : memref<304xf32, #tpu.memory_space<vmem>>[vector<16xi32>], vector<16xf32>,
      tpu.vector_store_idx %arg14[%add3A_1157], %mul3A_1153 {add = true} : memref<304xf32, #tpu.memory_space<vmem>>[vector<16xi32>], vector<16xf32>,
      tpu.vector_store_idx %arg18[%add3A_1157], %broadcast_in_dim3A_401 {add = true} : memref<304xf32, #tpu.memory_space<vmem>>[vector<16xi32>], vector<16xf32>,
      tpu.vector_store_idx %arg11[%add3A_1164], %mul3A_1160 {add = true} : memref<304xf32, #tpu.memory_space<vmem>>[vector<16xi32>], vector<16xf32>,
      tpu.vector_store_idx %arg15[%add3A_1164], %broadcast_in_dim3A_401 {add = true} : memref<304xf32, #tpu.memory_space<vmem>>[vector<16xi32>], vector<16xf32>,
      tpu.vector_store_idx %arg12[%add3A_1171], %mul3A_1167 {add = true} : memref<304xf32, #tpu.memory_space<vmem>>[vector<16xi32>], vector<16xf32>,
      tpu.vector_store_idx %arg16[%add3A_1171], %broadcast_in_dim3A_401 {add = true} : memref<304xf32, #tpu.memory_space<vmem>>[vector<16xi32>], vector<16xf32>,
      tpu.vector_store_idx %arg13[%add3A_1178], %mul3A_1174 {add = true} : memref<304xf32, #tpu.memory_space<vmem>>[vector<16xi32>], vector<16xf32>,
      tpu.vector_store_idx %arg17[%add3A_1178], %broadcast_in_dim3A_401 {add = true} : memref<304xf32, #tpu.memory_space<vmem>>[vector<16xi32>], vector<16xf32>,
      tpu.vector_store_idx %arg14[%add3A_1185], %mul3A_1181 {add = true} : memref<304xf32, #tpu.memory_space<vmem>>[vector<16xi32>], vector<16xf32>,
      tpu.vector_store_idx %arg18[%add3A_1185], %broadcast_in_dim3A_401 {add = true} : memref<304xf32, #tpu.memory_space<vmem>>[vector<16xi32>], vector<16xf32>,
      %get3A_1186 = arith.constant 1 : i32
      %get3A_1187 = arith.index_cast %get3A_1186 : i32 to index
      %get3A_1188 = arith.index_cast %scan3A_1050 : i32 to index
      %get3A_1189 = arith.constant 128 : index
      %get3A_1190 = tpu.vector_load %arg6[%get3A_1187, %get3A_1188, %get3A_1189] {strides = array<i32>} : memref<2x16x512xi32, #tpu.memory_space<vmem>>, vector<16xi32>,
      %get3A_1191 = arith.constant 1 : i32
      %get3A_1192 = arith.index_cast %get3A_1191 : i32 to index
      %get3A_1193 = arith.index_cast %scan3A_1050 : i32 to index
      %get3A_1194 = arith.constant 128 : index
      %get3A_1195 = tpu.vector_load %arg5[%get3A_1192, %get3A_1193, %get3A_1194] {strides = array<i32>} : memref<2x16x512xf32, #tpu.memory_space<vmem>>, vector<16xf32>,
      %get3A_1196 = arith.constant 1 : i32
      %get3A_1197 = arith.index_cast %get3A_1196 : i32 to index
      %get3A_1198 = arith.index_cast %scan3A_1050 : i32 to index
      %get3A_1199 = arith.constant 144 : index
      %get3A_1200 = tpu.vector_load %arg6[%get3A_1197, %get3A_1198, %get3A_1199] {strides = array<i32>} : memref<2x16x512xi32, #tpu.memory_space<vmem>>, vector<16xi32>,
      %get3A_1201 = arith.constant 1 : i32
      %get3A_1202 = arith.index_cast %get3A_1201 : i32 to index
      %get3A_1203 = arith.index_cast %scan3A_1050 : i32 to index
      %get3A_1204 = arith.constant 144 : index
      %get3A_1205 = tpu.vector_load %arg5[%get3A_1202, %get3A_1203, %get3A_1204] {strides = array<i32>} : memref<2x16x512xf32, #tpu.memory_space<vmem>>, vector<16xf32>,
      %get3A_1206 = arith.constant 1 : i32
      %get3A_1207 = arith.index_cast %get3A_1206 : i32 to index
      %get3A_1208 = arith.index_cast %scan3A_1050 : i32 to index
      %get3A_1209 = arith.constant 160 : index
      %get3A_1210 = tpu.vector_load %arg6[%get3A_1207, %get3A_1208, %get3A_1209] {strides = array<i32>} : memref<2x16x512xi32, #tpu.memory_space<vmem>>, vector<16xi32>,
      %get3A_1211 = arith.constant 1 : i32
      %get3A_1212 = arith.index_cast %get3A_1211 : i32 to index
      %get3A_1213 = arith.index_cast %scan3A_1050 : i32 to index
      %get3A_1214 = arith.constant 160 : index
      %get3A_1215 = tpu.vector_load %arg5[%get3A_1212, %get3A_1213, %get3A_1214] {strides = array<i32>} : memref<2x16x512xf32, #tpu.memory_space<vmem>>, vector<16xf32>,
      %get3A_1216 = arith.constant 1 : i32
      %get3A_1217 = arith.index_cast %get3A_1216 : i32 to index
      %get3A_1218 = arith.index_cast %scan3A_1050 : i32 to index
      %get3A_1219 = arith.constant 176 : index
      %get3A_1220 = tpu.vector_load %arg6[%get3A_1217, %get3A_1218, %get3A_1219] {strides = array<i32>} : memref<2x16x512xi32, #tpu.memory_space<vmem>>, vector<16xi32>,
      %get3A_1221 = arith.constant 1 : i32
      %get3A_1222 = arith.index_cast %get3A_1221 : i32 to index
      %get3A_1223 = arith.index_cast %scan3A_1050 : i32 to index
      %get3A_1224 = arith.constant 176 : index
      %get3A_1225 = tpu.vector_load %arg5[%get3A_1222, %get3A_1223, %get3A_1224] {strides = array<i32>} : memref<2x16x512xf32, #tpu.memory_space<vmem>>, vector<16xf32>,
      %get3A_1226 = arith.constant 1 : i32
      %get3A_1227 = arith.index_cast %get3A_1226 : i32 to index
      %get3A_1228 = arith.index_cast %scan3A_1050 : i32 to index
      %get3A_1229 = arith.constant 192 : index
      %get3A_1230 = tpu.vector_load %arg6[%get3A_1227, %get3A_1228, %get3A_1229] {strides = array<i32>} : memref<2x16x512xi32, #tpu.memory_space<vmem>>, vector<16xi32>,
      %get3A_1231 = arith.constant 1 : i32
      %get3A_1232 = arith.index_cast %get3A_1231 : i32 to index
      %get3A_1233 = arith.index_cast %scan3A_1050 : i32 to index
      %get3A_1234 = arith.constant 192 : index
      %get3A_1235 = tpu.vector_load %arg5[%get3A_1232, %get3A_1233, %get3A_1234] {strides = array<i32>} : memref<2x16x512xf32, #tpu.memory_space<vmem>>, vector<16xf32>,
      %get3A_1236 = arith.constant 1 : i32
      %get3A_1237 = arith.index_cast %get3A_1236 : i32 to index
      %get3A_1238 = arith.index_cast %scan3A_1050 : i32 to index
      %get3A_1239 = arith.constant 208 : index
      %get3A_1240 = tpu.vector_load %arg6[%get3A_1237, %get3A_1238, %get3A_1239] {strides = array<i32>} : memref<2x16x512xi32, #tpu.memory_space<vmem>>, vector<16xi32>,
      %get3A_1241 = arith.constant 1 : i32
      %get3A_1242 = arith.index_cast %get3A_1241 : i32 to index
      %get3A_1243 = arith.index_cast %scan3A_1050 : i32 to index
      %get3A_1244 = arith.constant 208 : index
      %get3A_1245 = tpu.vector_load %arg5[%get3A_1242, %get3A_1243, %get3A_1244] {strides = array<i32>} : memref<2x16x512xf32, #tpu.memory_space<vmem>>, vector<16xf32>,
      %get3A_1246 = arith.constant 1 : i32
      %get3A_1247 = arith.index_cast %get3A_1246 : i32 to index
      %get3A_1248 = arith.index_cast %scan3A_1050 : i32 to index
      %get3A_1249 = arith.constant 224 : index
      %get3A_1250 = tpu.vector_load %arg6[%get3A_1247, %get3A_1248, %get3A_1249] {strides = array<i32>} : memref<2x16x512xi32, #tpu.memory_space<vmem>>, vector<16xi32>,
      %get3A_1251 = arith.constant 1 : i32
      %get3A_1252 = arith.index_cast %get3A_1251 : i32 to index
      %get3A_1253 = arith.index_cast %scan3A_1050 : i32 to index
      %get3A_1254 = arith.constant 224 : index
      %get3A_1255 = tpu.vector_load %arg5[%get3A_1252, %get3A_1253, %get3A_1254] {strides = array<i32>} : memref<2x16x512xf32, #tpu.memory_space<vmem>>, vector<16xf32>,
      %get3A_1256 = arith.constant 1 : i32
      %get3A_1257 = arith.index_cast %get3A_1256 : i32 to index
      %get3A_1258 = arith.index_cast %scan3A_1050 : i32 to index
      %get3A_1259 = arith.constant 240 : index
      %get3A_1260 = tpu.vector_load %arg6[%get3A_1257, %get3A_1258, %get3A_1259] {strides = array<i32>} : memref<2x16x512xi32, #tpu.memory_space<vmem>>, vector<16xi32>,
      %get3A_1261 = arith.constant 1 : i32
      %get3A_1262 = arith.index_cast %get3A_1261 : i32 to index
      %get3A_1263 = arith.index_cast %scan3A_1050 : i32 to index
      %get3A_1264 = arith.constant 240 : index
      %get3A_1265 = tpu.vector_load %arg5[%get3A_1262, %get3A_1263, %get3A_1264] {strides = array<i32>} : memref<2x16x512xf32, #tpu.memory_space<vmem>>, vector<16xf32>,
      %convert_element_type3A_1266 = arith.sitofp %get3A_1190 : vector<16xi32> to vector<16xf32>
      %sub3A_1267 = arith.subf %convert_element_type3A_1266, %get3A_1195 : vector<16xf32>
      %mul3A_1268 = arith.mulf %sub3A_1267, %sub3A_1267 : vector<16xf32>
      %mul3A_1269 = arith.constant 16 : i32
      %mul3A_1270 = vector.broadcast %mul3A_1269 : i32 to vector<16xi32>
      %mul3A_1271 = arith.muli %get3A_1190, %mul3A_1270 : vector<16xi32>
      %add3A_1272 = arith.addi %mul3A_1271, %iota3A : vector<16xi32>
      %convert_element_type3A_1273 = arith.sitofp %get3A_1200 : vector<16xi32> to vector<16xf32>
      %sub3A_1274 = arith.subf %convert_element_type3A_1273, %get3A_1205 : vector<16xf32>
      %mul3A_1275 = arith.mulf %sub3A_1274, %sub3A_1274 : vector<16xf32>
      %mul3A_1276 = arith.constant 16 : i32
      %mul3A_1277 = vector.broadcast %mul3A_1276 : i32 to vector<16xi32>
      %mul3A_1278 = arith.muli %get3A_1200, %mul3A_1277 : vector<16xi32>
      %add3A_1279 = arith.addi %mul3A_1278, %iota3A : vector<16xi32>
      %convert_element_type3A_1280 = arith.sitofp %get3A_1210 : vector<16xi32> to vector<16xf32>
      %sub3A_1281 = arith.subf %convert_element_type3A_1280, %get3A_1215 : vector<16xf32>
      %mul3A_1282 = arith.mulf %sub3A_1281, %sub3A_1281 : vector<16xf32>
      %mul3A_1283 = arith.constant 16 : i32
      %mul3A_1284 = vector.broadcast %mul3A_1283 : i32 to vector<16xi32>
      %mul3A_1285 = arith.muli %get3A_1210, %mul3A_1284 : vector<16xi32>
      %add3A_1286 = arith.addi %mul3A_1285, %iota3A : vector<16xi32>
      %convert_element_type3A_1287 = arith.sitofp %get3A_1220 : vector<16xi32> to vector<16xf32>
      %sub3A_1288 = arith.subf %convert_element_type3A_1287, %get3A_1225 : vector<16xf32>
      %mul3A_1289 = arith.mulf %sub3A_1288, %sub3A_1288 : vector<16xf32>
      %mul3A_1290 = arith.constant 16 : i32
      %mul3A_1291 = vector.broadcast %mul3A_1290 : i32 to vector<16xi32>
      %mul3A_1292 = arith.muli %get3A_1220, %mul3A_1291 : vector<16xi32>
      %add3A_1293 = arith.addi %mul3A_1292, %iota3A : vector<16xi32>
      %convert_element_type3A_1294 = arith.sitofp %get3A_1230 : vector<16xi32> to vector<16xf32>
      %sub3A_1295 = arith.subf %convert_element_type3A_1294, %get3A_1235 : vector<16xf32>
      %mul3A_1296 = arith.mulf %sub3A_1295, %sub3A_1295 : vector<16xf32>
      %mul3A_1297 = arith.constant 16 : i32
      %mul3A_1298 = vector.broadcast %mul3A_1297 : i32 to vector<16xi32>
      %mul3A_1299 = arith.muli %get3A_1230, %mul3A_1298 : vector<16xi32>
      %add3A_1300 = arith.addi %mul3A_1299, %iota3A : vector<16xi32>
      %convert_element_type3A_1301 = arith.sitofp %get3A_1240 : vector<16xi32> to vector<16xf32>
      %sub3A_1302 = arith.subf %convert_element_type3A_1301, %get3A_1245 : vector<16xf32>
      %mul3A_1303 = arith.mulf %sub3A_1302, %sub3A_1302 : vector<16xf32>
      %mul3A_1304 = arith.constant 16 : i32
      %mul3A_1305 = vector.broadcast %mul3A_1304 : i32 to vector<16xi32>
      %mul3A_1306 = arith.muli %get3A_1240, %mul3A_1305 : vector<16xi32>
      %add3A_1307 = arith.addi %mul3A_1306, %iota3A : vector<16xi32>
      %convert_element_type3A_1308 = arith.sitofp %get3A_1250 : vector<16xi32> to vector<16xf32>
      %sub3A_1309 = arith.subf %convert_element_type3A_1308, %get3A_1255 : vector<16xf32>
      %mul3A_1310 = arith.mulf %sub3A_1309, %sub3A_1309 : vector<16xf32>
      %mul3A_1311 = arith.constant 16 : i32
      %mul3A_1312 = vector.broadcast %mul3A_1311 : i32 to vector<16xi32>
      %mul3A_1313 = arith.muli %get3A_1250, %mul3A_1312 : vector<16xi32>
      %add3A_1314 = arith.addi %mul3A_1313, %iota3A : vector<16xi32>
      %convert_element_type3A_1315 = arith.sitofp %get3A_1260 : vector<16xi32> to vector<16xf32>
      %sub3A_1316 = arith.subf %convert_element_type3A_1315, %get3A_1265 : vector<16xf32>
      %mul3A_1317 = arith.mulf %sub3A_1316, %sub3A_1316 : vector<16xf32>
      %mul3A_1318 = arith.constant 16 : i32
      %mul3A_1319 = vector.broadcast %mul3A_1318 : i32 to vector<16xi32>
      %mul3A_1320 = arith.muli %get3A_1260, %mul3A_1319 : vector<16xi32>
      %add3A_1321 = arith.addi %mul3A_1320, %iota3A : vector<16xi32>
      tpu.vector_store_idx %arg11[%add3A_1272], %mul3A_1268 {add = true} : memref<304xf32, #tpu.memory_space<vmem>>[vector<16xi32>], vector<16xf32>,
      tpu.vector_store_idx %arg15[%add3A_1272], %broadcast_in_dim3A_401 {add = true} : memref<304xf32, #tpu.memory_space<vmem>>[vector<16xi32>], vector<16xf32>,
      tpu.vector_store_idx %arg12[%add3A_1279], %mul3A_1275 {add = true} : memref<304xf32, #tpu.memory_space<vmem>>[vector<16xi32>], vector<16xf32>,
      tpu.vector_store_idx %arg16[%add3A_1279], %broadcast_in_dim3A_401 {add = true} : memref<304xf32, #tpu.memory_space<vmem>>[vector<16xi32>], vector<16xf32>,
      tpu.vector_store_idx %arg13[%add3A_1286], %mul3A_1282 {add = true} : memref<304xf32, #tpu.memory_space<vmem>>[vector<16xi32>], vector<16xf32>,
      tpu.vector_store_idx %arg17[%add3A_1286], %broadcast_in_dim3A_401 {add = true} : memref<304xf32, #tpu.memory_space<vmem>>[vector<16xi32>], vector<16xf32>,
      tpu.vector_store_idx %arg14[%add3A_1293], %mul3A_1289 {add = true} : memref<304xf32, #tpu.memory_space<vmem>>[vector<16xi32>], vector<16xf32>,
      tpu.vector_store_idx %arg18[%add3A_1293], %broadcast_in_dim3A_401 {add = true} : memref<304xf32, #tpu.memory_space<vmem>>[vector<16xi32>], vector<16xf32>,
      tpu.vector_store_idx %arg11[%add3A_1300], %mul3A_1296 {add = true} : memref<304xf32, #tpu.memory_space<vmem>>[vector<16xi32>], vector<16xf32>,
      tpu.vector_store_idx %arg15[%add3A_1300], %broadcast_in_dim3A_401 {add = true} : memref<304xf32, #tpu.memory_space<vmem>>[vector<16xi32>], vector<16xf32>,
      tpu.vector_store_idx %arg12[%add3A_1307], %mul3A_1303 {add = true} : memref<304xf32, #tpu.memory_space<vmem>>[vector<16xi32>], vector<16xf32>,
      tpu.vector_store_idx %arg16[%add3A_1307], %broadcast_in_dim3A_401 {add = true} : memref<304xf32, #tpu.memory_space<vmem>>[vector<16xi32>], vector<16xf32>,
      tpu.vector_store_idx %arg13[%add3A_1314], %mul3A_1310 {add = true} : memref<304xf32, #tpu.memory_space<vmem>>[vector<16xi32>], vector<16xf32>,
      tpu.vector_store_idx %arg17[%add3A_1314], %broadcast_in_dim3A_401 {add = true} : memref<304xf32, #tpu.memory_space<vmem>>[vector<16xi32>], vector<16xf32>,
      tpu.vector_store_idx %arg14[%add3A_1321], %mul3A_1317 {add = true} : memref<304xf32, #tpu.memory_space<vmem>>[vector<16xi32>], vector<16xf32>,
      tpu.vector_store_idx %arg18[%add3A_1321], %broadcast_in_dim3A_401 {add = true} : memref<304xf32, #tpu.memory_space<vmem>>[vector<16xi32>], vector<16xf32>,
      %get3A_1322 = arith.constant 1 : i32
      %get3A_1323 = arith.index_cast %get3A_1322 : i32 to index
      %get3A_1324 = arith.index_cast %scan3A_1050 : i32 to index
      %get3A_1325 = arith.constant 256 : index
      %get3A_1326 = tpu.vector_load %arg6[%get3A_1323, %get3A_1324, %get3A_1325] {strides = array<i32>} : memref<2x16x512xi32, #tpu.memory_space<vmem>>, vector<16xi32>,
      %get3A_1327 = arith.constant 1 : i32
      %get3A_1328 = arith.index_cast %get3A_1327 : i32 to index
      %get3A_1329 = arith.index_cast %scan3A_1050 : i32 to index
      %get3A_1330 = arith.constant 256 : index
      %get3A_1331 = tpu.vector_load %arg5[%get3A_1328, %get3A_1329, %get3A_1330] {strides = array<i32>} : memref<2x16x512xf32, #tpu.memory_space<vmem>>, vector<16xf32>,
      %get3A_1332 = arith.constant 1 : i32
      %get3A_1333 = arith.index_cast %get3A_1332 : i32 to index
      %get3A_1334 = arith.index_cast %scan3A_1050 : i32 to index
      %get3A_1335 = arith.constant 272 : index
      %get3A_1336 = tpu.vector_load %arg6[%get3A_1333, %get3A_1334, %get3A_1335] {strides = array<i32>} : memref<2x16x512xi32, #tpu.memory_space<vmem>>, vector<16xi32>,
      %get3A_1337 = arith.constant 1 : i32
      %get3A_1338 = arith.index_cast %get3A_1337 : i32 to index
      %get3A_1339 = arith.index_cast %scan3A_1050 : i32 to index
      %get3A_1340 = arith.constant 272 : index
      %get3A_1341 = tpu.vector_load %arg5[%get3A_1338, %get3A_1339, %get3A_1340] {strides = array<i32>} : memref<2x16x512xf32, #tpu.memory_space<vmem>>, vector<16xf32>,
      %get3A_1342 = arith.constant 1 : i32
      %get3A_1343 = arith.index_cast %get3A_1342 : i32 to index
      %get3A_1344 = arith.index_cast %scan3A_1050 : i32 to index
      %get3A_1345 = arith.constant 288 : index
      %get3A_1346 = tpu.vector_load %arg6[%get3A_1343, %get3A_1344, %get3A_1345] {strides = array<i32>} : memref<2x16x512xi32, #tpu.memory_space<vmem>>, vector<16xi32>,
      %get3A_1347 = arith.constant 1 : i32
      %get3A_1348 = arith.index_cast %get3A_1347 : i32 to index
      %get3A_1349 = arith.index_cast %scan3A_1050 : i32 to index
      %get3A_1350 = arith.constant 288 : index
      %get3A_1351 = tpu.vector_load %arg5[%get3A_1348, %get3A_1349, %get3A_1350] {strides = array<i32>} : memref<2x16x512xf32, #tpu.memory_space<vmem>>, vector<16xf32>,
      %get3A_1352 = arith.constant 1 : i32
      %get3A_1353 = arith.index_cast %get3A_1352 : i32 to index
      %get3A_1354 = arith.index_cast %scan3A_1050 : i32 to index
      %get3A_1355 = arith.constant 304 : index
      %get3A_1356 = tpu.vector_load %arg6[%get3A_1353, %get3A_1354, %get3A_1355] {strides = array<i32>} : memref<2x16x512xi32, #tpu.memory_space<vmem>>, vector<16xi32>,
      %get3A_1357 = arith.constant 1 : i32
      %get3A_1358 = arith.index_cast %get3A_1357 : i32 to index
      %get3A_1359 = arith.index_cast %scan3A_1050 : i32 to index
      %get3A_1360 = arith.constant 304 : index
      %get3A_1361 = tpu.vector_load %arg5[%get3A_1358, %get3A_1359, %get3A_1360] {strides = array<i32>} : memref<2x16x512xf32, #tpu.memory_space<vmem>>, vector<16xf32>,
      %get3A_1362 = arith.constant 1 : i32
      %get3A_1363 = arith.index_cast %get3A_1362 : i32 to index
      %get3A_1364 = arith.index_cast %scan3A_1050 : i32 to index
      %get3A_1365 = arith.constant 320 : index
      %get3A_1366 = tpu.vector_load %arg6[%get3A_1363, %get3A_1364, %get3A_1365] {strides = array<i32>} : memref<2x16x512xi32, #tpu.memory_space<vmem>>, vector<16xi32>,
      %get3A_1367 = arith.constant 1 : i32
      %get3A_1368 = arith.index_cast %get3A_1367 : i32 to index
      %get3A_1369 = arith.index_cast %scan3A_1050 : i32 to index
      %get3A_1370 = arith.constant 320 : index
      %get3A_1371 = tpu.vector_load %arg5[%get3A_1368, %get3A_1369, %get3A_1370] {strides = array<i32>} : memref<2x16x512xf32, #tpu.memory_space<vmem>>, vector<16xf32>,
      %get3A_1372 = arith.constant 1 : i32
      %get3A_1373 = arith.index_cast %get3A_1372 : i32 to index
      %get3A_1374 = arith.index_cast %scan3A_1050 : i32 to index
      %get3A_1375 = arith.constant 336 : index
      %get3A_1376 = tpu.vector_load %arg6[%get3A_1373, %get3A_1374, %get3A_1375] {strides = array<i32>} : memref<2x16x512xi32, #tpu.memory_space<vmem>>, vector<16xi32>,
      %get3A_1377 = arith.constant 1 : i32
      %get3A_1378 = arith.index_cast %get3A_1377 : i32 to index
      %get3A_1379 = arith.index_cast %scan3A_1050 : i32 to index
      %get3A_1380 = arith.constant 336 : index
      %get3A_1381 = tpu.vector_load %arg5[%get3A_1378, %get3A_1379, %get3A_1380] {strides = array<i32>} : memref<2x16x512xf32, #tpu.memory_space<vmem>>, vector<16xf32>,
      %get3A_1382 = arith.constant 1 : i32
      %get3A_1383 = arith.index_cast %get3A_1382 : i32 to index
      %get3A_1384 = arith.index_cast %scan3A_1050 : i32 to index
      %get3A_1385 = arith.constant 352 : index
      %get3A_1386 = tpu.vector_load %arg6[%get3A_1383, %get3A_1384, %get3A_1385] {strides = array<i32>} : memref<2x16x512xi32, #tpu.memory_space<vmem>>, vector<16xi32>,
      %get3A_1387 = arith.constant 1 : i32
      %get3A_1388 = arith.index_cast %get3A_1387 : i32 to index
      %get3A_1389 = arith.index_cast %scan3A_1050 : i32 to index
      %get3A_1390 = arith.constant 352 : index
      %get3A_1391 = tpu.vector_load %arg5[%get3A_1388, %get3A_1389, %get3A_1390] {strides = array<i32>} : memref<2x16x512xf32, #tpu.memory_space<vmem>>, vector<16xf32>,
      %get3A_1392 = arith.constant 1 : i32
      %get3A_1393 = arith.index_cast %get3A_1392 : i32 to index
      %get3A_1394 = arith.index_cast %scan3A_1050 : i32 to index
      %get3A_1395 = arith.constant 368 : index
      %get3A_1396 = tpu.vector_load %arg6[%get3A_1393, %get3A_1394, %get3A_1395] {strides = array<i32>} : memref<2x16x512xi32, #tpu.memory_space<vmem>>, vector<16xi32>,
      %get3A_1397 = arith.constant 1 : i32
      %get3A_1398 = arith.index_cast %get3A_1397 : i32 to index
      %get3A_1399 = arith.index_cast %scan3A_1050 : i32 to index
      %get3A_1400 = arith.constant 368 : index
      %get3A_1401 = tpu.vector_load %arg5[%get3A_1398, %get3A_1399, %get3A_1400] {strides = array<i32>} : memref<2x16x512xf32, #tpu.memory_space<vmem>>, vector<16xf32>,
      %convert_element_type3A_1402 = arith.sitofp %get3A_1326 : vector<16xi32> to vector<16xf32>
      %sub3A_1403 = arith.subf %convert_element_type3A_1402, %get3A_1331 : vector<16xf32>
      %mul3A_1404 = arith.mulf %sub3A_1403, %sub3A_1403 : vector<16xf32>
      %mul3A_1405 = arith.constant 16 : i32
      %mul3A_1406 = vector.broadcast %mul3A_1405 : i32 to vector<16xi32>
      %mul3A_1407 = arith.muli %get3A_1326, %mul3A_1406 : vector<16xi32>
      %add3A_1408 = arith.addi %mul3A_1407, %iota3A : vector<16xi32>
      %convert_element_type3A_1409 = arith.sitofp %get3A_1336 : vector<16xi32> to vector<16xf32>
      %sub3A_1410 = arith.subf %convert_element_type3A_1409, %get3A_1341 : vector<16xf32>
      %mul3A_1411 = arith.mulf %sub3A_1410, %sub3A_1410 : vector<16xf32>
      %mul3A_1412 = arith.constant 16 : i32
      %mul3A_1413 = vector.broadcast %mul3A_1412 : i32 to vector<16xi32>
      %mul3A_1414 = arith.muli %get3A_1336, %mul3A_1413 : vector<16xi32>
      %add3A_1415 = arith.addi %mul3A_1414, %iota3A : vector<16xi32>
      %convert_element_type3A_1416 = arith.sitofp %get3A_1346 : vector<16xi32> to vector<16xf32>
      %sub3A_1417 = arith.subf %convert_element_type3A_1416, %get3A_1351 : vector<16xf32>
      %mul3A_1418 = arith.mulf %sub3A_1417, %sub3A_1417 : vector<16xf32>
      %mul3A_1419 = arith.constant 16 : i32
      %mul3A_1420 = vector.broadcast %mul3A_1419 : i32 to vector<16xi32>
      %mul3A_1421 = arith.muli %get3A_1346, %mul3A_1420 : vector<16xi32>
      %add3A_1422 = arith.addi %mul3A_1421, %iota3A : vector<16xi32>
      %convert_element_type3A_1423 = arith.sitofp %get3A_1356 : vector<16xi32> to vector<16xf32>
      %sub3A_1424 = arith.subf %convert_element_type3A_1423, %get3A_1361 : vector<16xf32>
      %mul3A_1425 = arith.mulf %sub3A_1424, %sub3A_1424 : vector<16xf32>
      %mul3A_1426 = arith.constant 16 : i32
      %mul3A_1427 = vector.broadcast %mul3A_1426 : i32 to vector<16xi32>
      %mul3A_1428 = arith.muli %get3A_1356, %mul3A_1427 : vector<16xi32>
      %add3A_1429 = arith.addi %mul3A_1428, %iota3A : vector<16xi32>
      %convert_element_type3A_1430 = arith.sitofp %get3A_1366 : vector<16xi32> to vector<16xf32>
      %sub3A_1431 = arith.subf %convert_element_type3A_1430, %get3A_1371 : vector<16xf32>
      %mul3A_1432 = arith.mulf %sub3A_1431, %sub3A_1431 : vector<16xf32>
      %mul3A_1433 = arith.constant 16 : i32
      %mul3A_1434 = vector.broadcast %mul3A_1433 : i32 to vector<16xi32>
      %mul3A_1435 = arith.muli %get3A_1366, %mul3A_1434 : vector<16xi32>
      %add3A_1436 = arith.addi %mul3A_1435, %iota3A : vector<16xi32>
      %convert_element_type3A_1437 = arith.sitofp %get3A_1376 : vector<16xi32> to vector<16xf32>
      %sub3A_1438 = arith.subf %convert_element_type3A_1437, %get3A_1381 : vector<16xf32>
      %mul3A_1439 = arith.mulf %sub3A_1438, %sub3A_1438 : vector<16xf32>
      %mul3A_1440 = arith.constant 16 : i32
      %mul3A_1441 = vector.broadcast %mul3A_1440 : i32 to vector<16xi32>
      %mul3A_1442 = arith.muli %get3A_1376, %mul3A_1441 : vector<16xi32>
      %add3A_1443 = arith.addi %mul3A_1442, %iota3A : vector<16xi32>
      %convert_element_type3A_1444 = arith.sitofp %get3A_1386 : vector<16xi32> to vector<16xf32>
      %sub3A_1445 = arith.subf %convert_element_type3A_1444, %get3A_1391 : vector<16xf32>
      %mul3A_1446 = arith.mulf %sub3A_1445, %sub3A_1445 : vector<16xf32>
      %mul3A_1447 = arith.constant 16 : i32
      %mul3A_1448 = vector.broadcast %mul3A_1447 : i32 to vector<16xi32>
      %mul3A_1449 = arith.muli %get3A_1386, %mul3A_1448 : vector<16xi32>
      %add3A_1450 = arith.addi %mul3A_1449, %iota3A : vector<16xi32>
      %convert_element_type3A_1451 = arith.sitofp %get3A_1396 : vector<16xi32> to vector<16xf32>
      %sub3A_1452 = arith.subf %convert_element_type3A_1451, %get3A_1401 : vector<16xf32>
      %mul3A_1453 = arith.mulf %sub3A_1452, %sub3A_1452 : vector<16xf32>
      %mul3A_1454 = arith.constant 16 : i32
      %mul3A_1455 = vector.broadcast %mul3A_1454 : i32 to vector<16xi32>
      %mul3A_1456 = arith.muli %get3A_1396, %mul3A_1455 : vector<16xi32>
      %add3A_1457 = arith.addi %mul3A_1456, %iota3A : vector<16xi32>
      tpu.vector_store_idx %arg11[%add3A_1408], %mul3A_1404 {add = true} : memref<304xf32, #tpu.memory_space<vmem>>[vector<16xi32>], vector<16xf32>,
      tpu.vector_store_idx %arg15[%add3A_1408], %broadcast_in_dim3A_401 {add = true} : memref<304xf32, #tpu.memory_space<vmem>>[vector<16xi32>], vector<16xf32>,
      tpu.vector_store_idx %arg12[%add3A_1415], %mul3A_1411 {add = true} : memref<304xf32, #tpu.memory_space<vmem>>[vector<16xi32>], vector<16xf32>,
      tpu.vector_store_idx %arg16[%add3A_1415], %broadcast_in_dim3A_401 {add = true} : memref<304xf32, #tpu.memory_space<vmem>>[vector<16xi32>], vector<16xf32>,
      tpu.vector_store_idx %arg13[%add3A_1422], %mul3A_1418 {add = true} : memref<304xf32, #tpu.memory_space<vmem>>[vector<16xi32>], vector<16xf32>,
      tpu.vector_store_idx %arg17[%add3A_1422], %broadcast_in_dim3A_401 {add = true} : memref<304xf32, #tpu.memory_space<vmem>>[vector<16xi32>], vector<16xf32>,
      tpu.vector_store_idx %arg14[%add3A_1429], %mul3A_1425 {add = true} : memref<304xf32, #tpu.memory_space<vmem>>[vector<16xi32>], vector<16xf32>,
      tpu.vector_store_idx %arg18[%add3A_1429], %broadcast_in_dim3A_401 {add = true} : memref<304xf32, #tpu.memory_space<vmem>>[vector<16xi32>], vector<16xf32>,
      tpu.vector_store_idx %arg11[%add3A_1436], %mul3A_1432 {add = true} : memref<304xf32, #tpu.memory_space<vmem>>[vector<16xi32>], vector<16xf32>,
      tpu.vector_store_idx %arg15[%add3A_1436], %broadcast_in_dim3A_401 {add = true} : memref<304xf32, #tpu.memory_space<vmem>>[vector<16xi32>], vector<16xf32>,
      tpu.vector_store_idx %arg12[%add3A_1443], %mul3A_1439 {add = true} : memref<304xf32, #tpu.memory_space<vmem>>[vector<16xi32>], vector<16xf32>,
      tpu.vector_store_idx %arg16[%add3A_1443], %broadcast_in_dim3A_401 {add = true} : memref<304xf32, #tpu.memory_space<vmem>>[vector<16xi32>], vector<16xf32>,
      tpu.vector_store_idx %arg13[%add3A_1450], %mul3A_1446 {add = true} : memref<304xf32, #tpu.memory_space<vmem>>[vector<16xi32>], vector<16xf32>,
      tpu.vector_store_idx %arg17[%add3A_1450], %broadcast_in_dim3A_401 {add = true} : memref<304xf32, #tpu.memory_space<vmem>>[vector<16xi32>], vector<16xf32>,
      tpu.vector_store_idx %arg14[%add3A_1457], %mul3A_1453 {add = true} : memref<304xf32, #tpu.memory_space<vmem>>[vector<16xi32>], vector<16xf32>,
      tpu.vector_store_idx %arg18[%add3A_1457], %broadcast_in_dim3A_401 {add = true} : memref<304xf32, #tpu.memory_space<vmem>>[vector<16xi32>], vector<16xf32>,
      %get3A_1458 = arith.constant 1 : i32
      %get3A_1459 = arith.index_cast %get3A_1458 : i32 to index
      %get3A_1460 = arith.index_cast %scan3A_1050 : i32 to index
      %get3A_1461 = arith.constant 384 : index
      %get3A_1462 = tpu.vector_load %arg6[%get3A_1459, %get3A_1460, %get3A_1461] {strides = array<i32>} : memref<2x16x512xi32, #tpu.memory_space<vmem>>, vector<16xi32>,
      %get3A_1463 = arith.constant 1 : i32
      %get3A_1464 = arith.index_cast %get3A_1463 : i32 to index
      %get3A_1465 = arith.index_cast %scan3A_1050 : i32 to index
      %get3A_1466 = arith.constant 384 : index
      %get3A_1467 = tpu.vector_load %arg5[%get3A_1464, %get3A_1465, %get3A_1466] {strides = array<i32>} : memref<2x16x512xf32, #tpu.memory_space<vmem>>, vector<16xf32>,
      %get3A_1468 = arith.constant 1 : i32
      %get3A_1469 = arith.index_cast %get3A_1468 : i32 to index
      %get3A_1470 = arith.index_cast %scan3A_1050 : i32 to index
      %get3A_1471 = arith.constant 400 : index
      %get3A_1472 = tpu.vector_load %arg6[%get3A_1469, %get3A_1470, %get3A_1471] {strides = array<i32>} : memref<2x16x512xi32, #tpu.memory_space<vmem>>, vector<16xi32>,
      %get3A_1473 = arith.constant 1 : i32
      %get3A_1474 = arith.index_cast %get3A_1473 : i32 to index
      %get3A_1475 = arith.index_cast %scan3A_1050 : i32 to index
      %get3A_1476 = arith.constant 400 : index
      %get3A_1477 = tpu.vector_load %arg5[%get3A_1474, %get3A_1475, %get3A_1476] {strides = array<i32>} : memref<2x16x512xf32, #tpu.memory_space<vmem>>, vector<16xf32>,
      %get3A_1478 = arith.constant 1 : i32
      %get3A_1479 = arith.index_cast %get3A_1478 : i32 to index
      %get3A_1480 = arith.index_cast %scan3A_1050 : i32 to index
      %get3A_1481 = arith.constant 416 : index
      %get3A_1482 = tpu.vector_load %arg6[%get3A_1479, %get3A_1480, %get3A_1481] {strides = array<i32>} : memref<2x16x512xi32, #tpu.memory_space<vmem>>, vector<16xi32>,
      %get3A_1483 = arith.constant 1 : i32
      %get3A_1484 = arith.index_cast %get3A_1483 : i32 to index
      %get3A_1485 = arith.index_cast %scan3A_1050 : i32 to index
      %get3A_1486 = arith.constant 416 : index
      %get3A_1487 = tpu.vector_load %arg5[%get3A_1484, %get3A_1485, %get3A_1486] {strides = array<i32>} : memref<2x16x512xf32, #tpu.memory_space<vmem>>, vector<16xf32>,
      %get3A_1488 = arith.constant 1 : i32
      %get3A_1489 = arith.index_cast %get3A_1488 : i32 to index
      %get3A_1490 = arith.index_cast %scan3A_1050 : i32 to index
      %get3A_1491 = arith.constant 432 : index
      %get3A_1492 = tpu.vector_load %arg6[%get3A_1489, %get3A_1490, %get3A_1491] {strides = array<i32>} : memref<2x16x512xi32, #tpu.memory_space<vmem>>, vector<16xi32>,
      %get3A_1493 = arith.constant 1 : i32
      %get3A_1494 = arith.index_cast %get3A_1493 : i32 to index
      %get3A_1495 = arith.index_cast %scan3A_1050 : i32 to index
      %get3A_1496 = arith.constant 432 : index
      %get3A_1497 = tpu.vector_load %arg5[%get3A_1494, %get3A_1495, %get3A_1496] {strides = array<i32>} : memref<2x16x512xf32, #tpu.memory_space<vmem>>, vector<16xf32>,
      %get3A_1498 = arith.constant 1 : i32
      %get3A_1499 = arith.index_cast %get3A_1498 : i32 to index
      %get3A_1500 = arith.index_cast %scan3A_1050 : i32 to index
      %get3A_1501 = arith.constant 448 : index
      %get3A_1502 = tpu.vector_load %arg6[%get3A_1499, %get3A_1500, %get3A_1501] {strides = array<i32>} : memref<2x16x512xi32, #tpu.memory_space<vmem>>, vector<16xi32>,
      %get3A_1503 = arith.constant 1 : i32
      %get3A_1504 = arith.index_cast %get3A_1503 : i32 to index
      %get3A_1505 = arith.index_cast %scan3A_1050 : i32 to index
      %get3A_1506 = arith.constant 448 : index
      %get3A_1507 = tpu.vector_load %arg5[%get3A_1504, %get3A_1505, %get3A_1506] {strides = array<i32>} : memref<2x16x512xf32, #tpu.memory_space<vmem>>, vector<16xf32>,
      %get3A_1508 = arith.constant 1 : i32
      %get3A_1509 = arith.index_cast %get3A_1508 : i32 to index
      %get3A_1510 = arith.index_cast %scan3A_1050 : i32 to index
      %get3A_1511 = arith.constant 464 : index
      %get3A_1512 = tpu.vector_load %arg6[%get3A_1509, %get3A_1510, %get3A_1511] {strides = array<i32>} : memref<2x16x512xi32, #tpu.memory_space<vmem>>, vector<16xi32>,
      %get3A_1513 = arith.constant 1 : i32
      %get3A_1514 = arith.index_cast %get3A_1513 : i32 to index
      %get3A_1515 = arith.index_cast %scan3A_1050 : i32 to index
      %get3A_1516 = arith.constant 464 : index
      %get3A_1517 = tpu.vector_load %arg5[%get3A_1514, %get3A_1515, %get3A_1516] {strides = array<i32>} : memref<2x16x512xf32, #tpu.memory_space<vmem>>, vector<16xf32>,
      %get3A_1518 = arith.constant 1 : i32
      %get3A_1519 = arith.index_cast %get3A_1518 : i32 to index
      %get3A_1520 = arith.index_cast %scan3A_1050 : i32 to index
      %get3A_1521 = arith.constant 480 : index
      %get3A_1522 = tpu.vector_load %arg6[%get3A_1519, %get3A_1520, %get3A_1521] {strides = array<i32>} : memref<2x16x512xi32, #tpu.memory_space<vmem>>, vector<16xi32>,
      %get3A_1523 = arith.constant 1 : i32
      %get3A_1524 = arith.index_cast %get3A_1523 : i32 to index
      %get3A_1525 = arith.index_cast %scan3A_1050 : i32 to index
      %get3A_1526 = arith.constant 480 : index
      %get3A_1527 = tpu.vector_load %arg5[%get3A_1524, %get3A_1525, %get3A_1526] {strides = array<i32>} : memref<2x16x512xf32, #tpu.memory_space<vmem>>, vector<16xf32>,
      %get3A_1528 = arith.constant 1 : i32
      %get3A_1529 = arith.index_cast %get3A_1528 : i32 to index
      %get3A_1530 = arith.index_cast %scan3A_1050 : i32 to index
      %get3A_1531 = arith.constant 496 : index
      %get3A_1532 = tpu.vector_load %arg6[%get3A_1529, %get3A_1530, %get3A_1531] {strides = array<i32>} : memref<2x16x512xi32, #tpu.memory_space<vmem>>, vector<16xi32>,
      %get3A_1533 = arith.constant 1 : i32
      %get3A_1534 = arith.index_cast %get3A_1533 : i32 to index
      %get3A_1535 = arith.index_cast %scan3A_1050 : i32 to index
      %get3A_1536 = arith.constant 496 : index
      %get3A_1537 = tpu.vector_load %arg5[%get3A_1534, %get3A_1535, %get3A_1536] {strides = array<i32>} : memref<2x16x512xf32, #tpu.memory_space<vmem>>, vector<16xf32>,
      %convert_element_type3A_1538 = arith.sitofp %get3A_1462 : vector<16xi32> to vector<16xf32>
      %sub3A_1539 = arith.subf %convert_element_type3A_1538, %get3A_1467 : vector<16xf32>
      %mul3A_1540 = arith.mulf %sub3A_1539, %sub3A_1539 : vector<16xf32>
      %mul3A_1541 = arith.constant 16 : i32
      %mul3A_1542 = vector.broadcast %mul3A_1541 : i32 to vector<16xi32>
      %mul3A_1543 = arith.muli %get3A_1462, %mul3A_1542 : vector<16xi32>
      %add3A_1544 = arith.addi %mul3A_1543, %iota3A : vector<16xi32>
      %convert_element_type3A_1545 = arith.sitofp %get3A_1472 : vector<16xi32> to vector<16xf32>
      %sub3A_1546 = arith.subf %convert_element_type3A_1545, %get3A_1477 : vector<16xf32>
      %mul3A_1547 = arith.mulf %sub3A_1546, %sub3A_1546 : vector<16xf32>
      %mul3A_1548 = arith.constant 16 : i32
      %mul3A_1549 = vector.broadcast %mul3A_1548 : i32 to vector<16xi32>
      %mul3A_1550 = arith.muli %get3A_1472, %mul3A_1549 : vector<16xi32>
      %add3A_1551 = arith.addi %mul3A_1550, %iota3A : vector<16xi32>
      %convert_element_type3A_1552 = arith.sitofp %get3A_1482 : vector<16xi32> to vector<16xf32>
      %sub3A_1553 = arith.subf %convert_element_type3A_1552, %get3A_1487 : vector<16xf32>
      %mul3A_1554 = arith.mulf %sub3A_1553, %sub3A_1553 : vector<16xf32>
      %mul3A_1555 = arith.constant 16 : i32
      %mul3A_1556 = vector.broadcast %mul3A_1555 : i32 to vector<16xi32>
      %mul3A_1557 = arith.muli %get3A_1482, %mul3A_1556 : vector<16xi32>
      %add3A_1558 = arith.addi %mul3A_1557, %iota3A : vector<16xi32>
      %convert_element_type3A_1559 = arith.sitofp %get3A_1492 : vector<16xi32> to vector<16xf32>
      %sub3A_1560 = arith.subf %convert_element_type3A_1559, %get3A_1497 : vector<16xf32>
      %mul3A_1561 = arith.mulf %sub3A_1560, %sub3A_1560 : vector<16xf32>
      %mul3A_1562 = arith.constant 16 : i32
      %mul3A_1563 = vector.broadcast %mul3A_1562 : i32 to vector<16xi32>
      %mul3A_1564 = arith.muli %get3A_1492, %mul3A_1563 : vector<16xi32>
      %add3A_1565 = arith.addi %mul3A_1564, %iota3A : vector<16xi32>
      %convert_element_type3A_1566 = arith.sitofp %get3A_1502 : vector<16xi32> to vector<16xf32>
      %sub3A_1567 = arith.subf %convert_element_type3A_1566, %get3A_1507 : vector<16xf32>
      %mul3A_1568 = arith.mulf %sub3A_1567, %sub3A_1567 : vector<16xf32>
      %mul3A_1569 = arith.constant 16 : i32
      %mul3A_1570 = vector.broadcast %mul3A_1569 : i32 to vector<16xi32>
      %mul3A_1571 = arith.muli %get3A_1502, %mul3A_1570 : vector<16xi32>
      %add3A_1572 = arith.addi %mul3A_1571, %iota3A : vector<16xi32>
      %convert_element_type3A_1573 = arith.sitofp %get3A_1512 : vector<16xi32> to vector<16xf32>
      %sub3A_1574 = arith.subf %convert_element_type3A_1573, %get3A_1517 : vector<16xf32>
      %mul3A_1575 = arith.mulf %sub3A_1574, %sub3A_1574 : vector<16xf32>
      %mul3A_1576 = arith.constant 16 : i32
      %mul3A_1577 = vector.broadcast %mul3A_1576 : i32 to vector<16xi32>
      %mul3A_1578 = arith.muli %get3A_1512, %mul3A_1577 : vector<16xi32>
      %add3A_1579 = arith.addi %mul3A_1578, %iota3A : vector<16xi32>
      %convert_element_type3A_1580 = arith.sitofp %get3A_1522 : vector<16xi32> to vector<16xf32>
      %sub3A_1581 = arith.subf %convert_element_type3A_1580, %get3A_1527 : vector<16xf32>
      %mul3A_1582 = arith.mulf %sub3A_1581, %sub3A_1581 : vector<16xf32>
      %mul3A_1583 = arith.constant 16 : i32
      %mul3A_1584 = vector.broadcast %mul3A_1583 : i32 to vector<16xi32>
      %mul3A_1585 = arith.muli %get3A_1522, %mul3A_1584 : vector<16xi32>
      %add3A_1586 = arith.addi %mul3A_1585, %iota3A : vector<16xi32>
      %convert_element_type3A_1587 = arith.sitofp %get3A_1532 : vector<16xi32> to vector<16xf32>
      %sub3A_1588 = arith.subf %convert_element_type3A_1587, %get3A_1537 : vector<16xf32>
      %mul3A_1589 = arith.mulf %sub3A_1588, %sub3A_1588 : vector<16xf32>
      %mul3A_1590 = arith.constant 16 : i32
      %mul3A_1591 = vector.broadcast %mul3A_1590 : i32 to vector<16xi32>
      %mul3A_1592 = arith.muli %get3A_1532, %mul3A_1591 : vector<16xi32>
      %add3A_1593 = arith.addi %mul3A_1592, %iota3A : vector<16xi32>
      tpu.vector_store_idx %arg11[%add3A_1544], %mul3A_1540 {add = true} : memref<304xf32, #tpu.memory_space<vmem>>[vector<16xi32>], vector<16xf32>,
      tpu.vector_store_idx %arg15[%add3A_1544], %broadcast_in_dim3A_401 {add = true} : memref<304xf32, #tpu.memory_space<vmem>>[vector<16xi32>], vector<16xf32>,
      tpu.vector_store_idx %arg12[%add3A_1551], %mul3A_1547 {add = true} : memref<304xf32, #tpu.memory_space<vmem>>[vector<16xi32>], vector<16xf32>,
      tpu.vector_store_idx %arg16[%add3A_1551], %broadcast_in_dim3A_401 {add = true} : memref<304xf32, #tpu.memory_space<vmem>>[vector<16xi32>], vector<16xf32>,
      tpu.vector_store_idx %arg13[%add3A_1558], %mul3A_1554 {add = true} : memref<304xf32, #tpu.memory_space<vmem>>[vector<16xi32>], vector<16xf32>,
      tpu.vector_store_idx %arg17[%add3A_1558], %broadcast_in_dim3A_401 {add = true} : memref<304xf32, #tpu.memory_space<vmem>>[vector<16xi32>], vector<16xf32>,
      tpu.vector_store_idx %arg14[%add3A_1565], %mul3A_1561 {add = true} : memref<304xf32, #tpu.memory_space<vmem>>[vector<16xi32>], vector<16xf32>,
      tpu.vector_store_idx %arg18[%add3A_1565], %broadcast_in_dim3A_401 {add = true} : memref<304xf32, #tpu.memory_space<vmem>>[vector<16xi32>], vector<16xf32>,
      tpu.vector_store_idx %arg11[%add3A_1572], %mul3A_1568 {add = true} : memref<304xf32, #tpu.memory_space<vmem>>[vector<16xi32>], vector<16xf32>,
      tpu.vector_store_idx %arg15[%add3A_1572], %broadcast_in_dim3A_401 {add = true} : memref<304xf32, #tpu.memory_space<vmem>>[vector<16xi32>], vector<16xf32>,
      tpu.vector_store_idx %arg12[%add3A_1579], %mul3A_1575 {add = true} : memref<304xf32, #tpu.memory_space<vmem>>[vector<16xi32>], vector<16xf32>,
      tpu.vector_store_idx %arg16[%add3A_1579], %broadcast_in_dim3A_401 {add = true} : memref<304xf32, #tpu.memory_space<vmem>>[vector<16xi32>], vector<16xf32>,
      tpu.vector_store_idx %arg13[%add3A_1586], %mul3A_1582 {add = true} : memref<304xf32, #tpu.memory_space<vmem>>[vector<16xi32>], vector<16xf32>,
      tpu.vector_store_idx %arg17[%add3A_1586], %broadcast_in_dim3A_401 {add = true} : memref<304xf32, #tpu.memory_space<vmem>>[vector<16xi32>], vector<16xf32>,
      tpu.vector_store_idx %arg14[%add3A_1593], %mul3A_1589 {add = true} : memref<304xf32, #tpu.memory_space<vmem>>[vector<16xi32>], vector<16xf32>,
      tpu.vector_store_idx %arg18[%add3A_1593], %broadcast_in_dim3A_401 {add = true} : memref<304xf32, #tpu.memory_space<vmem>>[vector<16xi32>], vector<16xf32>,
    }
    %scan3A_527 = arith.constant 16 : i32
    %dma_wait3A_528 = arith.constant 2 : i32
    %dma_wait3A_529 = arith.constant 0 : i32
    %dma_wait3A_530 = arith.constant 2 : i32
    %dma_wait3A_531 = arith.constant 0 : i32
    %dma_wait3A_532 = tpu.memref_slice %arg2[%dma_wait3A_528, %dma_wait3A_529, %mul3A_73, %dma_wait3A_531] : memref<4x1x512x512xf32, #tpu.memory_space<hbm>> -> memref<1x1x8x512xf32, #tpu.memory_space<hbm>>
    %dma_wait3A_533 = tpu.memref_squeeze %dma_wait3A_532 : memref<1x1x8x512xf32, #tpu.memory_space<hbm>> -> memref<8x512xf32, #tpu.memory_space<hbm>>
    %dma_wait3A_534 = tpu.memref_slice %arg9[%dma_wait3A_530] : memref<3x!tpu.dma_semaphore, #tpu.memory_space<semaphore_mem>> -> memref<1x!tpu.dma_semaphore, #tpu.memory_space<semaphore_mem>>
    %dma_wait3A_535 = tpu.memref_squeeze %dma_wait3A_534 : memref<1x!tpu.dma_semaphore, #tpu.memory_space<semaphore_mem>> -> memref<!tpu.dma_semaphore, #tpu.memory_space<semaphore_mem>>
    %dma_wait3A_536 = arith.constant 0 : i32
    %dma_wait3A_537 = tpu.memref_slice %arg2[%dma_wait3A_528, %dma_wait3A_529, %mul3A_73, %dma_wait3A_536] : memref<4x1x512x512xf32, #tpu.memory_space<hbm>> -> memref<1x1x8x512xf32, #tpu.memory_space<hbm>>
    %dma_wait3A_538 = tpu.memref_squeeze %dma_wait3A_537 : memref<1x1x8x512xf32, #tpu.memory_space<hbm>> -> memref<8x512xf32, #tpu.memory_space<hbm>>
    tpu.wait_dma2 semaphore(%dma_wait3A_535 : memref<!tpu.dma_semaphore, #tpu.memory_space<semaphore_mem>>) src(%dma_wait3A_538 : memref<8x512xf32, #tpu.memory_space<hbm>>) dst(%arg7 : memref<8x512xf32, #tpu.memory_space<vmem>>)
    %dma_wait3A_539 = arith.constant 2 : i32
    %dma_wait3A_540 = arith.constant 0 : i32
    %dma_wait3A_541 = arith.constant 2 : i32
    %dma_wait3A_542 = arith.constant 0 : i32
    %dma_wait3A_543 = tpu.memref_slice %arg3[%dma_wait3A_539, %dma_wait3A_540, %mul3A_73, %dma_wait3A_542] : memref<4x1x512x512xi32, #tpu.memory_space<hbm>> -> memref<1x1x8x512xi32, #tpu.memory_space<hbm>>
    %dma_wait3A_544 = tpu.memref_squeeze %dma_wait3A_543 : memref<1x1x8x512xi32, #tpu.memory_space<hbm>> -> memref<8x512xi32, #tpu.memory_space<hbm>>
    %dma_wait3A_545 = tpu.memref_slice %arg10[%dma_wait3A_541] : memref<3x!tpu.dma_semaphore, #tpu.memory_space<semaphore_mem>> -> memref<1x!tpu.dma_semaphore, #tpu.memory_space<semaphore_mem>>
    %dma_wait3A_546 = tpu.memref_squeeze %dma_wait3A_545 : memref<1x!tpu.dma_semaphore, #tpu.memory_space<semaphore_mem>> -> memref<!tpu.dma_semaphore, #tpu.memory_space<semaphore_mem>>
    %dma_wait3A_547 = arith.constant 0 : i32
    %dma_wait3A_548 = tpu.memref_slice %arg3[%dma_wait3A_539, %dma_wait3A_540, %mul3A_73, %dma_wait3A_547] : memref<4x1x512x512xi32, #tpu.memory_space<hbm>> -> memref<1x1x8x512xi32, #tpu.memory_space<hbm>>
    %dma_wait3A_549 = tpu.memref_squeeze %dma_wait3A_548 : memref<1x1x8x512xi32, #tpu.memory_space<hbm>> -> memref<8x512xi32, #tpu.memory_space<hbm>>
    tpu.wait_dma2 semaphore(%dma_wait3A_546 : memref<!tpu.dma_semaphore, #tpu.memory_space<semaphore_mem>>) src(%dma_wait3A_549 : memref<8x512xi32, #tpu.memory_space<hbm>>) dst(%arg8 : memref<8x512xi32, #tpu.memory_space<vmem>>)
    %scan3A_550 = arith.constant 0 : i32
    %scan3A_551 = arith.constant 0 : i32
    %scan3A_552 = arith.constant 8 : i32
    %scan3A_553 = arith.addi %scan3A_551, %scan3A_552 : i32
    %scan3A_554 = arith.constant 1 : i32
    scf.for %scan3A_1050 = %scan3A_551 to %scan3A_553 step %scan3A_554  : i32 {
      %get3A_1051 = arith.index_cast %scan3A_1050 : i32 to index
      %get3A_1052 = arith.constant 0 : index
      %get3A_1053 = tpu.vector_load %arg8[%get3A_1051, %get3A_1052] {strides = array<i32>} : memref<8x512xi32, #tpu.memory_space<vmem>>, vector<16xi32>,
      %get3A_1054 = arith.index_cast %scan3A_1050 : i32 to index
      %get3A_1055 = arith.constant 0 : index
      %get3A_1056 = tpu.vector_load %arg7[%get3A_1054, %get3A_1055] {strides = array<i32>} : memref<8x512xf32, #tpu.memory_space<vmem>>, vector<16xf32>,
      %get3A_1057 = arith.index_cast %scan3A_1050 : i32 to index
      %get3A_1058 = arith.constant 16 : index
      %get3A_1059 = tpu.vector_load %arg8[%get3A_1057, %get3A_1058] {strides = array<i32>} : memref<8x512xi32, #tpu.memory_space<vmem>>, vector<16xi32>,
      %get3A_1060 = arith.index_cast %scan3A_1050 : i32 to index
      %get3A_1061 = arith.constant 16 : index
      %get3A_1062 = tpu.vector_load %arg7[%get3A_1060, %get3A_1061] {strides = array<i32>} : memref<8x512xf32, #tpu.memory_space<vmem>>, vector<16xf32>,
      %get3A_1063 = arith.index_cast %scan3A_1050 : i32 to index
      %get3A_1064 = arith.constant 32 : index
      %get3A_1065 = tpu.vector_load %arg8[%get3A_1063, %get3A_1064] {strides = array<i32>} : memref<8x512xi32, #tpu.memory_space<vmem>>, vector<16xi32>,
      %get3A_1066 = arith.index_cast %scan3A_1050 : i32 to index
      %get3A_1067 = arith.constant 32 : index
      %get3A_1068 = tpu.vector_load %arg7[%get3A_1066, %get3A_1067] {strides = array<i32>} : memref<8x512xf32, #tpu.memory_space<vmem>>, vector<16xf32>,
      %get3A_1069 = arith.index_cast %scan3A_1050 : i32 to index
      %get3A_1070 = arith.constant 48 : index
      %get3A_1071 = tpu.vector_load %arg8[%get3A_1069, %get3A_1070] {strides = array<i32>} : memref<8x512xi32, #tpu.memory_space<vmem>>, vector<16xi32>,
      %get3A_1072 = arith.index_cast %scan3A_1050 : i32 to index
      %get3A_1073 = arith.constant 48 : index
      %get3A_1074 = tpu.vector_load %arg7[%get3A_1072, %get3A_1073] {strides = array<i32>} : memref<8x512xf32, #tpu.memory_space<vmem>>, vector<16xf32>,
      %get3A_1075 = arith.index_cast %scan3A_1050 : i32 to index
      %get3A_1076 = arith.constant 64 : index
      %get3A_1077 = tpu.vector_load %arg8[%get3A_1075, %get3A_1076] {strides = array<i32>} : memref<8x512xi32, #tpu.memory_space<vmem>>, vector<16xi32>,
      %get3A_1078 = arith.index_cast %scan3A_1050 : i32 to index
      %get3A_1079 = arith.constant 64 : index
      %get3A_1080 = tpu.vector_load %arg7[%get3A_1078, %get3A_1079] {strides = array<i32>} : memref<8x512xf32, #tpu.memory_space<vmem>>, vector<16xf32>,
      %get3A_1081 = arith.index_cast %scan3A_1050 : i32 to index
      %get3A_1082 = arith.constant 80 : index
      %get3A_1083 = tpu.vector_load %arg8[%get3A_1081, %get3A_1082] {strides = array<i32>} : memref<8x512xi32, #tpu.memory_space<vmem>>, vector<16xi32>,
      %get3A_1084 = arith.index_cast %scan3A_1050 : i32 to index
      %get3A_1085 = arith.constant 80 : index
      %get3A_1086 = tpu.vector_load %arg7[%get3A_1084, %get3A_1085] {strides = array<i32>} : memref<8x512xf32, #tpu.memory_space<vmem>>, vector<16xf32>,
      %get3A_1087 = arith.index_cast %scan3A_1050 : i32 to index
      %get3A_1088 = arith.constant 96 : index
      %get3A_1089 = tpu.vector_load %arg8[%get3A_1087, %get3A_1088] {strides = array<i32>} : memref<8x512xi32, #tpu.memory_space<vmem>>, vector<16xi32>,
      %get3A_1090 = arith.index_cast %scan3A_1050 : i32 to index
      %get3A_1091 = arith.constant 96 : index
      %get3A_1092 = tpu.vector_load %arg7[%get3A_1090, %get3A_1091] {strides = array<i32>} : memref<8x512xf32, #tpu.memory_space<vmem>>, vector<16xf32>,
      %get3A_1093 = arith.index_cast %scan3A_1050 : i32 to index
      %get3A_1094 = arith.constant 112 : index
      %get3A_1095 = tpu.vector_load %arg8[%get3A_1093, %get3A_1094] {strides = array<i32>} : memref<8x512xi32, #tpu.memory_space<vmem>>, vector<16xi32>,
      %get3A_1096 = arith.index_cast %scan3A_1050 : i32 to index
      %get3A_1097 = arith.constant 112 : index
      %get3A_1098 = tpu.vector_load %arg7[%get3A_1096, %get3A_1097] {strides = array<i32>} : memref<8x512xf32, #tpu.memory_space<vmem>>, vector<16xf32>,
      %convert_element_type3A = arith.sitofp %get3A_1053 : vector<16xi32> to vector<16xf32>
      %sub3A_1099 = arith.subf %convert_element_type3A, %get3A_1056 : vector<16xf32>
      %mul3A_1100 = arith.mulf %sub3A_1099, %sub3A_1099 : vector<16xf32>
      %mul3A_1101 = arith.constant 16 : i32
      %mul3A_1102 = vector.broadcast %mul3A_1101 : i32 to vector<16xi32>
      %mul3A_1103 = arith.muli %get3A_1053, %mul3A_1102 : vector<16xi32>
      %add3A_1104 = arith.addi %mul3A_1103, %iota3A : vector<16xi32>
      %convert_element_type3A_1105 = arith.sitofp %get3A_1059 : vector<16xi32> to vector<16xf32>
      %sub3A_1106 = arith.subf %convert_element_type3A_1105, %get3A_1062 : vector<16xf32>
      %mul3A_1107 = arith.mulf %sub3A_1106, %sub3A_1106 : vector<16xf32>
      %mul3A_1108 = arith.constant 16 : i32
      %mul3A_1109 = vector.broadcast %mul3A_1108 : i32 to vector<16xi32>
      %mul3A_1110 = arith.muli %get3A_1059, %mul3A_1109 : vector<16xi32>
      %add3A_1111 = arith.addi %mul3A_1110, %iota3A : vector<16xi32>
      %convert_element_type3A_1112 = arith.sitofp %get3A_1065 : vector<16xi32> to vector<16xf32>
      %sub3A_1113 = arith.subf %convert_element_type3A_1112, %get3A_1068 : vector<16xf32>
      %mul3A_1114 = arith.mulf %sub3A_1113, %sub3A_1113 : vector<16xf32>
      %mul3A_1115 = arith.constant 16 : i32
      %mul3A_1116 = vector.broadcast %mul3A_1115 : i32 to vector<16xi32>
      %mul3A_1117 = arith.muli %get3A_1065, %mul3A_1116 : vector<16xi32>
      %add3A_1118 = arith.addi %mul3A_1117, %iota3A : vector<16xi32>
      %convert_element_type3A_1119 = arith.sitofp %get3A_1071 : vector<16xi32> to vector<16xf32>
      %sub3A_1120 = arith.subf %convert_element_type3A_1119, %get3A_1074 : vector<16xf32>
      %mul3A_1121 = arith.mulf %sub3A_1120, %sub3A_1120 : vector<16xf32>
      %mul3A_1122 = arith.constant 16 : i32
      %mul3A_1123 = vector.broadcast %mul3A_1122 : i32 to vector<16xi32>
      %mul3A_1124 = arith.muli %get3A_1071, %mul3A_1123 : vector<16xi32>
      %add3A_1125 = arith.addi %mul3A_1124, %iota3A : vector<16xi32>
      %convert_element_type3A_1126 = arith.sitofp %get3A_1077 : vector<16xi32> to vector<16xf32>
      %sub3A_1127 = arith.subf %convert_element_type3A_1126, %get3A_1080 : vector<16xf32>
      %mul3A_1128 = arith.mulf %sub3A_1127, %sub3A_1127 : vector<16xf32>
      %mul3A_1129 = arith.constant 16 : i32
      %mul3A_1130 = vector.broadcast %mul3A_1129 : i32 to vector<16xi32>
      %mul3A_1131 = arith.muli %get3A_1077, %mul3A_1130 : vector<16xi32>
      %add3A_1132 = arith.addi %mul3A_1131, %iota3A : vector<16xi32>
      %convert_element_type3A_1133 = arith.sitofp %get3A_1083 : vector<16xi32> to vector<16xf32>
      %sub3A_1134 = arith.subf %convert_element_type3A_1133, %get3A_1086 : vector<16xf32>
      %mul3A_1135 = arith.mulf %sub3A_1134, %sub3A_1134 : vector<16xf32>
      %mul3A_1136 = arith.constant 16 : i32
      %mul3A_1137 = vector.broadcast %mul3A_1136 : i32 to vector<16xi32>
      %mul3A_1138 = arith.muli %get3A_1083, %mul3A_1137 : vector<16xi32>
      %add3A_1139 = arith.addi %mul3A_1138, %iota3A : vector<16xi32>
      %convert_element_type3A_1140 = arith.sitofp %get3A_1089 : vector<16xi32> to vector<16xf32>
      %sub3A_1141 = arith.subf %convert_element_type3A_1140, %get3A_1092 : vector<16xf32>
      %mul3A_1142 = arith.mulf %sub3A_1141, %sub3A_1141 : vector<16xf32>
      %mul3A_1143 = arith.constant 16 : i32
      %mul3A_1144 = vector.broadcast %mul3A_1143 : i32 to vector<16xi32>
      %mul3A_1145 = arith.muli %get3A_1089, %mul3A_1144 : vector<16xi32>
      %add3A_1146 = arith.addi %mul3A_1145, %iota3A : vector<16xi32>
      %convert_element_type3A_1147 = arith.sitofp %get3A_1095 : vector<16xi32> to vector<16xf32>
      %sub3A_1148 = arith.subf %convert_element_type3A_1147, %get3A_1098 : vector<16xf32>
      %mul3A_1149 = arith.mulf %sub3A_1148, %sub3A_1148 : vector<16xf32>
      %mul3A_1150 = arith.constant 16 : i32
      %mul3A_1151 = vector.broadcast %mul3A_1150 : i32 to vector<16xi32>
      %mul3A_1152 = arith.muli %get3A_1095, %mul3A_1151 : vector<16xi32>
      %add3A_1153 = arith.addi %mul3A_1152, %iota3A : vector<16xi32>
      tpu.vector_store_idx %arg11[%add3A_1104], %mul3A_1100 {add = true} : memref<304xf32, #tpu.memory_space<vmem>>[vector<16xi32>], vector<16xf32>,
      tpu.vector_store_idx %arg15[%add3A_1104], %broadcast_in_dim3A_401 {add = true} : memref<304xf32, #tpu.memory_space<vmem>>[vector<16xi32>], vector<16xf32>,
      tpu.vector_store_idx %arg12[%add3A_1111], %mul3A_1107 {add = true} : memref<304xf32, #tpu.memory_space<vmem>>[vector<16xi32>], vector<16xf32>,
      tpu.vector_store_idx %arg16[%add3A_1111], %broadcast_in_dim3A_401 {add = true} : memref<304xf32, #tpu.memory_space<vmem>>[vector<16xi32>], vector<16xf32>,
      tpu.vector_store_idx %arg13[%add3A_1118], %mul3A_1114 {add = true} : memref<304xf32, #tpu.memory_space<vmem>>[vector<16xi32>], vector<16xf32>,
      tpu.vector_store_idx %arg17[%add3A_1118], %broadcast_in_dim3A_401 {add = true} : memref<304xf32, #tpu.memory_space<vmem>>[vector<16xi32>], vector<16xf32>,
      tpu.vector_store_idx %arg14[%add3A_1125], %mul3A_1121 {add = true} : memref<304xf32, #tpu.memory_space<vmem>>[vector<16xi32>], vector<16xf32>,
      tpu.vector_store_idx %arg18[%add3A_1125], %broadcast_in_dim3A_401 {add = true} : memref<304xf32, #tpu.memory_space<vmem>>[vector<16xi32>], vector<16xf32>,
      tpu.vector_store_idx %arg11[%add3A_1132], %mul3A_1128 {add = true} : memref<304xf32, #tpu.memory_space<vmem>>[vector<16xi32>], vector<16xf32>,
      tpu.vector_store_idx %arg15[%add3A_1132], %broadcast_in_dim3A_401 {add = true} : memref<304xf32, #tpu.memory_space<vmem>>[vector<16xi32>], vector<16xf32>,
      tpu.vector_store_idx %arg12[%add3A_1139], %mul3A_1135 {add = true} : memref<304xf32, #tpu.memory_space<vmem>>[vector<16xi32>], vector<16xf32>,
      tpu.vector_store_idx %arg16[%add3A_1139], %broadcast_in_dim3A_401 {add = true} : memref<304xf32, #tpu.memory_space<vmem>>[vector<16xi32>], vector<16xf32>,
      tpu.vector_store_idx %arg13[%add3A_1146], %mul3A_1142 {add = true} : memref<304xf32, #tpu.memory_space<vmem>>[vector<16xi32>], vector<16xf32>,
      tpu.vector_store_idx %arg17[%add3A_1146], %broadcast_in_dim3A_401 {add = true} : memref<304xf32, #tpu.memory_space<vmem>>[vector<16xi32>], vector<16xf32>,
      tpu.vector_store_idx %arg14[%add3A_1153], %mul3A_1149 {add = true} : memref<304xf32, #tpu.memory_space<vmem>>[vector<16xi32>], vector<16xf32>,
      tpu.vector_store_idx %arg18[%add3A_1153], %broadcast_in_dim3A_401 {add = true} : memref<304xf32, #tpu.memory_space<vmem>>[vector<16xi32>], vector<16xf32>,
      %get3A_1154 = arith.index_cast %scan3A_1050 : i32 to index
      %get3A_1155 = arith.constant 128 : index
      %get3A_1156 = tpu.vector_load %arg8[%get3A_1154, %get3A_1155] {strides = array<i32>} : memref<8x512xi32, #tpu.memory_space<vmem>>, vector<16xi32>,
      %get3A_1157 = arith.index_cast %scan3A_1050 : i32 to index
      %get3A_1158 = arith.constant 128 : index
      %get3A_1159 = tpu.vector_load %arg7[%get3A_1157, %get3A_1158] {strides = array<i32>} : memref<8x512xf32, #tpu.memory_space<vmem>>, vector<16xf32>,
      %get3A_1160 = arith.index_cast %scan3A_1050 : i32 to index
      %get3A_1161 = arith.constant 144 : index
      %get3A_1162 = tpu.vector_load %arg8[%get3A_1160, %get3A_1161] {strides = array<i32>} : memref<8x512xi32, #tpu.memory_space<vmem>>, vector<16xi32>,
      %get3A_1163 = arith.index_cast %scan3A_1050 : i32 to index
      %get3A_1164 = arith.constant 144 : index
      %get3A_1165 = tpu.vector_load %arg7[%get3A_1163, %get3A_1164] {strides = array<i32>} : memref<8x512xf32, #tpu.memory_space<vmem>>, vector<16xf32>,
      %get3A_1166 = arith.index_cast %scan3A_1050 : i32 to index
      %get3A_1167 = arith.constant 160 : index
      %get3A_1168 = tpu.vector_load %arg8[%get3A_1166, %get3A_1167] {strides = array<i32>} : memref<8x512xi32, #tpu.memory_space<vmem>>, vector<16xi32>,
      %get3A_1169 = arith.index_cast %scan3A_1050 : i32 to index
      %get3A_1170 = arith.constant 160 : index
      %get3A_1171 = tpu.vector_load %arg7[%get3A_1169, %get3A_1170] {strides = array<i32>} : memref<8x512xf32, #tpu.memory_space<vmem>>, vector<16xf32>,
      %get3A_1172 = arith.index_cast %scan3A_1050 : i32 to index
      %get3A_1173 = arith.constant 176 : index
      %get3A_1174 = tpu.vector_load %arg8[%get3A_1172, %get3A_1173] {strides = array<i32>} : memref<8x512xi32, #tpu.memory_space<vmem>>, vector<16xi32>,
      %get3A_1175 = arith.index_cast %scan3A_1050 : i32 to index
      %get3A_1176 = arith.constant 176 : index
      %get3A_1177 = tpu.vector_load %arg7[%get3A_1175, %get3A_1176] {strides = array<i32>} : memref<8x512xf32, #tpu.memory_space<vmem>>, vector<16xf32>,
      %get3A_1178 = arith.index_cast %scan3A_1050 : i32 to index
      %get3A_1179 = arith.constant 192 : index
      %get3A_1180 = tpu.vector_load %arg8[%get3A_1178, %get3A_1179] {strides = array<i32>} : memref<8x512xi32, #tpu.memory_space<vmem>>, vector<16xi32>,
      %get3A_1181 = arith.index_cast %scan3A_1050 : i32 to index
      %get3A_1182 = arith.constant 192 : index
      %get3A_1183 = tpu.vector_load %arg7[%get3A_1181, %get3A_1182] {strides = array<i32>} : memref<8x512xf32, #tpu.memory_space<vmem>>, vector<16xf32>,
      %get3A_1184 = arith.index_cast %scan3A_1050 : i32 to index
      %get3A_1185 = arith.constant 208 : index
      %get3A_1186 = tpu.vector_load %arg8[%get3A_1184, %get3A_1185] {strides = array<i32>} : memref<8x512xi32, #tpu.memory_space<vmem>>, vector<16xi32>,
      %get3A_1187 = arith.index_cast %scan3A_1050 : i32 to index
      %get3A_1188 = arith.constant 208 : index
      %get3A_1189 = tpu.vector_load %arg7[%get3A_1187, %get3A_1188] {strides = array<i32>} : memref<8x512xf32, #tpu.memory_space<vmem>>, vector<16xf32>,
      %get3A_1190 = arith.index_cast %scan3A_1050 : i32 to index
      %get3A_1191 = arith.constant 224 : index
      %get3A_1192 = tpu.vector_load %arg8[%get3A_1190, %get3A_1191] {strides = array<i32>} : memref<8x512xi32, #tpu.memory_space<vmem>>, vector<16xi32>,
      %get3A_1193 = arith.index_cast %scan3A_1050 : i32 to index
      %get3A_1194 = arith.constant 224 : index
      %get3A_1195 = tpu.vector_load %arg7[%get3A_1193, %get3A_1194] {strides = array<i32>} : memref<8x512xf32, #tpu.memory_space<vmem>>, vector<16xf32>,
      %get3A_1196 = arith.index_cast %scan3A_1050 : i32 to index
      %get3A_1197 = arith.constant 240 : index
      %get3A_1198 = tpu.vector_load %arg8[%get3A_1196, %get3A_1197] {strides = array<i32>} : memref<8x512xi32, #tpu.memory_space<vmem>>, vector<16xi32>,
      %get3A_1199 = arith.index_cast %scan3A_1050 : i32 to index
      %get3A_1200 = arith.constant 240 : index
      %get3A_1201 = tpu.vector_load %arg7[%get3A_1199, %get3A_1200] {strides = array<i32>} : memref<8x512xf32, #tpu.memory_space<vmem>>, vector<16xf32>,
      %convert_element_type3A_1202 = arith.sitofp %get3A_1156 : vector<16xi32> to vector<16xf32>
      %sub3A_1203 = arith.subf %convert_element_type3A_1202, %get3A_1159 : vector<16xf32>
      %mul3A_1204 = arith.mulf %sub3A_1203, %sub3A_1203 : vector<16xf32>
      %mul3A_1205 = arith.constant 16 : i32
      %mul3A_1206 = vector.broadcast %mul3A_1205 : i32 to vector<16xi32>
      %mul3A_1207 = arith.muli %get3A_1156, %mul3A_1206 : vector<16xi32>
      %add3A_1208 = arith.addi %mul3A_1207, %iota3A : vector<16xi32>
      %convert_element_type3A_1209 = arith.sitofp %get3A_1162 : vector<16xi32> to vector<16xf32>
      %sub3A_1210 = arith.subf %convert_element_type3A_1209, %get3A_1165 : vector<16xf32>
      %mul3A_1211 = arith.mulf %sub3A_1210, %sub3A_1210 : vector<16xf32>
      %mul3A_1212 = arith.constant 16 : i32
      %mul3A_1213 = vector.broadcast %mul3A_1212 : i32 to vector<16xi32>
      %mul3A_1214 = arith.muli %get3A_1162, %mul3A_1213 : vector<16xi32>
      %add3A_1215 = arith.addi %mul3A_1214, %iota3A : vector<16xi32>
      %convert_element_type3A_1216 = arith.sitofp %get3A_1168 : vector<16xi32> to vector<16xf32>
      %sub3A_1217 = arith.subf %convert_element_type3A_1216, %get3A_1171 : vector<16xf32>
      %mul3A_1218 = arith.mulf %sub3A_1217, %sub3A_1217 : vector<16xf32>
      %mul3A_1219 = arith.constant 16 : i32
      %mul3A_1220 = vector.broadcast %mul3A_1219 : i32 to vector<16xi32>
      %mul3A_1221 = arith.muli %get3A_1168, %mul3A_1220 : vector<16xi32>
      %add3A_1222 = arith.addi %mul3A_1221, %iota3A : vector<16xi32>
      %convert_element_type3A_1223 = arith.sitofp %get3A_1174 : vector<16xi32> to vector<16xf32>
      %sub3A_1224 = arith.subf %convert_element_type3A_1223, %get3A_1177 : vector<16xf32>
      %mul3A_1225 = arith.mulf %sub3A_1224, %sub3A_1224 : vector<16xf32>
      %mul3A_1226 = arith.constant 16 : i32
      %mul3A_1227 = vector.broadcast %mul3A_1226 : i32 to vector<16xi32>
      %mul3A_1228 = arith.muli %get3A_1174, %mul3A_1227 : vector<16xi32>
      %add3A_1229 = arith.addi %mul3A_1228, %iota3A : vector<16xi32>
      %convert_element_type3A_1230 = arith.sitofp %get3A_1180 : vector<16xi32> to vector<16xf32>
      %sub3A_1231 = arith.subf %convert_element_type3A_1230, %get3A_1183 : vector<16xf32>
      %mul3A_1232 = arith.mulf %sub3A_1231, %sub3A_1231 : vector<16xf32>
      %mul3A_1233 = arith.constant 16 : i32
      %mul3A_1234 = vector.broadcast %mul3A_1233 : i32 to vector<16xi32>
      %mul3A_1235 = arith.muli %get3A_1180, %mul3A_1234 : vector<16xi32>
      %add3A_1236 = arith.addi %mul3A_1235, %iota3A : vector<16xi32>
      %convert_element_type3A_1237 = arith.sitofp %get3A_1186 : vector<16xi32> to vector<16xf32>
      %sub3A_1238 = arith.subf %convert_element_type3A_1237, %get3A_1189 : vector<16xf32>
      %mul3A_1239 = arith.mulf %sub3A_1238, %sub3A_1238 : vector<16xf32>
      %mul3A_1240 = arith.constant 16 : i32
      %mul3A_1241 = vector.broadcast %mul3A_1240 : i32 to vector<16xi32>
      %mul3A_1242 = arith.muli %get3A_1186, %mul3A_1241 : vector<16xi32>
      %add3A_1243 = arith.addi %mul3A_1242, %iota3A : vector<16xi32>
      %convert_element_type3A_1244 = arith.sitofp %get3A_1192 : vector<16xi32> to vector<16xf32>
      %sub3A_1245 = arith.subf %convert_element_type3A_1244, %get3A_1195 : vector<16xf32>
      %mul3A_1246 = arith.mulf %sub3A_1245, %sub3A_1245 : vector<16xf32>
      %mul3A_1247 = arith.constant 16 : i32
      %mul3A_1248 = vector.broadcast %mul3A_1247 : i32 to vector<16xi32>
      %mul3A_1249 = arith.muli %get3A_1192, %mul3A_1248 : vector<16xi32>
      %add3A_1250 = arith.addi %mul3A_1249, %iota3A : vector<16xi32>
      %convert_element_type3A_1251 = arith.sitofp %get3A_1198 : vector<16xi32> to vector<16xf32>
      %sub3A_1252 = arith.subf %convert_element_type3A_1251, %get3A_1201 : vector<16xf32>
      %mul3A_1253 = arith.mulf %sub3A_1252, %sub3A_1252 : vector<16xf32>
      %mul3A_1254 = arith.constant 16 : i32
      %mul3A_1255 = vector.broadcast %mul3A_1254 : i32 to vector<16xi32>
      %mul3A_1256 = arith.muli %get3A_1198, %mul3A_1255 : vector<16xi32>
      %add3A_1257 = arith.addi %mul3A_1256, %iota3A : vector<16xi32>
      tpu.vector_store_idx %arg11[%add3A_1208], %mul3A_1204 {add = true} : memref<304xf32, #tpu.memory_space<vmem>>[vector<16xi32>], vector<16xf32>,
      tpu.vector_store_idx %arg15[%add3A_1208], %broadcast_in_dim3A_401 {add = true} : memref<304xf32, #tpu.memory_space<vmem>>[vector<16xi32>], vector<16xf32>,
      tpu.vector_store_idx %arg12[%add3A_1215], %mul3A_1211 {add = true} : memref<304xf32, #tpu.memory_space<vmem>>[vector<16xi32>], vector<16xf32>,
      tpu.vector_store_idx %arg16[%add3A_1215], %broadcast_in_dim3A_401 {add = true} : memref<304xf32, #tpu.memory_space<vmem>>[vector<16xi32>], vector<16xf32>,
      tpu.vector_store_idx %arg13[%add3A_1222], %mul3A_1218 {add = true} : memref<304xf32, #tpu.memory_space<vmem>>[vector<16xi32>], vector<16xf32>,
      tpu.vector_store_idx %arg17[%add3A_1222], %broadcast_in_dim3A_401 {add = true} : memref<304xf32, #tpu.memory_space<vmem>>[vector<16xi32>], vector<16xf32>,
      tpu.vector_store_idx %arg14[%add3A_1229], %mul3A_1225 {add = true} : memref<304xf32, #tpu.memory_space<vmem>>[vector<16xi32>], vector<16xf32>,
      tpu.vector_store_idx %arg18[%add3A_1229], %broadcast_in_dim3A_401 {add = true} : memref<304xf32, #tpu.memory_space<vmem>>[vector<16xi32>], vector<16xf32>,
      tpu.vector_store_idx %arg11[%add3A_1236], %mul3A_1232 {add = true} : memref<304xf32, #tpu.memory_space<vmem>>[vector<16xi32>], vector<16xf32>,
      tpu.vector_store_idx %arg15[%add3A_1236], %broadcast_in_dim3A_401 {add = true} : memref<304xf32, #tpu.memory_space<vmem>>[vector<16xi32>], vector<16xf32>,
      tpu.vector_store_idx %arg12[%add3A_1243], %mul3A_1239 {add = true} : memref<304xf32, #tpu.memory_space<vmem>>[vector<16xi32>], vector<16xf32>,
      tpu.vector_store_idx %arg16[%add3A_1243], %broadcast_in_dim3A_401 {add = true} : memref<304xf32, #tpu.memory_space<vmem>>[vector<16xi32>], vector<16xf32>,
      tpu.vector_store_idx %arg13[%add3A_1250], %mul3A_1246 {add = true} : memref<304xf32, #tpu.memory_space<vmem>>[vector<16xi32>], vector<16xf32>,
      tpu.vector_store_idx %arg17[%add3A_1250], %broadcast_in_dim3A_401 {add = true} : memref<304xf32, #tpu.memory_space<vmem>>[vector<16xi32>], vector<16xf32>,
      tpu.vector_store_idx %arg14[%add3A_1257], %mul3A_1253 {add = true} : memref<304xf32, #tpu.memory_space<vmem>>[vector<16xi32>], vector<16xf32>,
      tpu.vector_store_idx %arg18[%add3A_1257], %broadcast_in_dim3A_401 {add = true} : memref<304xf32, #tpu.memory_space<vmem>>[vector<16xi32>], vector<16xf32>,
      %get3A_1258 = arith.index_cast %scan3A_1050 : i32 to index
      %get3A_1259 = arith.constant 256 : index
      %get3A_1260 = tpu.vector_load %arg8[%get3A_1258, %get3A_1259] {strides = array<i32>} : memref<8x512xi32, #tpu.memory_space<vmem>>, vector<16xi32>,
      %get3A_1261 = arith.index_cast %scan3A_1050 : i32 to index
      %get3A_1262 = arith.constant 256 : index
      %get3A_1263 = tpu.vector_load %arg7[%get3A_1261, %get3A_1262] {strides = array<i32>} : memref<8x512xf32, #tpu.memory_space<vmem>>, vector<16xf32>,
      %get3A_1264 = arith.index_cast %scan3A_1050 : i32 to index
      %get3A_1265 = arith.constant 272 : index
      %get3A_1266 = tpu.vector_load %arg8[%get3A_1264, %get3A_1265] {strides = array<i32>} : memref<8x512xi32, #tpu.memory_space<vmem>>, vector<16xi32>,
      %get3A_1267 = arith.index_cast %scan3A_1050 : i32 to index
      %get3A_1268 = arith.constant 272 : index
      %get3A_1269 = tpu.vector_load %arg7[%get3A_1267, %get3A_1268] {strides = array<i32>} : memref<8x512xf32, #tpu.memory_space<vmem>>, vector<16xf32>,
      %get3A_1270 = arith.index_cast %scan3A_1050 : i32 to index
      %get3A_1271 = arith.constant 288 : index
      %get3A_1272 = tpu.vector_load %arg8[%get3A_1270, %get3A_1271] {strides = array<i32>} : memref<8x512xi32, #tpu.memory_space<vmem>>, vector<16xi32>,
      %get3A_1273 = arith.index_cast %scan3A_1050 : i32 to index
      %get3A_1274 = arith.constant 288 : index
      %get3A_1275 = tpu.vector_load %arg7[%get3A_1273, %get3A_1274] {strides = array<i32>} : memref<8x512xf32, #tpu.memory_space<vmem>>, vector<16xf32>,
      %get3A_1276 = arith.index_cast %scan3A_1050 : i32 to index
      %get3A_1277 = arith.constant 304 : index
      %get3A_1278 = tpu.vector_load %arg8[%get3A_1276, %get3A_1277] {strides = array<i32>} : memref<8x512xi32, #tpu.memory_space<vmem>>, vector<16xi32>,
      %get3A_1279 = arith.index_cast %scan3A_1050 : i32 to index
      %get3A_1280 = arith.constant 304 : index
      %get3A_1281 = tpu.vector_load %arg7[%get3A_1279, %get3A_1280] {strides = array<i32>} : memref<8x512xf32, #tpu.memory_space<vmem>>, vector<16xf32>,
      %get3A_1282 = arith.index_cast %scan3A_1050 : i32 to index
      %get3A_1283 = arith.constant 320 : index
      %get3A_1284 = tpu.vector_load %arg8[%get3A_1282, %get3A_1283] {strides = array<i32>} : memref<8x512xi32, #tpu.memory_space<vmem>>, vector<16xi32>,
      %get3A_1285 = arith.index_cast %scan3A_1050 : i32 to index
      %get3A_1286 = arith.constant 320 : index
      %get3A_1287 = tpu.vector_load %arg7[%get3A_1285, %get3A_1286] {strides = array<i32>} : memref<8x512xf32, #tpu.memory_space<vmem>>, vector<16xf32>,
      %get3A_1288 = arith.index_cast %scan3A_1050 : i32 to index
      %get3A_1289 = arith.constant 336 : index
      %get3A_1290 = tpu.vector_load %arg8[%get3A_1288, %get3A_1289] {strides = array<i32>} : memref<8x512xi32, #tpu.memory_space<vmem>>, vector<16xi32>,
      %get3A_1291 = arith.index_cast %scan3A_1050 : i32 to index
      %get3A_1292 = arith.constant 336 : index
      %get3A_1293 = tpu.vector_load %arg7[%get3A_1291, %get3A_1292] {strides = array<i32>} : memref<8x512xf32, #tpu.memory_space<vmem>>, vector<16xf32>,
      %get3A_1294 = arith.index_cast %scan3A_1050 : i32 to index
      %get3A_1295 = arith.constant 352 : index
      %get3A_1296 = tpu.vector_load %arg8[%get3A_1294, %get3A_1295] {strides = array<i32>} : memref<8x512xi32, #tpu.memory_space<vmem>>, vector<16xi32>,
      %get3A_1297 = arith.index_cast %scan3A_1050 : i32 to index
      %get3A_1298 = arith.constant 352 : index
      %get3A_1299 = tpu.vector_load %arg7[%get3A_1297, %get3A_1298] {strides = array<i32>} : memref<8x512xf32, #tpu.memory_space<vmem>>, vector<16xf32>,
      %get3A_1300 = arith.index_cast %scan3A_1050 : i32 to index
      %get3A_1301 = arith.constant 368 : index
      %get3A_1302 = tpu.vector_load %arg8[%get3A_1300, %get3A_1301] {strides = array<i32>} : memref<8x512xi32, #tpu.memory_space<vmem>>, vector<16xi32>,
      %get3A_1303 = arith.index_cast %scan3A_1050 : i32 to index
      %get3A_1304 = arith.constant 368 : index
      %get3A_1305 = tpu.vector_load %arg7[%get3A_1303, %get3A_1304] {strides = array<i32>} : memref<8x512xf32, #tpu.memory_space<vmem>>, vector<16xf32>,
      %convert_element_type3A_1306 = arith.sitofp %get3A_1260 : vector<16xi32> to vector<16xf32>
      %sub3A_1307 = arith.subf %convert_element_type3A_1306, %get3A_1263 : vector<16xf32>
      %mul3A_1308 = arith.mulf %sub3A_1307, %sub3A_1307 : vector<16xf32>
      %mul3A_1309 = arith.constant 16 : i32
      %mul3A_1310 = vector.broadcast %mul3A_1309 : i32 to vector<16xi32>
      %mul3A_1311 = arith.muli %get3A_1260, %mul3A_1310 : vector<16xi32>
      %add3A_1312 = arith.addi %mul3A_1311, %iota3A : vector<16xi32>
      %convert_element_type3A_1313 = arith.sitofp %get3A_1266 : vector<16xi32> to vector<16xf32>
      %sub3A_1314 = arith.subf %convert_element_type3A_1313, %get3A_1269 : vector<16xf32>
      %mul3A_1315 = arith.mulf %sub3A_1314, %sub3A_1314 : vector<16xf32>
      %mul3A_1316 = arith.constant 16 : i32
      %mul3A_1317 = vector.broadcast %mul3A_1316 : i32 to vector<16xi32>
      %mul3A_1318 = arith.muli %get3A_1266, %mul3A_1317 : vector<16xi32>
      %add3A_1319 = arith.addi %mul3A_1318, %iota3A : vector<16xi32>
      %convert_element_type3A_1320 = arith.sitofp %get3A_1272 : vector<16xi32> to vector<16xf32>
      %sub3A_1321 = arith.subf %convert_element_type3A_1320, %get3A_1275 : vector<16xf32>
      %mul3A_1322 = arith.mulf %sub3A_1321, %sub3A_1321 : vector<16xf32>
      %mul3A_1323 = arith.constant 16 : i32
      %mul3A_1324 = vector.broadcast %mul3A_1323 : i32 to vector<16xi32>
      %mul3A_1325 = arith.muli %get3A_1272, %mul3A_1324 : vector<16xi32>
      %add3A_1326 = arith.addi %mul3A_1325, %iota3A : vector<16xi32>
      %convert_element_type3A_1327 = arith.sitofp %get3A_1278 : vector<16xi32> to vector<16xf32>
      %sub3A_1328 = arith.subf %convert_element_type3A_1327, %get3A_1281 : vector<16xf32>
      %mul3A_1329 = arith.mulf %sub3A_1328, %sub3A_1328 : vector<16xf32>
      %mul3A_1330 = arith.constant 16 : i32
      %mul3A_1331 = vector.broadcast %mul3A_1330 : i32 to vector<16xi32>
      %mul3A_1332 = arith.muli %get3A_1278, %mul3A_1331 : vector<16xi32>
      %add3A_1333 = arith.addi %mul3A_1332, %iota3A : vector<16xi32>
      %convert_element_type3A_1334 = arith.sitofp %get3A_1284 : vector<16xi32> to vector<16xf32>
      %sub3A_1335 = arith.subf %convert_element_type3A_1334, %get3A_1287 : vector<16xf32>
      %mul3A_1336 = arith.mulf %sub3A_1335, %sub3A_1335 : vector<16xf32>
      %mul3A_1337 = arith.constant 16 : i32
      %mul3A_1338 = vector.broadcast %mul3A_1337 : i32 to vector<16xi32>
      %mul3A_1339 = arith.muli %get3A_1284, %mul3A_1338 : vector<16xi32>
      %add3A_1340 = arith.addi %mul3A_1339, %iota3A : vector<16xi32>
      %convert_element_type3A_1341 = arith.sitofp %get3A_1290 : vector<16xi32> to vector<16xf32>
      %sub3A_1342 = arith.subf %convert_element_type3A_1341, %get3A_1293 : vector<16xf32>
      %mul3A_1343 = arith.mulf %sub3A_1342, %sub3A_1342 : vector<16xf32>
      %mul3A_1344 = arith.constant 16 : i32
      %mul3A_1345 = vector.broadcast %mul3A_1344 : i32 to vector<16xi32>
      %mul3A_1346 = arith.muli %get3A_1290, %mul3A_1345 : vector<16xi32>
      %add3A_1347 = arith.addi %mul3A_1346, %iota3A : vector<16xi32>
      %convert_element_type3A_1348 = arith.sitofp %get3A_1296 : vector<16xi32> to vector<16xf32>
      %sub3A_1349 = arith.subf %convert_element_type3A_1348, %get3A_1299 : vector<16xf32>
      %mul3A_1350 = arith.mulf %sub3A_1349, %sub3A_1349 : vector<16xf32>
      %mul3A_1351 = arith.constant 16 : i32
      %mul3A_1352 = vector.broadcast %mul3A_1351 : i32 to vector<16xi32>
      %mul3A_1353 = arith.muli %get3A_1296, %mul3A_1352 : vector<16xi32>
      %add3A_1354 = arith.addi %mul3A_1353, %iota3A : vector<16xi32>
      %convert_element_type3A_1355 = arith.sitofp %get3A_1302 : vector<16xi32> to vector<16xf32>
      %sub3A_1356 = arith.subf %convert_element_type3A_1355, %get3A_1305 : vector<16xf32>
      %mul3A_1357 = arith.mulf %sub3A_1356, %sub3A_1356 : vector<16xf32>
      %mul3A_1358 = arith.constant 16 : i32
      %mul3A_1359 = vector.broadcast %mul3A_1358 : i32 to vector<16xi32>
      %mul3A_1360 = arith.muli %get3A_1302, %mul3A_1359 : vector<16xi32>
      %add3A_1361 = arith.addi %mul3A_1360, %iota3A : vector<16xi32>
      tpu.vector_store_idx %arg11[%add3A_1312], %mul3A_1308 {add = true} : memref<304xf32, #tpu.memory_space<vmem>>[vector<16xi32>], vector<16xf32>,
      tpu.vector_store_idx %arg15[%add3A_1312], %broadcast_in_dim3A_401 {add = true} : memref<304xf32, #tpu.memory_space<vmem>>[vector<16xi32>], vector<16xf32>,
      tpu.vector_store_idx %arg12[%add3A_1319], %mul3A_1315 {add = true} : memref<304xf32, #tpu.memory_space<vmem>>[vector<16xi32>], vector<16xf32>,
      tpu.vector_store_idx %arg16[%add3A_1319], %broadcast_in_dim3A_401 {add = true} : memref<304xf32, #tpu.memory_space<vmem>>[vector<16xi32>], vector<16xf32>,
      tpu.vector_store_idx %arg13[%add3A_1326], %mul3A_1322 {add = true} : memref<304xf32, #tpu.memory_space<vmem>>[vector<16xi32>], vector<16xf32>,
      tpu.vector_store_idx %arg17[%add3A_1326], %broadcast_in_dim3A_401 {add = true} : memref<304xf32, #tpu.memory_space<vmem>>[vector<16xi32>], vector<16xf32>,
      tpu.vector_store_idx %arg14[%add3A_1333], %mul3A_1329 {add = true} : memref<304xf32, #tpu.memory_space<vmem>>[vector<16xi32>], vector<16xf32>,
      tpu.vector_store_idx %arg18[%add3A_1333], %broadcast_in_dim3A_401 {add = true} : memref<304xf32, #tpu.memory_space<vmem>>[vector<16xi32>], vector<16xf32>,
      tpu.vector_store_idx %arg11[%add3A_1340], %mul3A_1336 {add = true} : memref<304xf32, #tpu.memory_space<vmem>>[vector<16xi32>], vector<16xf32>,
      tpu.vector_store_idx %arg15[%add3A_1340], %broadcast_in_dim3A_401 {add = true} : memref<304xf32, #tpu.memory_space<vmem>>[vector<16xi32>], vector<16xf32>,
      tpu.vector_store_idx %arg12[%add3A_1347], %mul3A_1343 {add = true} : memref<304xf32, #tpu.memory_space<vmem>>[vector<16xi32>], vector<16xf32>,
      tpu.vector_store_idx %arg16[%add3A_1347], %broadcast_in_dim3A_401 {add = true} : memref<304xf32, #tpu.memory_space<vmem>>[vector<16xi32>], vector<16xf32>,
      tpu.vector_store_idx %arg13[%add3A_1354], %mul3A_1350 {add = true} : memref<304xf32, #tpu.memory_space<vmem>>[vector<16xi32>], vector<16xf32>,
      tpu.vector_store_idx %arg17[%add3A_1354], %broadcast_in_dim3A_401 {add = true} : memref<304xf32, #tpu.memory_space<vmem>>[vector<16xi32>], vector<16xf32>,
      tpu.vector_store_idx %arg14[%add3A_1361], %mul3A_1357 {add = true} : memref<304xf32, #tpu.memory_space<vmem>>[vector<16xi32>], vector<16xf32>,
      tpu.vector_store_idx %arg18[%add3A_1361], %broadcast_in_dim3A_401 {add = true} : memref<304xf32, #tpu.memory_space<vmem>>[vector<16xi32>], vector<16xf32>,
      %get3A_1362 = arith.index_cast %scan3A_1050 : i32 to index
      %get3A_1363 = arith.constant 384 : index
      %get3A_1364 = tpu.vector_load %arg8[%get3A_1362, %get3A_1363] {strides = array<i32>} : memref<8x512xi32, #tpu.memory_space<vmem>>, vector<16xi32>,
      %get3A_1365 = arith.index_cast %scan3A_1050 : i32 to index
      %get3A_1366 = arith.constant 384 : index
      %get3A_1367 = tpu.vector_load %arg7[%get3A_1365, %get3A_1366] {strides = array<i32>} : memref<8x512xf32, #tpu.memory_space<vmem>>, vector<16xf32>,
      %get3A_1368 = arith.index_cast %scan3A_1050 : i32 to index
      %get3A_1369 = arith.constant 400 : index
      %get3A_1370 = tpu.vector_load %arg8[%get3A_1368, %get3A_1369] {strides = array<i32>} : memref<8x512xi32, #tpu.memory_space<vmem>>, vector<16xi32>,
      %get3A_1371 = arith.index_cast %scan3A_1050 : i32 to index
      %get3A_1372 = arith.constant 400 : index
      %get3A_1373 = tpu.vector_load %arg7[%get3A_1371, %get3A_1372] {strides = array<i32>} : memref<8x512xf32, #tpu.memory_space<vmem>>, vector<16xf32>,
      %get3A_1374 = arith.index_cast %scan3A_1050 : i32 to index
      %get3A_1375 = arith.constant 416 : index
      %get3A_1376 = tpu.vector_load %arg8[%get3A_1374, %get3A_1375] {strides = array<i32>} : memref<8x512xi32, #tpu.memory_space<vmem>>, vector<16xi32>,
      %get3A_1377 = arith.index_cast %scan3A_1050 : i32 to index
      %get3A_1378 = arith.constant 416 : index
      %get3A_1379 = tpu.vector_load %arg7[%get3A_1377, %get3A_1378] {strides = array<i32>} : memref<8x512xf32, #tpu.memory_space<vmem>>, vector<16xf32>,
      %get3A_1380 = arith.index_cast %scan3A_1050 : i32 to index
      %get3A_1381 = arith.constant 432 : index
      %get3A_1382 = tpu.vector_load %arg8[%get3A_1380, %get3A_1381] {strides = array<i32>} : memref<8x512xi32, #tpu.memory_space<vmem>>, vector<16xi32>,
      %get3A_1383 = arith.index_cast %scan3A_1050 : i32 to index
      %get3A_1384 = arith.constant 432 : index
      %get3A_1385 = tpu.vector_load %arg7[%get3A_1383, %get3A_1384] {strides = array<i32>} : memref<8x512xf32, #tpu.memory_space<vmem>>, vector<16xf32>,
      %get3A_1386 = arith.index_cast %scan3A_1050 : i32 to index
      %get3A_1387 = arith.constant 448 : index
      %get3A_1388 = tpu.vector_load %arg8[%get3A_1386, %get3A_1387] {strides = array<i32>} : memref<8x512xi32, #tpu.memory_space<vmem>>, vector<16xi32>,
      %get3A_1389 = arith.index_cast %scan3A_1050 : i32 to index
      %get3A_1390 = arith.constant 448 : index
      %get3A_1391 = tpu.vector_load %arg7[%get3A_1389, %get3A_1390] {strides = array<i32>} : memref<8x512xf32, #tpu.memory_space<vmem>>, vector<16xf32>,
      %get3A_1392 = arith.index_cast %scan3A_1050 : i32 to index
      %get3A_1393 = arith.constant 464 : index
      %get3A_1394 = tpu.vector_load %arg8[%get3A_1392, %get3A_1393] {strides = array<i32>} : memref<8x512xi32, #tpu.memory_space<vmem>>, vector<16xi32>,
      %get3A_1395 = arith.index_cast %scan3A_1050 : i32 to index
      %get3A_1396 = arith.constant 464 : index
      %get3A_1397 = tpu.vector_load %arg7[%get3A_1395, %get3A_1396] {strides = array<i32>} : memref<8x512xf32, #tpu.memory_space<vmem>>, vector<16xf32>,
      %get3A_1398 = arith.index_cast %scan3A_1050 : i32 to index
      %get3A_1399 = arith.constant 480 : index
      %get3A_1400 = tpu.vector_load %arg8[%get3A_1398, %get3A_1399] {strides = array<i32>} : memref<8x512xi32, #tpu.memory_space<vmem>>, vector<16xi32>,
      %get3A_1401 = arith.index_cast %scan3A_1050 : i32 to index
      %get3A_1402 = arith.constant 480 : index
      %get3A_1403 = tpu.vector_load %arg7[%get3A_1401, %get3A_1402] {strides = array<i32>} : memref<8x512xf32, #tpu.memory_space<vmem>>, vector<16xf32>,
      %get3A_1404 = arith.index_cast %scan3A_1050 : i32 to index
      %get3A_1405 = arith.constant 496 : index
      %get3A_1406 = tpu.vector_load %arg8[%get3A_1404, %get3A_1405] {strides = array<i32>} : memref<8x512xi32, #tpu.memory_space<vmem>>, vector<16xi32>,
      %get3A_1407 = arith.index_cast %scan3A_1050 : i32 to index
      %get3A_1408 = arith.constant 496 : index
      %get3A_1409 = tpu.vector_load %arg7[%get3A_1407, %get3A_1408] {strides = array<i32>} : memref<8x512xf32, #tpu.memory_space<vmem>>, vector<16xf32>,
      %convert_element_type3A_1410 = arith.sitofp %get3A_1364 : vector<16xi32> to vector<16xf32>
      %sub3A_1411 = arith.subf %convert_element_type3A_1410, %get3A_1367 : vector<16xf32>
      %mul3A_1412 = arith.mulf %sub3A_1411, %sub3A_1411 : vector<16xf32>
      %mul3A_1413 = arith.constant 16 : i32
      %mul3A_1414 = vector.broadcast %mul3A_1413 : i32 to vector<16xi32>
      %mul3A_1415 = arith.muli %get3A_1364, %mul3A_1414 : vector<16xi32>
      %add3A_1416 = arith.addi %mul3A_1415, %iota3A : vector<16xi32>
      %convert_element_type3A_1417 = arith.sitofp %get3A_1370 : vector<16xi32> to vector<16xf32>
      %sub3A_1418 = arith.subf %convert_element_type3A_1417, %get3A_1373 : vector<16xf32>
      %mul3A_1419 = arith.mulf %sub3A_1418, %sub3A_1418 : vector<16xf32>
      %mul3A_1420 = arith.constant 16 : i32
      %mul3A_1421 = vector.broadcast %mul3A_1420 : i32 to vector<16xi32>
      %mul3A_1422 = arith.muli %get3A_1370, %mul3A_1421 : vector<16xi32>
      %add3A_1423 = arith.addi %mul3A_1422, %iota3A : vector<16xi32>
      %convert_element_type3A_1424 = arith.sitofp %get3A_1376 : vector<16xi32> to vector<16xf32>
      %sub3A_1425 = arith.subf %convert_element_type3A_1424, %get3A_1379 : vector<16xf32>
      %mul3A_1426 = arith.mulf %sub3A_1425, %sub3A_1425 : vector<16xf32>
      %mul3A_1427 = arith.constant 16 : i32
      %mul3A_1428 = vector.broadcast %mul3A_1427 : i32 to vector<16xi32>
      %mul3A_1429 = arith.muli %get3A_1376, %mul3A_1428 : vector<16xi32>
      %add3A_1430 = arith.addi %mul3A_1429, %iota3A : vector<16xi32>
      %convert_element_type3A_1431 = arith.sitofp %get3A_1382 : vector<16xi32> to vector<16xf32>
      %sub3A_1432 = arith.subf %convert_element_type3A_1431, %get3A_1385 : vector<16xf32>
      %mul3A_1433 = arith.mulf %sub3A_1432, %sub3A_1432 : vector<16xf32>
      %mul3A_1434 = arith.constant 16 : i32
      %mul3A_1435 = vector.broadcast %mul3A_1434 : i32 to vector<16xi32>
      %mul3A_1436 = arith.muli %get3A_1382, %mul3A_1435 : vector<16xi32>
      %add3A_1437 = arith.addi %mul3A_1436, %iota3A : vector<16xi32>
      %convert_element_type3A_1438 = arith.sitofp %get3A_1388 : vector<16xi32> to vector<16xf32>
      %sub3A_1439 = arith.subf %convert_element_type3A_1438, %get3A_1391 : vector<16xf32>
      %mul3A_1440 = arith.mulf %sub3A_1439, %sub3A_1439 : vector<16xf32>
      %mul3A_1441 = arith.constant 16 : i32
      %mul3A_1442 = vector.broadcast %mul3A_1441 : i32 to vector<16xi32>
      %mul3A_1443 = arith.muli %get3A_1388, %mul3A_1442 : vector<16xi32>
      %add3A_1444 = arith.addi %mul3A_1443, %iota3A : vector<16xi32>
      %convert_element_type3A_1445 = arith.sitofp %get3A_1394 : vector<16xi32> to vector<16xf32>
      %sub3A_1446 = arith.subf %convert_element_type3A_1445, %get3A_1397 : vector<16xf32>
      %mul3A_1447 = arith.mulf %sub3A_1446, %sub3A_1446 : vector<16xf32>
      %mul3A_1448 = arith.constant 16 : i32
      %mul3A_1449 = vector.broadcast %mul3A_1448 : i32 to vector<16xi32>
      %mul3A_1450 = arith.muli %get3A_1394, %mul3A_1449 : vector<16xi32>
      %add3A_1451 = arith.addi %mul3A_1450, %iota3A : vector<16xi32>
      %convert_element_type3A_1452 = arith.sitofp %get3A_1400 : vector<16xi32> to vector<16xf32>
      %sub3A_1453 = arith.subf %convert_element_type3A_1452, %get3A_1403 : vector<16xf32>
      %mul3A_1454 = arith.mulf %sub3A_1453, %sub3A_1453 : vector<16xf32>
      %mul3A_1455 = arith.constant 16 : i32
      %mul3A_1456 = vector.broadcast %mul3A_1455 : i32 to vector<16xi32>
      %mul3A_1457 = arith.muli %get3A_1400, %mul3A_1456 : vector<16xi32>
      %add3A_1458 = arith.addi %mul3A_1457, %iota3A : vector<16xi32>
      %convert_element_type3A_1459 = arith.sitofp %get3A_1406 : vector<16xi32> to vector<16xf32>
      %sub3A_1460 = arith.subf %convert_element_type3A_1459, %get3A_1409 : vector<16xf32>
      %mul3A_1461 = arith.mulf %sub3A_1460, %sub3A_1460 : vector<16xf32>
      %mul3A_1462 = arith.constant 16 : i32
      %mul3A_1463 = vector.broadcast %mul3A_1462 : i32 to vector<16xi32>
      %mul3A_1464 = arith.muli %get3A_1406, %mul3A_1463 : vector<16xi32>
      %add3A_1465 = arith.addi %mul3A_1464, %iota3A : vector<16xi32>
      tpu.vector_store_idx %arg11[%add3A_1416], %mul3A_1412 {add = true} : memref<304xf32, #tpu.memory_space<vmem>>[vector<16xi32>], vector<16xf32>,
      tpu.vector_store_idx %arg15[%add3A_1416], %broadcast_in_dim3A_401 {add = true} : memref<304xf32, #tpu.memory_space<vmem>>[vector<16xi32>], vector<16xf32>,
      tpu.vector_store_idx %arg12[%add3A_1423], %mul3A_1419 {add = true} : memref<304xf32, #tpu.memory_space<vmem>>[vector<16xi32>], vector<16xf32>,
      tpu.vector_store_idx %arg16[%add3A_1423], %broadcast_in_dim3A_401 {add = true} : memref<304xf32, #tpu.memory_space<vmem>>[vector<16xi32>], vector<16xf32>,
      tpu.vector_store_idx %arg13[%add3A_1430], %mul3A_1426 {add = true} : memref<304xf32, #tpu.memory_space<vmem>>[vector<16xi32>], vector<16xf32>,
      tpu.vector_store_idx %arg17[%add3A_1430], %broadcast_in_dim3A_401 {add = true} : memref<304xf32, #tpu.memory_space<vmem>>[vector<16xi32>], vector<16xf32>,
      tpu.vector_store_idx %arg14[%add3A_1437], %mul3A_1433 {add = true} : memref<304xf32, #tpu.memory_space<vmem>>[vector<16xi32>], vector<16xf32>,
      tpu.vector_store_idx %arg18[%add3A_1437], %broadcast_in_dim3A_401 {add = true} : memref<304xf32, #tpu.memory_space<vmem>>[vector<16xi32>], vector<16xf32>,
      tpu.vector_store_idx %arg11[%add3A_1444], %mul3A_1440 {add = true} : memref<304xf32, #tpu.memory_space<vmem>>[vector<16xi32>], vector<16xf32>,
      tpu.vector_store_idx %arg15[%add3A_1444], %broadcast_in_dim3A_401 {add = true} : memref<304xf32, #tpu.memory_space<vmem>>[vector<16xi32>], vector<16xf32>,
      tpu.vector_store_idx %arg12[%add3A_1451], %mul3A_1447 {add = true} : memref<304xf32, #tpu.memory_space<vmem>>[vector<16xi32>], vector<16xf32>,
      tpu.vector_store_idx %arg16[%add3A_1451], %broadcast_in_dim3A_401 {add = true} : memref<304xf32, #tpu.memory_space<vmem>>[vector<16xi32>], vector<16xf32>,
      tpu.vector_store_idx %arg13[%add3A_1458], %mul3A_1454 {add = true} : memref<304xf32, #tpu.memory_space<vmem>>[vector<16xi32>], vector<16xf32>,
      tpu.vector_store_idx %arg17[%add3A_1458], %broadcast_in_dim3A_401 {add = true} : memref<304xf32, #tpu.memory_space<vmem>>[vector<16xi32>], vector<16xf32>,
      tpu.vector_store_idx %arg14[%add3A_1465], %mul3A_1461 {add = true} : memref<304xf32, #tpu.memory_space<vmem>>[vector<16xi32>], vector<16xf32>,
      tpu.vector_store_idx %arg18[%add3A_1465], %broadcast_in_dim3A_401 {add = true} : memref<304xf32, #tpu.memory_space<vmem>>[vector<16xi32>], vector<16xf32>,
    }
    %scan3A_555 = arith.constant 8 : i32
    %get3A = arith.constant 0 : index
    %get3A_556 = tpu.vector_load %arg11[%get3A] {strides = array<i32>} : memref<304xf32, #tpu.memory_space<vmem>>, vector<16xf32>,
    %get3A_557 = arith.constant 0 : index
    %get3A_558 = tpu.vector_load %arg12[%get3A_557] {strides = array<i32>} : memref<304xf32, #tpu.memory_space<vmem>>, vector<16xf32>,
    %get3A_559 = arith.constant 0 : index
    %get3A_560 = tpu.vector_load %arg13[%get3A_559] {strides = array<i32>} : memref<304xf32, #tpu.memory_space<vmem>>, vector<16xf32>,
    %add3A_561 = arith.addf %get3A_558, %get3A_560 : vector<16xf32>
    %get3A_562 = arith.constant 0 : index
    %get3A_563 = tpu.vector_load %arg14[%get3A_562] {strides = array<i32>} : memref<304xf32, #tpu.memory_space<vmem>>, vector<16xf32>,
    %add3A_564 = arith.addf %add3A_561, %get3A_563 : vector<16xf32>
    %add3A_565 = arith.addf %get3A_556, %add3A_564 : vector<16xf32>
    %swap3A_566 = arith.constant 0 : index
    %swap3A_567 = tpu.vector_load %arg11[%swap3A_566] {strides = array<i32>} : memref<304xf32, #tpu.memory_space<vmem>>, vector<16xf32>,
    tpu.vector_store %arg11[%swap3A_566], %add3A_565 {strides = array<i32>} : memref<304xf32, #tpu.memory_space<vmem>>, vector<16xf32>,
    %get3A_568 = arith.constant 0 : index
    %get3A_569 = tpu.vector_load %arg15[%get3A_568] {strides = array<i32>} : memref<304xf32, #tpu.memory_space<vmem>>, vector<16xf32>,
    %get3A_570 = arith.constant 0 : index
    %get3A_571 = tpu.vector_load %arg16[%get3A_570] {strides = array<i32>} : memref<304xf32, #tpu.memory_space<vmem>>, vector<16xf32>,
    %get3A_572 = arith.constant 0 : index
    %get3A_573 = tpu.vector_load %arg17[%get3A_572] {strides = array<i32>} : memref<304xf32, #tpu.memory_space<vmem>>, vector<16xf32>,
    %add3A_574 = arith.addf %get3A_571, %get3A_573 : vector<16xf32>
    %get3A_575 = arith.constant 0 : index
    %get3A_576 = tpu.vector_load %arg18[%get3A_575] {strides = array<i32>} : memref<304xf32, #tpu.memory_space<vmem>>, vector<16xf32>,
    %add3A_577 = arith.addf %add3A_574, %get3A_576 : vector<16xf32>
    %add3A_578 = arith.addf %get3A_569, %add3A_577 : vector<16xf32>
    %swap3A_579 = arith.constant 0 : index
    %swap3A_580 = tpu.vector_load %arg15[%swap3A_579] {strides = array<i32>} : memref<304xf32, #tpu.memory_space<vmem>>, vector<16xf32>,
    tpu.vector_store %arg15[%swap3A_579], %add3A_578 {strides = array<i32>} : memref<304xf32, #tpu.memory_space<vmem>>, vector<16xf32>,
    %get3A_581 = arith.constant 16 : index
    %get3A_582 = tpu.vector_load %arg11[%get3A_581] {strides = array<i32>} : memref<304xf32, #tpu.memory_space<vmem>>, vector<16xf32>,
    %get3A_583 = arith.constant 16 : index
    %get3A_584 = tpu.vector_load %arg12[%get3A_583] {strides = array<i32>} : memref<304xf32, #tpu.memory_space<vmem>>, vector<16xf32>,
    %get3A_585 = arith.constant 16 : index
    %get3A_586 = tpu.vector_load %arg13[%get3A_585] {strides = array<i32>} : memref<304xf32, #tpu.memory_space<vmem>>, vector<16xf32>,
    %add3A_587 = arith.addf %get3A_584, %get3A_586 : vector<16xf32>
    %get3A_588 = arith.constant 16 : index
    %get3A_589 = tpu.vector_load %arg14[%get3A_588] {strides = array<i32>} : memref<304xf32, #tpu.memory_space<vmem>>, vector<16xf32>,
    %add3A_590 = arith.addf %add3A_587, %get3A_589 : vector<16xf32>
    %add3A_591 = arith.addf %get3A_582, %add3A_590 : vector<16xf32>
    %swap3A_592 = arith.constant 16 : index
    %swap3A_593 = tpu.vector_load %arg11[%swap3A_592] {strides = array<i32>} : memref<304xf32, #tpu.memory_space<vmem>>, vector<16xf32>,
    tpu.vector_store %arg11[%swap3A_592], %add3A_591 {strides = array<i32>} : memref<304xf32, #tpu.memory_space<vmem>>, vector<16xf32>,
    %get3A_594 = arith.constant 16 : index
    %get3A_595 = tpu.vector_load %arg15[%get3A_594] {strides = array<i32>} : memref<304xf32, #tpu.memory_space<vmem>>, vector<16xf32>,
    %get3A_596 = arith.constant 16 : index
    %get3A_597 = tpu.vector_load %arg16[%get3A_596] {strides = array<i32>} : memref<304xf32, #tpu.memory_space<vmem>>, vector<16xf32>,
    %get3A_598 = arith.constant 16 : index
    %get3A_599 = tpu.vector_load %arg17[%get3A_598] {strides = array<i32>} : memref<304xf32, #tpu.memory_space<vmem>>, vector<16xf32>,
    %add3A_600 = arith.addf %get3A_597, %get3A_599 : vector<16xf32>
    %get3A_601 = arith.constant 16 : index
    %get3A_602 = tpu.vector_load %arg18[%get3A_601] {strides = array<i32>} : memref<304xf32, #tpu.memory_space<vmem>>, vector<16xf32>,
    %add3A_603 = arith.addf %add3A_600, %get3A_602 : vector<16xf32>
    %add3A_604 = arith.addf %get3A_595, %add3A_603 : vector<16xf32>
    %swap3A_605 = arith.constant 16 : index
    %swap3A_606 = tpu.vector_load %arg15[%swap3A_605] {strides = array<i32>} : memref<304xf32, #tpu.memory_space<vmem>>, vector<16xf32>,
    tpu.vector_store %arg15[%swap3A_605], %add3A_604 {strides = array<i32>} : memref<304xf32, #tpu.memory_space<vmem>>, vector<16xf32>,
    %get3A_607 = arith.constant 32 : index
    %get3A_608 = tpu.vector_load %arg11[%get3A_607] {strides = array<i32>} : memref<304xf32, #tpu.memory_space<vmem>>, vector<16xf32>,
    %get3A_609 = arith.constant 32 : index
    %get3A_610 = tpu.vector_load %arg12[%get3A_609] {strides = array<i32>} : memref<304xf32, #tpu.memory_space<vmem>>, vector<16xf32>,
    %get3A_611 = arith.constant 32 : index
    %get3A_612 = tpu.vector_load %arg13[%get3A_611] {strides = array<i32>} : memref<304xf32, #tpu.memory_space<vmem>>, vector<16xf32>,
    %add3A_613 = arith.addf %get3A_610, %get3A_612 : vector<16xf32>
    %get3A_614 = arith.constant 32 : index
    %get3A_615 = tpu.vector_load %arg14[%get3A_614] {strides = array<i32>} : memref<304xf32, #tpu.memory_space<vmem>>, vector<16xf32>,
    %add3A_616 = arith.addf %add3A_613, %get3A_615 : vector<16xf32>
    %add3A_617 = arith.addf %get3A_608, %add3A_616 : vector<16xf32>
    %swap3A_618 = arith.constant 32 : index
    %swap3A_619 = tpu.vector_load %arg11[%swap3A_618] {strides = array<i32>} : memref<304xf32, #tpu.memory_space<vmem>>, vector<16xf32>,
    tpu.vector_store %arg11[%swap3A_618], %add3A_617 {strides = array<i32>} : memref<304xf32, #tpu.memory_space<vmem>>, vector<16xf32>,
    %get3A_620 = arith.constant 32 : index
    %get3A_621 = tpu.vector_load %arg15[%get3A_620] {strides = array<i32>} : memref<304xf32, #tpu.memory_space<vmem>>, vector<16xf32>,
    %get3A_622 = arith.constant 32 : index
    %get3A_623 = tpu.vector_load %arg16[%get3A_622] {strides = array<i32>} : memref<304xf32, #tpu.memory_space<vmem>>, vector<16xf32>,
    %get3A_624 = arith.constant 32 : index
    %get3A_625 = tpu.vector_load %arg17[%get3A_624] {strides = array<i32>} : memref<304xf32, #tpu.memory_space<vmem>>, vector<16xf32>,
    %add3A_626 = arith.addf %get3A_623, %get3A_625 : vector<16xf32>
    %get3A_627 = arith.constant 32 : index
    %get3A_628 = tpu.vector_load %arg18[%get3A_627] {strides = array<i32>} : memref<304xf32, #tpu.memory_space<vmem>>, vector<16xf32>,
    %add3A_629 = arith.addf %add3A_626, %get3A_628 : vector<16xf32>
    %add3A_630 = arith.addf %get3A_621, %add3A_629 : vector<16xf32>
    %swap3A_631 = arith.constant 32 : index
    %swap3A_632 = tpu.vector_load %arg15[%swap3A_631] {strides = array<i32>} : memref<304xf32, #tpu.memory_space<vmem>>, vector<16xf32>,
    tpu.vector_store %arg15[%swap3A_631], %add3A_630 {strides = array<i32>} : memref<304xf32, #tpu.memory_space<vmem>>, vector<16xf32>,
    %get3A_633 = arith.constant 48 : index
    %get3A_634 = tpu.vector_load %arg11[%get3A_633] {strides = array<i32>} : memref<304xf32, #tpu.memory_space<vmem>>, vector<16xf32>,
    %get3A_635 = arith.constant 48 : index
    %get3A_636 = tpu.vector_load %arg12[%get3A_635] {strides = array<i32>} : memref<304xf32, #tpu.memory_space<vmem>>, vector<16xf32>,
    %get3A_637 = arith.constant 48 : index
    %get3A_638 = tpu.vector_load %arg13[%get3A_637] {strides = array<i32>} : memref<304xf32, #tpu.memory_space<vmem>>, vector<16xf32>,
    %add3A_639 = arith.addf %get3A_636, %get3A_638 : vector<16xf32>
    %get3A_640 = arith.constant 48 : index
    %get3A_641 = tpu.vector_load %arg14[%get3A_640] {strides = array<i32>} : memref<304xf32, #tpu.memory_space<vmem>>, vector<16xf32>,
    %add3A_642 = arith.addf %add3A_639, %get3A_641 : vector<16xf32>
    %add3A_643 = arith.addf %get3A_634, %add3A_642 : vector<16xf32>
    %swap3A_644 = arith.constant 48 : index
    %swap3A_645 = tpu.vector_load %arg11[%swap3A_644] {strides = array<i32>} : memref<304xf32, #tpu.memory_space<vmem>>, vector<16xf32>,
    tpu.vector_store %arg11[%swap3A_644], %add3A_643 {strides = array<i32>} : memref<304xf32, #tpu.memory_space<vmem>>, vector<16xf32>,
    %get3A_646 = arith.constant 48 : index
    %get3A_647 = tpu.vector_load %arg15[%get3A_646] {strides = array<i32>} : memref<304xf32, #tpu.memory_space<vmem>>, vector<16xf32>,
    %get3A_648 = arith.constant 48 : index
    %get3A_649 = tpu.vector_load %arg16[%get3A_648] {strides = array<i32>} : memref<304xf32, #tpu.memory_space<vmem>>, vector<16xf32>,
    %get3A_650 = arith.constant 48 : index
    %get3A_651 = tpu.vector_load %arg17[%get3A_650] {strides = array<i32>} : memref<304xf32, #tpu.memory_space<vmem>>, vector<16xf32>,
    %add3A_652 = arith.addf %get3A_649, %get3A_651 : vector<16xf32>
    %get3A_653 = arith.constant 48 : index
    %get3A_654 = tpu.vector_load %arg18[%get3A_653] {strides = array<i32>} : memref<304xf32, #tpu.memory_space<vmem>>, vector<16xf32>,
    %add3A_655 = arith.addf %add3A_652, %get3A_654 : vector<16xf32>
    %add3A_656 = arith.addf %get3A_647, %add3A_655 : vector<16xf32>
    %swap3A_657 = arith.constant 48 : index
    %swap3A_658 = tpu.vector_load %arg15[%swap3A_657] {strides = array<i32>} : memref<304xf32, #tpu.memory_space<vmem>>, vector<16xf32>,
    tpu.vector_store %arg15[%swap3A_657], %add3A_656 {strides = array<i32>} : memref<304xf32, #tpu.memory_space<vmem>>, vector<16xf32>,
    %get3A_659 = arith.constant 64 : index
    %get3A_660 = tpu.vector_load %arg11[%get3A_659] {strides = array<i32>} : memref<304xf32, #tpu.memory_space<vmem>>, vector<16xf32>,
    %get3A_661 = arith.constant 64 : index
    %get3A_662 = tpu.vector_load %arg12[%get3A_661] {strides = array<i32>} : memref<304xf32, #tpu.memory_space<vmem>>, vector<16xf32>,
    %get3A_663 = arith.constant 64 : index
    %get3A_664 = tpu.vector_load %arg13[%get3A_663] {strides = array<i32>} : memref<304xf32, #tpu.memory_space<vmem>>, vector<16xf32>,
    %add3A_665 = arith.addf %get3A_662, %get3A_664 : vector<16xf32>
    %get3A_666 = arith.constant 64 : index
    %get3A_667 = tpu.vector_load %arg14[%get3A_666] {strides = array<i32>} : memref<304xf32, #tpu.memory_space<vmem>>, vector<16xf32>,
    %add3A_668 = arith.addf %add3A_665, %get3A_667 : vector<16xf32>
    %add3A_669 = arith.addf %get3A_660, %add3A_668 : vector<16xf32>
    %swap3A_670 = arith.constant 64 : index
    %swap3A_671 = tpu.vector_load %arg11[%swap3A_670] {strides = array<i32>} : memref<304xf32, #tpu.memory_space<vmem>>, vector<16xf32>,
    tpu.vector_store %arg11[%swap3A_670], %add3A_669 {strides = array<i32>} : memref<304xf32, #tpu.memory_space<vmem>>, vector<16xf32>,
    %get3A_672 = arith.constant 64 : index
    %get3A_673 = tpu.vector_load %arg15[%get3A_672] {strides = array<i32>} : memref<304xf32, #tpu.memory_space<vmem>>, vector<16xf32>,
    %get3A_674 = arith.constant 64 : index
    %get3A_675 = tpu.vector_load %arg16[%get3A_674] {strides = array<i32>} : memref<304xf32, #tpu.memory_space<vmem>>, vector<16xf32>,
    %get3A_676 = arith.constant 64 : index
    %get3A_677 = tpu.vector_load %arg17[%get3A_676] {strides = array<i32>} : memref<304xf32, #tpu.memory_space<vmem>>, vector<16xf32>,
    %add3A_678 = arith.addf %get3A_675, %get3A_677 : vector<16xf32>
    %get3A_679 = arith.constant 64 : index
    %get3A_680 = tpu.vector_load %arg18[%get3A_679] {strides = array<i32>} : memref<304xf32, #tpu.memory_space<vmem>>, vector<16xf32>,
    %add3A_681 = arith.addf %add3A_678, %get3A_680 : vector<16xf32>
    %add3A_682 = arith.addf %get3A_673, %add3A_681 : vector<16xf32>
    %swap3A_683 = arith.constant 64 : index
    %swap3A_684 = tpu.vector_load %arg15[%swap3A_683] {strides = array<i32>} : memref<304xf32, #tpu.memory_space<vmem>>, vector<16xf32>,
    tpu.vector_store %arg15[%swap3A_683], %add3A_682 {strides = array<i32>} : memref<304xf32, #tpu.memory_space<vmem>>, vector<16xf32>,
    %get3A_685 = arith.constant 80 : index
    %get3A_686 = tpu.vector_load %arg11[%get3A_685] {strides = array<i32>} : memref<304xf32, #tpu.memory_space<vmem>>, vector<16xf32>,
    %get3A_687 = arith.constant 80 : index
    %get3A_688 = tpu.vector_load %arg12[%get3A_687] {strides = array<i32>} : memref<304xf32, #tpu.memory_space<vmem>>, vector<16xf32>,
    %get3A_689 = arith.constant 80 : index
    %get3A_690 = tpu.vector_load %arg13[%get3A_689] {strides = array<i32>} : memref<304xf32, #tpu.memory_space<vmem>>, vector<16xf32>,
    %add3A_691 = arith.addf %get3A_688, %get3A_690 : vector<16xf32>
    %get3A_692 = arith.constant 80 : index
    %get3A_693 = tpu.vector_load %arg14[%get3A_692] {strides = array<i32>} : memref<304xf32, #tpu.memory_space<vmem>>, vector<16xf32>,
    %add3A_694 = arith.addf %add3A_691, %get3A_693 : vector<16xf32>
    %add3A_695 = arith.addf %get3A_686, %add3A_694 : vector<16xf32>
    %swap3A_696 = arith.constant 80 : index
    %swap3A_697 = tpu.vector_load %arg11[%swap3A_696] {strides = array<i32>} : memref<304xf32, #tpu.memory_space<vmem>>, vector<16xf32>,
    tpu.vector_store %arg11[%swap3A_696], %add3A_695 {strides = array<i32>} : memref<304xf32, #tpu.memory_space<vmem>>, vector<16xf32>,
    %get3A_698 = arith.constant 80 : index
    %get3A_699 = tpu.vector_load %arg15[%get3A_698] {strides = array<i32>} : memref<304xf32, #tpu.memory_space<vmem>>, vector<16xf32>,
    %get3A_700 = arith.constant 80 : index
    %get3A_701 = tpu.vector_load %arg16[%get3A_700] {strides = array<i32>} : memref<304xf32, #tpu.memory_space<vmem>>, vector<16xf32>,
    %get3A_702 = arith.constant 80 : index
    %get3A_703 = tpu.vector_load %arg17[%get3A_702] {strides = array<i32>} : memref<304xf32, #tpu.memory_space<vmem>>, vector<16xf32>,
    %add3A_704 = arith.addf %get3A_701, %get3A_703 : vector<16xf32>
    %get3A_705 = arith.constant 80 : index
    %get3A_706 = tpu.vector_load %arg18[%get3A_705] {strides = array<i32>} : memref<304xf32, #tpu.memory_space<vmem>>, vector<16xf32>,
    %add3A_707 = arith.addf %add3A_704, %get3A_706 : vector<16xf32>
    %add3A_708 = arith.addf %get3A_699, %add3A_707 : vector<16xf32>
    %swap3A_709 = arith.constant 80 : index
    %swap3A_710 = tpu.vector_load %arg15[%swap3A_709] {strides = array<i32>} : memref<304xf32, #tpu.memory_space<vmem>>, vector<16xf32>,
    tpu.vector_store %arg15[%swap3A_709], %add3A_708 {strides = array<i32>} : memref<304xf32, #tpu.memory_space<vmem>>, vector<16xf32>,
    %get3A_711 = arith.constant 96 : index
    %get3A_712 = tpu.vector_load %arg11[%get3A_711] {strides = array<i32>} : memref<304xf32, #tpu.memory_space<vmem>>, vector<16xf32>,
    %get3A_713 = arith.constant 96 : index
    %get3A_714 = tpu.vector_load %arg12[%get3A_713] {strides = array<i32>} : memref<304xf32, #tpu.memory_space<vmem>>, vector<16xf32>,
    %get3A_715 = arith.constant 96 : index
    %get3A_716 = tpu.vector_load %arg13[%get3A_715] {strides = array<i32>} : memref<304xf32, #tpu.memory_space<vmem>>, vector<16xf32>,
    %add3A_717 = arith.addf %get3A_714, %get3A_716 : vector<16xf32>
    %get3A_718 = arith.constant 96 : index
    %get3A_719 = tpu.vector_load %arg14[%get3A_718] {strides = array<i32>} : memref<304xf32, #tpu.memory_space<vmem>>, vector<16xf32>,
    %add3A_720 = arith.addf %add3A_717, %get3A_719 : vector<16xf32>
    %add3A_721 = arith.addf %get3A_712, %add3A_720 : vector<16xf32>
    %swap3A_722 = arith.constant 96 : index
    %swap3A_723 = tpu.vector_load %arg11[%swap3A_722] {strides = array<i32>} : memref<304xf32, #tpu.memory_space<vmem>>, vector<16xf32>,
    tpu.vector_store %arg11[%swap3A_722], %add3A_721 {strides = array<i32>} : memref<304xf32, #tpu.memory_space<vmem>>, vector<16xf32>,
    %get3A_724 = arith.constant 96 : index
    %get3A_725 = tpu.vector_load %arg15[%get3A_724] {strides = array<i32>} : memref<304xf32, #tpu.memory_space<vmem>>, vector<16xf32>,
    %get3A_726 = arith.constant 96 : index
    %get3A_727 = tpu.vector_load %arg16[%get3A_726] {strides = array<i32>} : memref<304xf32, #tpu.memory_space<vmem>>, vector<16xf32>,
    %get3A_728 = arith.constant 96 : index
    %get3A_729 = tpu.vector_load %arg17[%get3A_728] {strides = array<i32>} : memref<304xf32, #tpu.memory_space<vmem>>, vector<16xf32>,
    %add3A_730 = arith.addf %get3A_727, %get3A_729 : vector<16xf32>
    %get3A_731 = arith.constant 96 : index
    %get3A_732 = tpu.vector_load %arg18[%get3A_731] {strides = array<i32>} : memref<304xf32, #tpu.memory_space<vmem>>, vector<16xf32>,
    %add3A_733 = arith.addf %add3A_730, %get3A_732 : vector<16xf32>
    %add3A_734 = arith.addf %get3A_725, %add3A_733 : vector<16xf32>
    %swap3A_735 = arith.constant 96 : index
    %swap3A_736 = tpu.vector_load %arg15[%swap3A_735] {strides = array<i32>} : memref<304xf32, #tpu.memory_space<vmem>>, vector<16xf32>,
    tpu.vector_store %arg15[%swap3A_735], %add3A_734 {strides = array<i32>} : memref<304xf32, #tpu.memory_space<vmem>>, vector<16xf32>,
    %get3A_737 = arith.constant 112 : index
    %get3A_738 = tpu.vector_load %arg11[%get3A_737] {strides = array<i32>} : memref<304xf32, #tpu.memory_space<vmem>>, vector<16xf32>,
    %get3A_739 = arith.constant 112 : index
    %get3A_740 = tpu.vector_load %arg12[%get3A_739] {strides = array<i32>} : memref<304xf32, #tpu.memory_space<vmem>>, vector<16xf32>,
    %get3A_741 = arith.constant 112 : index
    %get3A_742 = tpu.vector_load %arg13[%get3A_741] {strides = array<i32>} : memref<304xf32, #tpu.memory_space<vmem>>, vector<16xf32>,
    %add3A_743 = arith.addf %get3A_740, %get3A_742 : vector<16xf32>
    %get3A_744 = arith.constant 112 : index
    %get3A_745 = tpu.vector_load %arg14[%get3A_744] {strides = array<i32>} : memref<304xf32, #tpu.memory_space<vmem>>, vector<16xf32>,
    %add3A_746 = arith.addf %add3A_743, %get3A_745 : vector<16xf32>
    %add3A_747 = arith.addf %get3A_738, %add3A_746 : vector<16xf32>
    %swap3A_748 = arith.constant 112 : index
    %swap3A_749 = tpu.vector_load %arg11[%swap3A_748] {strides = array<i32>} : memref<304xf32, #tpu.memory_space<vmem>>, vector<16xf32>,
    tpu.vector_store %arg11[%swap3A_748], %add3A_747 {strides = array<i32>} : memref<304xf32, #tpu.memory_space<vmem>>, vector<16xf32>,
    %get3A_750 = arith.constant 112 : index
    %get3A_751 = tpu.vector_load %arg15[%get3A_750] {strides = array<i32>} : memref<304xf32, #tpu.memory_space<vmem>>, vector<16xf32>,
    %get3A_752 = arith.constant 112 : index
    %get3A_753 = tpu.vector_load %arg16[%get3A_752] {strides = array<i32>} : memref<304xf32, #tpu.memory_space<vmem>>, vector<16xf32>,
    %get3A_754 = arith.constant 112 : index
    %get3A_755 = tpu.vector_load %arg17[%get3A_754] {strides = array<i32>} : memref<304xf32, #tpu.memory_space<vmem>>, vector<16xf32>,
    %add3A_756 = arith.addf %get3A_753, %get3A_755 : vector<16xf32>
    %get3A_757 = arith.constant 112 : index
    %get3A_758 = tpu.vector_load %arg18[%get3A_757] {strides = array<i32>} : memref<304xf32, #tpu.memory_space<vmem>>, vector<16xf32>,
    %add3A_759 = arith.addf %add3A_756, %get3A_758 : vector<16xf32>
    %add3A_760 = arith.addf %get3A_751, %add3A_759 : vector<16xf32>
    %swap3A_761 = arith.constant 112 : index
    %swap3A_762 = tpu.vector_load %arg15[%swap3A_761] {strides = array<i32>} : memref<304xf32, #tpu.memory_space<vmem>>, vector<16xf32>,
    tpu.vector_store %arg15[%swap3A_761], %add3A_760 {strides = array<i32>} : memref<304xf32, #tpu.memory_space<vmem>>, vector<16xf32>,
    %get3A_763 = arith.constant 128 : index
    %get3A_764 = tpu.vector_load %arg11[%get3A_763] {strides = array<i32>} : memref<304xf32, #tpu.memory_space<vmem>>, vector<16xf32>,
    %get3A_765 = arith.constant 128 : index
    %get3A_766 = tpu.vector_load %arg12[%get3A_765] {strides = array<i32>} : memref<304xf32, #tpu.memory_space<vmem>>, vector<16xf32>,
    %get3A_767 = arith.constant 128 : index
    %get3A_768 = tpu.vector_load %arg13[%get3A_767] {strides = array<i32>} : memref<304xf32, #tpu.memory_space<vmem>>, vector<16xf32>,
    %add3A_769 = arith.addf %get3A_766, %get3A_768 : vector<16xf32>
    %get3A_770 = arith.constant 128 : index
    %get3A_771 = tpu.vector_load %arg14[%get3A_770] {strides = array<i32>} : memref<304xf32, #tpu.memory_space<vmem>>, vector<16xf32>,
    %add3A_772 = arith.addf %add3A_769, %get3A_771 : vector<16xf32>
    %add3A_773 = arith.addf %get3A_764, %add3A_772 : vector<16xf32>
    %swap3A_774 = arith.constant 128 : index
    %swap3A_775 = tpu.vector_load %arg11[%swap3A_774] {strides = array<i32>} : memref<304xf32, #tpu.memory_space<vmem>>, vector<16xf32>,
    tpu.vector_store %arg11[%swap3A_774], %add3A_773 {strides = array<i32>} : memref<304xf32, #tpu.memory_space<vmem>>, vector<16xf32>,
    %get3A_776 = arith.constant 128 : index
    %get3A_777 = tpu.vector_load %arg15[%get3A_776] {strides = array<i32>} : memref<304xf32, #tpu.memory_space<vmem>>, vector<16xf32>,
    %get3A_778 = arith.constant 128 : index
    %get3A_779 = tpu.vector_load %arg16[%get3A_778] {strides = array<i32>} : memref<304xf32, #tpu.memory_space<vmem>>, vector<16xf32>,
    %get3A_780 = arith.constant 128 : index
    %get3A_781 = tpu.vector_load %arg17[%get3A_780] {strides = array<i32>} : memref<304xf32, #tpu.memory_space<vmem>>, vector<16xf32>,
    %add3A_782 = arith.addf %get3A_779, %get3A_781 : vector<16xf32>
    %get3A_783 = arith.constant 128 : index
    %get3A_784 = tpu.vector_load %arg18[%get3A_783] {strides = array<i32>} : memref<304xf32, #tpu.memory_space<vmem>>, vector<16xf32>,
    %add3A_785 = arith.addf %add3A_782, %get3A_784 : vector<16xf32>
    %add3A_786 = arith.addf %get3A_777, %add3A_785 : vector<16xf32>
    %swap3A_787 = arith.constant 128 : index
    %swap3A_788 = tpu.vector_load %arg15[%swap3A_787] {strides = array<i32>} : memref<304xf32, #tpu.memory_space<vmem>>, vector<16xf32>,
    tpu.vector_store %arg15[%swap3A_787], %add3A_786 {strides = array<i32>} : memref<304xf32, #tpu.memory_space<vmem>>, vector<16xf32>,
    %get3A_789 = arith.constant 144 : index
    %get3A_790 = tpu.vector_load %arg11[%get3A_789] {strides = array<i32>} : memref<304xf32, #tpu.memory_space<vmem>>, vector<16xf32>,
    %get3A_791 = arith.constant 144 : index
    %get3A_792 = tpu.vector_load %arg12[%get3A_791] {strides = array<i32>} : memref<304xf32, #tpu.memory_space<vmem>>, vector<16xf32>,
    %get3A_793 = arith.constant 144 : index
    %get3A_794 = tpu.vector_load %arg13[%get3A_793] {strides = array<i32>} : memref<304xf32, #tpu.memory_space<vmem>>, vector<16xf32>,
    %add3A_795 = arith.addf %get3A_792, %get3A_794 : vector<16xf32>
    %get3A_796 = arith.constant 144 : index
    %get3A_797 = tpu.vector_load %arg14[%get3A_796] {strides = array<i32>} : memref<304xf32, #tpu.memory_space<vmem>>, vector<16xf32>,
    %add3A_798 = arith.addf %add3A_795, %get3A_797 : vector<16xf32>
    %add3A_799 = arith.addf %get3A_790, %add3A_798 : vector<16xf32>
    %swap3A_800 = arith.constant 144 : index
    %swap3A_801 = tpu.vector_load %arg11[%swap3A_800] {strides = array<i32>} : memref<304xf32, #tpu.memory_space<vmem>>, vector<16xf32>,
    tpu.vector_store %arg11[%swap3A_800], %add3A_799 {strides = array<i32>} : memref<304xf32, #tpu.memory_space<vmem>>, vector<16xf32>,
    %get3A_802 = arith.constant 144 : index
    %get3A_803 = tpu.vector_load %arg15[%get3A_802] {strides = array<i32>} : memref<304xf32, #tpu.memory_space<vmem>>, vector<16xf32>,
    %get3A_804 = arith.constant 144 : index
    %get3A_805 = tpu.vector_load %arg16[%get3A_804] {strides = array<i32>} : memref<304xf32, #tpu.memory_space<vmem>>, vector<16xf32>,
    %get3A_806 = arith.constant 144 : index
    %get3A_807 = tpu.vector_load %arg17[%get3A_806] {strides = array<i32>} : memref<304xf32, #tpu.memory_space<vmem>>, vector<16xf32>,
    %add3A_808 = arith.addf %get3A_805, %get3A_807 : vector<16xf32>
    %get3A_809 = arith.constant 144 : index
    %get3A_810 = tpu.vector_load %arg18[%get3A_809] {strides = array<i32>} : memref<304xf32, #tpu.memory_space<vmem>>, vector<16xf32>,
    %add3A_811 = arith.addf %add3A_808, %get3A_810 : vector<16xf32>
    %add3A_812 = arith.addf %get3A_803, %add3A_811 : vector<16xf32>
    %swap3A_813 = arith.constant 144 : index
    %swap3A_814 = tpu.vector_load %arg15[%swap3A_813] {strides = array<i32>} : memref<304xf32, #tpu.memory_space<vmem>>, vector<16xf32>,
    tpu.vector_store %arg15[%swap3A_813], %add3A_812 {strides = array<i32>} : memref<304xf32, #tpu.memory_space<vmem>>, vector<16xf32>,
    %get3A_815 = arith.constant 160 : index
    %get3A_816 = tpu.vector_load %arg11[%get3A_815] {strides = array<i32>} : memref<304xf32, #tpu.memory_space<vmem>>, vector<16xf32>,
    %get3A_817 = arith.constant 160 : index
    %get3A_818 = tpu.vector_load %arg12[%get3A_817] {strides = array<i32>} : memref<304xf32, #tpu.memory_space<vmem>>, vector<16xf32>,
    %get3A_819 = arith.constant 160 : index
    %get3A_820 = tpu.vector_load %arg13[%get3A_819] {strides = array<i32>} : memref<304xf32, #tpu.memory_space<vmem>>, vector<16xf32>,
    %add3A_821 = arith.addf %get3A_818, %get3A_820 : vector<16xf32>
    %get3A_822 = arith.constant 160 : index
    %get3A_823 = tpu.vector_load %arg14[%get3A_822] {strides = array<i32>} : memref<304xf32, #tpu.memory_space<vmem>>, vector<16xf32>,
    %add3A_824 = arith.addf %add3A_821, %get3A_823 : vector<16xf32>
    %add3A_825 = arith.addf %get3A_816, %add3A_824 : vector<16xf32>
    %swap3A_826 = arith.constant 160 : index
    %swap3A_827 = tpu.vector_load %arg11[%swap3A_826] {strides = array<i32>} : memref<304xf32, #tpu.memory_space<vmem>>, vector<16xf32>,
    tpu.vector_store %arg11[%swap3A_826], %add3A_825 {strides = array<i32>} : memref<304xf32, #tpu.memory_space<vmem>>, vector<16xf32>,
    %get3A_828 = arith.constant 160 : index
    %get3A_829 = tpu.vector_load %arg15[%get3A_828] {strides = array<i32>} : memref<304xf32, #tpu.memory_space<vmem>>, vector<16xf32>,
    %get3A_830 = arith.constant 160 : index
    %get3A_831 = tpu.vector_load %arg16[%get3A_830] {strides = array<i32>} : memref<304xf32, #tpu.memory_space<vmem>>, vector<16xf32>,
    %get3A_832 = arith.constant 160 : index
    %get3A_833 = tpu.vector_load %arg17[%get3A_832] {strides = array<i32>} : memref<304xf32, #tpu.memory_space<vmem>>, vector<16xf32>,
    %add3A_834 = arith.addf %get3A_831, %get3A_833 : vector<16xf32>
    %get3A_835 = arith.constant 160 : index
    %get3A_836 = tpu.vector_load %arg18[%get3A_835] {strides = array<i32>} : memref<304xf32, #tpu.memory_space<vmem>>, vector<16xf32>,
    %add3A_837 = arith.addf %add3A_834, %get3A_836 : vector<16xf32>
    %add3A_838 = arith.addf %get3A_829, %add3A_837 : vector<16xf32>
    %swap3A_839 = arith.constant 160 : index
    %swap3A_840 = tpu.vector_load %arg15[%swap3A_839] {strides = array<i32>} : memref<304xf32, #tpu.memory_space<vmem>>, vector<16xf32>,
    tpu.vector_store %arg15[%swap3A_839], %add3A_838 {strides = array<i32>} : memref<304xf32, #tpu.memory_space<vmem>>, vector<16xf32>,
    %get3A_841 = arith.constant 176 : index
    %get3A_842 = tpu.vector_load %arg11[%get3A_841] {strides = array<i32>} : memref<304xf32, #tpu.memory_space<vmem>>, vector<16xf32>,
    %get3A_843 = arith.constant 176 : index
    %get3A_844 = tpu.vector_load %arg12[%get3A_843] {strides = array<i32>} : memref<304xf32, #tpu.memory_space<vmem>>, vector<16xf32>,
    %get3A_845 = arith.constant 176 : index
    %get3A_846 = tpu.vector_load %arg13[%get3A_845] {strides = array<i32>} : memref<304xf32, #tpu.memory_space<vmem>>, vector<16xf32>,
    %add3A_847 = arith.addf %get3A_844, %get3A_846 : vector<16xf32>
    %get3A_848 = arith.constant 176 : index
    %get3A_849 = tpu.vector_load %arg14[%get3A_848] {strides = array<i32>} : memref<304xf32, #tpu.memory_space<vmem>>, vector<16xf32>,
    %add3A_850 = arith.addf %add3A_847, %get3A_849 : vector<16xf32>
    %add3A_851 = arith.addf %get3A_842, %add3A_850 : vector<16xf32>
    %swap3A_852 = arith.constant 176 : index
    %swap3A_853 = tpu.vector_load %arg11[%swap3A_852] {strides = array<i32>} : memref<304xf32, #tpu.memory_space<vmem>>, vector<16xf32>,
    tpu.vector_store %arg11[%swap3A_852], %add3A_851 {strides = array<i32>} : memref<304xf32, #tpu.memory_space<vmem>>, vector<16xf32>,
    %get3A_854 = arith.constant 176 : index
    %get3A_855 = tpu.vector_load %arg15[%get3A_854] {strides = array<i32>} : memref<304xf32, #tpu.memory_space<vmem>>, vector<16xf32>,
    %get3A_856 = arith.constant 176 : index
    %get3A_857 = tpu.vector_load %arg16[%get3A_856] {strides = array<i32>} : memref<304xf32, #tpu.memory_space<vmem>>, vector<16xf32>,
    %get3A_858 = arith.constant 176 : index
    %get3A_859 = tpu.vector_load %arg17[%get3A_858] {strides = array<i32>} : memref<304xf32, #tpu.memory_space<vmem>>, vector<16xf32>,
    %add3A_860 = arith.addf %get3A_857, %get3A_859 : vector<16xf32>
    %get3A_861 = arith.constant 176 : index
    %get3A_862 = tpu.vector_load %arg18[%get3A_861] {strides = array<i32>} : memref<304xf32, #tpu.memory_space<vmem>>, vector<16xf32>,
    %add3A_863 = arith.addf %add3A_860, %get3A_862 : vector<16xf32>
    %add3A_864 = arith.addf %get3A_855, %add3A_863 : vector<16xf32>
    %swap3A_865 = arith.constant 176 : index
    %swap3A_866 = tpu.vector_load %arg15[%swap3A_865] {strides = array<i32>} : memref<304xf32, #tpu.memory_space<vmem>>, vector<16xf32>,
    tpu.vector_store %arg15[%swap3A_865], %add3A_864 {strides = array<i32>} : memref<304xf32, #tpu.memory_space<vmem>>, vector<16xf32>,
    %get3A_867 = arith.constant 192 : index
    %get3A_868 = tpu.vector_load %arg11[%get3A_867] {strides = array<i32>} : memref<304xf32, #tpu.memory_space<vmem>>, vector<16xf32>,
    %get3A_869 = arith.constant 192 : index
    %get3A_870 = tpu.vector_load %arg12[%get3A_869] {strides = array<i32>} : memref<304xf32, #tpu.memory_space<vmem>>, vector<16xf32>,
    %get3A_871 = arith.constant 192 : index
    %get3A_872 = tpu.vector_load %arg13[%get3A_871] {strides = array<i32>} : memref<304xf32, #tpu.memory_space<vmem>>, vector<16xf32>,
    %add3A_873 = arith.addf %get3A_870, %get3A_872 : vector<16xf32>
    %get3A_874 = arith.constant 192 : index
    %get3A_875 = tpu.vector_load %arg14[%get3A_874] {strides = array<i32>} : memref<304xf32, #tpu.memory_space<vmem>>, vector<16xf32>,
    %add3A_876 = arith.addf %add3A_873, %get3A_875 : vector<16xf32>
    %add3A_877 = arith.addf %get3A_868, %add3A_876 : vector<16xf32>
    %swap3A_878 = arith.constant 192 : index
    %swap3A_879 = tpu.vector_load %arg11[%swap3A_878] {strides = array<i32>} : memref<304xf32, #tpu.memory_space<vmem>>, vector<16xf32>,
    tpu.vector_store %arg11[%swap3A_878], %add3A_877 {strides = array<i32>} : memref<304xf32, #tpu.memory_space<vmem>>, vector<16xf32>,
    %get3A_880 = arith.constant 192 : index
    %get3A_881 = tpu.vector_load %arg15[%get3A_880] {strides = array<i32>} : memref<304xf32, #tpu.memory_space<vmem>>, vector<16xf32>,
    %get3A_882 = arith.constant 192 : index
    %get3A_883 = tpu.vector_load %arg16[%get3A_882] {strides = array<i32>} : memref<304xf32, #tpu.memory_space<vmem>>, vector<16xf32>,
    %get3A_884 = arith.constant 192 : index
    %get3A_885 = tpu.vector_load %arg17[%get3A_884] {strides = array<i32>} : memref<304xf32, #tpu.memory_space<vmem>>, vector<16xf32>,
    %add3A_886 = arith.addf %get3A_883, %get3A_885 : vector<16xf32>
    %get3A_887 = arith.constant 192 : index
    %get3A_888 = tpu.vector_load %arg18[%get3A_887] {strides = array<i32>} : memref<304xf32, #tpu.memory_space<vmem>>, vector<16xf32>,
    %add3A_889 = arith.addf %add3A_886, %get3A_888 : vector<16xf32>
    %add3A_890 = arith.addf %get3A_881, %add3A_889 : vector<16xf32>
    %swap3A_891 = arith.constant 192 : index
    %swap3A_892 = tpu.vector_load %arg15[%swap3A_891] {strides = array<i32>} : memref<304xf32, #tpu.memory_space<vmem>>, vector<16xf32>,
    tpu.vector_store %arg15[%swap3A_891], %add3A_890 {strides = array<i32>} : memref<304xf32, #tpu.memory_space<vmem>>, vector<16xf32>,
    %get3A_893 = arith.constant 208 : index
    %get3A_894 = tpu.vector_load %arg11[%get3A_893] {strides = array<i32>} : memref<304xf32, #tpu.memory_space<vmem>>, vector<16xf32>,
    %get3A_895 = arith.constant 208 : index
    %get3A_896 = tpu.vector_load %arg12[%get3A_895] {strides = array<i32>} : memref<304xf32, #tpu.memory_space<vmem>>, vector<16xf32>,
    %get3A_897 = arith.constant 208 : index
    %get3A_898 = tpu.vector_load %arg13[%get3A_897] {strides = array<i32>} : memref<304xf32, #tpu.memory_space<vmem>>, vector<16xf32>,
    %add3A_899 = arith.addf %get3A_896, %get3A_898 : vector<16xf32>
    %get3A_900 = arith.constant 208 : index
    %get3A_901 = tpu.vector_load %arg14[%get3A_900] {strides = array<i32>} : memref<304xf32, #tpu.memory_space<vmem>>, vector<16xf32>,
    %add3A_902 = arith.addf %add3A_899, %get3A_901 : vector<16xf32>
    %add3A_903 = arith.addf %get3A_894, %add3A_902 : vector<16xf32>
    %swap3A_904 = arith.constant 208 : index
    %swap3A_905 = tpu.vector_load %arg11[%swap3A_904] {strides = array<i32>} : memref<304xf32, #tpu.memory_space<vmem>>, vector<16xf32>,
    tpu.vector_store %arg11[%swap3A_904], %add3A_903 {strides = array<i32>} : memref<304xf32, #tpu.memory_space<vmem>>, vector<16xf32>,
    %get3A_906 = arith.constant 208 : index
    %get3A_907 = tpu.vector_load %arg15[%get3A_906] {strides = array<i32>} : memref<304xf32, #tpu.memory_space<vmem>>, vector<16xf32>,
    %get3A_908 = arith.constant 208 : index
    %get3A_909 = tpu.vector_load %arg16[%get3A_908] {strides = array<i32>} : memref<304xf32, #tpu.memory_space<vmem>>, vector<16xf32>,
    %get3A_910 = arith.constant 208 : index
    %get3A_911 = tpu.vector_load %arg17[%get3A_910] {strides = array<i32>} : memref<304xf32, #tpu.memory_space<vmem>>, vector<16xf32>,
    %add3A_912 = arith.addf %get3A_909, %get3A_911 : vector<16xf32>
    %get3A_913 = arith.constant 208 : index
    %get3A_914 = tpu.vector_load %arg18[%get3A_913] {strides = array<i32>} : memref<304xf32, #tpu.memory_space<vmem>>, vector<16xf32>,
    %add3A_915 = arith.addf %add3A_912, %get3A_914 : vector<16xf32>
    %add3A_916 = arith.addf %get3A_907, %add3A_915 : vector<16xf32>
    %swap3A_917 = arith.constant 208 : index
    %swap3A_918 = tpu.vector_load %arg15[%swap3A_917] {strides = array<i32>} : memref<304xf32, #tpu.memory_space<vmem>>, vector<16xf32>,
    tpu.vector_store %arg15[%swap3A_917], %add3A_916 {strides = array<i32>} : memref<304xf32, #tpu.memory_space<vmem>>, vector<16xf32>,
    %get3A_919 = arith.constant 224 : index
    %get3A_920 = tpu.vector_load %arg11[%get3A_919] {strides = array<i32>} : memref<304xf32, #tpu.memory_space<vmem>>, vector<16xf32>,
    %get3A_921 = arith.constant 224 : index
    %get3A_922 = tpu.vector_load %arg12[%get3A_921] {strides = array<i32>} : memref<304xf32, #tpu.memory_space<vmem>>, vector<16xf32>,
    %get3A_923 = arith.constant 224 : index
    %get3A_924 = tpu.vector_load %arg13[%get3A_923] {strides = array<i32>} : memref<304xf32, #tpu.memory_space<vmem>>, vector<16xf32>,
    %add3A_925 = arith.addf %get3A_922, %get3A_924 : vector<16xf32>
    %get3A_926 = arith.constant 224 : index
    %get3A_927 = tpu.vector_load %arg14[%get3A_926] {strides = array<i32>} : memref<304xf32, #tpu.memory_space<vmem>>, vector<16xf32>,
    %add3A_928 = arith.addf %add3A_925, %get3A_927 : vector<16xf32>
    %add3A_929 = arith.addf %get3A_920, %add3A_928 : vector<16xf32>
    %swap3A_930 = arith.constant 224 : index
    %swap3A_931 = tpu.vector_load %arg11[%swap3A_930] {strides = array<i32>} : memref<304xf32, #tpu.memory_space<vmem>>, vector<16xf32>,
    tpu.vector_store %arg11[%swap3A_930], %add3A_929 {strides = array<i32>} : memref<304xf32, #tpu.memory_space<vmem>>, vector<16xf32>,
    %get3A_932 = arith.constant 224 : index
    %get3A_933 = tpu.vector_load %arg15[%get3A_932] {strides = array<i32>} : memref<304xf32, #tpu.memory_space<vmem>>, vector<16xf32>,
    %get3A_934 = arith.constant 224 : index
    %get3A_935 = tpu.vector_load %arg16[%get3A_934] {strides = array<i32>} : memref<304xf32, #tpu.memory_space<vmem>>, vector<16xf32>,
    %get3A_936 = arith.constant 224 : index
    %get3A_937 = tpu.vector_load %arg17[%get3A_936] {strides = array<i32>} : memref<304xf32, #tpu.memory_space<vmem>>, vector<16xf32>,
    %add3A_938 = arith.addf %get3A_935, %get3A_937 : vector<16xf32>
    %get3A_939 = arith.constant 224 : index
    %get3A_940 = tpu.vector_load %arg18[%get3A_939] {strides = array<i32>} : memref<304xf32, #tpu.memory_space<vmem>>, vector<16xf32>,
    %add3A_941 = arith.addf %add3A_938, %get3A_940 : vector<16xf32>
    %add3A_942 = arith.addf %get3A_933, %add3A_941 : vector<16xf32>
    %swap3A_943 = arith.constant 224 : index
    %swap3A_944 = tpu.vector_load %arg15[%swap3A_943] {strides = array<i32>} : memref<304xf32, #tpu.memory_space<vmem>>, vector<16xf32>,
    tpu.vector_store %arg15[%swap3A_943], %add3A_942 {strides = array<i32>} : memref<304xf32, #tpu.memory_space<vmem>>, vector<16xf32>,
    %get3A_945 = arith.constant 240 : index
    %get3A_946 = tpu.vector_load %arg11[%get3A_945] {strides = array<i32>} : memref<304xf32, #tpu.memory_space<vmem>>, vector<16xf32>,
    %get3A_947 = arith.constant 240 : index
    %get3A_948 = tpu.vector_load %arg12[%get3A_947] {strides = array<i32>} : memref<304xf32, #tpu.memory_space<vmem>>, vector<16xf32>,
    %get3A_949 = arith.constant 240 : index
    %get3A_950 = tpu.vector_load %arg13[%get3A_949] {strides = array<i32>} : memref<304xf32, #tpu.memory_space<vmem>>, vector<16xf32>,
    %add3A_951 = arith.addf %get3A_948, %get3A_950 : vector<16xf32>
    %get3A_952 = arith.constant 240 : index
    %get3A_953 = tpu.vector_load %arg14[%get3A_952] {strides = array<i32>} : memref<304xf32, #tpu.memory_space<vmem>>, vector<16xf32>,
    %add3A_954 = arith.addf %add3A_951, %get3A_953 : vector<16xf32>
    %add3A_955 = arith.addf %get3A_946, %add3A_954 : vector<16xf32>
    %swap3A_956 = arith.constant 240 : index
    %swap3A_957 = tpu.vector_load %arg11[%swap3A_956] {strides = array<i32>} : memref<304xf32, #tpu.memory_space<vmem>>, vector<16xf32>,
    tpu.vector_store %arg11[%swap3A_956], %add3A_955 {strides = array<i32>} : memref<304xf32, #tpu.memory_space<vmem>>, vector<16xf32>,
    %get3A_958 = arith.constant 240 : index
    %get3A_959 = tpu.vector_load %arg15[%get3A_958] {strides = array<i32>} : memref<304xf32, #tpu.memory_space<vmem>>, vector<16xf32>,
    %get3A_960 = arith.constant 240 : index
    %get3A_961 = tpu.vector_load %arg16[%get3A_960] {strides = array<i32>} : memref<304xf32, #tpu.memory_space<vmem>>, vector<16xf32>,
    %get3A_962 = arith.constant 240 : index
    %get3A_963 = tpu.vector_load %arg17[%get3A_962] {strides = array<i32>} : memref<304xf32, #tpu.memory_space<vmem>>, vector<16xf32>,
    %add3A_964 = arith.addf %get3A_961, %get3A_963 : vector<16xf32>
    %get3A_965 = arith.constant 240 : index
    %get3A_966 = tpu.vector_load %arg18[%get3A_965] {strides = array<i32>} : memref<304xf32, #tpu.memory_space<vmem>>, vector<16xf32>,
    %add3A_967 = arith.addf %add3A_964, %get3A_966 : vector<16xf32>
    %add3A_968 = arith.addf %get3A_959, %add3A_967 : vector<16xf32>
    %swap3A_969 = arith.constant 240 : index
    %swap3A_970 = tpu.vector_load %arg15[%swap3A_969] {strides = array<i32>} : memref<304xf32, #tpu.memory_space<vmem>>, vector<16xf32>,
    tpu.vector_store %arg15[%swap3A_969], %add3A_968 {strides = array<i32>} : memref<304xf32, #tpu.memory_space<vmem>>, vector<16xf32>,
    %get3A_971 = arith.constant 256 : index
    %get3A_972 = tpu.vector_load %arg11[%get3A_971] {strides = array<i32>} : memref<304xf32, #tpu.memory_space<vmem>>, vector<16xf32>,
    %get3A_973 = arith.constant 256 : index
    %get3A_974 = tpu.vector_load %arg12[%get3A_973] {strides = array<i32>} : memref<304xf32, #tpu.memory_space<vmem>>, vector<16xf32>,
    %get3A_975 = arith.constant 256 : index
    %get3A_976 = tpu.vector_load %arg13[%get3A_975] {strides = array<i32>} : memref<304xf32, #tpu.memory_space<vmem>>, vector<16xf32>,
    %add3A_977 = arith.addf %get3A_974, %get3A_976 : vector<16xf32>
    %get3A_978 = arith.constant 256 : index
    %get3A_979 = tpu.vector_load %arg14[%get3A_978] {strides = array<i32>} : memref<304xf32, #tpu.memory_space<vmem>>, vector<16xf32>,
    %add3A_980 = arith.addf %add3A_977, %get3A_979 : vector<16xf32>
    %add3A_981 = arith.addf %get3A_972, %add3A_980 : vector<16xf32>
    %swap3A_982 = arith.constant 256 : index
    %swap3A_983 = tpu.vector_load %arg11[%swap3A_982] {strides = array<i32>} : memref<304xf32, #tpu.memory_space<vmem>>, vector<16xf32>,
    tpu.vector_store %arg11[%swap3A_982], %add3A_981 {strides = array<i32>} : memref<304xf32, #tpu.memory_space<vmem>>, vector<16xf32>,
    %get3A_984 = arith.constant 256 : index
    %get3A_985 = tpu.vector_load %arg15[%get3A_984] {strides = array<i32>} : memref<304xf32, #tpu.memory_space<vmem>>, vector<16xf32>,
    %get3A_986 = arith.constant 256 : index
    %get3A_987 = tpu.vector_load %arg16[%get3A_986] {strides = array<i32>} : memref<304xf32, #tpu.memory_space<vmem>>, vector<16xf32>,
    %get3A_988 = arith.constant 256 : index
    %get3A_989 = tpu.vector_load %arg17[%get3A_988] {strides = array<i32>} : memref<304xf32, #tpu.memory_space<vmem>>, vector<16xf32>,
    %add3A_990 = arith.addf %get3A_987, %get3A_989 : vector<16xf32>
    %get3A_991 = arith.constant 256 : index
    %get3A_992 = tpu.vector_load %arg18[%get3A_991] {strides = array<i32>} : memref<304xf32, #tpu.memory_space<vmem>>, vector<16xf32>,
    %add3A_993 = arith.addf %add3A_990, %get3A_992 : vector<16xf32>
    %add3A_994 = arith.addf %get3A_985, %add3A_993 : vector<16xf32>
    %swap3A_995 = arith.constant 256 : index
    %swap3A_996 = tpu.vector_load %arg15[%swap3A_995] {strides = array<i32>} : memref<304xf32, #tpu.memory_space<vmem>>, vector<16xf32>,
    tpu.vector_store %arg15[%swap3A_995], %add3A_994 {strides = array<i32>} : memref<304xf32, #tpu.memory_space<vmem>>, vector<16xf32>,
    %get3A_997 = arith.constant 272 : index
    %get3A_998 = tpu.vector_load %arg11[%get3A_997] {strides = array<i32>} : memref<304xf32, #tpu.memory_space<vmem>>, vector<16xf32>,
    %get3A_999 = arith.constant 272 : index
    %get3A_1000 = tpu.vector_load %arg12[%get3A_999] {strides = array<i32>} : memref<304xf32, #tpu.memory_space<vmem>>, vector<16xf32>,
    %get3A_1001 = arith.constant 272 : index
    %get3A_1002 = tpu.vector_load %arg13[%get3A_1001] {strides = array<i32>} : memref<304xf32, #tpu.memory_space<vmem>>, vector<16xf32>,
    %add3A_1003 = arith.addf %get3A_1000, %get3A_1002 : vector<16xf32>
    %get3A_1004 = arith.constant 272 : index
    %get3A_1005 = tpu.vector_load %arg14[%get3A_1004] {strides = array<i32>} : memref<304xf32, #tpu.memory_space<vmem>>, vector<16xf32>,
    %add3A_1006 = arith.addf %add3A_1003, %get3A_1005 : vector<16xf32>
    %add3A_1007 = arith.addf %get3A_998, %add3A_1006 : vector<16xf32>
    %swap3A_1008 = arith.constant 272 : index
    %swap3A_1009 = tpu.vector_load %arg11[%swap3A_1008] {strides = array<i32>} : memref<304xf32, #tpu.memory_space<vmem>>, vector<16xf32>,
    tpu.vector_store %arg11[%swap3A_1008], %add3A_1007 {strides = array<i32>} : memref<304xf32, #tpu.memory_space<vmem>>, vector<16xf32>,
    %get3A_1010 = arith.constant 272 : index
    %get3A_1011 = tpu.vector_load %arg15[%get3A_1010] {strides = array<i32>} : memref<304xf32, #tpu.memory_space<vmem>>, vector<16xf32>,
    %get3A_1012 = arith.constant 272 : index
    %get3A_1013 = tpu.vector_load %arg16[%get3A_1012] {strides = array<i32>} : memref<304xf32, #tpu.memory_space<vmem>>, vector<16xf32>,
    %get3A_1014 = arith.constant 272 : index
    %get3A_1015 = tpu.vector_load %arg17[%get3A_1014] {strides = array<i32>} : memref<304xf32, #tpu.memory_space<vmem>>, vector<16xf32>,
    %add3A_1016 = arith.addf %get3A_1013, %get3A_1015 : vector<16xf32>
    %get3A_1017 = arith.constant 272 : index
    %get3A_1018 = tpu.vector_load %arg18[%get3A_1017] {strides = array<i32>} : memref<304xf32, #tpu.memory_space<vmem>>, vector<16xf32>,
    %add3A_1019 = arith.addf %add3A_1016, %get3A_1018 : vector<16xf32>
    %add3A_1020 = arith.addf %get3A_1011, %add3A_1019 : vector<16xf32>
    %swap3A_1021 = arith.constant 272 : index
    %swap3A_1022 = tpu.vector_load %arg15[%swap3A_1021] {strides = array<i32>} : memref<304xf32, #tpu.memory_space<vmem>>, vector<16xf32>,
    tpu.vector_store %arg15[%swap3A_1021], %add3A_1020 {strides = array<i32>} : memref<304xf32, #tpu.memory_space<vmem>>, vector<16xf32>,
    %get3A_1023 = arith.constant 288 : index
    %get3A_1024 = tpu.vector_load %arg11[%get3A_1023] {strides = array<i32>} : memref<304xf32, #tpu.memory_space<vmem>>, vector<16xf32>,
    %get3A_1025 = arith.constant 288 : index
    %get3A_1026 = tpu.vector_load %arg12[%get3A_1025] {strides = array<i32>} : memref<304xf32, #tpu.memory_space<vmem>>, vector<16xf32>,
    %get3A_1027 = arith.constant 288 : index
    %get3A_1028 = tpu.vector_load %arg13[%get3A_1027] {strides = array<i32>} : memref<304xf32, #tpu.memory_space<vmem>>, vector<16xf32>,
    %add3A_1029 = arith.addf %get3A_1026, %get3A_1028 : vector<16xf32>
    %get3A_1030 = arith.constant 288 : index
    %get3A_1031 = tpu.vector_load %arg14[%get3A_1030] {strides = array<i32>} : memref<304xf32, #tpu.memory_space<vmem>>, vector<16xf32>,
    %add3A_1032 = arith.addf %add3A_1029, %get3A_1031 : vector<16xf32>
    %add3A_1033 = arith.addf %get3A_1024, %add3A_1032 : vector<16xf32>
    %swap3A_1034 = arith.constant 288 : index
    %swap3A_1035 = tpu.vector_load %arg11[%swap3A_1034] {strides = array<i32>} : memref<304xf32, #tpu.memory_space<vmem>>, vector<16xf32>,
    tpu.vector_store %arg11[%swap3A_1034], %add3A_1033 {strides = array<i32>} : memref<304xf32, #tpu.memory_space<vmem>>, vector<16xf32>,
    %get3A_1036 = arith.constant 288 : index
    %get3A_1037 = tpu.vector_load %arg15[%get3A_1036] {strides = array<i32>} : memref<304xf32, #tpu.memory_space<vmem>>, vector<16xf32>,
    %get3A_1038 = arith.constant 288 : index
    %get3A_1039 = tpu.vector_load %arg16[%get3A_1038] {strides = array<i32>} : memref<304xf32, #tpu.memory_space<vmem>>, vector<16xf32>,
    %get3A_1040 = arith.constant 288 : index
    %get3A_1041 = tpu.vector_load %arg17[%get3A_1040] {strides = array<i32>} : memref<304xf32, #tpu.memory_space<vmem>>, vector<16xf32>,
    %add3A_1042 = arith.addf %get3A_1039, %get3A_1041 : vector<16xf32>
    %get3A_1043 = arith.constant 288 : index
    %get3A_1044 = tpu.vector_load %arg18[%get3A_1043] {strides = array<i32>} : memref<304xf32, #tpu.memory_space<vmem>>, vector<16xf32>,
    %add3A_1045 = arith.addf %add3A_1042, %get3A_1044 : vector<16xf32>
    %add3A_1046 = arith.addf %get3A_1037, %add3A_1045 : vector<16xf32>
    %swap3A_1047 = arith.constant 288 : index
    %swap3A_1048 = tpu.vector_load %arg15[%swap3A_1047] {strides = array<i32>} : memref<304xf32, #tpu.memory_space<vmem>>, vector<16xf32>,
    tpu.vector_store %arg15[%swap3A_1047], %add3A_1046 {strides = array<i32>} : memref<304xf32, #tpu.memory_space<vmem>>, vector<16xf32>,
    %run_scoped3A = arith.constant 0 : i32
    "tpu.region"() ({
      %run_scoped3A_1050 = tpu.sem_alloc : memref<!tpu.dma_semaphore, #tpu.memory_space<semaphore_mem>>
      %dma_start3A_1051 = arith.constant 0 : i32
      %dma_start3A_1052 = tpu.memref_slice %arg4[%add3A, %run_scoped3A, %dma_start3A_1051] : memref<32x2x304xf32, #tpu.memory_space<hbm>> -> memref<1x1x304xf32, #tpu.memory_space<hbm>>
      %dma_start3A_1053 = tpu.memref_squeeze %dma_start3A_1052 : memref<1x1x304xf32, #tpu.memory_space<hbm>> -> memref<304xf32, #tpu.memory_space<hbm>>
      %dma_start3A_1054 = arith.constant 0 : i32
      %dma_start3A_1055 = tpu.memref_slice %arg4[%add3A, %run_scoped3A, %dma_start3A_1054] : memref<32x2x304xf32, #tpu.memory_space<hbm>> -> memref<1x1x304xf32, #tpu.memory_space<hbm>>
      %dma_start3A_1056 = tpu.memref_squeeze %dma_start3A_1055 : memref<1x1x304xf32, #tpu.memory_space<hbm>> -> memref<304xf32, #tpu.memory_space<hbm>>
      tpu.enqueue_dma source(%arg11 : memref<304xf32, #tpu.memory_space<vmem>>) target(%dma_start3A_1056 : memref<304xf32, #tpu.memory_space<hbm>>) target_semaphore(%run_scoped3A_1050 : memref<!tpu.dma_semaphore, #tpu.memory_space<semaphore_mem>>)
      %dma_wait3A_1057 = arith.constant 0 : i32
      %dma_wait3A_1058 = tpu.memref_slice %arg4[%add3A, %run_scoped3A, %dma_wait3A_1057] : memref<32x2x304xf32, #tpu.memory_space<hbm>> -> memref<1x1x304xf32, #tpu.memory_space<hbm>>
      %dma_wait3A_1059 = tpu.memref_squeeze %dma_wait3A_1058 : memref<1x1x304xf32, #tpu.memory_space<hbm>> -> memref<304xf32, #tpu.memory_space<hbm>>
      %dma_wait3A_1060 = arith.constant 0 : i32
      %dma_wait3A_1061 = tpu.memref_slice %arg4[%add3A, %run_scoped3A, %dma_wait3A_1060] : memref<32x2x304xf32, #tpu.memory_space<hbm>> -> memref<1x1x304xf32, #tpu.memory_space<hbm>>
      %dma_wait3A_1062 = tpu.memref_squeeze %dma_wait3A_1061 : memref<1x1x304xf32, #tpu.memory_space<hbm>> -> memref<304xf32, #tpu.memory_space<hbm>>
      tpu.wait_dma2 semaphore(%run_scoped3A_1050 : memref<!tpu.dma_semaphore, #tpu.memory_space<semaphore_mem>>) src(%arg11 : memref<304xf32, #tpu.memory_space<vmem>>) dst(%dma_wait3A_1062 : memref<304xf32, #tpu.memory_space<hbm>>)
      tpu.yield
    }) : () -> ()
    %run_scoped3A_1049 = arith.constant 1 : i32
    "tpu.region"() ({
      %run_scoped3A_1050 = tpu.sem_alloc : memref<!tpu.dma_semaphore, #tpu.memory_space<semaphore_mem>>
      %dma_start3A_1051 = arith.constant 0 : i32
      %dma_start3A_1052 = tpu.memref_slice %arg4[%add3A, %run_scoped3A_1049, %dma_start3A_1051] : memref<32x2x304xf32, #tpu.memory_space<hbm>> -> memref<1x1x304xf32, #tpu.memory_space<hbm>>
      %dma_start3A_1053 = tpu.memref_squeeze %dma_start3A_1052 : memref<1x1x304xf32, #tpu.memory_space<hbm>> -> memref<304xf32, #tpu.memory_space<hbm>>
      %dma_start3A_1054 = arith.constant 0 : i32
      %dma_start3A_1055 = tpu.memref_slice %arg4[%add3A, %run_scoped3A_1049, %dma_start3A_1054] : memref<32x2x304xf32, #tpu.memory_space<hbm>> -> memref<1x1x304xf32, #tpu.memory_space<hbm>>
      %dma_start3A_1056 = tpu.memref_squeeze %dma_start3A_1055 : memref<1x1x304xf32, #tpu.memory_space<hbm>> -> memref<304xf32, #tpu.memory_space<hbm>>
      tpu.enqueue_dma source(%arg15 : memref<304xf32, #tpu.memory_space<vmem>>) target(%dma_start3A_1056 : memref<304xf32, #tpu.memory_space<hbm>>) target_semaphore(%run_scoped3A_1050 : memref<!tpu.dma_semaphore, #tpu.memory_space<semaphore_mem>>)
      %dma_wait3A_1057 = arith.constant 0 : i32
      %dma_wait3A_1058 = tpu.memref_slice %arg4[%add3A, %run_scoped3A_1049, %dma_wait3A_1057] : memref<32x2x304xf32, #tpu.memory_space<hbm>> -> memref<1x1x304xf32, #tpu.memory_space<hbm>>
      %dma_wait3A_1059 = tpu.memref_squeeze %dma_wait3A_1058 : memref<1x1x304xf32, #tpu.memory_space<hbm>> -> memref<304xf32, #tpu.memory_space<hbm>>
      %dma_wait3A_1060 = arith.constant 0 : i32
      %dma_wait3A_1061 = tpu.memref_slice %arg4[%add3A, %run_scoped3A_1049, %dma_wait3A_1060] : memref<32x2x304xf32, #tpu.memory_space<hbm>> -> memref<1x1x304xf32, #tpu.memory_space<hbm>>
      %dma_wait3A_1062 = tpu.memref_squeeze %dma_wait3A_1061 : memref<1x1x304xf32, #tpu.memory_space<hbm>> -> memref<304xf32, #tpu.memory_space<hbm>>
      tpu.wait_dma2 semaphore(%run_scoped3A_1050 : memref<!tpu.dma_semaphore, #tpu.memory_space<semaphore_mem>>) src(%arg15 : memref<304xf32, #tpu.memory_space<vmem>>) dst(%dma_wait3A_1062 : memref<304xf32, #tpu.memory_space<hbm>>)
      tpu.yield
    }) : () -> ()
    return
  }
}

module attributes {stable_mosaic.version = 14 : i64} {
  func.func @_fin_body(%arg0: memref<32x2x304xf32, #tpu.memory_space<vmem>>, %arg1: memref<19xf32, #tpu.memory_space<vmem>>, %arg2: memref<19xf32, #tpu.memory_space<vmem>>, %arg3: memref<304x19xf32, #tpu.memory_space<vmem>>, %arg4: memref<19xf32, #tpu.memory_space<vmem>>) attributes {dimension_semantics = [], scalar_prefetch = 0 : i64, scratch_operands = 0 : i64, tpu.core_type = #tpu.core_type<tc>} {
    %get3A = arith.constant 0 : index
    %get3A_0 = arith.constant 0 : index
    %get3A_1 = arith.constant 0 : index
    %get3A_2 = vector.load %arg0[%get3A, %get3A_0, %get3A_1] : memref<32x2x304xf32, #tpu.memory_space<vmem>>, vector<32x2x304xf32>
    %reduce_sum3A = arith.constant dense<0.000000e+00> : vector<2x304xf32>
    %reduce_sum3A_3 = vector.multi_reduction <add>, %get3A_2, %reduce_sum3A [0] : vector<32x2x304xf32> to vector<2x304xf32>
    %get3A_4 = arith.constant 0 : index
    %get3A_5 = arith.constant 0 : index
    %get3A_6 = vector.load %arg3[%get3A_4, %get3A_5] : memref<304x19xf32, #tpu.memory_space<vmem>>, vector<304x19xf32>
    %dot_general3A = arith.constant dense<0.000000e+00> : vector<2x19xf32>
    %dot_general3A_7 = tpu.matmul %reduce_sum3A_3, %get3A_6, %dot_general3A {dimension_numbers = #tpu.dot_dimension_numbers<[1], [0], [0], [1], [0, 0, 1, 1], [], []>, precision = #tpu.contract_precision<fp32>, transpose_lhs_hint = false} : vector<2x304xf32>, vector<304x19xf32>, vector<2x19xf32> -> vector<2x19xf32>
    %slice3A = vector.extract_strided_slice %dot_general3A_7 {offsets = [0, 0], sizes = [1, 19], strides = [1, 1]} : vector<2x19xf32> to vector<1x19xf32>
    %squeeze3A = vector.shape_cast %slice3A : vector<1x19xf32> to vector<19xf32>
    %get3A_8 = arith.constant 0 : index
    %get3A_9 = vector.load %arg1[%get3A_8] : memref<19xf32, #tpu.memory_space<vmem>>, vector<19xf32>
    %add3A = arith.addf %squeeze3A, %get3A_9 : vector<19xf32>
    %slice3A_10 = vector.extract_strided_slice %dot_general3A_7 {offsets = [1, 0], sizes = [1, 19], strides = [1, 1]} : vector<2x19xf32> to vector<1x19xf32>
    %squeeze3A_11 = vector.shape_cast %slice3A_10 : vector<1x19xf32> to vector<19xf32>
    %get3A_12 = arith.constant 0 : index
    %get3A_13 = vector.load %arg2[%get3A_12] : memref<19xf32, #tpu.memory_space<vmem>>, vector<19xf32>
    %add3A_14 = arith.addf %squeeze3A_11, %get3A_13 : vector<19xf32>
    %max3A = arith.constant 9.99999974E-6 : f32
    %max3A_15 = vector.broadcast %max3A : f32 to vector<19xf32>
    %max3A_16 = arith.maximumf %add3A_14, %max3A_15 : vector<19xf32>
    %div3A = arith.divf %add3A, %max3A_16 : vector<19xf32>
    %swap3A = arith.constant 0 : index
    %swap3A_17 = vector.load %arg4[%swap3A] : memref<19xf32, #tpu.memory_space<vmem>>, vector<19xf32>
    tpu.vector_store %arg4[%swap3A], %div3A {strides = array<i32>} : memref<19xf32, #tpu.memory_space<vmem>>, vector<19xf32>,
    return
  }
}

module attributes {stable_mosaic.version = 14 : i64} {
  func.func @_tc_body(%arg0: i32, %arg1: memref<1x1x256x512xf32, #tpu.memory_space<vmem>>, %arg2: memref<1x1x256x512xi32, #tpu.memory_space<vmem>>, %arg3: memref<19x152xf32, #tpu.memory_space<vmem>>, %arg4: memref<152x512xf32, #tpu.memory_space<vmem>>, %arg5: memref<152x512xf32, #tpu.memory_space<vmem>>, %arg6: memref<19xf32, #tpu.memory_space<vmem>>, %arg7: memref<19xf32, #tpu.memory_space<vmem>>) attributes {dimension_semantics = [#tpu.dimension_semantics<arbitrary>], iteration_bounds = array<i64: 3>, scalar_prefetch = 0 : i64, scratch_operands = 0 : i64, tpu.core_type = #tpu.core_type<tc>, window_params = [{transform_indices = @transform_0, window_bounds = array<i64: 1, 1, 256, 512>}, {transform_indices = @transform_1, window_bounds = array<i64: 1, 1, 256, 512>}, {pipeline_mode = #tpu.pipeline_mode<synchronous>, transform_indices = @transform_2, window_bounds = array<i64: 19, 152>}, {pipeline_mode = #tpu.pipeline_mode<synchronous>, transform_indices = @transform_3, window_bounds = array<i64: 152, 512>}, {pipeline_mode = #tpu.pipeline_mode<synchronous>, transform_indices = @transform_4, window_bounds = array<i64: 152, 512>}, {pipeline_mode = #tpu.pipeline_mode<synchronous>, transform_indices = @transform_5, window_bounds = array<i64: 19>}, {pipeline_mode = #tpu.pipeline_mode<synchronous>, transform_indices = @transform_6, window_bounds = array<i64: 19>}]} {
    %eq3A = arith.constant 0 : i32
    %eq3A_0 = arith.cmpi eq, %arg0, %eq3A : i32
    %convert_element_type3A = arith.extui %eq3A_0 : i1 to i32
    %cond3A = arith.constant 0 : i32
    %cond3A_1 = arith.cmpi ne, %convert_element_type3A, %cond3A : i32
    scf.if %cond3A_1 {
      %broadcast_in_dim3A_601 = arith.constant 0.000000e+00 : f32
      %broadcast_in_dim3A_602 = vector.broadcast %broadcast_in_dim3A_601 : f32 to vector<152x512xf32>
      %swap3A_603 = arith.constant 0 : index
      %swap3A_604 = arith.constant 0 : index
      %swap3A_605 = vector.load %arg4[%swap3A_603, %swap3A_604] : memref<152x512xf32, #tpu.memory_space<vmem>>, vector<152x512xf32>
      tpu.vector_store %arg4[%swap3A_603, %swap3A_604], %broadcast_in_dim3A_602 {strides = array<i32>} : memref<152x512xf32, #tpu.memory_space<vmem>>, vector<152x512xf32>,
      %broadcast_in_dim3A_606 = arith.constant 0.000000e+00 : f32
      %broadcast_in_dim3A_607 = vector.broadcast %broadcast_in_dim3A_606 : f32 to vector<152x512xf32>
      %swap3A_608 = arith.constant 0 : index
      %swap3A_609 = arith.constant 0 : index
      %swap3A_610 = vector.load %arg5[%swap3A_608, %swap3A_609] : memref<152x512xf32, #tpu.memory_space<vmem>>, vector<152x512xf32>
      tpu.vector_store %arg5[%swap3A_608, %swap3A_609], %broadcast_in_dim3A_607 {strides = array<i32>} : memref<152x512xf32, #tpu.memory_space<vmem>>, vector<152x512xf32>,
    } else {
    }
    %get3A = arith.constant 0 : index
    %get3A_2 = arith.constant 0 : index
    %get3A_3 = arith.constant 0 : index
    %get3A_4 = arith.constant 0 : index
    %get3A_5 = vector.load %arg2[%get3A, %get3A_2, %get3A_3, %get3A_4] : memref<1x1x256x512xi32, #tpu.memory_space<vmem>>, vector<1x1x256x512xi32>
    %get3A_6 = vector.shape_cast %get3A_5 : vector<1x1x256x512xi32> to vector<256x512xi32>
    %get3A_7 = arith.constant 0 : index
    %get3A_8 = arith.constant 0 : index
    %get3A_9 = arith.constant 0 : index
    %get3A_10 = arith.constant 0 : index
    %get3A_11 = vector.load %arg1[%get3A_7, %get3A_8, %get3A_9, %get3A_10] : memref<1x1x256x512xf32, #tpu.memory_space<vmem>>, vector<1x1x256x512xf32>
    %get3A_12 = vector.shape_cast %get3A_11 : vector<1x1x256x512xf32> to vector<256x512xf32>
    %convert_element_type3A_13 = arith.sitofp %get3A_6 : vector<256x512xi32> to vector<256x512xf32>
    %sub3A = arith.subf %convert_element_type3A_13, %get3A_12 : vector<256x512xf32>
    %mul3A = arith.mulf %sub3A, %sub3A : vector<256x512xf32>
    %eq3A_14 = arith.constant 0 : i32
    %eq3A_15 = vector.broadcast %eq3A_14 : i32 to vector<256x512xi32>
    %eq3A_16 = arith.cmpi eq, %get3A_6, %eq3A_15 : vector<256x512xi32>
    %jit3A = arith.constant 0.000000e+00 : f32
    %broadcast_in_dim3A = vector.broadcast %jit3A : f32 to vector<256x512xf32>
    %select_n3A = arith.select %eq3A_16, %mul3A, %broadcast_in_dim3A : vector<256x512xi1>, vector<256x512xf32>
    %reshape3A = vector.shape_cast %select_n3A : vector<256x512xf32> to vector<32x8x512xf32>
    %reduce_sum3A = arith.constant dense<0.000000e+00> : vector<8x512xf32>
    %reduce_sum3A_17 = vector.multi_reduction <add>, %reshape3A, %reduce_sum3A [0] : vector<32x8x512xf32> to vector<8x512xf32>
    %jit3A_18 = arith.constant 1.000000e+00 : f32
    %jit3A_19 = arith.constant 0.000000e+00 : f32
    %broadcast_in_dim3A_20 = vector.broadcast %jit3A_18 : f32 to vector<256x512xf32>
    %broadcast_in_dim3A_21 = vector.broadcast %jit3A_19 : f32 to vector<256x512xf32>
    %select_n3A_22 = arith.select %eq3A_16, %broadcast_in_dim3A_20, %broadcast_in_dim3A_21 : vector<256x512xi1>, vector<256x512xf32>
    %reshape3A_23 = vector.shape_cast %select_n3A_22 : vector<256x512xf32> to vector<32x8x512xf32>
    %reduce_sum3A_24 = arith.constant dense<0.000000e+00> : vector<8x512xf32>
    %reduce_sum3A_25 = vector.multi_reduction <add>, %reshape3A_23, %reduce_sum3A_24 [0] : vector<32x8x512xf32> to vector<8x512xf32>
    %get3A_26 = arith.constant 0 : index
    %get3A_27 = arith.constant 0 : index
    %get3A_28 = vector.load %arg4[%get3A_26, %get3A_27] : memref<152x512xf32, #tpu.memory_space<vmem>>, vector<8x512xf32>
    %add3A = arith.addf %get3A_28, %reduce_sum3A_17 : vector<8x512xf32>
    %swap3A = arith.constant 0 : index
    %swap3A_29 = arith.constant 0 : index
    %swap3A_30 = vector.load %arg4[%swap3A, %swap3A_29] : memref<152x512xf32, #tpu.memory_space<vmem>>, vector<8x512xf32>
    tpu.vector_store %arg4[%swap3A, %swap3A_29], %add3A {strides = array<i32>} : memref<152x512xf32, #tpu.memory_space<vmem>>, vector<8x512xf32>,
    %get3A_31 = arith.constant 0 : index
    %get3A_32 = arith.constant 0 : index
    %get3A_33 = vector.load %arg5[%get3A_31, %get3A_32] : memref<152x512xf32, #tpu.memory_space<vmem>>, vector<8x512xf32>
    %add3A_34 = arith.addf %get3A_33, %reduce_sum3A_25 : vector<8x512xf32>
    %swap3A_35 = arith.constant 0 : index
    %swap3A_36 = arith.constant 0 : index
    %swap3A_37 = vector.load %arg5[%swap3A_35, %swap3A_36] : memref<152x512xf32, #tpu.memory_space<vmem>>, vector<8x512xf32>
    tpu.vector_store %arg5[%swap3A_35, %swap3A_36], %add3A_34 {strides = array<i32>} : memref<152x512xf32, #tpu.memory_space<vmem>>, vector<8x512xf32>,
    %eq3A_38 = arith.constant 1 : i32
    %eq3A_39 = vector.broadcast %eq3A_38 : i32 to vector<256x512xi32>
    %eq3A_40 = arith.cmpi eq, %get3A_6, %eq3A_39 : vector<256x512xi32>
    %jit3A_41 = arith.constant 0.000000e+00 : f32
    %broadcast_in_dim3A_42 = vector.broadcast %jit3A_41 : f32 to vector<256x512xf32>
    %select_n3A_43 = arith.select %eq3A_40, %mul3A, %broadcast_in_dim3A_42 : vector<256x512xi1>, vector<256x512xf32>
    %reshape3A_44 = vector.shape_cast %select_n3A_43 : vector<256x512xf32> to vector<32x8x512xf32>
    %reduce_sum3A_45 = arith.constant dense<0.000000e+00> : vector<8x512xf32>
    %reduce_sum3A_46 = vector.multi_reduction <add>, %reshape3A_44, %reduce_sum3A_45 [0] : vector<32x8x512xf32> to vector<8x512xf32>
    %jit3A_47 = arith.constant 1.000000e+00 : f32
    %jit3A_48 = arith.constant 0.000000e+00 : f32
    %broadcast_in_dim3A_49 = vector.broadcast %jit3A_47 : f32 to vector<256x512xf32>
    %broadcast_in_dim3A_50 = vector.broadcast %jit3A_48 : f32 to vector<256x512xf32>
    %select_n3A_51 = arith.select %eq3A_40, %broadcast_in_dim3A_49, %broadcast_in_dim3A_50 : vector<256x512xi1>, vector<256x512xf32>
    %reshape3A_52 = vector.shape_cast %select_n3A_51 : vector<256x512xf32> to vector<32x8x512xf32>
    %reduce_sum3A_53 = arith.constant dense<0.000000e+00> : vector<8x512xf32>
    %reduce_sum3A_54 = vector.multi_reduction <add>, %reshape3A_52, %reduce_sum3A_53 [0] : vector<32x8x512xf32> to vector<8x512xf32>
    %get3A_55 = arith.constant 8 : index
    %get3A_56 = arith.constant 0 : index
    %get3A_57 = vector.load %arg4[%get3A_55, %get3A_56] : memref<152x512xf32, #tpu.memory_space<vmem>>, vector<8x512xf32>
    %add3A_58 = arith.addf %get3A_57, %reduce_sum3A_46 : vector<8x512xf32>
    %swap3A_59 = arith.constant 8 : index
    %swap3A_60 = arith.constant 0 : index
    %swap3A_61 = vector.load %arg4[%swap3A_59, %swap3A_60] : memref<152x512xf32, #tpu.memory_space<vmem>>, vector<8x512xf32>
    tpu.vector_store %arg4[%swap3A_59, %swap3A_60], %add3A_58 {strides = array<i32>} : memref<152x512xf32, #tpu.memory_space<vmem>>, vector<8x512xf32>,
    %get3A_62 = arith.constant 8 : index
    %get3A_63 = arith.constant 0 : index
    %get3A_64 = vector.load %arg5[%get3A_62, %get3A_63] : memref<152x512xf32, #tpu.memory_space<vmem>>, vector<8x512xf32>
    %add3A_65 = arith.addf %get3A_64, %reduce_sum3A_54 : vector<8x512xf32>
    %swap3A_66 = arith.constant 8 : index
    %swap3A_67 = arith.constant 0 : index
    %swap3A_68 = vector.load %arg5[%swap3A_66, %swap3A_67] : memref<152x512xf32, #tpu.memory_space<vmem>>, vector<8x512xf32>
    tpu.vector_store %arg5[%swap3A_66, %swap3A_67], %add3A_65 {strides = array<i32>} : memref<152x512xf32, #tpu.memory_space<vmem>>, vector<8x512xf32>,
    %eq3A_69 = arith.constant 2 : i32
    %eq3A_70 = vector.broadcast %eq3A_69 : i32 to vector<256x512xi32>
    %eq3A_71 = arith.cmpi eq, %get3A_6, %eq3A_70 : vector<256x512xi32>
    %jit3A_72 = arith.constant 0.000000e+00 : f32
    %broadcast_in_dim3A_73 = vector.broadcast %jit3A_72 : f32 to vector<256x512xf32>
    %select_n3A_74 = arith.select %eq3A_71, %mul3A, %broadcast_in_dim3A_73 : vector<256x512xi1>, vector<256x512xf32>
    %reshape3A_75 = vector.shape_cast %select_n3A_74 : vector<256x512xf32> to vector<32x8x512xf32>
    %reduce_sum3A_76 = arith.constant dense<0.000000e+00> : vector<8x512xf32>
    %reduce_sum3A_77 = vector.multi_reduction <add>, %reshape3A_75, %reduce_sum3A_76 [0] : vector<32x8x512xf32> to vector<8x512xf32>
    %jit3A_78 = arith.constant 1.000000e+00 : f32
    %jit3A_79 = arith.constant 0.000000e+00 : f32
    %broadcast_in_dim3A_80 = vector.broadcast %jit3A_78 : f32 to vector<256x512xf32>
    %broadcast_in_dim3A_81 = vector.broadcast %jit3A_79 : f32 to vector<256x512xf32>
    %select_n3A_82 = arith.select %eq3A_71, %broadcast_in_dim3A_80, %broadcast_in_dim3A_81 : vector<256x512xi1>, vector<256x512xf32>
    %reshape3A_83 = vector.shape_cast %select_n3A_82 : vector<256x512xf32> to vector<32x8x512xf32>
    %reduce_sum3A_84 = arith.constant dense<0.000000e+00> : vector<8x512xf32>
    %reduce_sum3A_85 = vector.multi_reduction <add>, %reshape3A_83, %reduce_sum3A_84 [0] : vector<32x8x512xf32> to vector<8x512xf32>
    %get3A_86 = arith.constant 16 : index
    %get3A_87 = arith.constant 0 : index
    %get3A_88 = vector.load %arg4[%get3A_86, %get3A_87] : memref<152x512xf32, #tpu.memory_space<vmem>>, vector<8x512xf32>
    %add3A_89 = arith.addf %get3A_88, %reduce_sum3A_77 : vector<8x512xf32>
    %swap3A_90 = arith.constant 16 : index
    %swap3A_91 = arith.constant 0 : index
    %swap3A_92 = vector.load %arg4[%swap3A_90, %swap3A_91] : memref<152x512xf32, #tpu.memory_space<vmem>>, vector<8x512xf32>
    tpu.vector_store %arg4[%swap3A_90, %swap3A_91], %add3A_89 {strides = array<i32>} : memref<152x512xf32, #tpu.memory_space<vmem>>, vector<8x512xf32>,
    %get3A_93 = arith.constant 16 : index
    %get3A_94 = arith.constant 0 : index
    %get3A_95 = vector.load %arg5[%get3A_93, %get3A_94] : memref<152x512xf32, #tpu.memory_space<vmem>>, vector<8x512xf32>
    %add3A_96 = arith.addf %get3A_95, %reduce_sum3A_85 : vector<8x512xf32>
    %swap3A_97 = arith.constant 16 : index
    %swap3A_98 = arith.constant 0 : index
    %swap3A_99 = vector.load %arg5[%swap3A_97, %swap3A_98] : memref<152x512xf32, #tpu.memory_space<vmem>>, vector<8x512xf32>
    tpu.vector_store %arg5[%swap3A_97, %swap3A_98], %add3A_96 {strides = array<i32>} : memref<152x512xf32, #tpu.memory_space<vmem>>, vector<8x512xf32>,
    %eq3A_100 = arith.constant 3 : i32
    %eq3A_101 = vector.broadcast %eq3A_100 : i32 to vector<256x512xi32>
    %eq3A_102 = arith.cmpi eq, %get3A_6, %eq3A_101 : vector<256x512xi32>
    %jit3A_103 = arith.constant 0.000000e+00 : f32
    %broadcast_in_dim3A_104 = vector.broadcast %jit3A_103 : f32 to vector<256x512xf32>
    %select_n3A_105 = arith.select %eq3A_102, %mul3A, %broadcast_in_dim3A_104 : vector<256x512xi1>, vector<256x512xf32>
    %reshape3A_106 = vector.shape_cast %select_n3A_105 : vector<256x512xf32> to vector<32x8x512xf32>
    %reduce_sum3A_107 = arith.constant dense<0.000000e+00> : vector<8x512xf32>
    %reduce_sum3A_108 = vector.multi_reduction <add>, %reshape3A_106, %reduce_sum3A_107 [0] : vector<32x8x512xf32> to vector<8x512xf32>
    %jit3A_109 = arith.constant 1.000000e+00 : f32
    %jit3A_110 = arith.constant 0.000000e+00 : f32
    %broadcast_in_dim3A_111 = vector.broadcast %jit3A_109 : f32 to vector<256x512xf32>
    %broadcast_in_dim3A_112 = vector.broadcast %jit3A_110 : f32 to vector<256x512xf32>
    %select_n3A_113 = arith.select %eq3A_102, %broadcast_in_dim3A_111, %broadcast_in_dim3A_112 : vector<256x512xi1>, vector<256x512xf32>
    %reshape3A_114 = vector.shape_cast %select_n3A_113 : vector<256x512xf32> to vector<32x8x512xf32>
    %reduce_sum3A_115 = arith.constant dense<0.000000e+00> : vector<8x512xf32>
    %reduce_sum3A_116 = vector.multi_reduction <add>, %reshape3A_114, %reduce_sum3A_115 [0] : vector<32x8x512xf32> to vector<8x512xf32>
    %get3A_117 = arith.constant 24 : index
    %get3A_118 = arith.constant 0 : index
    %get3A_119 = vector.load %arg4[%get3A_117, %get3A_118] : memref<152x512xf32, #tpu.memory_space<vmem>>, vector<8x512xf32>
    %add3A_120 = arith.addf %get3A_119, %reduce_sum3A_108 : vector<8x512xf32>
    %swap3A_121 = arith.constant 24 : index
    %swap3A_122 = arith.constant 0 : index
    %swap3A_123 = vector.load %arg4[%swap3A_121, %swap3A_122] : memref<152x512xf32, #tpu.memory_space<vmem>>, vector<8x512xf32>
    tpu.vector_store %arg4[%swap3A_121, %swap3A_122], %add3A_120 {strides = array<i32>} : memref<152x512xf32, #tpu.memory_space<vmem>>, vector<8x512xf32>,
    %get3A_124 = arith.constant 24 : index
    %get3A_125 = arith.constant 0 : index
    %get3A_126 = vector.load %arg5[%get3A_124, %get3A_125] : memref<152x512xf32, #tpu.memory_space<vmem>>, vector<8x512xf32>
    %add3A_127 = arith.addf %get3A_126, %reduce_sum3A_116 : vector<8x512xf32>
    %swap3A_128 = arith.constant 24 : index
    %swap3A_129 = arith.constant 0 : index
    %swap3A_130 = vector.load %arg5[%swap3A_128, %swap3A_129] : memref<152x512xf32, #tpu.memory_space<vmem>>, vector<8x512xf32>
    tpu.vector_store %arg5[%swap3A_128, %swap3A_129], %add3A_127 {strides = array<i32>} : memref<152x512xf32, #tpu.memory_space<vmem>>, vector<8x512xf32>,
    %eq3A_131 = arith.constant 4 : i32
    %eq3A_132 = vector.broadcast %eq3A_131 : i32 to vector<256x512xi32>
    %eq3A_133 = arith.cmpi eq, %get3A_6, %eq3A_132 : vector<256x512xi32>
    %jit3A_134 = arith.constant 0.000000e+00 : f32
    %broadcast_in_dim3A_135 = vector.broadcast %jit3A_134 : f32 to vector<256x512xf32>
    %select_n3A_136 = arith.select %eq3A_133, %mul3A, %broadcast_in_dim3A_135 : vector<256x512xi1>, vector<256x512xf32>
    %reshape3A_137 = vector.shape_cast %select_n3A_136 : vector<256x512xf32> to vector<32x8x512xf32>
    %reduce_sum3A_138 = arith.constant dense<0.000000e+00> : vector<8x512xf32>
    %reduce_sum3A_139 = vector.multi_reduction <add>, %reshape3A_137, %reduce_sum3A_138 [0] : vector<32x8x512xf32> to vector<8x512xf32>
    %jit3A_140 = arith.constant 1.000000e+00 : f32
    %jit3A_141 = arith.constant 0.000000e+00 : f32
    %broadcast_in_dim3A_142 = vector.broadcast %jit3A_140 : f32 to vector<256x512xf32>
    %broadcast_in_dim3A_143 = vector.broadcast %jit3A_141 : f32 to vector<256x512xf32>
    %select_n3A_144 = arith.select %eq3A_133, %broadcast_in_dim3A_142, %broadcast_in_dim3A_143 : vector<256x512xi1>, vector<256x512xf32>
    %reshape3A_145 = vector.shape_cast %select_n3A_144 : vector<256x512xf32> to vector<32x8x512xf32>
    %reduce_sum3A_146 = arith.constant dense<0.000000e+00> : vector<8x512xf32>
    %reduce_sum3A_147 = vector.multi_reduction <add>, %reshape3A_145, %reduce_sum3A_146 [0] : vector<32x8x512xf32> to vector<8x512xf32>
    %get3A_148 = arith.constant 32 : index
    %get3A_149 = arith.constant 0 : index
    %get3A_150 = vector.load %arg4[%get3A_148, %get3A_149] : memref<152x512xf32, #tpu.memory_space<vmem>>, vector<8x512xf32>
    %add3A_151 = arith.addf %get3A_150, %reduce_sum3A_139 : vector<8x512xf32>
    %swap3A_152 = arith.constant 32 : index
    %swap3A_153 = arith.constant 0 : index
    %swap3A_154 = vector.load %arg4[%swap3A_152, %swap3A_153] : memref<152x512xf32, #tpu.memory_space<vmem>>, vector<8x512xf32>
    tpu.vector_store %arg4[%swap3A_152, %swap3A_153], %add3A_151 {strides = array<i32>} : memref<152x512xf32, #tpu.memory_space<vmem>>, vector<8x512xf32>,
    %get3A_155 = arith.constant 32 : index
    %get3A_156 = arith.constant 0 : index
    %get3A_157 = vector.load %arg5[%get3A_155, %get3A_156] : memref<152x512xf32, #tpu.memory_space<vmem>>, vector<8x512xf32>
    %add3A_158 = arith.addf %get3A_157, %reduce_sum3A_147 : vector<8x512xf32>
    %swap3A_159 = arith.constant 32 : index
    %swap3A_160 = arith.constant 0 : index
    %swap3A_161 = vector.load %arg5[%swap3A_159, %swap3A_160] : memref<152x512xf32, #tpu.memory_space<vmem>>, vector<8x512xf32>
    tpu.vector_store %arg5[%swap3A_159, %swap3A_160], %add3A_158 {strides = array<i32>} : memref<152x512xf32, #tpu.memory_space<vmem>>, vector<8x512xf32>,
    %eq3A_162 = arith.constant 5 : i32
    %eq3A_163 = vector.broadcast %eq3A_162 : i32 to vector<256x512xi32>
    %eq3A_164 = arith.cmpi eq, %get3A_6, %eq3A_163 : vector<256x512xi32>
    %jit3A_165 = arith.constant 0.000000e+00 : f32
    %broadcast_in_dim3A_166 = vector.broadcast %jit3A_165 : f32 to vector<256x512xf32>
    %select_n3A_167 = arith.select %eq3A_164, %mul3A, %broadcast_in_dim3A_166 : vector<256x512xi1>, vector<256x512xf32>
    %reshape3A_168 = vector.shape_cast %select_n3A_167 : vector<256x512xf32> to vector<32x8x512xf32>
    %reduce_sum3A_169 = arith.constant dense<0.000000e+00> : vector<8x512xf32>
    %reduce_sum3A_170 = vector.multi_reduction <add>, %reshape3A_168, %reduce_sum3A_169 [0] : vector<32x8x512xf32> to vector<8x512xf32>
    %jit3A_171 = arith.constant 1.000000e+00 : f32
    %jit3A_172 = arith.constant 0.000000e+00 : f32
    %broadcast_in_dim3A_173 = vector.broadcast %jit3A_171 : f32 to vector<256x512xf32>
    %broadcast_in_dim3A_174 = vector.broadcast %jit3A_172 : f32 to vector<256x512xf32>
    %select_n3A_175 = arith.select %eq3A_164, %broadcast_in_dim3A_173, %broadcast_in_dim3A_174 : vector<256x512xi1>, vector<256x512xf32>
    %reshape3A_176 = vector.shape_cast %select_n3A_175 : vector<256x512xf32> to vector<32x8x512xf32>
    %reduce_sum3A_177 = arith.constant dense<0.000000e+00> : vector<8x512xf32>
    %reduce_sum3A_178 = vector.multi_reduction <add>, %reshape3A_176, %reduce_sum3A_177 [0] : vector<32x8x512xf32> to vector<8x512xf32>
    %get3A_179 = arith.constant 40 : index
    %get3A_180 = arith.constant 0 : index
    %get3A_181 = vector.load %arg4[%get3A_179, %get3A_180] : memref<152x512xf32, #tpu.memory_space<vmem>>, vector<8x512xf32>
    %add3A_182 = arith.addf %get3A_181, %reduce_sum3A_170 : vector<8x512xf32>
    %swap3A_183 = arith.constant 40 : index
    %swap3A_184 = arith.constant 0 : index
    %swap3A_185 = vector.load %arg4[%swap3A_183, %swap3A_184] : memref<152x512xf32, #tpu.memory_space<vmem>>, vector<8x512xf32>
    tpu.vector_store %arg4[%swap3A_183, %swap3A_184], %add3A_182 {strides = array<i32>} : memref<152x512xf32, #tpu.memory_space<vmem>>, vector<8x512xf32>,
    %get3A_186 = arith.constant 40 : index
    %get3A_187 = arith.constant 0 : index
    %get3A_188 = vector.load %arg5[%get3A_186, %get3A_187] : memref<152x512xf32, #tpu.memory_space<vmem>>, vector<8x512xf32>
    %add3A_189 = arith.addf %get3A_188, %reduce_sum3A_178 : vector<8x512xf32>
    %swap3A_190 = arith.constant 40 : index
    %swap3A_191 = arith.constant 0 : index
    %swap3A_192 = vector.load %arg5[%swap3A_190, %swap3A_191] : memref<152x512xf32, #tpu.memory_space<vmem>>, vector<8x512xf32>
    tpu.vector_store %arg5[%swap3A_190, %swap3A_191], %add3A_189 {strides = array<i32>} : memref<152x512xf32, #tpu.memory_space<vmem>>, vector<8x512xf32>,
    %eq3A_193 = arith.constant 6 : i32
    %eq3A_194 = vector.broadcast %eq3A_193 : i32 to vector<256x512xi32>
    %eq3A_195 = arith.cmpi eq, %get3A_6, %eq3A_194 : vector<256x512xi32>
    %jit3A_196 = arith.constant 0.000000e+00 : f32
    %broadcast_in_dim3A_197 = vector.broadcast %jit3A_196 : f32 to vector<256x512xf32>
    %select_n3A_198 = arith.select %eq3A_195, %mul3A, %broadcast_in_dim3A_197 : vector<256x512xi1>, vector<256x512xf32>
    %reshape3A_199 = vector.shape_cast %select_n3A_198 : vector<256x512xf32> to vector<32x8x512xf32>
    %reduce_sum3A_200 = arith.constant dense<0.000000e+00> : vector<8x512xf32>
    %reduce_sum3A_201 = vector.multi_reduction <add>, %reshape3A_199, %reduce_sum3A_200 [0] : vector<32x8x512xf32> to vector<8x512xf32>
    %jit3A_202 = arith.constant 1.000000e+00 : f32
    %jit3A_203 = arith.constant 0.000000e+00 : f32
    %broadcast_in_dim3A_204 = vector.broadcast %jit3A_202 : f32 to vector<256x512xf32>
    %broadcast_in_dim3A_205 = vector.broadcast %jit3A_203 : f32 to vector<256x512xf32>
    %select_n3A_206 = arith.select %eq3A_195, %broadcast_in_dim3A_204, %broadcast_in_dim3A_205 : vector<256x512xi1>, vector<256x512xf32>
    %reshape3A_207 = vector.shape_cast %select_n3A_206 : vector<256x512xf32> to vector<32x8x512xf32>
    %reduce_sum3A_208 = arith.constant dense<0.000000e+00> : vector<8x512xf32>
    %reduce_sum3A_209 = vector.multi_reduction <add>, %reshape3A_207, %reduce_sum3A_208 [0] : vector<32x8x512xf32> to vector<8x512xf32>
    %get3A_210 = arith.constant 48 : index
    %get3A_211 = arith.constant 0 : index
    %get3A_212 = vector.load %arg4[%get3A_210, %get3A_211] : memref<152x512xf32, #tpu.memory_space<vmem>>, vector<8x512xf32>
    %add3A_213 = arith.addf %get3A_212, %reduce_sum3A_201 : vector<8x512xf32>
    %swap3A_214 = arith.constant 48 : index
    %swap3A_215 = arith.constant 0 : index
    %swap3A_216 = vector.load %arg4[%swap3A_214, %swap3A_215] : memref<152x512xf32, #tpu.memory_space<vmem>>, vector<8x512xf32>
    tpu.vector_store %arg4[%swap3A_214, %swap3A_215], %add3A_213 {strides = array<i32>} : memref<152x512xf32, #tpu.memory_space<vmem>>, vector<8x512xf32>,
    %get3A_217 = arith.constant 48 : index
    %get3A_218 = arith.constant 0 : index
    %get3A_219 = vector.load %arg5[%get3A_217, %get3A_218] : memref<152x512xf32, #tpu.memory_space<vmem>>, vector<8x512xf32>
    %add3A_220 = arith.addf %get3A_219, %reduce_sum3A_209 : vector<8x512xf32>
    %swap3A_221 = arith.constant 48 : index
    %swap3A_222 = arith.constant 0 : index
    %swap3A_223 = vector.load %arg5[%swap3A_221, %swap3A_222] : memref<152x512xf32, #tpu.memory_space<vmem>>, vector<8x512xf32>
    tpu.vector_store %arg5[%swap3A_221, %swap3A_222], %add3A_220 {strides = array<i32>} : memref<152x512xf32, #tpu.memory_space<vmem>>, vector<8x512xf32>,
    %eq3A_224 = arith.constant 7 : i32
    %eq3A_225 = vector.broadcast %eq3A_224 : i32 to vector<256x512xi32>
    %eq3A_226 = arith.cmpi eq, %get3A_6, %eq3A_225 : vector<256x512xi32>
    %jit3A_227 = arith.constant 0.000000e+00 : f32
    %broadcast_in_dim3A_228 = vector.broadcast %jit3A_227 : f32 to vector<256x512xf32>
    %select_n3A_229 = arith.select %eq3A_226, %mul3A, %broadcast_in_dim3A_228 : vector<256x512xi1>, vector<256x512xf32>
    %reshape3A_230 = vector.shape_cast %select_n3A_229 : vector<256x512xf32> to vector<32x8x512xf32>
    %reduce_sum3A_231 = arith.constant dense<0.000000e+00> : vector<8x512xf32>
    %reduce_sum3A_232 = vector.multi_reduction <add>, %reshape3A_230, %reduce_sum3A_231 [0] : vector<32x8x512xf32> to vector<8x512xf32>
    %jit3A_233 = arith.constant 1.000000e+00 : f32
    %jit3A_234 = arith.constant 0.000000e+00 : f32
    %broadcast_in_dim3A_235 = vector.broadcast %jit3A_233 : f32 to vector<256x512xf32>
    %broadcast_in_dim3A_236 = vector.broadcast %jit3A_234 : f32 to vector<256x512xf32>
    %select_n3A_237 = arith.select %eq3A_226, %broadcast_in_dim3A_235, %broadcast_in_dim3A_236 : vector<256x512xi1>, vector<256x512xf32>
    %reshape3A_238 = vector.shape_cast %select_n3A_237 : vector<256x512xf32> to vector<32x8x512xf32>
    %reduce_sum3A_239 = arith.constant dense<0.000000e+00> : vector<8x512xf32>
    %reduce_sum3A_240 = vector.multi_reduction <add>, %reshape3A_238, %reduce_sum3A_239 [0] : vector<32x8x512xf32> to vector<8x512xf32>
    %get3A_241 = arith.constant 56 : index
    %get3A_242 = arith.constant 0 : index
    %get3A_243 = vector.load %arg4[%get3A_241, %get3A_242] : memref<152x512xf32, #tpu.memory_space<vmem>>, vector<8x512xf32>
    %add3A_244 = arith.addf %get3A_243, %reduce_sum3A_232 : vector<8x512xf32>
    %swap3A_245 = arith.constant 56 : index
    %swap3A_246 = arith.constant 0 : index
    %swap3A_247 = vector.load %arg4[%swap3A_245, %swap3A_246] : memref<152x512xf32, #tpu.memory_space<vmem>>, vector<8x512xf32>
    tpu.vector_store %arg4[%swap3A_245, %swap3A_246], %add3A_244 {strides = array<i32>} : memref<152x512xf32, #tpu.memory_space<vmem>>, vector<8x512xf32>,
    %get3A_248 = arith.constant 56 : index
    %get3A_249 = arith.constant 0 : index
    %get3A_250 = vector.load %arg5[%get3A_248, %get3A_249] : memref<152x512xf32, #tpu.memory_space<vmem>>, vector<8x512xf32>
    %add3A_251 = arith.addf %get3A_250, %reduce_sum3A_240 : vector<8x512xf32>
    %swap3A_252 = arith.constant 56 : index
    %swap3A_253 = arith.constant 0 : index
    %swap3A_254 = vector.load %arg5[%swap3A_252, %swap3A_253] : memref<152x512xf32, #tpu.memory_space<vmem>>, vector<8x512xf32>
    tpu.vector_store %arg5[%swap3A_252, %swap3A_253], %add3A_251 {strides = array<i32>} : memref<152x512xf32, #tpu.memory_space<vmem>>, vector<8x512xf32>,
    %eq3A_255 = arith.constant 8 : i32
    %eq3A_256 = vector.broadcast %eq3A_255 : i32 to vector<256x512xi32>
    %eq3A_257 = arith.cmpi eq, %get3A_6, %eq3A_256 : vector<256x512xi32>
    %jit3A_258 = arith.constant 0.000000e+00 : f32
    %broadcast_in_dim3A_259 = vector.broadcast %jit3A_258 : f32 to vector<256x512xf32>
    %select_n3A_260 = arith.select %eq3A_257, %mul3A, %broadcast_in_dim3A_259 : vector<256x512xi1>, vector<256x512xf32>
    %reshape3A_261 = vector.shape_cast %select_n3A_260 : vector<256x512xf32> to vector<32x8x512xf32>
    %reduce_sum3A_262 = arith.constant dense<0.000000e+00> : vector<8x512xf32>
    %reduce_sum3A_263 = vector.multi_reduction <add>, %reshape3A_261, %reduce_sum3A_262 [0] : vector<32x8x512xf32> to vector<8x512xf32>
    %jit3A_264 = arith.constant 1.000000e+00 : f32
    %jit3A_265 = arith.constant 0.000000e+00 : f32
    %broadcast_in_dim3A_266 = vector.broadcast %jit3A_264 : f32 to vector<256x512xf32>
    %broadcast_in_dim3A_267 = vector.broadcast %jit3A_265 : f32 to vector<256x512xf32>
    %select_n3A_268 = arith.select %eq3A_257, %broadcast_in_dim3A_266, %broadcast_in_dim3A_267 : vector<256x512xi1>, vector<256x512xf32>
    %reshape3A_269 = vector.shape_cast %select_n3A_268 : vector<256x512xf32> to vector<32x8x512xf32>
    %reduce_sum3A_270 = arith.constant dense<0.000000e+00> : vector<8x512xf32>
    %reduce_sum3A_271 = vector.multi_reduction <add>, %reshape3A_269, %reduce_sum3A_270 [0] : vector<32x8x512xf32> to vector<8x512xf32>
    %get3A_272 = arith.constant 64 : index
    %get3A_273 = arith.constant 0 : index
    %get3A_274 = vector.load %arg4[%get3A_272, %get3A_273] : memref<152x512xf32, #tpu.memory_space<vmem>>, vector<8x512xf32>
    %add3A_275 = arith.addf %get3A_274, %reduce_sum3A_263 : vector<8x512xf32>
    %swap3A_276 = arith.constant 64 : index
    %swap3A_277 = arith.constant 0 : index
    %swap3A_278 = vector.load %arg4[%swap3A_276, %swap3A_277] : memref<152x512xf32, #tpu.memory_space<vmem>>, vector<8x512xf32>
    tpu.vector_store %arg4[%swap3A_276, %swap3A_277], %add3A_275 {strides = array<i32>} : memref<152x512xf32, #tpu.memory_space<vmem>>, vector<8x512xf32>,
    %get3A_279 = arith.constant 64 : index
    %get3A_280 = arith.constant 0 : index
    %get3A_281 = vector.load %arg5[%get3A_279, %get3A_280] : memref<152x512xf32, #tpu.memory_space<vmem>>, vector<8x512xf32>
    %add3A_282 = arith.addf %get3A_281, %reduce_sum3A_271 : vector<8x512xf32>
    %swap3A_283 = arith.constant 64 : index
    %swap3A_284 = arith.constant 0 : index
    %swap3A_285 = vector.load %arg5[%swap3A_283, %swap3A_284] : memref<152x512xf32, #tpu.memory_space<vmem>>, vector<8x512xf32>
    tpu.vector_store %arg5[%swap3A_283, %swap3A_284], %add3A_282 {strides = array<i32>} : memref<152x512xf32, #tpu.memory_space<vmem>>, vector<8x512xf32>,
    %eq3A_286 = arith.constant 9 : i32
    %eq3A_287 = vector.broadcast %eq3A_286 : i32 to vector<256x512xi32>
    %eq3A_288 = arith.cmpi eq, %get3A_6, %eq3A_287 : vector<256x512xi32>
    %jit3A_289 = arith.constant 0.000000e+00 : f32
    %broadcast_in_dim3A_290 = vector.broadcast %jit3A_289 : f32 to vector<256x512xf32>
    %select_n3A_291 = arith.select %eq3A_288, %mul3A, %broadcast_in_dim3A_290 : vector<256x512xi1>, vector<256x512xf32>
    %reshape3A_292 = vector.shape_cast %select_n3A_291 : vector<256x512xf32> to vector<32x8x512xf32>
    %reduce_sum3A_293 = arith.constant dense<0.000000e+00> : vector<8x512xf32>
    %reduce_sum3A_294 = vector.multi_reduction <add>, %reshape3A_292, %reduce_sum3A_293 [0] : vector<32x8x512xf32> to vector<8x512xf32>
    %jit3A_295 = arith.constant 1.000000e+00 : f32
    %jit3A_296 = arith.constant 0.000000e+00 : f32
    %broadcast_in_dim3A_297 = vector.broadcast %jit3A_295 : f32 to vector<256x512xf32>
    %broadcast_in_dim3A_298 = vector.broadcast %jit3A_296 : f32 to vector<256x512xf32>
    %select_n3A_299 = arith.select %eq3A_288, %broadcast_in_dim3A_297, %broadcast_in_dim3A_298 : vector<256x512xi1>, vector<256x512xf32>
    %reshape3A_300 = vector.shape_cast %select_n3A_299 : vector<256x512xf32> to vector<32x8x512xf32>
    %reduce_sum3A_301 = arith.constant dense<0.000000e+00> : vector<8x512xf32>
    %reduce_sum3A_302 = vector.multi_reduction <add>, %reshape3A_300, %reduce_sum3A_301 [0] : vector<32x8x512xf32> to vector<8x512xf32>
    %get3A_303 = arith.constant 72 : index
    %get3A_304 = arith.constant 0 : index
    %get3A_305 = vector.load %arg4[%get3A_303, %get3A_304] : memref<152x512xf32, #tpu.memory_space<vmem>>, vector<8x512xf32>
    %add3A_306 = arith.addf %get3A_305, %reduce_sum3A_294 : vector<8x512xf32>
    %swap3A_307 = arith.constant 72 : index
    %swap3A_308 = arith.constant 0 : index
    %swap3A_309 = vector.load %arg4[%swap3A_307, %swap3A_308] : memref<152x512xf32, #tpu.memory_space<vmem>>, vector<8x512xf32>
    tpu.vector_store %arg4[%swap3A_307, %swap3A_308], %add3A_306 {strides = array<i32>} : memref<152x512xf32, #tpu.memory_space<vmem>>, vector<8x512xf32>,
    %get3A_310 = arith.constant 72 : index
    %get3A_311 = arith.constant 0 : index
    %get3A_312 = vector.load %arg5[%get3A_310, %get3A_311] : memref<152x512xf32, #tpu.memory_space<vmem>>, vector<8x512xf32>
    %add3A_313 = arith.addf %get3A_312, %reduce_sum3A_302 : vector<8x512xf32>
    %swap3A_314 = arith.constant 72 : index
    %swap3A_315 = arith.constant 0 : index
    %swap3A_316 = vector.load %arg5[%swap3A_314, %swap3A_315] : memref<152x512xf32, #tpu.memory_space<vmem>>, vector<8x512xf32>
    tpu.vector_store %arg5[%swap3A_314, %swap3A_315], %add3A_313 {strides = array<i32>} : memref<152x512xf32, #tpu.memory_space<vmem>>, vector<8x512xf32>,
    %eq3A_317 = arith.constant 10 : i32
    %eq3A_318 = vector.broadcast %eq3A_317 : i32 to vector<256x512xi32>
    %eq3A_319 = arith.cmpi eq, %get3A_6, %eq3A_318 : vector<256x512xi32>
    %jit3A_320 = arith.constant 0.000000e+00 : f32
    %broadcast_in_dim3A_321 = vector.broadcast %jit3A_320 : f32 to vector<256x512xf32>
    %select_n3A_322 = arith.select %eq3A_319, %mul3A, %broadcast_in_dim3A_321 : vector<256x512xi1>, vector<256x512xf32>
    %reshape3A_323 = vector.shape_cast %select_n3A_322 : vector<256x512xf32> to vector<32x8x512xf32>
    %reduce_sum3A_324 = arith.constant dense<0.000000e+00> : vector<8x512xf32>
    %reduce_sum3A_325 = vector.multi_reduction <add>, %reshape3A_323, %reduce_sum3A_324 [0] : vector<32x8x512xf32> to vector<8x512xf32>
    %jit3A_326 = arith.constant 1.000000e+00 : f32
    %jit3A_327 = arith.constant 0.000000e+00 : f32
    %broadcast_in_dim3A_328 = vector.broadcast %jit3A_326 : f32 to vector<256x512xf32>
    %broadcast_in_dim3A_329 = vector.broadcast %jit3A_327 : f32 to vector<256x512xf32>
    %select_n3A_330 = arith.select %eq3A_319, %broadcast_in_dim3A_328, %broadcast_in_dim3A_329 : vector<256x512xi1>, vector<256x512xf32>
    %reshape3A_331 = vector.shape_cast %select_n3A_330 : vector<256x512xf32> to vector<32x8x512xf32>
    %reduce_sum3A_332 = arith.constant dense<0.000000e+00> : vector<8x512xf32>
    %reduce_sum3A_333 = vector.multi_reduction <add>, %reshape3A_331, %reduce_sum3A_332 [0] : vector<32x8x512xf32> to vector<8x512xf32>
    %get3A_334 = arith.constant 80 : index
    %get3A_335 = arith.constant 0 : index
    %get3A_336 = vector.load %arg4[%get3A_334, %get3A_335] : memref<152x512xf32, #tpu.memory_space<vmem>>, vector<8x512xf32>
    %add3A_337 = arith.addf %get3A_336, %reduce_sum3A_325 : vector<8x512xf32>
    %swap3A_338 = arith.constant 80 : index
    %swap3A_339 = arith.constant 0 : index
    %swap3A_340 = vector.load %arg4[%swap3A_338, %swap3A_339] : memref<152x512xf32, #tpu.memory_space<vmem>>, vector<8x512xf32>
    tpu.vector_store %arg4[%swap3A_338, %swap3A_339], %add3A_337 {strides = array<i32>} : memref<152x512xf32, #tpu.memory_space<vmem>>, vector<8x512xf32>,
    %get3A_341 = arith.constant 80 : index
    %get3A_342 = arith.constant 0 : index
    %get3A_343 = vector.load %arg5[%get3A_341, %get3A_342] : memref<152x512xf32, #tpu.memory_space<vmem>>, vector<8x512xf32>
    %add3A_344 = arith.addf %get3A_343, %reduce_sum3A_333 : vector<8x512xf32>
    %swap3A_345 = arith.constant 80 : index
    %swap3A_346 = arith.constant 0 : index
    %swap3A_347 = vector.load %arg5[%swap3A_345, %swap3A_346] : memref<152x512xf32, #tpu.memory_space<vmem>>, vector<8x512xf32>
    tpu.vector_store %arg5[%swap3A_345, %swap3A_346], %add3A_344 {strides = array<i32>} : memref<152x512xf32, #tpu.memory_space<vmem>>, vector<8x512xf32>,
    %eq3A_348 = arith.constant 11 : i32
    %eq3A_349 = vector.broadcast %eq3A_348 : i32 to vector<256x512xi32>
    %eq3A_350 = arith.cmpi eq, %get3A_6, %eq3A_349 : vector<256x512xi32>
    %jit3A_351 = arith.constant 0.000000e+00 : f32
    %broadcast_in_dim3A_352 = vector.broadcast %jit3A_351 : f32 to vector<256x512xf32>
    %select_n3A_353 = arith.select %eq3A_350, %mul3A, %broadcast_in_dim3A_352 : vector<256x512xi1>, vector<256x512xf32>
    %reshape3A_354 = vector.shape_cast %select_n3A_353 : vector<256x512xf32> to vector<32x8x512xf32>
    %reduce_sum3A_355 = arith.constant dense<0.000000e+00> : vector<8x512xf32>
    %reduce_sum3A_356 = vector.multi_reduction <add>, %reshape3A_354, %reduce_sum3A_355 [0] : vector<32x8x512xf32> to vector<8x512xf32>
    %jit3A_357 = arith.constant 1.000000e+00 : f32
    %jit3A_358 = arith.constant 0.000000e+00 : f32
    %broadcast_in_dim3A_359 = vector.broadcast %jit3A_357 : f32 to vector<256x512xf32>
    %broadcast_in_dim3A_360 = vector.broadcast %jit3A_358 : f32 to vector<256x512xf32>
    %select_n3A_361 = arith.select %eq3A_350, %broadcast_in_dim3A_359, %broadcast_in_dim3A_360 : vector<256x512xi1>, vector<256x512xf32>
    %reshape3A_362 = vector.shape_cast %select_n3A_361 : vector<256x512xf32> to vector<32x8x512xf32>
    %reduce_sum3A_363 = arith.constant dense<0.000000e+00> : vector<8x512xf32>
    %reduce_sum3A_364 = vector.multi_reduction <add>, %reshape3A_362, %reduce_sum3A_363 [0] : vector<32x8x512xf32> to vector<8x512xf32>
    %get3A_365 = arith.constant 88 : index
    %get3A_366 = arith.constant 0 : index
    %get3A_367 = vector.load %arg4[%get3A_365, %get3A_366] : memref<152x512xf32, #tpu.memory_space<vmem>>, vector<8x512xf32>
    %add3A_368 = arith.addf %get3A_367, %reduce_sum3A_356 : vector<8x512xf32>
    %swap3A_369 = arith.constant 88 : index
    %swap3A_370 = arith.constant 0 : index
    %swap3A_371 = vector.load %arg4[%swap3A_369, %swap3A_370] : memref<152x512xf32, #tpu.memory_space<vmem>>, vector<8x512xf32>
    tpu.vector_store %arg4[%swap3A_369, %swap3A_370], %add3A_368 {strides = array<i32>} : memref<152x512xf32, #tpu.memory_space<vmem>>, vector<8x512xf32>,
    %get3A_372 = arith.constant 88 : index
    %get3A_373 = arith.constant 0 : index
    %get3A_374 = vector.load %arg5[%get3A_372, %get3A_373] : memref<152x512xf32, #tpu.memory_space<vmem>>, vector<8x512xf32>
    %add3A_375 = arith.addf %get3A_374, %reduce_sum3A_364 : vector<8x512xf32>
    %swap3A_376 = arith.constant 88 : index
    %swap3A_377 = arith.constant 0 : index
    %swap3A_378 = vector.load %arg5[%swap3A_376, %swap3A_377] : memref<152x512xf32, #tpu.memory_space<vmem>>, vector<8x512xf32>
    tpu.vector_store %arg5[%swap3A_376, %swap3A_377], %add3A_375 {strides = array<i32>} : memref<152x512xf32, #tpu.memory_space<vmem>>, vector<8x512xf32>,
    %eq3A_379 = arith.constant 12 : i32
    %eq3A_380 = vector.broadcast %eq3A_379 : i32 to vector<256x512xi32>
    %eq3A_381 = arith.cmpi eq, %get3A_6, %eq3A_380 : vector<256x512xi32>
    %jit3A_382 = arith.constant 0.000000e+00 : f32
    %broadcast_in_dim3A_383 = vector.broadcast %jit3A_382 : f32 to vector<256x512xf32>
    %select_n3A_384 = arith.select %eq3A_381, %mul3A, %broadcast_in_dim3A_383 : vector<256x512xi1>, vector<256x512xf32>
    %reshape3A_385 = vector.shape_cast %select_n3A_384 : vector<256x512xf32> to vector<32x8x512xf32>
    %reduce_sum3A_386 = arith.constant dense<0.000000e+00> : vector<8x512xf32>
    %reduce_sum3A_387 = vector.multi_reduction <add>, %reshape3A_385, %reduce_sum3A_386 [0] : vector<32x8x512xf32> to vector<8x512xf32>
    %jit3A_388 = arith.constant 1.000000e+00 : f32
    %jit3A_389 = arith.constant 0.000000e+00 : f32
    %broadcast_in_dim3A_390 = vector.broadcast %jit3A_388 : f32 to vector<256x512xf32>
    %broadcast_in_dim3A_391 = vector.broadcast %jit3A_389 : f32 to vector<256x512xf32>
    %select_n3A_392 = arith.select %eq3A_381, %broadcast_in_dim3A_390, %broadcast_in_dim3A_391 : vector<256x512xi1>, vector<256x512xf32>
    %reshape3A_393 = vector.shape_cast %select_n3A_392 : vector<256x512xf32> to vector<32x8x512xf32>
    %reduce_sum3A_394 = arith.constant dense<0.000000e+00> : vector<8x512xf32>
    %reduce_sum3A_395 = vector.multi_reduction <add>, %reshape3A_393, %reduce_sum3A_394 [0] : vector<32x8x512xf32> to vector<8x512xf32>
    %get3A_396 = arith.constant 96 : index
    %get3A_397 = arith.constant 0 : index
    %get3A_398 = vector.load %arg4[%get3A_396, %get3A_397] : memref<152x512xf32, #tpu.memory_space<vmem>>, vector<8x512xf32>
    %add3A_399 = arith.addf %get3A_398, %reduce_sum3A_387 : vector<8x512xf32>
    %swap3A_400 = arith.constant 96 : index
    %swap3A_401 = arith.constant 0 : index
    %swap3A_402 = vector.load %arg4[%swap3A_400, %swap3A_401] : memref<152x512xf32, #tpu.memory_space<vmem>>, vector<8x512xf32>
    tpu.vector_store %arg4[%swap3A_400, %swap3A_401], %add3A_399 {strides = array<i32>} : memref<152x512xf32, #tpu.memory_space<vmem>>, vector<8x512xf32>,
    %get3A_403 = arith.constant 96 : index
    %get3A_404 = arith.constant 0 : index
    %get3A_405 = vector.load %arg5[%get3A_403, %get3A_404] : memref<152x512xf32, #tpu.memory_space<vmem>>, vector<8x512xf32>
    %add3A_406 = arith.addf %get3A_405, %reduce_sum3A_395 : vector<8x512xf32>
    %swap3A_407 = arith.constant 96 : index
    %swap3A_408 = arith.constant 0 : index
    %swap3A_409 = vector.load %arg5[%swap3A_407, %swap3A_408] : memref<152x512xf32, #tpu.memory_space<vmem>>, vector<8x512xf32>
    tpu.vector_store %arg5[%swap3A_407, %swap3A_408], %add3A_406 {strides = array<i32>} : memref<152x512xf32, #tpu.memory_space<vmem>>, vector<8x512xf32>,
    %eq3A_410 = arith.constant 13 : i32
    %eq3A_411 = vector.broadcast %eq3A_410 : i32 to vector<256x512xi32>
    %eq3A_412 = arith.cmpi eq, %get3A_6, %eq3A_411 : vector<256x512xi32>
    %jit3A_413 = arith.constant 0.000000e+00 : f32
    %broadcast_in_dim3A_414 = vector.broadcast %jit3A_413 : f32 to vector<256x512xf32>
    %select_n3A_415 = arith.select %eq3A_412, %mul3A, %broadcast_in_dim3A_414 : vector<256x512xi1>, vector<256x512xf32>
    %reshape3A_416 = vector.shape_cast %select_n3A_415 : vector<256x512xf32> to vector<32x8x512xf32>
    %reduce_sum3A_417 = arith.constant dense<0.000000e+00> : vector<8x512xf32>
    %reduce_sum3A_418 = vector.multi_reduction <add>, %reshape3A_416, %reduce_sum3A_417 [0] : vector<32x8x512xf32> to vector<8x512xf32>
    %jit3A_419 = arith.constant 1.000000e+00 : f32
    %jit3A_420 = arith.constant 0.000000e+00 : f32
    %broadcast_in_dim3A_421 = vector.broadcast %jit3A_419 : f32 to vector<256x512xf32>
    %broadcast_in_dim3A_422 = vector.broadcast %jit3A_420 : f32 to vector<256x512xf32>
    %select_n3A_423 = arith.select %eq3A_412, %broadcast_in_dim3A_421, %broadcast_in_dim3A_422 : vector<256x512xi1>, vector<256x512xf32>
    %reshape3A_424 = vector.shape_cast %select_n3A_423 : vector<256x512xf32> to vector<32x8x512xf32>
    %reduce_sum3A_425 = arith.constant dense<0.000000e+00> : vector<8x512xf32>
    %reduce_sum3A_426 = vector.multi_reduction <add>, %reshape3A_424, %reduce_sum3A_425 [0] : vector<32x8x512xf32> to vector<8x512xf32>
    %get3A_427 = arith.constant 104 : index
    %get3A_428 = arith.constant 0 : index
    %get3A_429 = vector.load %arg4[%get3A_427, %get3A_428] : memref<152x512xf32, #tpu.memory_space<vmem>>, vector<8x512xf32>
    %add3A_430 = arith.addf %get3A_429, %reduce_sum3A_418 : vector<8x512xf32>
    %swap3A_431 = arith.constant 104 : index
    %swap3A_432 = arith.constant 0 : index
    %swap3A_433 = vector.load %arg4[%swap3A_431, %swap3A_432] : memref<152x512xf32, #tpu.memory_space<vmem>>, vector<8x512xf32>
    tpu.vector_store %arg4[%swap3A_431, %swap3A_432], %add3A_430 {strides = array<i32>} : memref<152x512xf32, #tpu.memory_space<vmem>>, vector<8x512xf32>,
    %get3A_434 = arith.constant 104 : index
    %get3A_435 = arith.constant 0 : index
    %get3A_436 = vector.load %arg5[%get3A_434, %get3A_435] : memref<152x512xf32, #tpu.memory_space<vmem>>, vector<8x512xf32>
    %add3A_437 = arith.addf %get3A_436, %reduce_sum3A_426 : vector<8x512xf32>
    %swap3A_438 = arith.constant 104 : index
    %swap3A_439 = arith.constant 0 : index
    %swap3A_440 = vector.load %arg5[%swap3A_438, %swap3A_439] : memref<152x512xf32, #tpu.memory_space<vmem>>, vector<8x512xf32>
    tpu.vector_store %arg5[%swap3A_438, %swap3A_439], %add3A_437 {strides = array<i32>} : memref<152x512xf32, #tpu.memory_space<vmem>>, vector<8x512xf32>,
    %eq3A_441 = arith.constant 14 : i32
    %eq3A_442 = vector.broadcast %eq3A_441 : i32 to vector<256x512xi32>
    %eq3A_443 = arith.cmpi eq, %get3A_6, %eq3A_442 : vector<256x512xi32>
    %jit3A_444 = arith.constant 0.000000e+00 : f32
    %broadcast_in_dim3A_445 = vector.broadcast %jit3A_444 : f32 to vector<256x512xf32>
    %select_n3A_446 = arith.select %eq3A_443, %mul3A, %broadcast_in_dim3A_445 : vector<256x512xi1>, vector<256x512xf32>
    %reshape3A_447 = vector.shape_cast %select_n3A_446 : vector<256x512xf32> to vector<32x8x512xf32>
    %reduce_sum3A_448 = arith.constant dense<0.000000e+00> : vector<8x512xf32>
    %reduce_sum3A_449 = vector.multi_reduction <add>, %reshape3A_447, %reduce_sum3A_448 [0] : vector<32x8x512xf32> to vector<8x512xf32>
    %jit3A_450 = arith.constant 1.000000e+00 : f32
    %jit3A_451 = arith.constant 0.000000e+00 : f32
    %broadcast_in_dim3A_452 = vector.broadcast %jit3A_450 : f32 to vector<256x512xf32>
    %broadcast_in_dim3A_453 = vector.broadcast %jit3A_451 : f32 to vector<256x512xf32>
    %select_n3A_454 = arith.select %eq3A_443, %broadcast_in_dim3A_452, %broadcast_in_dim3A_453 : vector<256x512xi1>, vector<256x512xf32>
    %reshape3A_455 = vector.shape_cast %select_n3A_454 : vector<256x512xf32> to vector<32x8x512xf32>
    %reduce_sum3A_456 = arith.constant dense<0.000000e+00> : vector<8x512xf32>
    %reduce_sum3A_457 = vector.multi_reduction <add>, %reshape3A_455, %reduce_sum3A_456 [0] : vector<32x8x512xf32> to vector<8x512xf32>
    %get3A_458 = arith.constant 112 : index
    %get3A_459 = arith.constant 0 : index
    %get3A_460 = vector.load %arg4[%get3A_458, %get3A_459] : memref<152x512xf32, #tpu.memory_space<vmem>>, vector<8x512xf32>
    %add3A_461 = arith.addf %get3A_460, %reduce_sum3A_449 : vector<8x512xf32>
    %swap3A_462 = arith.constant 112 : index
    %swap3A_463 = arith.constant 0 : index
    %swap3A_464 = vector.load %arg4[%swap3A_462, %swap3A_463] : memref<152x512xf32, #tpu.memory_space<vmem>>, vector<8x512xf32>
    tpu.vector_store %arg4[%swap3A_462, %swap3A_463], %add3A_461 {strides = array<i32>} : memref<152x512xf32, #tpu.memory_space<vmem>>, vector<8x512xf32>,
    %get3A_465 = arith.constant 112 : index
    %get3A_466 = arith.constant 0 : index
    %get3A_467 = vector.load %arg5[%get3A_465, %get3A_466] : memref<152x512xf32, #tpu.memory_space<vmem>>, vector<8x512xf32>
    %add3A_468 = arith.addf %get3A_467, %reduce_sum3A_457 : vector<8x512xf32>
    %swap3A_469 = arith.constant 112 : index
    %swap3A_470 = arith.constant 0 : index
    %swap3A_471 = vector.load %arg5[%swap3A_469, %swap3A_470] : memref<152x512xf32, #tpu.memory_space<vmem>>, vector<8x512xf32>
    tpu.vector_store %arg5[%swap3A_469, %swap3A_470], %add3A_468 {strides = array<i32>} : memref<152x512xf32, #tpu.memory_space<vmem>>, vector<8x512xf32>,
    %eq3A_472 = arith.constant 15 : i32
    %eq3A_473 = vector.broadcast %eq3A_472 : i32 to vector<256x512xi32>
    %eq3A_474 = arith.cmpi eq, %get3A_6, %eq3A_473 : vector<256x512xi32>
    %jit3A_475 = arith.constant 0.000000e+00 : f32
    %broadcast_in_dim3A_476 = vector.broadcast %jit3A_475 : f32 to vector<256x512xf32>
    %select_n3A_477 = arith.select %eq3A_474, %mul3A, %broadcast_in_dim3A_476 : vector<256x512xi1>, vector<256x512xf32>
    %reshape3A_478 = vector.shape_cast %select_n3A_477 : vector<256x512xf32> to vector<32x8x512xf32>
    %reduce_sum3A_479 = arith.constant dense<0.000000e+00> : vector<8x512xf32>
    %reduce_sum3A_480 = vector.multi_reduction <add>, %reshape3A_478, %reduce_sum3A_479 [0] : vector<32x8x512xf32> to vector<8x512xf32>
    %jit3A_481 = arith.constant 1.000000e+00 : f32
    %jit3A_482 = arith.constant 0.000000e+00 : f32
    %broadcast_in_dim3A_483 = vector.broadcast %jit3A_481 : f32 to vector<256x512xf32>
    %broadcast_in_dim3A_484 = vector.broadcast %jit3A_482 : f32 to vector<256x512xf32>
    %select_n3A_485 = arith.select %eq3A_474, %broadcast_in_dim3A_483, %broadcast_in_dim3A_484 : vector<256x512xi1>, vector<256x512xf32>
    %reshape3A_486 = vector.shape_cast %select_n3A_485 : vector<256x512xf32> to vector<32x8x512xf32>
    %reduce_sum3A_487 = arith.constant dense<0.000000e+00> : vector<8x512xf32>
    %reduce_sum3A_488 = vector.multi_reduction <add>, %reshape3A_486, %reduce_sum3A_487 [0] : vector<32x8x512xf32> to vector<8x512xf32>
    %get3A_489 = arith.constant 120 : index
    %get3A_490 = arith.constant 0 : index
    %get3A_491 = vector.load %arg4[%get3A_489, %get3A_490] : memref<152x512xf32, #tpu.memory_space<vmem>>, vector<8x512xf32>
    %add3A_492 = arith.addf %get3A_491, %reduce_sum3A_480 : vector<8x512xf32>
    %swap3A_493 = arith.constant 120 : index
    %swap3A_494 = arith.constant 0 : index
    %swap3A_495 = vector.load %arg4[%swap3A_493, %swap3A_494] : memref<152x512xf32, #tpu.memory_space<vmem>>, vector<8x512xf32>
    tpu.vector_store %arg4[%swap3A_493, %swap3A_494], %add3A_492 {strides = array<i32>} : memref<152x512xf32, #tpu.memory_space<vmem>>, vector<8x512xf32>,
    %get3A_496 = arith.constant 120 : index
    %get3A_497 = arith.constant 0 : index
    %get3A_498 = vector.load %arg5[%get3A_496, %get3A_497] : memref<152x512xf32, #tpu.memory_space<vmem>>, vector<8x512xf32>
    %add3A_499 = arith.addf %get3A_498, %reduce_sum3A_488 : vector<8x512xf32>
    %swap3A_500 = arith.constant 120 : index
    %swap3A_501 = arith.constant 0 : index
    %swap3A_502 = vector.load %arg5[%swap3A_500, %swap3A_501] : memref<152x512xf32, #tpu.memory_space<vmem>>, vector<8x512xf32>
    tpu.vector_store %arg5[%swap3A_500, %swap3A_501], %add3A_499 {strides = array<i32>} : memref<152x512xf32, #tpu.memory_space<vmem>>, vector<8x512xf32>,
    %eq3A_503 = arith.constant 16 : i32
    %eq3A_504 = vector.broadcast %eq3A_503 : i32 to vector<256x512xi32>
    %eq3A_505 = arith.cmpi eq, %get3A_6, %eq3A_504 : vector<256x512xi32>
    %jit3A_506 = arith.constant 0.000000e+00 : f32
    %broadcast_in_dim3A_507 = vector.broadcast %jit3A_506 : f32 to vector<256x512xf32>
    %select_n3A_508 = arith.select %eq3A_505, %mul3A, %broadcast_in_dim3A_507 : vector<256x512xi1>, vector<256x512xf32>
    %reshape3A_509 = vector.shape_cast %select_n3A_508 : vector<256x512xf32> to vector<32x8x512xf32>
    %reduce_sum3A_510 = arith.constant dense<0.000000e+00> : vector<8x512xf32>
    %reduce_sum3A_511 = vector.multi_reduction <add>, %reshape3A_509, %reduce_sum3A_510 [0] : vector<32x8x512xf32> to vector<8x512xf32>
    %jit3A_512 = arith.constant 1.000000e+00 : f32
    %jit3A_513 = arith.constant 0.000000e+00 : f32
    %broadcast_in_dim3A_514 = vector.broadcast %jit3A_512 : f32 to vector<256x512xf32>
    %broadcast_in_dim3A_515 = vector.broadcast %jit3A_513 : f32 to vector<256x512xf32>
    %select_n3A_516 = arith.select %eq3A_505, %broadcast_in_dim3A_514, %broadcast_in_dim3A_515 : vector<256x512xi1>, vector<256x512xf32>
    %reshape3A_517 = vector.shape_cast %select_n3A_516 : vector<256x512xf32> to vector<32x8x512xf32>
    %reduce_sum3A_518 = arith.constant dense<0.000000e+00> : vector<8x512xf32>
    %reduce_sum3A_519 = vector.multi_reduction <add>, %reshape3A_517, %reduce_sum3A_518 [0] : vector<32x8x512xf32> to vector<8x512xf32>
    %get3A_520 = arith.constant 128 : index
    %get3A_521 = arith.constant 0 : index
    %get3A_522 = vector.load %arg4[%get3A_520, %get3A_521] : memref<152x512xf32, #tpu.memory_space<vmem>>, vector<8x512xf32>
    %add3A_523 = arith.addf %get3A_522, %reduce_sum3A_511 : vector<8x512xf32>
    %swap3A_524 = arith.constant 128 : index
    %swap3A_525 = arith.constant 0 : index
    %swap3A_526 = vector.load %arg4[%swap3A_524, %swap3A_525] : memref<152x512xf32, #tpu.memory_space<vmem>>, vector<8x512xf32>
    tpu.vector_store %arg4[%swap3A_524, %swap3A_525], %add3A_523 {strides = array<i32>} : memref<152x512xf32, #tpu.memory_space<vmem>>, vector<8x512xf32>,
    %get3A_527 = arith.constant 128 : index
    %get3A_528 = arith.constant 0 : index
    %get3A_529 = vector.load %arg5[%get3A_527, %get3A_528] : memref<152x512xf32, #tpu.memory_space<vmem>>, vector<8x512xf32>
    %add3A_530 = arith.addf %get3A_529, %reduce_sum3A_519 : vector<8x512xf32>
    %swap3A_531 = arith.constant 128 : index
    %swap3A_532 = arith.constant 0 : index
    %swap3A_533 = vector.load %arg5[%swap3A_531, %swap3A_532] : memref<152x512xf32, #tpu.memory_space<vmem>>, vector<8x512xf32>
    tpu.vector_store %arg5[%swap3A_531, %swap3A_532], %add3A_530 {strides = array<i32>} : memref<152x512xf32, #tpu.memory_space<vmem>>, vector<8x512xf32>,
    %eq3A_534 = arith.constant 17 : i32
    %eq3A_535 = vector.broadcast %eq3A_534 : i32 to vector<256x512xi32>
    %eq3A_536 = arith.cmpi eq, %get3A_6, %eq3A_535 : vector<256x512xi32>
    %jit3A_537 = arith.constant 0.000000e+00 : f32
    %broadcast_in_dim3A_538 = vector.broadcast %jit3A_537 : f32 to vector<256x512xf32>
    %select_n3A_539 = arith.select %eq3A_536, %mul3A, %broadcast_in_dim3A_538 : vector<256x512xi1>, vector<256x512xf32>
    %reshape3A_540 = vector.shape_cast %select_n3A_539 : vector<256x512xf32> to vector<32x8x512xf32>
    %reduce_sum3A_541 = arith.constant dense<0.000000e+00> : vector<8x512xf32>
    %reduce_sum3A_542 = vector.multi_reduction <add>, %reshape3A_540, %reduce_sum3A_541 [0] : vector<32x8x512xf32> to vector<8x512xf32>
    %jit3A_543 = arith.constant 1.000000e+00 : f32
    %jit3A_544 = arith.constant 0.000000e+00 : f32
    %broadcast_in_dim3A_545 = vector.broadcast %jit3A_543 : f32 to vector<256x512xf32>
    %broadcast_in_dim3A_546 = vector.broadcast %jit3A_544 : f32 to vector<256x512xf32>
    %select_n3A_547 = arith.select %eq3A_536, %broadcast_in_dim3A_545, %broadcast_in_dim3A_546 : vector<256x512xi1>, vector<256x512xf32>
    %reshape3A_548 = vector.shape_cast %select_n3A_547 : vector<256x512xf32> to vector<32x8x512xf32>
    %reduce_sum3A_549 = arith.constant dense<0.000000e+00> : vector<8x512xf32>
    %reduce_sum3A_550 = vector.multi_reduction <add>, %reshape3A_548, %reduce_sum3A_549 [0] : vector<32x8x512xf32> to vector<8x512xf32>
    %get3A_551 = arith.constant 136 : index
    %get3A_552 = arith.constant 0 : index
    %get3A_553 = vector.load %arg4[%get3A_551, %get3A_552] : memref<152x512xf32, #tpu.memory_space<vmem>>, vector<8x512xf32>
    %add3A_554 = arith.addf %get3A_553, %reduce_sum3A_542 : vector<8x512xf32>
    %swap3A_555 = arith.constant 136 : index
    %swap3A_556 = arith.constant 0 : index
    %swap3A_557 = vector.load %arg4[%swap3A_555, %swap3A_556] : memref<152x512xf32, #tpu.memory_space<vmem>>, vector<8x512xf32>
    tpu.vector_store %arg4[%swap3A_555, %swap3A_556], %add3A_554 {strides = array<i32>} : memref<152x512xf32, #tpu.memory_space<vmem>>, vector<8x512xf32>,
    %get3A_558 = arith.constant 136 : index
    %get3A_559 = arith.constant 0 : index
    %get3A_560 = vector.load %arg5[%get3A_558, %get3A_559] : memref<152x512xf32, #tpu.memory_space<vmem>>, vector<8x512xf32>
    %add3A_561 = arith.addf %get3A_560, %reduce_sum3A_550 : vector<8x512xf32>
    %swap3A_562 = arith.constant 136 : index
    %swap3A_563 = arith.constant 0 : index
    %swap3A_564 = vector.load %arg5[%swap3A_562, %swap3A_563] : memref<152x512xf32, #tpu.memory_space<vmem>>, vector<8x512xf32>
    tpu.vector_store %arg5[%swap3A_562, %swap3A_563], %add3A_561 {strides = array<i32>} : memref<152x512xf32, #tpu.memory_space<vmem>>, vector<8x512xf32>,
    %eq3A_565 = arith.constant 18 : i32
    %eq3A_566 = vector.broadcast %eq3A_565 : i32 to vector<256x512xi32>
    %eq3A_567 = arith.cmpi eq, %get3A_6, %eq3A_566 : vector<256x512xi32>
    %jit3A_568 = arith.constant 0.000000e+00 : f32
    %broadcast_in_dim3A_569 = vector.broadcast %jit3A_568 : f32 to vector<256x512xf32>
    %select_n3A_570 = arith.select %eq3A_567, %mul3A, %broadcast_in_dim3A_569 : vector<256x512xi1>, vector<256x512xf32>
    %reshape3A_571 = vector.shape_cast %select_n3A_570 : vector<256x512xf32> to vector<32x8x512xf32>
    %reduce_sum3A_572 = arith.constant dense<0.000000e+00> : vector<8x512xf32>
    %reduce_sum3A_573 = vector.multi_reduction <add>, %reshape3A_571, %reduce_sum3A_572 [0] : vector<32x8x512xf32> to vector<8x512xf32>
    %jit3A_574 = arith.constant 1.000000e+00 : f32
    %jit3A_575 = arith.constant 0.000000e+00 : f32
    %broadcast_in_dim3A_576 = vector.broadcast %jit3A_574 : f32 to vector<256x512xf32>
    %broadcast_in_dim3A_577 = vector.broadcast %jit3A_575 : f32 to vector<256x512xf32>
    %select_n3A_578 = arith.select %eq3A_567, %broadcast_in_dim3A_576, %broadcast_in_dim3A_577 : vector<256x512xi1>, vector<256x512xf32>
    %reshape3A_579 = vector.shape_cast %select_n3A_578 : vector<256x512xf32> to vector<32x8x512xf32>
    %reduce_sum3A_580 = arith.constant dense<0.000000e+00> : vector<8x512xf32>
    %reduce_sum3A_581 = vector.multi_reduction <add>, %reshape3A_579, %reduce_sum3A_580 [0] : vector<32x8x512xf32> to vector<8x512xf32>
    %get3A_582 = arith.constant 144 : index
    %get3A_583 = arith.constant 0 : index
    %get3A_584 = vector.load %arg4[%get3A_582, %get3A_583] : memref<152x512xf32, #tpu.memory_space<vmem>>, vector<8x512xf32>
    %add3A_585 = arith.addf %get3A_584, %reduce_sum3A_573 : vector<8x512xf32>
    %swap3A_586 = arith.constant 144 : index
    %swap3A_587 = arith.constant 0 : index
    %swap3A_588 = vector.load %arg4[%swap3A_586, %swap3A_587] : memref<152x512xf32, #tpu.memory_space<vmem>>, vector<8x512xf32>
    tpu.vector_store %arg4[%swap3A_586, %swap3A_587], %add3A_585 {strides = array<i32>} : memref<152x512xf32, #tpu.memory_space<vmem>>, vector<8x512xf32>,
    %get3A_589 = arith.constant 144 : index
    %get3A_590 = arith.constant 0 : index
    %get3A_591 = vector.load %arg5[%get3A_589, %get3A_590] : memref<152x512xf32, #tpu.memory_space<vmem>>, vector<8x512xf32>
    %add3A_592 = arith.addf %get3A_591, %reduce_sum3A_581 : vector<8x512xf32>
    %swap3A_593 = arith.constant 144 : index
    %swap3A_594 = arith.constant 0 : index
    %swap3A_595 = vector.load %arg5[%swap3A_593, %swap3A_594] : memref<152x512xf32, #tpu.memory_space<vmem>>, vector<8x512xf32>
    tpu.vector_store %arg5[%swap3A_593, %swap3A_594], %add3A_592 {strides = array<i32>} : memref<152x512xf32, #tpu.memory_space<vmem>>, vector<8x512xf32>,
    %eq3A_596 = arith.constant 2 : i32
    %eq3A_597 = arith.cmpi eq, %arg0, %eq3A_596 : i32
    %convert_element_type3A_598 = arith.extui %eq3A_597 : i1 to i32
    %cond3A_599 = arith.constant 0 : i32
    %cond3A_600 = arith.cmpi ne, %convert_element_type3A_598, %cond3A_599 : i32
    scf.if %cond3A_600 {
      %get3A_601 = arith.constant 0 : index
      %get3A_602 = arith.constant 0 : index
      %get3A_603 = vector.load %arg3[%get3A_601, %get3A_602] : memref<19x152xf32, #tpu.memory_space<vmem>>, vector<19x152xf32>
      %get3A_604 = arith.constant 0 : index
      %get3A_605 = arith.constant 0 : index
      %get3A_606 = vector.load %arg4[%get3A_604, %get3A_605] : memref<152x512xf32, #tpu.memory_space<vmem>>, vector<152x512xf32>
      %dot_general3A = arith.constant dense<0.000000e+00> : vector<19x512xf32>
      %dot_general3A_607 = tpu.matmul %get3A_603, %get3A_606, %dot_general3A {dimension_numbers = #tpu.dot_dimension_numbers<[1], [0], [0], [1], [0, 0, 1, 1], [], []>, precision = #tpu.contract_precision<fp32>, transpose_lhs_hint = false} : vector<19x152xf32>, vector<152x512xf32>, vector<19x512xf32> -> vector<19x512xf32>
      %get3A_608 = arith.constant 0 : index
      %get3A_609 = arith.constant 0 : index
      %get3A_610 = vector.load %arg3[%get3A_608, %get3A_609] : memref<19x152xf32, #tpu.memory_space<vmem>>, vector<19x152xf32>
      %get3A_611 = arith.constant 0 : index
      %get3A_612 = arith.constant 0 : index
      %get3A_613 = vector.load %arg5[%get3A_611, %get3A_612] : memref<152x512xf32, #tpu.memory_space<vmem>>, vector<152x512xf32>
      %dot_general3A_614 = arith.constant dense<0.000000e+00> : vector<19x512xf32>
      %dot_general3A_615 = tpu.matmul %get3A_610, %get3A_613, %dot_general3A_614 {dimension_numbers = #tpu.dot_dimension_numbers<[1], [0], [0], [1], [0, 0, 1, 1], [], []>, precision = #tpu.contract_precision<fp32>, transpose_lhs_hint = false} : vector<19x152xf32>, vector<152x512xf32>, vector<19x512xf32> -> vector<19x512xf32>
      %reduce_sum3A_616 = arith.constant dense<0.000000e+00> : vector<19xf32>
      %reduce_sum3A_617 = vector.multi_reduction <add>, %dot_general3A_607, %reduce_sum3A_616 [1] : vector<19x512xf32> to vector<19xf32>
      %swap3A_618 = arith.constant 0 : index
      %swap3A_619 = vector.load %arg6[%swap3A_618] : memref<19xf32, #tpu.memory_space<vmem>>, vector<19xf32>
      tpu.vector_store %arg6[%swap3A_618], %reduce_sum3A_617 {strides = array<i32>} : memref<19xf32, #tpu.memory_space<vmem>>, vector<19xf32>,
      %reduce_sum3A_620 = arith.constant dense<0.000000e+00> : vector<19xf32>
      %reduce_sum3A_621 = vector.multi_reduction <add>, %dot_general3A_615, %reduce_sum3A_620 [1] : vector<19x512xf32> to vector<19xf32>
      %swap3A_622 = arith.constant 0 : index
      %swap3A_623 = vector.load %arg7[%swap3A_622] : memref<19xf32, #tpu.memory_space<vmem>>, vector<19xf32>
      tpu.vector_store %arg7[%swap3A_622], %reduce_sum3A_621 {strides = array<i32>} : memref<19xf32, #tpu.memory_space<vmem>>, vector<19xf32>,
    } else {
    }
    return
  }
  func.func @transform_0(%arg0: i32) -> (i32, i32, i32, i32) {
    %add3A = arith.constant 5 : i32
    %add3A_0 = arith.addi %add3A, %arg0 : i32
    %jit3A = arith.constant 2 : i32
    %div3A = arith.divsi %add3A_0, %jit3A : i32
    %sign3A = arith.constant 0 : i32
    %sign3A_1 = arith.cmpi sgt, %add3A_0, %sign3A : i32
    %sign3A_2 = arith.extui %sign3A_1 : i1 to i32
    %sign3A_3 = arith.constant 0 : i32
    %sign3A_4 = arith.cmpi slt, %add3A_0, %sign3A_3 : i32
    %sign3A_5 = arith.extui %sign3A_4 : i1 to i32
    %sign3A_6 = arith.subi %sign3A_2, %sign3A_5 : i32
    %sign3A_7 = arith.constant 0 : i32
    %sign3A_8 = arith.cmpi sgt, %jit3A, %sign3A_7 : i32
    %sign3A_9 = arith.extui %sign3A_8 : i1 to i32
    %sign3A_10 = arith.constant 0 : i32
    %sign3A_11 = arith.cmpi slt, %jit3A, %sign3A_10 : i32
    %sign3A_12 = arith.extui %sign3A_11 : i1 to i32
    %sign3A_13 = arith.subi %sign3A_9, %sign3A_12 : i32
    %ne3A = arith.cmpi ne, %sign3A_6, %sign3A_13 : i32
    %rem3A = arith.remsi %add3A_0, %jit3A : i32
    %ne3A_14 = arith.constant 0 : i32
    %ne3A_15 = arith.cmpi ne, %rem3A, %ne3A_14 : i32
    %and3A = arith.andi %ne3A, %ne3A_15 : i1
    %sub3A = arith.constant 1 : i32
    %sub3A_16 = arith.subi %div3A, %sub3A : i32
    %select_n3A = arith.select %and3A, %sub3A_16, %div3A : i32
    %add3A_17 = arith.constant 5 : i32
    %add3A_18 = arith.addi %add3A_17, %arg0 : i32
    %jit3A_19 = arith.constant 2 : i32
    %eq3A = arith.constant 0 : i32
    %eq3A_20 = arith.cmpi eq, %jit3A_19, %eq3A : i32
    %jit3A_21 = arith.constant 1 : i32
    %select_n3A_22 = arith.select %eq3A_20, %jit3A_21, %jit3A_19 : i32
    %rem3A_23 = arith.remsi %add3A_18, %select_n3A_22 : i32
    %ne3A_24 = arith.constant 0 : i32
    %ne3A_25 = arith.cmpi ne, %rem3A_23, %ne3A_24 : i32
    %lt3A = arith.constant 0 : i32
    %lt3A_26 = arith.cmpi slt, %rem3A_23, %lt3A : i32
    %lt3A_27 = arith.constant 0 : i32
    %lt3A_28 = arith.cmpi slt, %select_n3A_22, %lt3A_27 : i32
    %ne3A_29 = arith.xori %lt3A_26, %lt3A_28 : i1
    %and3A_30 = arith.andi %ne3A_29, %ne3A_25 : i1
    %add3A_31 = arith.addi %rem3A_23, %select_n3A_22 : i32
    %select_n3A_32 = arith.select %and3A_30, %add3A_31, %rem3A_23 : i32
    %c0_i32 = arith.constant 0 : i32
    %c0_i32_33 = arith.constant 0 : i32
    %c0_i32_34 = arith.constant 0 : i32
    return %select_n3A, %c0_i32, %select_n3A_32, %c0_i32_33 : i32, i32, i32, i32
  }
  func.func @transform_1(%arg0: i32) -> (i32, i32, i32, i32) {
    %add3A = arith.constant 5 : i32
    %add3A_0 = arith.addi %add3A, %arg0 : i32
    %jit3A = arith.constant 2 : i32
    %div3A = arith.divsi %add3A_0, %jit3A : i32
    %sign3A = arith.constant 0 : i32
    %sign3A_1 = arith.cmpi sgt, %add3A_0, %sign3A : i32
    %sign3A_2 = arith.extui %sign3A_1 : i1 to i32
    %sign3A_3 = arith.constant 0 : i32
    %sign3A_4 = arith.cmpi slt, %add3A_0, %sign3A_3 : i32
    %sign3A_5 = arith.extui %sign3A_4 : i1 to i32
    %sign3A_6 = arith.subi %sign3A_2, %sign3A_5 : i32
    %sign3A_7 = arith.constant 0 : i32
    %sign3A_8 = arith.cmpi sgt, %jit3A, %sign3A_7 : i32
    %sign3A_9 = arith.extui %sign3A_8 : i1 to i32
    %sign3A_10 = arith.constant 0 : i32
    %sign3A_11 = arith.cmpi slt, %jit3A, %sign3A_10 : i32
    %sign3A_12 = arith.extui %sign3A_11 : i1 to i32
    %sign3A_13 = arith.subi %sign3A_9, %sign3A_12 : i32
    %ne3A = arith.cmpi ne, %sign3A_6, %sign3A_13 : i32
    %rem3A = arith.remsi %add3A_0, %jit3A : i32
    %ne3A_14 = arith.constant 0 : i32
    %ne3A_15 = arith.cmpi ne, %rem3A, %ne3A_14 : i32
    %and3A = arith.andi %ne3A, %ne3A_15 : i1
    %sub3A = arith.constant 1 : i32
    %sub3A_16 = arith.subi %div3A, %sub3A : i32
    %select_n3A = arith.select %and3A, %sub3A_16, %div3A : i32
    %add3A_17 = arith.constant 5 : i32
    %add3A_18 = arith.addi %add3A_17, %arg0 : i32
    %jit3A_19 = arith.constant 2 : i32
    %eq3A = arith.constant 0 : i32
    %eq3A_20 = arith.cmpi eq, %jit3A_19, %eq3A : i32
    %jit3A_21 = arith.constant 1 : i32
    %select_n3A_22 = arith.select %eq3A_20, %jit3A_21, %jit3A_19 : i32
    %rem3A_23 = arith.remsi %add3A_18, %select_n3A_22 : i32
    %ne3A_24 = arith.constant 0 : i32
    %ne3A_25 = arith.cmpi ne, %rem3A_23, %ne3A_24 : i32
    %lt3A = arith.constant 0 : i32
    %lt3A_26 = arith.cmpi slt, %rem3A_23, %lt3A : i32
    %lt3A_27 = arith.constant 0 : i32
    %lt3A_28 = arith.cmpi slt, %select_n3A_22, %lt3A_27 : i32
    %ne3A_29 = arith.xori %lt3A_26, %lt3A_28 : i1
    %and3A_30 = arith.andi %ne3A_29, %ne3A_25 : i1
    %add3A_31 = arith.addi %rem3A_23, %select_n3A_22 : i32
    %select_n3A_32 = arith.select %and3A_30, %add3A_31, %rem3A_23 : i32
    %c0_i32 = arith.constant 0 : i32
    %c0_i32_33 = arith.constant 0 : i32
    %c0_i32_34 = arith.constant 0 : i32
    return %select_n3A, %c0_i32, %select_n3A_32, %c0_i32_33 : i32, i32, i32, i32
  }
  func.func @transform_2(%arg0: i32) -> (i32, i32) {
    %c0_i32 = arith.constant 0 : i32
    %c0_i32_0 = arith.constant 0 : i32
    %c0_i32_1 = arith.constant 0 : i32
    return %c0_i32, %c0_i32_0 : i32, i32
  }
  func.func @transform_3(%arg0: i32) -> (i32, i32) {
    %c0_i32 = arith.constant 0 : i32
    %c0_i32_0 = arith.constant 0 : i32
    %c0_i32_1 = arith.constant 0 : i32
    return %c0_i32, %c0_i32_0 : i32, i32
  }
  func.func @transform_4(%arg0: i32) -> (i32, i32) {
    %c0_i32 = arith.constant 0 : i32
    %c0_i32_0 = arith.constant 0 : i32
    %c0_i32_1 = arith.constant 0 : i32
    return %c0_i32, %c0_i32_0 : i32, i32
  }
  func.func @transform_5(%arg0: i32) -> i32 {
    %c0_i32 = arith.constant 0 : i32
    %c0_i32_0 = arith.constant 0 : i32
    return %c0_i32 : i32
  }
  func.func @transform_6(%arg0: i32) -> i32 {
    %c0_i32 = arith.constant 0 : i32
    %c0_i32_0 = arith.constant 0 : i32
    return %c0_i32 : i32
  }
}

</mosaic_0001>

<sc_bundles>
// kernel: _both_call.5.cloned.1.call-start
scs
__scs_entry_jumppad:
0x0: {  	(pc) =	sbr.rel $0x88, $3  }
0x1: {  	(tag) =	ssettag $0x0;
	lr =	simm.s32 $0x1  }
0x2: {  	[smem:$0x3F9F] =	sst lr;
	_ =	strace $0xD0000000  }
0x3: {  	_ = 	snop  }
0x4: {  	_ = 	snop  }
0x5: {  	_ = 	snop  }
0x6: {  	_ = 	snop  }
0x7: {  	_ = 	snop  }
__scs_overlays_trampoline_lowered:
0x8: {  	[smem:$0x3FAE] =	sst s0  }
0x9: {  	[smem:$0x3FAF] =	sst s1  }
0xa: {  	[smem:$0x3FB0] =	sst s2  }
0xb: {  	[smem:$0x3FB1] =	sst s3  }
0xc: {  	[smem:$0x3FB2] =	sst s4  }
0xd: {  	[smem:$0x3FB3] =	sst s5  }
0xe: {  	[smem:$0x3FB4] =	sst s6  }
0xf: {  	[smem:$0x3FB5] =	sst s7  }
0x10: {  	[smem:$0x3FB6] =	sst s8  }
0x11: {  	[smem:$0x3FB7] =	sst s9;
	s0 =	simm.s32 @!p0 $0x0  }
0x12: {  	s1 =	sld [smem:$0x3F9D];
	s0 =	simm.s32 @p0 $0x1  }
0x13: {  	[smem:$0x3FB8] =	sst s0;
	s0 =	simm.s32 @!p1 $0x0  }
0x14: {  	s2 =	sld [smem:$0x3F9C];
	s0 =	simm.s32 @p1 $0x1  }
0x15: {  	[smem:$0x3FB9] =	sst s0;
	s0 =	simm.s32 @!p2 $0x0  }
0x16: {  	s3 =	sld [smem:$0x3FDB];
	s0 =	simm.s32 @p2 $0x1  }
0x17: {  	s4 =	simm.s32 $0x1BF5;
	[smem:$0x3FBB] =	sst s0  }
0x18: {  	s0 =	sld [smem:$0x3F9E];
	_ =	swait.ge [sflag:s4], $0x0  }
0x19: {  	s7 =	sld [smem:$0x3F9F]  }
0x1a: {  	s8 =	sadd.s32 $0xFFFFE003, lr  }
0x1b: {  	s9 =	sadd.s32 $0xFFFFFEF7, lr;
	s5 =	simm.s32 $0xFFFFFFFF;
	p2 =	slt.u32 s8, $0xFFFFF086  }
0x1c: {  	p1 =	slt.u32 s9, $0xF7A;
	s5 =	simm.s32 @!p2 $0x0  }
0x1d: {  	s5 =	simm.s32 @p1 $0x1;
	p0 =	seq.s32 s7, s2  }
0x1e: {  	s7 =	smul.u32 @!p0 $0xF7A, s2;
	p2 =	seq.s32 @!p0 s5, $0x0  }
0x1f: {  	s9 =	smul.u32 $0xF7A, s1;
	s8 =	simm.s32 @!p0 $0x1BF5;
	p2 =	por !p2, p0  }
0x20: {  	[sflag:s8] =	ssyncset.s32 @!p0 $0xFFFFF086;
	s6 =	sadd.s32 @!p0 s3, s7;
	s7 =	simm.s32 @!p0 $0x108  }
0x21: {  	s3 =	sadd.s32 s3, s9;
	s6 =	sadd.s32 @!p0 $0x88, s6;
	s7 =	simm.s32 @p2 $0x1082  }
0x22: {  	[simem:s7], [sflag:s8] =	dma.local @!p0 [hbm:s6], $0xF7A  }
0x23: {  	s9 =	sor.u32 $0xD0000000, s2;
	s6 =	simm.s32 $0x108;
	_ =	swait.ge @!p0 [sflag:s8], $0x0  }
0x24: {  	s3 =	sadd.s32 $0x88, s3;
	s6 =	simm.s32 @!p1 $0x1082;
	[sflag:s4] =	ssyncset.s32 $0xFFFFF086  }
0x25: {  	[simem:s6], [sflag:s4] =	dma.local [hbm:s3], $0xF7A  }
0x26: {  	[smem:$0x3F9F] =	sst s1;
	(tag) =	ssettag s2;
	_ =	strace s9  }
0x27: {  	s1 =	sld [smem:$0x3FAF]  }
0x28: {  	s2 =	sld [smem:$0x3FB0]  }
0x29: {  	s4 =	sld [smem:$0x3FB2]  }
0x2a: {  	p0 =	seq.s32 s5, $0x0;
	s5 =	sld [smem:$0x3FB3]  }
0x2b: {  	s6 =	sld [smem:$0x3FB4]  }
0x2c: {  	s7 =	sld [smem:$0x3FB5]  }
0x2d: {  	s3 =	simm.s32 $0x108;
	s8 =	sld [smem:$0x3FB6]  }
0x2e: {  	s3 =	simm.s32 @!p0 $0x1082;
	s9 =	sld [smem:$0x3FB7]  }
0x2f: {  	lr =	sadd.s32 s0, s3;
	s0 =	sld [smem:$0x3FAE]  }
0x30: {  	s3 =	sld [smem:$0x3FB1]  }
0x31: {  	[smem:$0x3FBA] =	sst s10  }
0x32: {  	s10 =	sld [smem:$0x3FB8];
	_ =	sdelay $0x3  }
0x33: {  	p0 =	seq.s32 s10, $0x1;
	s10 =	sld [smem:$0x3FBA];
	_ =	sdelay $0x3  }
0x34: {  	[smem:$0x3FBA] =	sst s10  }
0x35: {  	s10 =	sld [smem:$0x3FB9];
	_ =	sdelay $0x3  }
0x36: {  	p1 =	seq.s32 s10, $0x1;
	s10 =	sld [smem:$0x3FBA];
	_ =	sdelay $0x3  }
0x37: {  	[smem:$0x3FBA] =	sst s10  }
0x38: {  	s10 =	sld [smem:$0x3FBB]  }
0x39: {  	_ = 	snop;
	(pc) =	sbr.ind lr, $3  }
0x3a: {  	_ = 	snop  }
0x3b: {  	_ = 	snop  }
0x3c: {  	p2 =	seq.s32 s10, $0x1;
	s10 =	sld [smem:$0x3FBA]  }
0x3d: {  	_ =	shalt  }
0x3e: {  	_ =	shalt  }
0x3f: {  	_ =	shalt  }
0x40: {  	_ =	shalt  }
0x41: {  	_ =	shalt  }
0x42: {  	_ =	shalt  }
0x43: {  	_ =	shalt  }
0x44: {  	_ =	shalt  }
0x45: {  	_ =	shalt  }
0x46: {  	_ =	shalt  }
0x47: {  	_ =	shalt  }
0x48: {  	_ =	shalt  }
0x49: {  	_ =	shalt  }
0x4a: {  	_ =	shalt  }
0x4b: {  	_ =	shalt  }
0x4c: {  	_ =	shalt  }
0x4d: {  	_ =	shalt  }
0x4e: {  	_ =	shalt  }
0x4f: {  	_ =	shalt  }
0x50: {  	_ =	shalt  }
0x51: {  	_ =	shalt  }
0x52: {  	_ =	shalt  }
0x53: {  	_ =	shalt  }
0x54: {  	_ =	shalt  }
0x55: {  	_ =	shalt  }
0x56: {  	_ =	shalt  }
0x57: {  	_ =	shalt  }
0x58: {  	_ =	shalt  }
0x59: {  	_ =	shalt  }
0x5a: {  	_ =	shalt  }
0x5b: {  	_ =	shalt  }
0x5c: {  	_ =	shalt  }
0x5d: {  	_ =	shalt  }
0x5e: {  	_ =	shalt  }
0x5f: {  	_ =	shalt  }
0x60: {  	_ =	shalt  }
0x61: {  	_ =	shalt  }
0x62: {  	_ =	shalt  }
0x63: {  	_ =	shalt  }
0x64: {  	_ =	shalt  }
0x65: {  	_ =	shalt  }
0x66: {  	_ =	shalt  }
0x67: {  	_ =	shalt  }
0x68: {  	_ =	shalt  }
0x69: {  	_ =	shalt  }
0x6a: {  	_ =	shalt  }
0x6b: {  	_ =	shalt  }
0x6c: {  	_ =	shalt  }
0x6d: {  	_ =	shalt  }
0x6e: {  	_ =	shalt  }
0x6f: {  	_ =	shalt  }
0x70: {  	_ =	shalt  }
0x71: {  	_ =	shalt  }
0x72: {  	_ =	shalt  }
0x73: {  	_ =	shalt  }
0x74: {  	_ =	shalt  }
0x75: {  	_ =	shalt  }
0x76: {  	_ =	shalt  }
0x77: {  	_ =	shalt  }
0x78: {  	_ =	shalt  }
0x79: {  	_ =	shalt  }
0x7a: {  	_ =	shalt  }
0x7b: {  	_ =	shalt  }
0x7c: {  	_ =	shalt  }
0x7d: {  	_ =	shalt  }
0x7e: {  	_ =	shalt  }
0x7f: {  	_ =	shalt  }
0x80: {  	_ =	shalt  }
0x81: {  	_ =	shalt  }
0x82: {  	_ =	shalt  }
0x83: {  	_ =	shalt  }
0x84: {  	_ =	shalt  }
0x85: {  	_ =	shalt  }
0x86: {  	_ =	shalt  }
0x87: {  	_ =	shalt  }
.Lfunc_end0:
.L_simem_size_0:
called_computation_lowered:
.L_overlay_start_0:
0x88: {  	s2 =	sld [smem:$0x3FD9]  }
0x89: {  	s3 =	sld [smem:$0x3FFE];
	_ =	sdelay $0x1  }
0x8a: {  	s1 =	srdreg.scid  }
0x8b: {  	s0 =	sand.u32 $0x1, s1  }
0x8c: {  	s17 =	sshll.u32 s0, $0xA;
	s2 =	sadd.s32 s3, s2  }
0x8d: {  	s2 =	sadd.s32 s2, s17  }
0x8e: {  	[smem:$0x3FC6] =	sst s2  }
0x8f: {  	_ = 	snop  }
0x90: {  	s2 =	sld [smem:$0x3FC9]  }
0x91: {  	s18 =	sld [smem:$0x3FC8];
	(tm) =	ssettm $0x1  }
0x92: {  	s4 =	sld [smem:$0x3FFB];
	_ =	sdelay $0x3  }
0x93: {  	_ =	strace s4  }
0x94: {  	s4 =	sld [smem:$0x3FFC];
	_ =	sdelay $0x3  }
0x95: {  	_ =	strace s4  }
0x96: {  	s4 =	sld [smem:$0x3FFD];
	_ =	sdelay $0x3  }
0x97: {  	_ =	strace s4  }
0x98: {  	_ =	strace $0x8FFFFFFF  }
0x99: {  	s19 =	sld [smem:$0x3FDB];
	_ =	sdelay $0x1  }
0x9a: {  	s5 =	simm.s32 $_scs_section_size  }
0x9b: {  	s6 =	simm.s32 $_size__tile_overlayer_lowered;
	s7 =	simm.s32 $_tile_overlayer_lowered  }
0x9c: {  	s22 =	simm.s32 $0x1BFF;
	s21 =	sshll.u32 s7, $0x1;
	s4 =	sadd.s32 s5, s19  }
0x9d: {  	s8 =	simm.s32 $0x0;
	s20 =	sshll.u32 s6, $0x1;
	s6 =	sadd.s32 s21, s4  }
0x9e: {  	[timem:s8], [sflag:s22] =	dma.local [hbm:s6], s20  }
0x9f: {  	_ =	swait.ge [sflag:s22], s20  }
0xa0: {  	s5 =	ssub.s32 $0x0, s20;
	[sflag:s22] =	ssyncset.done $0x0  }
0xa1: {  	[sflag:s22] =	ssyncadd.s32 s5;
	_ =	sdelay $0x1  }
0xa2: {  	s23 =	simm.s32 $0x1B8B  }
0xa3: {  	_ =	swait.ge [sflag:s23], $0x1  }
0xa4: {  	[sflag:s23] =	ssyncset.done $0x0  }
0xa5: {  	s25 =	simm.s32 $0x1B8E;
	s24 =	sld [smem:$0x3FFE];
	[sflag:s23] =	ssyncadd.s32 $0xFFFFFFFF  }
0xa6: {  	s26 =	simm.s32 $execute0_lowered;
	[smem:$0x3FD2] =	sst s25  }
0xa7: {  	s6 =	sshll.u32 s26, $0x1;
	_ =	strace $0x80000046;
	[dreg:$0x1] =	wrdreg $0xFFFFFFFF  }
0xa8: {  	s28 =	simm.s32 $_size_execute0_lowered;
	s4 =	sadd.s32 s4, s6;
	[dreg:$0x0] =	wrdreg $0x0  }
0xa9: {  	s6 =	sshll.u32 s28, $0x1;
	[dreg:$0x2] =	wrdreg s4  }
0xaa: {  	[dreg:$0x3] =	wrdreg s6  }
0xab: {  	[dreg:$0x4] =	wrdreg $0xC0  }
0xac: {  	_ =	task [dreg:s8], $0x5FFFF  }
0xad: {  	[dreg:$0x1] =	wrdreg $0xFFFFFFFF  }
0xae: {  	[dreg:$0x0] =	wrdreg $0x60  }
0xaf: {  	[dreg:$0x2] =	wrdreg s2  }
0xb0: {  	[dreg:$0x3] =	wrdreg s18  }
0xb1: {  	[dreg:$0x4] =	wrdreg s24  }
0xb2: {  	[dreg:$0x5] =	wrdreg $0x9  }
0xb3: {  	_ =	task.clear_ibuf [dreg:s8], $0x6FFFF;
	_ =	strace $0x90000046  }
0xb4: {  	s29 =	simm.s32 $0x9;
	_ =	strace $0x80000048  }
0xb5: {  	_ =	swait.ge [sflag:s29], $0x1  }
0xb6: {  	[sflag:s29] =	ssyncadd.s32 $0xFFFFFFFF  }
0xb7: {  	_ =	strace $0x90000048  }
0xb8: {  	_ =	sfence  }
0xb9: {  	s30 =	sld [smem:$0x0];
	_ =	sdelay $0x2  }
0xba: {  	s31 =	sshll.u32 s1, $0xD;
	s1 =	sshrl.u32 s1, $0x2  }
0xbb: {  	s3 =	sand.u32 $0x4000, s31;
	s1 =	sadd.s32 s1, s30  }
0xbc: {  	s0 =	sor.u32 s3, s0;
	s1 =	sshll.u32 s1, $0x11  }
0xbd: {  	s0 =	sor.u32 s1, s0  }
0xbe: {  	s0 =	sadd.s32 $0x8F2B, s0  }
0xbf: {  	[sflag:s0] =	ssyncadd.remote.s32 $0x1  }
0xc0: {  	_ =	sfence.sel $0xFFFF  }
0xc1: {  	[dreg:$0x0] =	wrdreg $0xFFFFFFFF;
	(pc) =	sbr.abs _section_cstart, $3  }
0xc2: {  	[dreg:$0x1] =	wrdreg $0xFFFFFFFF  }
0xc3: {  	_ =	task.clear_ibuf [dreg:s8], $0x2FFFF;
	_ =	strace $0x9FFFFFFF  }
0xc4: {  	(tm) =	ssettm $0x7FFFFFFF  }
0xc5: {  	_ =	shalt  }
tec
execute0_lowered:
.L_overlay_start_1:
0x0: {  	(tag) =	ssettag $0x1  }
0x1: {  	s0 =	rddreg [dreg:$0x0]  }
0x2: {  	s1 =	rddreg [dreg:$0x1]  }
0x3: {  	s3 =	rddreg [dreg:$0x2];
	s2 =	simm.s32 $0x0;
	s4 =	srdreg.scid  }
0x4: {  	s8 =	stileid.u32;
	s15 =	simm.s32 $0x1;
	s16 =	simm.s32 $0x4  }
0x5: {  	s19 =	simm.s32 $0xA000;
	s20 =	simm.s32 $0xA600;
	s21 =	simm.s32 $0xA180  }
0x6: {  	s22 =	simm.s32 $0xA780;
	s28 =	simm.s32 $0x2;
	s29 =	simm.s32 $0x5  }
0x7: {  	s30 =	simm.s32 $0x3;
	s31 =	simm.s32 $0x6;
	s12 =	simm.s32 $0x7  }
0x8: {  	s13 =	simm.s32 $0x0;
	[smem:$0x7FF] =	sst s2;
	s4 =	sand.u32 $0x1, s4  }
0x9: {  	s5 =	sshll.u32 s8, $0x1;
	s8 =	sshll.u32 s8, $0xC;
	_ =	strace $0x80000047  }
0xa: {  	s5 =	sor.u32 s4, s5;
	s4 =	ssub.s32 $0x2, s4;
	s8 =	sand.u32 $0x8000, s8  }
0xb: {  	s6 =	smul.u32 $0x60, s5;
	s7 =	sshll.u32 s5, $0xB;
	s23 =	sshrl.u32 s4, $0x1  }
0xc: {  	s5 =	sshll.u32 s5, $0x9;
	s7 =	sand.u32 $0x7800, s7;
	s11 =	ssub.s32 s4, s23  }
0xd: {  	s26 =	sor.u32 $0x10000, s5;
	s23 =	simm.s32 $0xA300;
	s3 =	sadd.s32 s6, s3  }
0xe: {  	s7 =	sor.u32 s8, s7;
	s5 =	sadd.s32 s0, s26;
	s6 =	sadd.s32 s1, s26  }
0xf: {  	s11 =	smax.u32 s11, $0x1;
	s26 =	simm.s32 $0xAA80;
	s24 =	sadd.s32 s0, s7  }
0x10: {  	s25 =	sadd.s32 s1, s7;
	s8 =	sor.u32 $0x400, s7;
	[dreg:$0x4] =	wrdreg s24  }
0x11: {  	s9 =	sadd.s32 $0x1000, s3;
	s10 =	sadd.s32 $0x1010, s3;
	[dreg:$0x5] =	wrdreg s25  }
0x12: {  	s7 =	sadd.s32 s0, s8;
	s8 =	sadd.s32 s1, s8;
	s24 =	simm.s32 $0xA900  }
0x13: {  	v0 =	vimm.f32 $0.0e+00;
	v1 =	vlaneseq.u32;
	v2 =	vimm.f32 $1.000000000e+00;
	s25 =	simm.s32 $0xA480;
	s0 =	simm.s32 $0x80;
	s1 =	simm.s32 $0x100  }
.LBB2_1:
0x14: {  	s3 =	rddreg [dreg:$0x4]  }
0x15: {  	[tilespmem:s2], [sflag:$0x1] =	stream.linear.gather [hbm4b:s3+s2], $0x2000, $0x38;
	[tilespmem:$0xAC00] =	vst v63  }
0x16: {  	s18 =	rddreg [dreg:$0x5];
	s4 =	simm.s32 $0x4000  }
0x17: {  	[tilespmem:s4], [sflag:$0x4] =	stream.linear.gather [hbm4b:s18+s2], $0x2000, $0x38;
	[tilespmem:$0xAC00] =	vst v63  }
0x18: {  	s4 =	simm.s32 $0x8000  }
0x19: {  	[tilespmem:s4], [sflag:$0x3] =	stream.linear.gather [hbm4b:s5+s2], $0x1000, $0x38;
	[tilespmem:$0xAC00] =	vst v63  }
0x1a: {  	s14 =	simm.s32 $0x9000  }
0x1b: {  	[tilespmem:s14], [sflag:$0x6] =	stream.linear.gather [hbm4b:s6+s2], $0x1000, $0x38;
	[tilespmem:$0xAC00] =	vst v63  }
0x1c: {  	[tilespmem:$0xA000] =	vst v0  }
0x1d: {  	[tilespmem:$0xA010] =	vst v0  }
0x1e: {  	[tilespmem:$0xA020] =	vst v0  }
0x1f: {  	[tilespmem:$0xA030] =	vst v0  }
0x20: {  	[tilespmem:$0xA040] =	vst v0  }
0x21: {  	[tilespmem:$0xA050] =	vst v0  }
0x22: {  	[tilespmem:$0xA060] =	vst v0  }
0x23: {  	[tilespmem:$0xA070] =	vst v0  }
0x24: {  	[tilespmem:$0xA080] =	vst v0  }
0x25: {  	[tilespmem:$0xA090] =	vst v0  }
0x26: {  	[tilespmem:$0xA0A0] =	vst v0  }
0x27: {  	[tilespmem:$0xA0B0] =	vst v0  }
0x28: {  	[tilespmem:$0xA0C0] =	vst v0  }
0x29: {  	[tilespmem:$0xA0D0] =	vst v0  }
0x2a: {  	[tilespmem:$0xA0E0] =	vst v0  }
0x2b: {  	[tilespmem:$0xA0F0] =	vst v0  }
0x2c: {  	[tilespmem:$0xA100] =	vst v0  }
0x2d: {  	[tilespmem:$0xA110] =	vst v0  }
0x2e: {  	[tilespmem:$0xA120] =	vst v0  }
0x2f: {  	[tilespmem:$0xA180] =	vst v0  }
0x30: {  	[tilespmem:$0xA190] =	vst v0  }
0x31: {  	[tilespmem:$0xA1A0] =	vst v0  }
0x32: {  	[tilespmem:$0xA1B0] =	vst v0  }
0x33: {  	[tilespmem:$0xA1C0] =	vst v0  }
0x34: {  	[tilespmem:$0xA1D0] =	vst v0  }
0x35: {  	[tilespmem:$0xA1E0] =	vst v0  }
0x36: {  	[tilespmem:$0xA1F0] =	vst v0  }
0x37: {  	[tilespmem:$0xA200] =	vst v0  }
0x38: {  	[tilespmem:$0xA210] =	vst v0  }
0x39: {  	[tilespmem:$0xA220] =	vst v0  }
0x3a: {  	[tilespmem:$0xA230] =	vst v0  }
0x3b: {  	[tilespmem:$0xA240] =	vst v0  }
0x3c: {  	[tilespmem:$0xA250] =	vst v0  }
0x3d: {  	[tilespmem:$0xA260] =	vst v0  }
0x3e: {  	[tilespmem:$0xA270] =	vst v0  }
0x3f: {  	[tilespmem:$0xA280] =	vst v0  }
0x40: {  	[tilespmem:$0xA290] =	vst v0  }
0x41: {  	[tilespmem:$0xA2A0] =	vst v0  }
0x42: {  	[tilespmem:$0xA300] =	vst v0  }
0x43: {  	[tilespmem:$0xA310] =	vst v0  }
0x44: {  	[tilespmem:$0xA320] =	vst v0  }
0x45: {  	[tilespmem:$0xA330] =	vst v0  }
0x46: {  	[tilespmem:$0xA340] =	vst v0  }
0x47: {  	[tilespmem:$0xA350] =	vst v0  }
0x48: {  	[tilespmem:$0xA360] =	vst v0  }
0x49: {  	[tilespmem:$0xA370] =	vst v0  }
0x4a: {  	[tilespmem:$0xA380] =	vst v0  }
0x4b: {  	[tilespmem:$0xA390] =	vst v0  }
0x4c: {  	[tilespmem:$0xA3A0] =	vst v0  }
0x4d: {  	[tilespmem:$0xA3B0] =	vst v0  }
0x4e: {  	[tilespmem:$0xA3C0] =	vst v0  }
0x4f: {  	[tilespmem:$0xA3D0] =	vst v0  }
0x50: {  	[tilespmem:$0xA3E0] =	vst v0  }
0x51: {  	[tilespmem:$0xA3F0] =	vst v0  }
0x52: {  	[tilespmem:$0xA400] =	vst v0  }
0x53: {  	[tilespmem:$0xA410] =	vst v0  }
0x54: {  	[tilespmem:$0xA420] =	vst v0  }
0x55: {  	[tilespmem:$0xA480] =	vst v0  }
0x56: {  	[tilespmem:$0xA490] =	vst v0  }
0x57: {  	[tilespmem:$0xA4A0] =	vst v0  }
0x58: {  	[tilespmem:$0xA4B0] =	vst v0  }
0x59: {  	[tilespmem:$0xA4C0] =	vst v0  }
0x5a: {  	[tilespmem:$0xA4D0] =	vst v0  }
0x5b: {  	[tilespmem:$0xA4E0] =	vst v0  }
0x5c: {  	[tilespmem:$0xA4F0] =	vst v0  }
0x5d: {  	[tilespmem:$0xA500] =	vst v0  }
0x5e: {  	[tilespmem:$0xA510] =	vst v0  }
0x5f: {  	[tilespmem:$0xA520] =	vst v0  }
0x60: {  	[tilespmem:$0xA530] =	vst v0  }
0x61: {  	[tilespmem:$0xA540] =	vst v0  }
0x62: {  	[tilespmem:$0xA550] =	vst v0  }
0x63: {  	[tilespmem:$0xA560] =	vst v0  }
0x64: {  	[tilespmem:$0xA570] =	vst v0  }
0x65: {  	[tilespmem:$0xA580] =	vst v0  }
0x66: {  	[tilespmem:$0xA590] =	vst v0  }
0x67: {  	[tilespmem:$0xA5A0] =	vst v0  }
0x68: {  	[tilespmem:$0xA600] =	vst v0  }
0x69: {  	[tilespmem:$0xA610] =	vst v0  }
0x6a: {  	[tilespmem:$0xA620] =	vst v0  }
0x6b: {  	[tilespmem:$0xA630] =	vst v0  }
0x6c: {  	[tilespmem:$0xA640] =	vst v0  }
0x6d: {  	[tilespmem:$0xA650] =	vst v0  }
0x6e: {  	[tilespmem:$0xA660] =	vst v0  }
0x6f: {  	[tilespmem:$0xA670] =	vst v0  }
0x70: {  	[tilespmem:$0xA680] =	vst v0  }
0x71: {  	[tilespmem:$0xA690] =	vst v0  }
0x72: {  	[tilespmem:$0xA6A0] =	vst v0  }
0x73: {  	[tilespmem:$0xA6B0] =	vst v0  }
0x74: {  	[tilespmem:$0xA6C0] =	vst v0  }
0x75: {  	[tilespmem:$0xA6D0] =	vst v0  }
0x76: {  	[tilespmem:$0xA6E0] =	vst v0  }
0x77: {  	[tilespmem:$0xA6F0] =	vst v0  }
0x78: {  	[tilespmem:$0xA700] =	vst v0  }
0x79: {  	[tilespmem:$0xA710] =	vst v0  }
0x7a: {  	[tilespmem:$0xA720] =	vst v0  }
0x7b: {  	[tilespmem:$0xA780] =	vst v0  }
0x7c: {  	[tilespmem:$0xA790] =	vst v0  }
0x7d: {  	[tilespmem:$0xA7A0] =	vst v0  }
0x7e: {  	[tilespmem:$0xA7B0] =	vst v0  }
0x7f: {  	[tilespmem:$0xA7C0] =	vst v0  }
0x80: {  	[tilespmem:$0xA7D0] =	vst v0  }
0x81: {  	[tilespmem:$0xA7E0] =	vst v0  }
0x82: {  	[tilespmem:$0xA7F0] =	vst v0  }
0x83: {  	[tilespmem:$0xA800] =	vst v0  }
0x84: {  	[tilespmem:$0xA810] =	vst v0  }
0x85: {  	[tilespmem:$0xA820] =	vst v0  }
0x86: {  	[tilespmem:$0xA830] =	vst v0  }
0x87: {  	[tilespmem:$0xA840] =	vst v0  }
0x88: {  	[tilespmem:$0xA850] =	vst v0  }
0x89: {  	[tilespmem:$0xA860] =	vst v0  }
0x8a: {  	[tilespmem:$0xA870] =	vst v0  }
0x8b: {  	[tilespmem:$0xA880] =	vst v0  }
0x8c: {  	[tilespmem:$0xA890] =	vst v0  }
0x8d: {  	[tilespmem:$0xA8A0] =	vst v0  }
0x8e: {  	[tilespmem:$0xA900] =	vst v0  }
0x8f: {  	[tilespmem:$0xA910] =	vst v0  }
0x90: {  	[tilespmem:$0xA920] =	vst v0  }
0x91: {  	[tilespmem:$0xA930] =	vst v0  }
0x92: {  	[tilespmem:$0xA940] =	vst v0  }
0x93: {  	[tilespmem:$0xA950] =	vst v0  }
0x94: {  	[tilespmem:$0xA960] =	vst v0  }
0x95: {  	[tilespmem:$0xA970] =	vst v0  }
0x96: {  	[tilespmem:$0xA980] =	vst v0  }
0x97: {  	[tilespmem:$0xA990] =	vst v0  }
0x98: {  	[tilespmem:$0xA9A0] =	vst v0  }
0x99: {  	[tilespmem:$0xA9B0] =	vst v0  }
0x9a: {  	[tilespmem:$0xA9C0] =	vst v0  }
0x9b: {  	[tilespmem:$0xA9D0] =	vst v0  }
0x9c: {  	[tilespmem:$0xA9E0] =	vst v0  }
0x9d: {  	[tilespmem:$0xA9F0] =	vst v0  }
0x9e: {  	[tilespmem:$0xAA00] =	vst v0  }
0x9f: {  	[tilespmem:$0xAA10] =	vst v0  }
0xa0: {  	[tilespmem:$0xAA20] =	vst v0  }
0xa1: {  	[tilespmem:$0xAA80] =	vst v0  }
0xa2: {  	[tilespmem:$0xAA90] =	vst v0  }
0xa3: {  	[tilespmem:$0xAAA0] =	vst v0  }
0xa4: {  	[tilespmem:$0xAAB0] =	vst v0  }
0xa5: {  	[tilespmem:$0xAAC0] =	vst v0  }
0xa6: {  	[tilespmem:$0xAAD0] =	vst v0  }
0xa7: {  	[tilespmem:$0xAAE0] =	vst v0  }
0xa8: {  	[tilespmem:$0xAAF0] =	vst v0  }
0xa9: {  	[tilespmem:$0xAB00] =	vst v0  }
0xaa: {  	[tilespmem:$0xAB10] =	vst v0  }
0xab: {  	[tilespmem:$0xAB20] =	vst v0  }
0xac: {  	[tilespmem:$0xAB30] =	vst v0  }
0xad: {  	[tilespmem:$0xAB40] =	vst v0  }
0xae: {  	[tilespmem:$0xAB50] =	vst v0  }
0xaf: {  	[tilespmem:$0xAB60] =	vst v0  }
0xb0: {  	[tilespmem:$0xAB70] =	vst v0  }
0xb1: {  	[tilespmem:$0xAB80] =	vst v0  }
0xb2: {  	[tilespmem:$0xAB90] =	vst v0  }
0xb3: {  	[tilespmem:$0xABA0] =	vst v0  }
0xb4: {  	_ =	swait.ge [sflag:s15], $0x2000  }
0xb5: {  	[sflag:s15] =	ssyncset.done $0x0  }
0xb6: {  	[sflag:s15] =	ssyncadd.s32 $0xFFFFE000  }
0xb7: {  	_ =	swait.ge [sflag:s16], $0x2000  }
0xb8: {  	[sflag:s16] =	ssyncset.done $0x0  }
0xb9: {  	s17 =	simm.s32 $0x2000;
	[sflag:s16] =	ssyncadd.s32 $0xFFFFE000  }
0xba: {  	[tilespmem:s17], [sflag:$0x2] =	stream.linear.gather [hbm4b:s7+s2], $0x2000, $0x38;
	[tilespmem:$0xAC00] =	vst v63  }
0xbb: {  	s18 =	simm.s32 $0x6000;
	s14 =	simm.s32 $0x0;
	s17 =	simm.s32 $0x0  }
0xbc: {  	[tilespmem:s18], [sflag:$0x5] =	stream.linear.gather [hbm4b:s8+s2], $0x2000, $0x38;
	[tilespmem:$0xAC00] =	vst v63  }
.LBB2_2:
0xbd: {  	s3 =	sand.u32 $0x1000, s17;
	s18 =	sand.u32 $0x380, s14  }
0xbe: {  	s18 =	sor.u32 s18, s3  }
0xbf: {  	v3 =	vld [tilespmem:s18+$0x4000]  }
0xc0: {  	v4 =	vld [tilespmem:s18+$0x0]  }
0xc1: {  	v5 =	vld [tilespmem:s18+$0x4010]  }
0xc2: {  	v6 =	vld [tilespmem:s18+$0x10]  }
0xc3: {  	v7 =	vld [tilespmem:s18+$0x4020]  }
0xc4: {  	v8 =	vld [tilespmem:s18+$0x20]  }
0xc5: {  	v9 =	vld [tilespmem:s18+$0x4030]  }
0xc6: {  	v10 =	vld [tilespmem:s18+$0x30]  }
0xc7: {  	v11 =	vld [tilespmem:s18+$0x4040]  }
0xc8: {  	v12 =	vld [tilespmem:s18+$0x40]  }
0xc9: {  	v13 =	vld [tilespmem:s18+$0x4050];
	v14 =	vcvt.s32.f32 v3;
	v3 =	vshll.u32 v3, $0x4  }
0xca: {  	v15 =	vld [tilespmem:s18+$0x50];
	v3 =	vor.u32 v1, v3  }
0xcb: {  	v16 =	vld [tilespmem:s18+$0x4060];
	v30 =	vcvt.s32.f32 v5;
	v5 =	vshll.u32 v5, $0x4;
	v4 =	vsub.f32 v14, v4  }
0xcc: {  	v17 =	vld [tilespmem:s18+$0x60];
	v18 =	vcvt.s32.f32 v7;
	v5 =	vor.u32 v1, v5  }
0xcd: {  	v19 =	vld [tilespmem:s18+$0x4070];
	v7 =	vshll.u32 v7, $0x4;
	v6 =	vsub.f32 v30, v6;
	v4 =	vmul.f32 v4, v4  }
0xce: {  	v31 =	vld [tilespmem:s18+$0x70];
	v32 =	vcvt.s32.f32 v9;
	v7 =	vor.u32 v1, v7  }
0xcf: {  	v9 =	vshll.u32 v9, $0x4;
	v8 =	vsub.f32 v18, v8;
	v6 =	vmul.f32 v6, v6;
	[tilespmem:v3+s19+$0x0] =	vst.idx.add.f32.msk $0xffff, v4  }
0xd0: {  	v35 =	vcvt.s32.f32 v11;
	[tilespmem:v3+s20+$0x0] =	vst.idx.add.f32.msk $0xffff, v2;
	v3 =	vor.u32 v1, v9  }
0xd1: {  	v36 =	vshll.u32 v11, $0x4;
	v34 =	vsub.f32 v32, v10;
	v33 =	vmul.f32 v8, v8;
	[tilespmem:v5+s21+$0x0] =	vst.idx.add.f32.msk $0xffff, v6  }
0xd2: {  	v37 =	vcvt.s32.f32 v13;
	v38 =	vor.u32 v1, v36;
	[tilespmem:v5+s22+$0x0] =	vst.idx.add.f32.msk $0xffff, v2  }
0xd3: {  	v39 =	vshll.u32 v13, $0x4;
	v8 =	vmul.f32 v34, v34;
	v9 =	vsub.f32 v35, v12;
	[tilespmem:v7+s23+$0x0] =	vst.idx.add.f32.msk $0xffff, v33  }
0xd4: {  	v43 =	vcvt.s32.f32 v16;
	v41 =	vor.u32 v1, v39;
	[tilespmem:v7+s24+$0x0] =	vst.idx.add.f32.msk $0xffff, v2  }
0xd5: {  	v44 =	vshll.u32 v16, $0x4;
	v40 =	vsub.f32 v37, v15;
	v42 =	vmul.f32 v9, v9;
	[tilespmem:v3+s25+$0x0] =	vst.idx.add.f32.msk $0xffff, v8  }
0xd6: {  	v46 =	vcvt.s32.f32 v19;
	[tilespmem:v3+s26+$0x0] =	vst.idx.add.f32.msk $0xffff, v2;
	v3 =	vor.u32 v1, v44  }
0xd7: {  	v47 =	vshll.u32 v19, $0x4;
	v45 =	vsub.f32 v43, v17;
	v4 =	vmul.f32 v40, v40;
	[tilespmem:v38+s19+$0x0] =	vst.idx.add.f32.msk $0xffff, v42  }
0xd8: {  	v48 =	vor.u32 v1, v47;
	[tilespmem:v38+s20+$0x0] =	vst.idx.add.f32.msk $0xffff, v2  }
0xd9: {  	v50 =	vsub.f32 v46, v31;
	v49 =	vmul.f32 v45, v45;
	[tilespmem:v41+s21+$0x0] =	vst.idx.add.f32.msk $0xffff, v4  }
0xda: {  	[tilespmem:v41+s22+$0x0] =	vst.idx.add.f32.msk $0xffff, v2  }
0xdb: {  	v51 =	vmul.f32 v50, v50;
	[tilespmem:v3+s23+$0x0] =	vst.idx.add.f32.msk $0xffff, v49  }
0xdc: {  	[tilespmem:v3+s24+$0x0] =	vst.idx.add.f32.msk $0xffff, v2  }
0xdd: {  	[tilespmem:v48+s25+$0x0] =	vst.idx.add.f32.msk $0xffff, v51  }
0xde: {  	[tilespmem:v48+s26+$0x0] =	vst.idx.add.f32.msk $0xffff, v2  }
0xdf: {  	v3 =	vld [tilespmem:s18+$0x4400]  }
0xe0: {  	v4 =	vld [tilespmem:s18+$0x400]  }
0xe1: {  	v5 =	vld [tilespmem:s18+$0x4410]  }
0xe2: {  	v6 =	vld [tilespmem:s18+$0x410]  }
0xe3: {  	v7 =	vld [tilespmem:s18+$0x4420]  }
0xe4: {  	v52 =	vld [tilespmem:s18+$0x420]  }
0xe5: {  	v53 =	vld [tilespmem:s18+$0x4430]  }
0xe6: {  	v54 =	vld [tilespmem:s18+$0x430]  }
0xe7: {  	v55 =	vld [tilespmem:s18+$0x4440]  }
0xe8: {  	v56 =	vld [tilespmem:s18+$0x440]  }
0xe9: {  	v57 =	vld [tilespmem:s18+$0x4450];
	v58 =	vcvt.s32.f32 v3;
	v3 =	vshll.u32 v3, $0x4  }
0xea: {  	v59 =	vld [tilespmem:s18+$0x450];
	v3 =	vor.u32 v1, v3  }
0xeb: {  	v60 =	vld [tilespmem:s18+$0x4460];
	v61 =	vcvt.s32.f32 v5;
	v5 =	vshll.u32 v5, $0x4;
	v4 =	vsub.f32 v58, v4  }
0xec: {  	v62 =	vld [tilespmem:s18+$0x460];
	v63 =	vcvt.s32.f32 v7;
	v5 =	vor.u32 v1, v5  }
0xed: {  	v21 =	vld [tilespmem:s18+$0x4470];
	v7 =	vshll.u32 v7, $0x4;
	v6 =	vsub.f32 v61, v6;
	v4 =	vmul.f32 v4, v4  }
0xee: {  	v22 =	vld [tilespmem:s18+$0x470];
	v23 =	vcvt.s32.f32 v53;
	v7 =	vor.u32 v1, v7  }
0xef: {  	v9 =	vshll.u32 v53, $0x4;
	v8 =	vsub.f32 v63, v52;
	v6 =	vmul.f32 v6, v6;
	[tilespmem:v3+s19+$0x0] =	vst.idx.add.f32.msk $0xffff, v4  }
0xf0: {  	v26 =	vcvt.s32.f32 v55;
	[tilespmem:v3+s20+$0x0] =	vst.idx.add.f32.msk $0xffff, v2;
	v3 =	vor.u32 v1, v9  }
0xf1: {  	v27 =	vshll.u32 v55, $0x4;
	v25 =	vsub.f32 v23, v54;
	v24 =	vmul.f32 v8, v8;
	[tilespmem:v5+s21+$0x0] =	vst.idx.add.f32.msk $0xffff, v6  }
0xf2: {  	v28 =	vcvt.s32.f32 v57;
	v29 =	vor.u32 v1, v27;
	[tilespmem:v5+s22+$0x0] =	vst.idx.add.f32.msk $0xffff, v2  }
0xf3: {  	v30 =	vshll.u32 v57, $0x4;
	v8 =	vmul.f32 v25, v25;
	v9 =	vsub.f32 v26, v56;
	[tilespmem:v7+s23+$0x0] =	vst.idx.add.f32.msk $0xffff, v24  }
0xf4: {  	v34 =	vcvt.s32.f32 v60;
	v32 =	vor.u32 v1, v30;
	[tilespmem:v7+s24+$0x0] =	vst.idx.add.f32.msk $0xffff, v2  }
0xf5: {  	v35 =	vshll.u32 v60, $0x4;
	v31 =	vsub.f32 v28, v59;
	v33 =	vmul.f32 v9, v9;
	[tilespmem:v3+s25+$0x0] =	vst.idx.add.f32.msk $0xffff, v8  }
0xf6: {  	v37 =	vcvt.s32.f32 v21;
	[tilespmem:v3+s26+$0x0] =	vst.idx.add.f32.msk $0xffff, v2;
	v3 =	vor.u32 v1, v35  }
0xf7: {  	v38 =	vshll.u32 v21, $0x4;
	v36 =	vsub.f32 v34, v62;
	v4 =	vmul.f32 v31, v31;
	[tilespmem:v29+s19+$0x0] =	vst.idx.add.f32.msk $0xffff, v33  }
0xf8: {  	v39 =	vor.u32 v1, v38;
	[tilespmem:v29+s20+$0x0] =	vst.idx.add.f32.msk $0xffff, v2  }
0xf9: {  	v41 =	vsub.f32 v37, v22;
	v40 =	vmul.f32 v36, v36;
	[tilespmem:v32+s21+$0x0] =	vst.idx.add.f32.msk $0xffff, v4  }
0xfa: {  	[tilespmem:v32+s22+$0x0] =	vst.idx.add.f32.msk $0xffff, v2  }
0xfb: {  	v42 =	vmul.f32 v41, v41;
	[tilespmem:v3+s23+$0x0] =	vst.idx.add.f32.msk $0xffff, v40  }
0xfc: {  	[tilespmem:v3+s24+$0x0] =	vst.idx.add.f32.msk $0xffff, v2  }
0xfd: {  	[tilespmem:v39+s25+$0x0] =	vst.idx.add.f32.msk $0xffff, v42  }
0xfe: {  	[tilespmem:v39+s26+$0x0] =	vst.idx.add.f32.msk $0xffff, v2  }
0xff: {  	v3 =	vld [tilespmem:s18+$0x4800]  }
0x100: {  	v4 =	vld [tilespmem:s18+$0x800]  }
0x101: {  	v5 =	vld [tilespmem:s18+$0x4810]  }
0x102: {  	v6 =	vld [tilespmem:s18+$0x810]  }
0x103: {  	v7 =	vld [tilespmem:s18+$0x4820]  }
0x104: {  	v43 =	vld [tilespmem:s18+$0x820]  }
0x105: {  	v44 =	vld [tilespmem:s18+$0x4830]  }
0x106: {  	v45 =	vld [tilespmem:s18+$0x830]  }
0x107: {  	v46 =	vld [tilespmem:s18+$0x4840]  }
0x108: {  	v47 =	vld [tilespmem:s18+$0x840]  }
0x109: {  	v48 =	vld [tilespmem:s18+$0x4850];
	v49 =	vcvt.s32.f32 v3;
	v3 =	vshll.u32 v3, $0x4  }
0x10a: {  	v50 =	vld [tilespmem:s18+$0x850];
	v3 =	vor.u32 v1, v3  }
0x10b: {  	v51 =	vld [tilespmem:s18+$0x4860];
	v52 =	vcvt.s32.f32 v5;
	v5 =	vshll.u32 v5, $0x4;
	v4 =	vsub.f32 v49, v4  }
0x10c: {  	v53 =	vld [tilespmem:s18+$0x860];
	v54 =	vcvt.s32.f32 v7;
	v5 =	vor.u32 v1, v5  }
0x10d: {  	v55 =	vld [tilespmem:s18+$0x4870];
	v7 =	vshll.u32 v7, $0x4;
	v6 =	vsub.f32 v52, v6;
	v4 =	vmul.f32 v4, v4  }
0x10e: {  	v56 =	vld [tilespmem:s18+$0x870];
	v57 =	vcvt.s32.f32 v44;
	v7 =	vor.u32 v1, v7  }
0x10f: {  	v9 =	vshll.u32 v44, $0x4;
	v8 =	vsub.f32 v54, v43;
	v6 =	vmul.f32 v6, v6;
	[tilespmem:v3+s19+$0x0] =	vst.idx.add.f32.msk $0xffff, v4  }
0x110: {  	v60 =	vcvt.s32.f32 v46;
	[tilespmem:v3+s20+$0x0] =	vst.idx.add.f32.msk $0xffff, v2;
	v3 =	vor.u32 v1, v9  }
0x111: {  	v61 =	vshll.u32 v46, $0x4;
	v59 =	vsub.f32 v57, v45;
	v58 =	vmul.f32 v8, v8;
	[tilespmem:v5+s21+$0x0] =	vst.idx.add.f32.msk $0xffff, v6  }
0x112: {  	v62 =	vcvt.s32.f32 v48;
	v63 =	vor.u32 v1, v61;
	[tilespmem:v5+s22+$0x0] =	vst.idx.add.f32.msk $0xffff, v2  }
0x113: {  	v13 =	vshll.u32 v48, $0x4;
	v8 =	vmul.f32 v59, v59;
	v9 =	vsub.f32 v60, v47;
	[tilespmem:v7+s23+$0x0] =	vst.idx.add.f32.msk $0xffff, v58  }
0x114: {  	v21 =	vcvt.s32.f32 v51;
	v18 =	vor.u32 v1, v13;
	[tilespmem:v7+s24+$0x0] =	vst.idx.add.f32.msk $0xffff, v2  }
0x115: {  	v22 =	vshll.u32 v51, $0x4;
	v15 =	vsub.f32 v62, v50;
	v20 =	vmul.f32 v9, v9;
	[tilespmem:v3+s25+$0x0] =	vst.idx.add.f32.msk $0xffff, v8  }
0x116: {  	v24 =	vcvt.s32.f32 v55;
	[tilespmem:v3+s26+$0x0] =	vst.idx.add.f32.msk $0xffff, v2;
	v3 =	vor.u32 v1, v22  }
0x117: {  	v25 =	vshll.u32 v55, $0x4;
	v23 =	vsub.f32 v21, v53;
	v4 =	vmul.f32 v15, v15;
	[tilespmem:v63+s19+$0x0] =	vst.idx.add.f32.msk $0xffff, v20  }
0x118: {  	v26 =	vor.u32 v1, v25;
	[tilespmem:v63+s20+$0x0] =	vst.idx.add.f32.msk $0xffff, v2  }
0x119: {  	v28 =	vsub.f32 v24, v56;
	v27 =	vmul.f32 v23, v23;
	[tilespmem:v18+s21+$0x0] =	vst.idx.add.f32.msk $0xffff, v4  }
0x11a: {  	[tilespmem:v18+s22+$0x0] =	vst.idx.add.f32.msk $0xffff, v2  }
0x11b: {  	v29 =	vmul.f32 v28, v28;
	[tilespmem:v3+s23+$0x0] =	vst.idx.add.f32.msk $0xffff, v27  }
0x11c: {  	[tilespmem:v3+s24+$0x0] =	vst.idx.add.f32.msk $0xffff, v2  }
0x11d: {  	[tilespmem:v26+s25+$0x0] =	vst.idx.add.f32.msk $0xffff, v29  }
0x11e: {  	[tilespmem:v26+s26+$0x0] =	vst.idx.add.f32.msk $0xffff, v2  }
0x11f: {  	v3 =	vld [tilespmem:s18+$0x4C00]  }
0x120: {  	v4 =	vld [tilespmem:s18+$0xC00]  }
0x121: {  	v5 =	vld [tilespmem:s18+$0x4C10]  }
0x122: {  	v6 =	vld [tilespmem:s18+$0xC10]  }
0x123: {  	v7 =	vld [tilespmem:s18+$0x4C20]  }
0x124: {  	v30 =	vld [tilespmem:s18+$0xC20]  }
0x125: {  	v31 =	vld [tilespmem:s18+$0x4C30]  }
0x126: {  	v32 =	vld [tilespmem:s18+$0xC30]  }
0x127: {  	v33 =	vld [tilespmem:s18+$0x4C40]  }
0x128: {  	v34 =	vld [tilespmem:s18+$0xC40]  }
0x129: {  	v35 =	vld [tilespmem:s18+$0x4C50];
	v36 =	vcvt.s32.f32 v3;
	v3 =	vshll.u32 v3, $0x4  }
0x12a: {  	v37 =	vld [tilespmem:s18+$0xC50];
	v3 =	vor.u32 v1, v3  }
0x12b: {  	v38 =	vld [tilespmem:s18+$0x4C60];
	v39 =	vcvt.s32.f32 v5;
	v5 =	vshll.u32 v5, $0x4;
	v4 =	vsub.f32 v36, v4  }
0x12c: {  	v40 =	vld [tilespmem:s18+$0xC60];
	v41 =	vcvt.s32.f32 v7;
	v5 =	vor.u32 v1, v5  }
0x12d: {  	v42 =	vld [tilespmem:s18+$0x4C70];
	v7 =	vshll.u32 v7, $0x4;
	v6 =	vsub.f32 v39, v6;
	v4 =	vmul.f32 v4, v4  }
0x12e: {  	v43 =	vld [tilespmem:s18+$0xC70];
	v44 =	vcvt.s32.f32 v31;
	v7 =	vor.u32 v1, v7  }
0x12f: {  	v9 =	vshll.u32 v31, $0x4;
	v8 =	vsub.f32 v41, v30;
	v6 =	vmul.f32 v6, v6;
	[tilespmem:v3+s19+$0x0] =	vst.idx.add.f32.msk $0xffff, v4  }
0x130: {  	v47 =	vcvt.s32.f32 v33;
	[tilespmem:v3+s20+$0x0] =	vst.idx.add.f32.msk $0xffff, v2;
	v3 =	vor.u32 v1, v9  }
0x131: {  	v48 =	vshll.u32 v33, $0x4;
	v46 =	vsub.f32 v44, v32;
	v45 =	vmul.f32 v8, v8;
	[tilespmem:v5+s21+$0x0] =	vst.idx.add.f32.msk $0xffff, v6  }
0x132: {  	v49 =	vcvt.s32.f32 v35;
	v50 =	vor.u32 v1, v48;
	[tilespmem:v5+s22+$0x0] =	vst.idx.add.f32.msk $0xffff, v2  }
0x133: {  	v51 =	vshll.u32 v35, $0x4;
	v8 =	vmul.f32 v46, v46;
	v9 =	vsub.f32 v47, v34;
	[tilespmem:v7+s23+$0x0] =	vst.idx.add.f32.msk $0xffff, v45  }
0x134: {  	v55 =	vcvt.s32.f32 v38;
	v53 =	vor.u32 v1, v51;
	[tilespmem:v7+s24+$0x0] =	vst.idx.add.f32.msk $0xffff, v2  }
0x135: {  	v56 =	vshll.u32 v38, $0x4;
	v52 =	vsub.f32 v49, v37;
	v54 =	vmul.f32 v9, v9;
	[tilespmem:v3+s25+$0x0] =	vst.idx.add.f32.msk $0xffff, v8  }
0x136: {  	v58 =	vcvt.s32.f32 v42;
	[tilespmem:v3+s26+$0x0] =	vst.idx.add.f32.msk $0xffff, v2;
	v3 =	vor.u32 v1, v56  }
0x137: {  	v59 =	vshll.u32 v42, $0x4;
	v57 =	vsub.f32 v55, v40;
	v4 =	vmul.f32 v52, v52;
	[tilespmem:v50+s19+$0x0] =	vst.idx.add.f32.msk $0xffff, v54  }
0x138: {  	v60 =	vor.u32 v1, v59;
	[tilespmem:v50+s20+$0x0] =	vst.idx.add.f32.msk $0xffff, v2  }
0x139: {  	p0 =	sne.s32 s17, $0x1E00;
	v62 =	vsub.f32 v58, v43;
	v61 =	vmul.f32 v57, v57;
	[tilespmem:v53+s21+$0x0] =	vst.idx.add.f32.msk $0xffff, v4  }
.Ltmp0:
0x13a: {  	[tilespmem:v53+s22+$0x0] =	vst.idx.add.f32.msk $0xffff, v2;
	(pc) =	sbr.rel @p0 .LBB2_2-.Ltmp0, $4  }
0x13b: {  	v63 =	vmul.f32 v62, v62;
	[tilespmem:v3+s23+$0x0] =	vst.idx.add.f32.msk $0xffff, v61  }
0x13c: {  	[tilespmem:v3+s24+$0x0] =	vst.idx.add.f32.msk $0xffff, v2  }
0x13d: {  	[tilespmem:v60+s25+$0x0] =	vst.idx.add.f32.msk $0xffff, v63  }
0x13e: {  	s14 =	sadd.s32 $0x80, s14;
	s17 =	sadd.s32 $0x200, s17;
	[tilespmem:v60+s26+$0x0] =	vst.idx.add.f32.msk $0xffff, v2  }
0x13f: {  	_ =	swait.ge [sflag:s28], $0x2000  }
0x140: {  	[sflag:s28] =	ssyncset.done $0x0  }
0x141: {  	[sflag:s28] =	ssyncadd.s32 $0xFFFFE000  }
0x142: {  	_ =	swait.ge [sflag:s29], $0x2000  }
0x143: {  	[sflag:s29] =	ssyncset.done $0x0  }
0x144: {  	s14 =	simm.s32 $0x0;
	s17 =	simm.s32 $0x0;
	[sflag:s29] =	ssyncadd.s32 $0xFFFFE000  }
.LBB2_4:
0x145: {  	s3 =	sand.u32 $0x1000, s17;
	s18 =	sand.u32 $0x380, s14  }
0x146: {  	s3 =	sor.u32 s18, s3  }
0x147: {  	v3 =	vld [tilespmem:s3+$0x6000]  }
0x148: {  	v4 =	vld [tilespmem:s3+$0x2000]  }
0x149: {  	v5 =	vld [tilespmem:s3+$0x6010]  }
0x14a: {  	v6 =	vld [tilespmem:s3+$0x2010]  }
0x14b: {  	v7 =	vld [tilespmem:s3+$0x6020]  }
0x14c: {  	v8 =	vld [tilespmem:s3+$0x2020]  }
0x14d: {  	v9 =	vld [tilespmem:s3+$0x6030]  }
0x14e: {  	v10 =	vld [tilespmem:s3+$0x2030]  }
0x14f: {  	v11 =	vld [tilespmem:s3+$0x6040]  }
0x150: {  	v12 =	vld [tilespmem:s3+$0x2040]  }
0x151: {  	v13 =	vld [tilespmem:s3+$0x6050];
	v14 =	vcvt.s32.f32 v3;
	v3 =	vshll.u32 v3, $0x4  }
0x152: {  	v15 =	vld [tilespmem:s3+$0x2050];
	v3 =	vor.u32 v1, v3  }
0x153: {  	v16 =	vld [tilespmem:s3+$0x6060];
	v30 =	vcvt.s32.f32 v5;
	v5 =	vshll.u32 v5, $0x4;
	v4 =	vsub.f32 v14, v4  }
0x154: {  	v17 =	vld [tilespmem:s3+$0x2060];
	v18 =	vcvt.s32.f32 v7;
	v5 =	vor.u32 v1, v5  }
0x155: {  	v19 =	vld [tilespmem:s3+$0x6070];
	v7 =	vshll.u32 v7, $0x4;
	v6 =	vsub.f32 v30, v6;
	v4 =	vmul.f32 v4, v4  }
0x156: {  	v31 =	vld [tilespmem:s3+$0x2070];
	v32 =	vcvt.s32.f32 v9;
	v7 =	vor.u32 v1, v7  }
0x157: {  	v9 =	vshll.u32 v9, $0x4;
	v8 =	vsub.f32 v18, v8;
	v6 =	vmul.f32 v6, v6;
	[tilespmem:v3+s19+$0x0] =	vst.idx.add.f32.msk $0xffff, v4  }
0x158: {  	v35 =	vcvt.s32.f32 v11;
	[tilespmem:v3+s20+$0x0] =	vst.idx.add.f32.msk $0xffff, v2;
	v3 =	vor.u32 v1, v9  }
0x159: {  	v36 =	vshll.u32 v11, $0x4;
	v34 =	vsub.f32 v32, v10;
	v33 =	vmul.f32 v8, v8;
	[tilespmem:v5+s21+$0x0] =	vst.idx.add.f32.msk $0xffff, v6  }
0x15a: {  	v37 =	vcvt.s32.f32 v13;
	v38 =	vor.u32 v1, v36;
	[tilespmem:v5+s22+$0x0] =	vst.idx.add.f32.msk $0xffff, v2  }
0x15b: {  	v39 =	vshll.u32 v13, $0x4;
	v8 =	vmul.f32 v34, v34;
	v9 =	vsub.f32 v35, v12;
	[tilespmem:v7+s23+$0x0] =	vst.idx.add.f32.msk $0xffff, v33  }
0x15c: {  	v43 =	vcvt.s32.f32 v16;
	v41 =	vor.u32 v1, v39;
	[tilespmem:v7+s24+$0x0] =	vst.idx.add.f32.msk $0xffff, v2  }
0x15d: {  	v44 =	vshll.u32 v16, $0x4;
	v40 =	vsub.f32 v37, v15;
	v42 =	vmul.f32 v9, v9;
	[tilespmem:v3+s25+$0x0] =	vst.idx.add.f32.msk $0xffff, v8  }
0x15e: {  	v46 =	vcvt.s32.f32 v19;
	[tilespmem:v3+s26+$0x0] =	vst.idx.add.f32.msk $0xffff, v2;
	v3 =	vor.u32 v1, v44  }
0x15f: {  	v47 =	vshll.u32 v19, $0x4;
	v45 =	vsub.f32 v43, v17;
	v4 =	vmul.f32 v40, v40;
	[tilespmem:v38+s19+$0x0] =	vst.idx.add.f32.msk $0xffff, v42  }
0x160: {  	v48 =	vor.u32 v1, v47;
	[tilespmem:v38+s20+$0x0] =	vst.idx.add.f32.msk $0xffff, v2  }
0x161: {  	v50 =	vsub.f32 v46, v31;
	v49 =	vmul.f32 v45, v45;
	[tilespmem:v41+s21+$0x0] =	vst.idx.add.f32.msk $0xffff, v4  }
0x162: {  	[tilespmem:v41+s22+$0x0] =	vst.idx.add.f32.msk $0xffff, v2  }
0x163: {  	v51 =	vmul.f32 v50, v50;
	[tilespmem:v3+s23+$0x0] =	vst.idx.add.f32.msk $0xffff, v49  }
0x164: {  	s4 =	sand.u32 $0xFFFFF000, s17;
	[tilespmem:v3+s24+$0x0] =	vst.idx.add.f32.msk $0xffff, v2  }
0x165: {  	s18 =	sadd.s32 s4, s14;
	[tilespmem:v48+s25+$0x0] =	vst.idx.add.f32.msk $0xffff, v51  }
0x166: {  	s4 =	sor.u32 $0x2400, s18;
	[tilespmem:v48+s26+$0x0] =	vst.idx.add.f32.msk $0xffff, v2  }
0x167: {  	v3 =	vld [tilespmem:s4+$0x4000]  }
0x168: {  	v4 =	vld [tilespmem:s4+$0x0];
	s4 =	sor.u32 $0x2410, s18  }
0x169: {  	v5 =	vld [tilespmem:s4+$0x4000]  }
0x16a: {  	v6 =	vld [tilespmem:s4+$0x0];
	s4 =	sor.u32 $0x2420, s18  }
0x16b: {  	v7 =	vld [tilespmem:s4+$0x4000]  }
0x16c: {  	v52 =	vld [tilespmem:s4+$0x0];
	s4 =	sor.u32 $0x2430, s18  }
0x16d: {  	v53 =	vld [tilespmem:s4+$0x4000]  }
0x16e: {  	v54 =	vld [tilespmem:s4+$0x0];
	s4 =	sor.u32 $0x2440, s18  }
0x16f: {  	v55 =	vld [tilespmem:s4+$0x4000]  }
0x170: {  	v56 =	vld [tilespmem:s4+$0x0];
	s4 =	sor.u32 $0x2450, s18  }
0x171: {  	v57 =	vld [tilespmem:s4+$0x4000];
	v58 =	vcvt.s32.f32 v3;
	v3 =	vshll.u32 v3, $0x4  }
0x172: {  	v59 =	vld [tilespmem:s4+$0x0];
	s4 =	sor.u32 $0x2460, s18;
	v3 =	vor.u32 v1, v3  }
0x173: {  	v60 =	vld [tilespmem:s4+$0x4000];
	v61 =	vcvt.s32.f32 v5;
	v5 =	vshll.u32 v5, $0x4;
	v4 =	vsub.f32 v58, v4  }
0x174: {  	v62 =	vld [tilespmem:s4+$0x0];
	s4 =	sor.u32 $0x2470, s18;
	v63 =	vcvt.s32.f32 v7;
	v5 =	vor.u32 v1, v5  }
0x175: {  	v21 =	vld [tilespmem:s4+$0x4000];
	v7 =	vshll.u32 v7, $0x4;
	v6 =	vsub.f32 v61, v6;
	v4 =	vmul.f32 v4, v4  }
0x176: {  	v22 =	vld [tilespmem:s4+$0x0];
	v7 =	vor.u32 v1, v7;
	v23 =	vcvt.s32.f32 v53  }
0x177: {  	v9 =	vshll.u32 v53, $0x4;
	v8 =	vsub.f32 v63, v52;
	v6 =	vmul.f32 v6, v6;
	[tilespmem:v3+s19+$0x0] =	vst.idx.add.f32.msk $0xffff, v4  }
0x178: {  	v26 =	vcvt.s32.f32 v55;
	[tilespmem:v3+s20+$0x0] =	vst.idx.add.f32.msk $0xffff, v2;
	v3 =	vor.u32 v1, v9  }
0x179: {  	v27 =	vshll.u32 v55, $0x4;
	v25 =	vsub.f32 v23, v54;
	v24 =	vmul.f32 v8, v8;
	[tilespmem:v5+s21+$0x0] =	vst.idx.add.f32.msk $0xffff, v6  }
0x17a: {  	v28 =	vcvt.s32.f32 v57;
	v29 =	vor.u32 v1, v27;
	[tilespmem:v5+s22+$0x0] =	vst.idx.add.f32.msk $0xffff, v2  }
0x17b: {  	v30 =	vshll.u32 v57, $0x4;
	v8 =	vmul.f32 v25, v25;
	v9 =	vsub.f32 v26, v56;
	[tilespmem:v7+s23+$0x0] =	vst.idx.add.f32.msk $0xffff, v24  }
0x17c: {  	v32 =	vor.u32 v1, v30;
	v34 =	vcvt.s32.f32 v60;
	[tilespmem:v7+s24+$0x0] =	vst.idx.add.f32.msk $0xffff, v2  }
0x17d: {  	v35 =	vshll.u32 v60, $0x4;
	v31 =	vsub.f32 v28, v59;
	v33 =	vmul.f32 v9, v9;
	[tilespmem:v3+s25+$0x0] =	vst.idx.add.f32.msk $0xffff, v8  }
0x17e: {  	v37 =	vcvt.s32.f32 v21;
	[tilespmem:v3+s26+$0x0] =	vst.idx.add.f32.msk $0xffff, v2;
	v3 =	vor.u32 v1, v35  }
0x17f: {  	v38 =	vshll.u32 v21, $0x4;
	v36 =	vsub.f32 v34, v62;
	v4 =	vmul.f32 v31, v31;
	[tilespmem:v29+s19+$0x0] =	vst.idx.add.f32.msk $0xffff, v33  }
0x180: {  	v39 =	vor.u32 v1, v38;
	[tilespmem:v29+s20+$0x0] =	vst.idx.add.f32.msk $0xffff, v2  }
0x181: {  	v41 =	vsub.f32 v37, v22;
	v40 =	vmul.f32 v36, v36;
	[tilespmem:v32+s21+$0x0] =	vst.idx.add.f32.msk $0xffff, v4  }
0x182: {  	[tilespmem:v32+s22+$0x0] =	vst.idx.add.f32.msk $0xffff, v2  }
0x183: {  	v42 =	vmul.f32 v41, v41;
	[tilespmem:v3+s23+$0x0] =	vst.idx.add.f32.msk $0xffff, v40  }
0x184: {  	[tilespmem:v3+s24+$0x0] =	vst.idx.add.f32.msk $0xffff, v2  }
0x185: {  	[tilespmem:v39+s25+$0x0] =	vst.idx.add.f32.msk $0xffff, v42  }
0x186: {  	[tilespmem:v39+s26+$0x0] =	vst.idx.add.f32.msk $0xffff, v2  }
0x187: {  	v3 =	vld [tilespmem:s3+$0x6800]  }
0x188: {  	v4 =	vld [tilespmem:s3+$0x2800]  }
0x189: {  	v5 =	vld [tilespmem:s3+$0x6810]  }
0x18a: {  	v6 =	vld [tilespmem:s3+$0x2810]  }
0x18b: {  	v7 =	vld [tilespmem:s3+$0x6820]  }
0x18c: {  	v43 =	vld [tilespmem:s3+$0x2820]  }
0x18d: {  	v44 =	vld [tilespmem:s3+$0x6830]  }
0x18e: {  	v45 =	vld [tilespmem:s3+$0x2830]  }
0x18f: {  	v46 =	vld [tilespmem:s3+$0x6840]  }
0x190: {  	v47 =	vld [tilespmem:s3+$0x2840]  }
0x191: {  	v48 =	vld [tilespmem:s3+$0x6850];
	v49 =	vcvt.s32.f32 v3;
	v3 =	vshll.u32 v3, $0x4  }
0x192: {  	v50 =	vld [tilespmem:s3+$0x2850];
	v3 =	vor.u32 v1, v3  }
0x193: {  	v51 =	vld [tilespmem:s3+$0x6860];
	v52 =	vcvt.s32.f32 v5;
	v5 =	vshll.u32 v5, $0x4;
	v4 =	vsub.f32 v49, v4  }
0x194: {  	v53 =	vld [tilespmem:s3+$0x2860];
	v54 =	vcvt.s32.f32 v7;
	v5 =	vor.u32 v1, v5  }
0x195: {  	v55 =	vld [tilespmem:s3+$0x6870];
	v7 =	vshll.u32 v7, $0x4;
	v6 =	vsub.f32 v52, v6;
	v4 =	vmul.f32 v4, v4  }
0x196: {  	v56 =	vld [tilespmem:s3+$0x2870];
	v57 =	vcvt.s32.f32 v44;
	v7 =	vor.u32 v1, v7  }
0x197: {  	v9 =	vshll.u32 v44, $0x4;
	v8 =	vsub.f32 v54, v43;
	v6 =	vmul.f32 v6, v6;
	[tilespmem:v3+s19+$0x0] =	vst.idx.add.f32.msk $0xffff, v4  }
0x198: {  	v60 =	vcvt.s32.f32 v46;
	[tilespmem:v3+s20+$0x0] =	vst.idx.add.f32.msk $0xffff, v2;
	v3 =	vor.u32 v1, v9  }
0x199: {  	v61 =	vshll.u32 v46, $0x4;
	v59 =	vsub.f32 v57, v45;
	v58 =	vmul.f32 v8, v8;
	[tilespmem:v5+s21+$0x0] =	vst.idx.add.f32.msk $0xffff, v6  }
0x19a: {  	v62 =	vcvt.s32.f32 v48;
	v63 =	vor.u32 v1, v61;
	[tilespmem:v5+s22+$0x0] =	vst.idx.add.f32.msk $0xffff, v2  }
0x19b: {  	v13 =	vshll.u32 v48, $0x4;
	v8 =	vmul.f32 v59, v59;
	v9 =	vsub.f32 v60, v47;
	[tilespmem:v7+s23+$0x0] =	vst.idx.add.f32.msk $0xffff, v58  }
0x19c: {  	v21 =	vcvt.s32.f32 v51;
	v18 =	vor.u32 v1, v13;
	[tilespmem:v7+s24+$0x0] =	vst.idx.add.f32.msk $0xffff, v2  }
0x19d: {  	v22 =	vshll.u32 v51, $0x4;
	v15 =	vsub.f32 v62, v50;
	v20 =	vmul.f32 v9, v9;
	[tilespmem:v3+s25+$0x0] =	vst.idx.add.f32.msk $0xffff, v8  }
0x19e: {  	v24 =	vcvt.s32.f32 v55;
	[tilespmem:v3+s26+$0x0] =	vst.idx.add.f32.msk $0xffff, v2;
	v3 =	vor.u32 v1, v22  }
0x19f: {  	v25 =	vshll.u32 v55, $0x4;
	v23 =	vsub.f32 v21, v53;
	v4 =	vmul.f32 v15, v15;
	[tilespmem:v63+s19+$0x0] =	vst.idx.add.f32.msk $0xffff, v20  }
0x1a0: {  	v26 =	vor.u32 v1, v25;
	[tilespmem:v63+s20+$0x0] =	vst.idx.add.f32.msk $0xffff, v2  }
0x1a1: {  	v28 =	vsub.f32 v24, v56;
	v27 =	vmul.f32 v23, v23;
	[tilespmem:v18+s21+$0x0] =	vst.idx.add.f32.msk $0xffff, v4  }
0x1a2: {  	[tilespmem:v18+s22+$0x0] =	vst.idx.add.f32.msk $0xffff, v2  }
0x1a3: {  	v29 =	vmul.f32 v28, v28;
	[tilespmem:v3+s23+$0x0] =	vst.idx.add.f32.msk $0xffff, v27  }
0x1a4: {  	[tilespmem:v3+s24+$0x0] =	vst.idx.add.f32.msk $0xffff, v2  }
0x1a5: {  	[tilespmem:v26+s25+$0x0] =	vst.idx.add.f32.msk $0xffff, v29  }
0x1a6: {  	s4 =	sor.u32 $0x2C00, s18;
	[tilespmem:v26+s26+$0x0] =	vst.idx.add.f32.msk $0xffff, v2  }
0x1a7: {  	v3 =	vld [tilespmem:s4+$0x4000]  }
0x1a8: {  	v4 =	vld [tilespmem:s4+$0x0];
	s4 =	sor.u32 $0x2C10, s18  }
0x1a9: {  	v5 =	vld [tilespmem:s4+$0x4000]  }
0x1aa: {  	v6 =	vld [tilespmem:s4+$0x0];
	s4 =	sor.u32 $0x2C20, s18  }
0x1ab: {  	v7 =	vld [tilespmem:s4+$0x4000]  }
0x1ac: {  	v30 =	vld [tilespmem:s4+$0x0];
	s4 =	sor.u32 $0x2C30, s18  }
0x1ad: {  	v31 =	vld [tilespmem:s4+$0x4000]  }
0x1ae: {  	v32 =	vld [tilespmem:s4+$0x0];
	s4 =	sor.u32 $0x2C40, s18  }
0x1af: {  	v33 =	vld [tilespmem:s4+$0x4000]  }
0x1b0: {  	v34 =	vld [tilespmem:s4+$0x0];
	s4 =	sor.u32 $0x2C50, s18  }
0x1b1: {  	v35 =	vld [tilespmem:s4+$0x4000];
	v36 =	vcvt.s32.f32 v3;
	v3 =	vshll.u32 v3, $0x4  }
0x1b2: {  	v37 =	vld [tilespmem:s4+$0x0];
	s4 =	sor.u32 $0x2C60, s18;
	v3 =	vor.u32 v1, v3  }
0x1b3: {  	v38 =	vld [tilespmem:s4+$0x4000];
	v39 =	vcvt.s32.f32 v5;
	v5 =	vshll.u32 v5, $0x4;
	v4 =	vsub.f32 v36, v4  }
0x1b4: {  	s18 =	sor.u32 $0x2C70, s18;
	v40 =	vld [tilespmem:s4+$0x0];
	v41 =	vcvt.s32.f32 v7;
	v5 =	vor.u32 v1, v5  }
0x1b5: {  	v42 =	vld [tilespmem:s18+$0x4000];
	v7 =	vshll.u32 v7, $0x4;
	v6 =	vsub.f32 v39, v6;
	v4 =	vmul.f32 v4, v4  }
0x1b6: {  	v43 =	vld [tilespmem:s18+$0x0];
	v7 =	vor.u32 v1, v7;
	v44 =	vcvt.s32.f32 v31  }
0x1b7: {  	v9 =	vshll.u32 v31, $0x4;
	v8 =	vsub.f32 v41, v30;
	v6 =	vmul.f32 v6, v6;
	[tilespmem:v3+s19+$0x0] =	vst.idx.add.f32.msk $0xffff, v4  }
0x1b8: {  	v47 =	vcvt.s32.f32 v33;
	[tilespmem:v3+s20+$0x0] =	vst.idx.add.f32.msk $0xffff, v2;
	v3 =	vor.u32 v1, v9  }
0x1b9: {  	v48 =	vshll.u32 v33, $0x4;
	v46 =	vsub.f32 v44, v32;
	v45 =	vmul.f32 v8, v8;
	[tilespmem:v5+s21+$0x0] =	vst.idx.add.f32.msk $0xffff, v6  }
0x1ba: {  	v49 =	vcvt.s32.f32 v35;
	v50 =	vor.u32 v1, v48;
	[tilespmem:v5+s22+$0x0] =	vst.idx.add.f32.msk $0xffff, v2  }
0x1bb: {  	v51 =	vshll.u32 v35, $0x4;
	v8 =	vmul.f32 v46, v46;
	v9 =	vsub.f32 v47, v34;
	[tilespmem:v7+s23+$0x0] =	vst.idx.add.f32.msk $0xffff, v45  }
0x1bc: {  	v53 =	vor.u32 v1, v51;
	v55 =	vcvt.s32.f32 v38;
	[tilespmem:v7+s24+$0x0] =	vst.idx.add.f32.msk $0xffff, v2  }
0x1bd: {  	v56 =	vshll.u32 v38, $0x4;
	v52 =	vsub.f32 v49, v37;
	v54 =	vmul.f32 v9, v9;
	[tilespmem:v3+s25+$0x0] =	vst.idx.add.f32.msk $0xffff, v8  }
0x1be: {  	v58 =	vcvt.s32.f32 v42;
	[tilespmem:v3+s26+$0x0] =	vst.idx.add.f32.msk $0xffff, v2;
	v3 =	vor.u32 v1, v56  }
0x1bf: {  	v59 =	vshll.u32 v42, $0x4;
	v57 =	vsub.f32 v55, v40;
	v4 =	vmul.f32 v52, v52;
	[tilespmem:v50+s19+$0x0] =	vst.idx.add.f32.msk $0xffff, v54  }
0x1c0: {  	v60 =	vor.u32 v1, v59;
	[tilespmem:v50+s20+$0x0] =	vst.idx.add.f32.msk $0xffff, v2  }
0x1c1: {  	p0 =	sne.s32 s17, $0x1E00;
	v62 =	vsub.f32 v58, v43;
	v61 =	vmul.f32 v57, v57;
	[tilespmem:v53+s21+$0x0] =	vst.idx.add.f32.msk $0xffff, v4  }
.Ltmp1:
0x1c2: {  	[tilespmem:v53+s22+$0x0] =	vst.idx.add.f32.msk $0xffff, v2;
	(pc) =	sbr.rel @p0 .LBB2_4-.Ltmp1, $4  }
0x1c3: {  	v63 =	vmul.f32 v62, v62;
	[tilespmem:v3+s23+$0x0] =	vst.idx.add.f32.msk $0xffff, v61  }
0x1c4: {  	[tilespmem:v3+s24+$0x0] =	vst.idx.add.f32.msk $0xffff, v2  }
0x1c5: {  	[tilespmem:v60+s25+$0x0] =	vst.idx.add.f32.msk $0xffff, v63  }
0x1c6: {  	s17 =	sadd.s32 $0x200, s17;
	s14 =	sadd.s32 $0x80, s14;
	[tilespmem:v60+s26+$0x0] =	vst.idx.add.f32.msk $0xffff, v2  }
0x1c7: {  	_ =	swait.ge [sflag:s30], $0x1000  }
0x1c8: {  	[sflag:s30] =	ssyncset.done $0x0  }
0x1c9: {  	[sflag:s30] =	ssyncadd.s32 $0xFFFFF000  }
0x1ca: {  	_ =	swait.ge [sflag:s31], $0x1000  }
0x1cb: {  	[sflag:s31] =	ssyncset.done $0x0  }
0x1cc: {  	s14 =	simm.s32 $0xFFFFF000;
	[sflag:s31] =	ssyncadd.s32 $0xFFFFF000  }
.LBB2_6:
0x1cd: {  	s17 =	sshra.s32 s14, $0x2  }
0x1ce: {  	v3 =	vld [tilespmem:s17+$0x9400]  }
0x1cf: {  	v4 =	vld [tilespmem:s17+$0x8400]  }
0x1d0: {  	v5 =	vld [tilespmem:s17+$0x9410]  }
0x1d1: {  	v6 =	vld [tilespmem:s17+$0x8410]  }
0x1d2: {  	v7 =	vld [tilespmem:s17+$0x9420]  }
0x1d3: {  	v8 =	vld [tilespmem:s17+$0x8420]  }
0x1d4: {  	v9 =	vld [tilespmem:s17+$0x9430]  }
0x1d5: {  	v10 =	vld [tilespmem:s17+$0x8430]  }
0x1d6: {  	v11 =	vld [tilespmem:s17+$0x9440]  }
0x1d7: {  	v12 =	vld [tilespmem:s17+$0x8440]  }
0x1d8: {  	v13 =	vld [tilespmem:s17+$0x9450];
	v14 =	vcvt.s32.f32 v3;
	v3 =	vshll.u32 v3, $0x4  }
0x1d9: {  	v15 =	vld [tilespmem:s17+$0x8450];
	v3 =	vor.u32 v1, v3  }
0x1da: {  	v16 =	vld [tilespmem:s17+$0x9460];
	v30 =	vcvt.s32.f32 v5;
	v5 =	vshll.u32 v5, $0x4;
	v4 =	vsub.f32 v14, v4  }
0x1db: {  	v17 =	vld [tilespmem:s17+$0x8460];
	v18 =	vcvt.s32.f32 v7;
	v5 =	vor.u32 v1, v5  }
0x1dc: {  	v19 =	vld [tilespmem:s17+$0x9470];
	v7 =	vshll.u32 v7, $0x4;
	v6 =	vsub.f32 v30, v6;
	v4 =	vmul.f32 v4, v4  }
0x1dd: {  	v31 =	vld [tilespmem:s17+$0x8470];
	v32 =	vcvt.s32.f32 v9;
	v7 =	vor.u32 v1, v7  }
0x1de: {  	v9 =	vshll.u32 v9, $0x4;
	v8 =	vsub.f32 v18, v8;
	v6 =	vmul.f32 v6, v6;
	[tilespmem:v3+s19+$0x0] =	vst.idx.add.f32.msk $0xffff, v4  }
0x1df: {  	v35 =	vcvt.s32.f32 v11;
	[tilespmem:v3+s20+$0x0] =	vst.idx.add.f32.msk $0xffff, v2;
	v3 =	vor.u32 v1, v9  }
0x1e0: {  	v36 =	vshll.u32 v11, $0x4;
	v34 =	vsub.f32 v32, v10;
	v33 =	vmul.f32 v8, v8;
	[tilespmem:v5+s21+$0x0] =	vst.idx.add.f32.msk $0xffff, v6  }
0x1e1: {  	v37 =	vcvt.s32.f32 v13;
	v38 =	vor.u32 v1, v36;
	[tilespmem:v5+s22+$0x0] =	vst.idx.add.f32.msk $0xffff, v2  }
0x1e2: {  	v39 =	vshll.u32 v13, $0x4;
	v8 =	vmul.f32 v34, v34;
	v9 =	vsub.f32 v35, v12;
	[tilespmem:v7+s23+$0x0] =	vst.idx.add.f32.msk $0xffff, v33  }
0x1e3: {  	v43 =	vcvt.s32.f32 v16;
	v41 =	vor.u32 v1, v39;
	[tilespmem:v7+s24+$0x0] =	vst.idx.add.f32.msk $0xffff, v2  }
0x1e4: {  	v44 =	vshll.u32 v16, $0x4;
	v40 =	vsub.f32 v37, v15;
	v42 =	vmul.f32 v9, v9;
	[tilespmem:v3+s25+$0x0] =	vst.idx.add.f32.msk $0xffff, v8  }
0x1e5: {  	v46 =	vcvt.s32.f32 v19;
	[tilespmem:v3+s26+$0x0] =	vst.idx.add.f32.msk $0xffff, v2;
	v3 =	vor.u32 v1, v44  }
0x1e6: {  	v47 =	vshll.u32 v19, $0x4;
	v45 =	vsub.f32 v43, v17;
	v4 =	vmul.f32 v40, v40;
	[tilespmem:v38+s19+$0x0] =	vst.idx.add.f32.msk $0xffff, v42  }
0x1e7: {  	v48 =	vor.u32 v1, v47;
	[tilespmem:v38+s20+$0x0] =	vst.idx.add.f32.msk $0xffff, v2  }
0x1e8: {  	v50 =	vsub.f32 v46, v31;
	v49 =	vmul.f32 v45, v45;
	[tilespmem:v41+s21+$0x0] =	vst.idx.add.f32.msk $0xffff, v4  }
0x1e9: {  	[tilespmem:v41+s22+$0x0] =	vst.idx.add.f32.msk $0xffff, v2  }
0x1ea: {  	v51 =	vmul.f32 v50, v50;
	[tilespmem:v3+s23+$0x0] =	vst.idx.add.f32.msk $0xffff, v49  }
0x1eb: {  	[tilespmem:v3+s24+$0x0] =	vst.idx.add.f32.msk $0xffff, v2  }
0x1ec: {  	[tilespmem:v48+s25+$0x0] =	vst.idx.add.f32.msk $0xffff, v51  }
0x1ed: {  	[tilespmem:v48+s26+$0x0] =	vst.idx.add.f32.msk $0xffff, v2  }
0x1ee: {  	v3 =	vld [tilespmem:s17+$0x9800]  }
0x1ef: {  	v4 =	vld [tilespmem:s17+$0x8800]  }
0x1f0: {  	v5 =	vld [tilespmem:s17+$0x9810]  }
0x1f1: {  	v6 =	vld [tilespmem:s17+$0x8810]  }
0x1f2: {  	v7 =	vld [tilespmem:s17+$0x9820]  }
0x1f3: {  	v52 =	vld [tilespmem:s17+$0x8820]  }
0x1f4: {  	v53 =	vld [tilespmem:s17+$0x9830]  }
0x1f5: {  	v54 =	vld [tilespmem:s17+$0x8830]  }
0x1f6: {  	v55 =	vld [tilespmem:s17+$0x9840]  }
0x1f7: {  	v56 =	vld [tilespmem:s17+$0x8840]  }
0x1f8: {  	v57 =	vld [tilespmem:s17+$0x9850];
	v58 =	vcvt.s32.f32 v3;
	v3 =	vshll.u32 v3, $0x4  }
0x1f9: {  	v59 =	vld [tilespmem:s17+$0x8850];
	v3 =	vor.u32 v1, v3  }
0x1fa: {  	v60 =	vld [tilespmem:s17+$0x9860];
	v61 =	vcvt.s32.f32 v5;
	v5 =	vshll.u32 v5, $0x4;
	v4 =	vsub.f32 v58, v4  }
0x1fb: {  	v62 =	vld [tilespmem:s17+$0x8860];
	v63 =	vcvt.s32.f32 v7;
	v5 =	vor.u32 v1, v5  }
0x1fc: {  	v21 =	vld [tilespmem:s17+$0x9870];
	v7 =	vshll.u32 v7, $0x4;
	v6 =	vsub.f32 v61, v6;
	v4 =	vmul.f32 v4, v4  }
0x1fd: {  	v22 =	vld [tilespmem:s17+$0x8870];
	v23 =	vcvt.s32.f32 v53;
	v7 =	vor.u32 v1, v7  }
0x1fe: {  	v9 =	vshll.u32 v53, $0x4;
	v8 =	vsub.f32 v63, v52;
	v6 =	vmul.f32 v6, v6;
	[tilespmem:v3+s19+$0x0] =	vst.idx.add.f32.msk $0xffff, v4  }
0x1ff: {  	v26 =	vcvt.s32.f32 v55;
	[tilespmem:v3+s20+$0x0] =	vst.idx.add.f32.msk $0xffff, v2;
	v3 =	vor.u32 v1, v9  }
0x200: {  	v27 =	vshll.u32 v55, $0x4;
	v25 =	vsub.f32 v23, v54;
	v24 =	vmul.f32 v8, v8;
	[tilespmem:v5+s21+$0x0] =	vst.idx.add.f32.msk $0xffff, v6  }
0x201: {  	v28 =	vcvt.s32.f32 v57;
	v29 =	vor.u32 v1, v27;
	[tilespmem:v5+s22+$0x0] =	vst.idx.add.f32.msk $0xffff, v2  }
0x202: {  	v30 =	vshll.u32 v57, $0x4;
	v8 =	vmul.f32 v25, v25;
	v9 =	vsub.f32 v26, v56;
	[tilespmem:v7+s23+$0x0] =	vst.idx.add.f32.msk $0xffff, v24  }
0x203: {  	v34 =	vcvt.s32.f32 v60;
	v32 =	vor.u32 v1, v30;
	[tilespmem:v7+s24+$0x0] =	vst.idx.add.f32.msk $0xffff, v2  }
0x204: {  	v35 =	vshll.u32 v60, $0x4;
	v31 =	vsub.f32 v28, v59;
	v33 =	vmul.f32 v9, v9;
	[tilespmem:v3+s25+$0x0] =	vst.idx.add.f32.msk $0xffff, v8  }
0x205: {  	v37 =	vcvt.s32.f32 v21;
	[tilespmem:v3+s26+$0x0] =	vst.idx.add.f32.msk $0xffff, v2;
	v3 =	vor.u32 v1, v35  }
0x206: {  	v38 =	vshll.u32 v21, $0x4;
	v36 =	vsub.f32 v34, v62;
	v4 =	vmul.f32 v31, v31;
	[tilespmem:v29+s19+$0x0] =	vst.idx.add.f32.msk $0xffff, v33  }
0x207: {  	v39 =	vor.u32 v1, v38;
	[tilespmem:v29+s20+$0x0] =	vst.idx.add.f32.msk $0xffff, v2  }
0x208: {  	v41 =	vsub.f32 v37, v22;
	v40 =	vmul.f32 v36, v36;
	[tilespmem:v32+s21+$0x0] =	vst.idx.add.f32.msk $0xffff, v4  }
0x209: {  	[tilespmem:v32+s22+$0x0] =	vst.idx.add.f32.msk $0xffff, v2  }
0x20a: {  	v42 =	vmul.f32 v41, v41;
	[tilespmem:v3+s23+$0x0] =	vst.idx.add.f32.msk $0xffff, v40  }
0x20b: {  	[tilespmem:v3+s24+$0x0] =	vst.idx.add.f32.msk $0xffff, v2  }
0x20c: {  	[tilespmem:v39+s25+$0x0] =	vst.idx.add.f32.msk $0xffff, v42  }
0x20d: {  	[tilespmem:v39+s26+$0x0] =	vst.idx.add.f32.msk $0xffff, v2  }
0x20e: {  	v3 =	vld [tilespmem:s17+$0x9C00]  }
0x20f: {  	v4 =	vld [tilespmem:s17+$0x8C00]  }
0x210: {  	v5 =	vld [tilespmem:s17+$0x9C10]  }
0x211: {  	v6 =	vld [tilespmem:s17+$0x8C10]  }
0x212: {  	v7 =	vld [tilespmem:s17+$0x9C20]  }
0x213: {  	v43 =	vld [tilespmem:s17+$0x8C20]  }
0x214: {  	v44 =	vld [tilespmem:s17+$0x9C30]  }
0x215: {  	v45 =	vld [tilespmem:s17+$0x8C30]  }
0x216: {  	v46 =	vld [tilespmem:s17+$0x9C40]  }
0x217: {  	v47 =	vld [tilespmem:s17+$0x8C40]  }
0x218: {  	v48 =	vld [tilespmem:s17+$0x9C50];
	v49 =	vcvt.s32.f32 v3;
	v3 =	vshll.u32 v3, $0x4  }
0x219: {  	v50 =	vld [tilespmem:s17+$0x8C50];
	v3 =	vor.u32 v1, v3  }
0x21a: {  	v51 =	vld [tilespmem:s17+$0x9C60];
	v52 =	vcvt.s32.f32 v5;
	v5 =	vshll.u32 v5, $0x4;
	v4 =	vsub.f32 v49, v4  }
0x21b: {  	v53 =	vld [tilespmem:s17+$0x8C60];
	v54 =	vcvt.s32.f32 v7;
	v5 =	vor.u32 v1, v5  }
0x21c: {  	v55 =	vld [tilespmem:s17+$0x9C70];
	v7 =	vshll.u32 v7, $0x4;
	v6 =	vsub.f32 v52, v6;
	v4 =	vmul.f32 v4, v4  }
0x21d: {  	v56 =	vld [tilespmem:s17+$0x8C70];
	v57 =	vcvt.s32.f32 v44;
	v7 =	vor.u32 v1, v7  }
0x21e: {  	v9 =	vshll.u32 v44, $0x4;
	v8 =	vsub.f32 v54, v43;
	v6 =	vmul.f32 v6, v6;
	[tilespmem:v3+s19+$0x0] =	vst.idx.add.f32.msk $0xffff, v4  }
0x21f: {  	v60 =	vcvt.s32.f32 v46;
	[tilespmem:v3+s20+$0x0] =	vst.idx.add.f32.msk $0xffff, v2;
	v3 =	vor.u32 v1, v9  }
0x220: {  	v61 =	vshll.u32 v46, $0x4;
	v59 =	vsub.f32 v57, v45;
	v58 =	vmul.f32 v8, v8;
	[tilespmem:v5+s21+$0x0] =	vst.idx.add.f32.msk $0xffff, v6  }
0x221: {  	v62 =	vcvt.s32.f32 v48;
	v63 =	vor.u32 v1, v61;
	[tilespmem:v5+s22+$0x0] =	vst.idx.add.f32.msk $0xffff, v2  }
0x222: {  	v13 =	vshll.u32 v48, $0x4;
	v8 =	vmul.f32 v59, v59;
	v9 =	vsub.f32 v60, v47;
	[tilespmem:v7+s23+$0x0] =	vst.idx.add.f32.msk $0xffff, v58  }
0x223: {  	v21 =	vcvt.s32.f32 v51;
	v18 =	vor.u32 v1, v13;
	[tilespmem:v7+s24+$0x0] =	vst.idx.add.f32.msk $0xffff, v2  }
0x224: {  	v22 =	vshll.u32 v51, $0x4;
	v15 =	vsub.f32 v62, v50;
	v20 =	vmul.f32 v9, v9;
	[tilespmem:v3+s25+$0x0] =	vst.idx.add.f32.msk $0xffff, v8  }
0x225: {  	v24 =	vcvt.s32.f32 v55;
	[tilespmem:v3+s26+$0x0] =	vst.idx.add.f32.msk $0xffff, v2;
	v3 =	vor.u32 v1, v22  }
0x226: {  	v25 =	vshll.u32 v55, $0x4;
	v23 =	vsub.f32 v21, v53;
	v4 =	vmul.f32 v15, v15;
	[tilespmem:v63+s19+$0x0] =	vst.idx.add.f32.msk $0xffff, v20  }
0x227: {  	v26 =	vor.u32 v1, v25;
	[tilespmem:v63+s20+$0x0] =	vst.idx.add.f32.msk $0xffff, v2  }
0x228: {  	v28 =	vsub.f32 v24, v56;
	v27 =	vmul.f32 v23, v23;
	[tilespmem:v18+s21+$0x0] =	vst.idx.add.f32.msk $0xffff, v4  }
0x229: {  	[tilespmem:v18+s22+$0x0] =	vst.idx.add.f32.msk $0xffff, v2  }
0x22a: {  	v29 =	vmul.f32 v28, v28;
	[tilespmem:v3+s23+$0x0] =	vst.idx.add.f32.msk $0xffff, v27  }
0x22b: {  	[tilespmem:v3+s24+$0x0] =	vst.idx.add.f32.msk $0xffff, v2  }
0x22c: {  	[tilespmem:v26+s25+$0x0] =	vst.idx.add.f32.msk $0xffff, v29  }
0x22d: {  	[tilespmem:v26+s26+$0x0] =	vst.idx.add.f32.msk $0xffff, v2  }
0x22e: {  	v3 =	vld [tilespmem:s17+$0xA000]  }
0x22f: {  	v4 =	vld [tilespmem:s17+$0x9000]  }
0x230: {  	v5 =	vld [tilespmem:s17+$0xA010]  }
0x231: {  	v6 =	vld [tilespmem:s17+$0x9010]  }
0x232: {  	v7 =	vld [tilespmem:s17+$0xA020]  }
0x233: {  	v30 =	vld [tilespmem:s17+$0x9020]  }
0x234: {  	v31 =	vld [tilespmem:s17+$0xA030]  }
0x235: {  	v32 =	vld [tilespmem:s17+$0x9030]  }
0x236: {  	v33 =	vld [tilespmem:s17+$0xA040]  }
0x237: {  	v34 =	vld [tilespmem:s17+$0x9040]  }
0x238: {  	v35 =	vld [tilespmem:s17+$0xA050];
	v36 =	vcvt.s32.f32 v3;
	v3 =	vshll.u32 v3, $0x4  }
0x239: {  	v37 =	vld [tilespmem:s17+$0x9050];
	v3 =	vor.u32 v1, v3  }
0x23a: {  	v38 =	vld [tilespmem:s17+$0xA060];
	v39 =	vcvt.s32.f32 v5;
	v5 =	vshll.u32 v5, $0x4;
	v4 =	vsub.f32 v36, v4  }
0x23b: {  	v40 =	vld [tilespmem:s17+$0x9060];
	v41 =	vcvt.s32.f32 v7;
	v5 =	vor.u32 v1, v5  }
0x23c: {  	v42 =	vld [tilespmem:s17+$0xA070];
	v7 =	vshll.u32 v7, $0x4;
	v6 =	vsub.f32 v39, v6;
	v4 =	vmul.f32 v4, v4  }
0x23d: {  	v43 =	vld [tilespmem:s17+$0x9070];
	v44 =	vcvt.s32.f32 v31;
	v7 =	vor.u32 v1, v7  }
0x23e: {  	v9 =	vshll.u32 v31, $0x4;
	v8 =	vsub.f32 v41, v30;
	v6 =	vmul.f32 v6, v6;
	[tilespmem:v3+s19+$0x0] =	vst.idx.add.f32.msk $0xffff, v4  }
0x23f: {  	v47 =	vcvt.s32.f32 v33;
	[tilespmem:v3+s20+$0x0] =	vst.idx.add.f32.msk $0xffff, v2;
	v3 =	vor.u32 v1, v9  }
0x240: {  	v48 =	vshll.u32 v33, $0x4;
	v46 =	vsub.f32 v44, v32;
	v45 =	vmul.f32 v8, v8;
	[tilespmem:v5+s21+$0x0] =	vst.idx.add.f32.msk $0xffff, v6  }
0x241: {  	v49 =	vcvt.s32.f32 v35;
	v50 =	vor.u32 v1, v48;
	[tilespmem:v5+s22+$0x0] =	vst.idx.add.f32.msk $0xffff, v2  }
0x242: {  	v51 =	vshll.u32 v35, $0x4;
	v8 =	vmul.f32 v46, v46;
	v9 =	vsub.f32 v47, v34;
	[tilespmem:v7+s23+$0x0] =	vst.idx.add.f32.msk $0xffff, v45  }
0x243: {  	v55 =	vcvt.s32.f32 v38;
	v53 =	vor.u32 v1, v51;
	[tilespmem:v7+s24+$0x0] =	vst.idx.add.f32.msk $0xffff, v2  }
0x244: {  	v56 =	vshll.u32 v38, $0x4;
	v52 =	vsub.f32 v49, v37;
	v54 =	vmul.f32 v9, v9;
	[tilespmem:v3+s25+$0x0] =	vst.idx.add.f32.msk $0xffff, v8  }
0x245: {  	v58 =	vcvt.s32.f32 v42;
	[tilespmem:v3+s26+$0x0] =	vst.idx.add.f32.msk $0xffff, v2;
	v3 =	vor.u32 v1, v56  }
0x246: {  	v59 =	vshll.u32 v42, $0x4;
	v57 =	vsub.f32 v55, v40;
	v4 =	vmul.f32 v52, v52;
	[tilespmem:v50+s19+$0x0] =	vst.idx.add.f32.msk $0xffff, v54  }
0x247: {  	v60 =	vor.u32 v1, v59;
	[tilespmem:v50+s20+$0x0] =	vst.idx.add.f32.msk $0xffff, v2  }
0x248: {  	p0 =	sne.s32 s14, $0xFFFFFE00;
	v62 =	vsub.f32 v58, v43;
	v61 =	vmul.f32 v57, v57;
	[tilespmem:v53+s21+$0x0] =	vst.idx.add.f32.msk $0xffff, v4  }
.Ltmp2:
0x249: {  	[tilespmem:v53+s22+$0x0] =	vst.idx.add.f32.msk $0xffff, v2;
	(pc) =	sbr.rel @p0 .LBB2_6-.Ltmp2, $4  }
0x24a: {  	v63 =	vmul.f32 v62, v62;
	[tilespmem:v3+s23+$0x0] =	vst.idx.add.f32.msk $0xffff, v61  }
0x24b: {  	[tilespmem:v3+s24+$0x0] =	vst.idx.add.f32.msk $0xffff, v2  }
0x24c: {  	[tilespmem:v60+s25+$0x0] =	vst.idx.add.f32.msk $0xffff, v63  }
0x24d: {  	s14 =	sadd.s32 $0x200, s14;
	[tilespmem:v60+s26+$0x0] =	vst.idx.add.f32.msk $0xffff, v2  }
0x24e: {  	v62 =	vld [tilespmem:$0xA090];
	_ =	sdelay $0x4  }
0x24f: {  	[tilespmem:$0x1FF10] =	vst v62;
	v62 =	vld [tilespmem:$0xA210]  }
0x250: {  	v26 =	vld [tilespmem:$0xA000]  }
0x251: {  	v6 =	vld [tilespmem:$0xA180]  }
0x252: {  	v8 =	vld [tilespmem:$0xA300]  }
0x253: {  	v9 =	vld [tilespmem:$0xA480]  }
0x254: {  	[tilespmem:$0x1FE60] =	vst v62;
	v62 =	vld [tilespmem:$0xA390]  }
0x255: {  	v22 =	vld [tilespmem:$0xA600]  }
0x256: {  	v11 =	vld [tilespmem:$0xA780]  }
0x257: {  	v12 =	vld [tilespmem:$0xA900]  }
0x258: {  	v13 =	vld [tilespmem:$0xAA80]  }
0x259: {  	[tilespmem:$0x1FE70] =	vst v62;
	v62 =	vld [tilespmem:$0xA510]  }
0x25a: {  	v3 =	vld [tilespmem:$0xA010]  }
0x25b: {  	v15 =	vld [tilespmem:$0xA190]  }
0x25c: {  	v16 =	vld [tilespmem:$0xA310]  }
0x25d: {  	v17 =	vld [tilespmem:$0xA490]  }
0x25e: {  	[tilespmem:$0x1FEB0] =	vst v62;
	v62 =	vld [tilespmem:$0xA690]  }
0x25f: {  	v50 =	vld [tilespmem:$0xA610]  }
0x260: {  	v19 =	vld [tilespmem:$0xA790]  }
0x261: {  	v20 =	vld [tilespmem:$0xA910]  }
0x262: {  	v21 =	vld [tilespmem:$0xAA90]  }
0x263: {  	[tilespmem:$0x1FF30] =	vst v62;
	v62 =	vld [tilespmem:$0xA810]  }
0x264: {  	v38 =	vld [tilespmem:$0xA020]  }
0x265: {  	v23 =	vld [tilespmem:$0xA1A0]  }
0x266: {  	v24 =	vld [tilespmem:$0xA320]  }
0x267: {  	v25 =	vld [tilespmem:$0xA4A0]  }
0x268: {  	[tilespmem:$0x1FE90] =	vst v62;
	v62 =	vld [tilespmem:$0xA990]  }
0x269: {  	v30 =	vld [tilespmem:$0xA620]  }
0x26a: {  	v27 =	vld [tilespmem:$0xA7A0]  }
0x26b: {  	v28 =	vld [tilespmem:$0xA920]  }
0x26c: {  	v29 =	vld [tilespmem:$0xAAA0]  }
0x26d: {  	[tilespmem:$0x1FEA0] =	vst v62;
	v62 =	vld [tilespmem:$0xAB10]  }
0x26e: {  	v31 =	vld [tilespmem:$0xA1B0]  }
0x26f: {  	v32 =	vld [tilespmem:$0xA330]  }
0x270: {  	v33 =	vld [tilespmem:$0xA4B0]  }
0x271: {  	v35 =	vld [tilespmem:$0xA7B0]  }
0x272: {  	[tilespmem:$0x1FEE0] =	vst v62;
	v62 =	vld [tilespmem:$0xA0A0]  }
0x273: {  	v36 =	vld [tilespmem:$0xA930]  }
0x274: {  	v37 =	vld [tilespmem:$0xAAB0]  }
0x275: {  	v39 =	vld [tilespmem:$0xA1C0]  }
0x276: {  	v40 =	vld [tilespmem:$0xA340]  }
0x277: {  	[tilespmem:$0x1FF50] =	vst v62;
	v62 =	vld [tilespmem:$0xA220]  }
0x278: {  	v41 =	vld [tilespmem:$0xA4C0]  }
0x279: {  	v54 =	vld [tilespmem:$0xA640]  }
0x27a: {  	v43 =	vld [tilespmem:$0xA7C0]  }
0x27b: {  	v44 =	vld [tilespmem:$0xA940]  }
0x27c: {  	[tilespmem:$0x1FEC0] =	vst v62;
	v62 =	vld [tilespmem:$0xA3A0]  }
0x27d: {  	v45 =	vld [tilespmem:$0xAAC0]  }
0x27e: {  	v47 =	vld [tilespmem:$0xA1D0]  }
0x27f: {  	v48 =	vld [tilespmem:$0xA350]  }
0x280: {  	v49 =	vld [tilespmem:$0xA4D0]  }
0x281: {  	[tilespmem:$0x1FED0] =	vst v62;
	v62 =	vld [tilespmem:$0xA520]  }
0x282: {  	v51 =	vld [tilespmem:$0xA7D0]  }
0x283: {  	v52 =	vld [tilespmem:$0xA950]  }
0x284: {  	v53 =	vld [tilespmem:$0xAAD0]  }
0x285: {  	v55 =	vld [tilespmem:$0xA1E0]  }
0x286: {  	[tilespmem:$0x1FF20] =	vst v62;
	v62 =	vld [tilespmem:$0xA6A0]  }
0x287: {  	v56 =	vld [tilespmem:$0xA360]  }
0x288: {  	v57 =	vld [tilespmem:$0xA4E0]  }
0x289: {  	v59 =	vld [tilespmem:$0xA7E0]  }
0x28a: {  	v60 =	vld [tilespmem:$0xA960]  }
0x28b: {  	[tilespmem:$0x1FF80] =	vst v62;
	v62 =	vld [tilespmem:$0xA820]  }
0x28c: {  	v61 =	vld [tilespmem:$0xAAE0]  }
0x28d: {  	v63 =	vld [tilespmem:$0xA1F0]  }
0x28e: {  	v18 =	vld [tilespmem:$0xA370]  }
0x28f: {  	v42 =	vld [tilespmem:$0xA4F0]  }
0x290: {  	[tilespmem:$0x1FEF0] =	vst v62;
	v62 =	vld [tilespmem:$0xA9A0]  }
0x291: {  	[tilespmem:$0x1FDB0] =	vst v3;
	v3 =	vld [tilespmem:$0xA030]  }
0x292: {  	v10 =	vld [tilespmem:$0xA7F0]  }
0x293: {  	v34 =	vld [tilespmem:$0xAAF0]  }
0x294: {  	v4 =	vld [tilespmem:$0xA080]  }
0x295: {  	[tilespmem:$0x1FF00] =	vst v62;
	v62 =	vld [tilespmem:$0xAB20]  }
0x296: {  	[tilespmem:$0x1FDC0] =	vst v3;
	v3 =	vld [tilespmem:$0xA630]  }
0x297: {  	v7 =	vld [tilespmem:$0xA200]  }
0x298: {  	v46 =	vld [tilespmem:$0xA500]  }
0x299: {  	v5 =	vld [tilespmem:$0xA680]  }
0x29a: {  	[tilespmem:$0x1FF40] =	vst v62;
	v62 =	vld [tilespmem:$0xA0B0]  }
0x29b: {  	[tilespmem:$0x1FDD0] =	vst v3;
	v3 =	vld [tilespmem:$0xA040]  }
0x29c: {  	v14 =	vld [tilespmem:$0xA800]  }
0x29d: {  	v58 =	vld [tilespmem:$0xAB00]  }
0x29e: {  	[tilespmem:$0x1FE50] =	vst v4;
	v4 =	vld [tilespmem:$0xA380]  }
0x29f: {  	[tilespmem:$0x1FFD0] =	vst v62;
	v62 =	vld [tilespmem:$0xA230]  }
0x2a0: {  	[tilespmem:$0x1FDE0] =	vst v3;
	v3 =	vld [tilespmem:$0xA050]  }
0x2a1: {  	[tilespmem:$0x1FE80] =	vst v5;
	v5 =	vld [tilespmem:$0xA980]  }
0x2a2: {  	v6 =	vadd.f32 v8, v6;
	v8 =	vld [tilespmem:$0xA240]  }
0x2a3: {  	v11 =	vadd.f32 v12, v11;
	v12 =	vld [tilespmem:$0xA3C0]  }
0x2a4: {  	[tilespmem:$0x1FF60] =	vst v62;
	v62 =	vld [tilespmem:$0xA3B0]  }
0x2a5: {  	[tilespmem:$0x1FDF0] =	vst v3;
	v3 =	vld [tilespmem:$0xA650]  }
0x2a6: {  	v24 =	vadd.f32 v24, v23;
	v23 =	vld [tilespmem:$0xA250]  }
0x2a7: {  	v32 =	vadd.f32 v32, v31;
	v31 =	vld [tilespmem:$0xA850]  }
0x2a8: {  	v27 =	vadd.f32 v28, v27;
	v28 =	vld [tilespmem:$0x1FDB0]  }
0x2a9: {  	[tilespmem:$0x1FF70] =	vst v62;
	v62 =	vld [tilespmem:$0xA530]  }
0x2aa: {  	[tilespmem:$0x1FE00] =	vst v3;
	v3 =	vld [tilespmem:$0xA060]  }
0x2ab: {  	v9 =	vadd.f32 v9, v6;
	v6 =	vld [tilespmem:$0xA540]  }
0x2ac: {  	v13 =	vadd.f32 v13, v11;
	v11 =	vld [tilespmem:$0xA6C0]  }
0x2ad: {  	v26 =	vadd.f32 v9, v26;
	v9 =	vadd.f32 v16, v15;
	v15 =	vld [tilespmem:$0xA840]  }
0x2ae: {  	[tilespmem:$0x1FFB0] =	vst v62;
	v62 =	vld [tilespmem:$0xA6B0]  }
0x2af: {  	[tilespmem:$0x1FE10] =	vst v3;
	v3 =	vld [tilespmem:$0xA660]  }
0x2b0: {  	v13 =	vadd.f32 v13, v22;
	v22 =	vld [tilespmem:$0xAB40]  }
0x2b1: {  	v4 =	vadd.f32 v4, v7;
	v7 =	vld [tilespmem:$0xA270]  }
0x2b2: {  	v17 =	vadd.f32 v17, v9;
	v9 =	vld [tilespmem:$0xA0D0]  }
0x2b3: {  	[tilespmem:$0x1FFE0] =	vst v62;
	v62 =	vld [tilespmem:$0xA830]  }
0x2b4: {  	[tilespmem:$0x1FE20] =	vst v3;
	v3 =	vld [tilespmem:$0xA070]  }
0x2b5: {  	v39 =	vadd.f32 v40, v39;
	v40 =	vadd.f32 v44, v43;
	v43 =	vld [tilespmem:$0x1FDC0]  }
0x2b6: {  	[tilespmem:$0xA600] =	vst v13;
	v13 =	vld [tilespmem:$0xA3F0]  }
0x2b7: {  	[tilespmem:$0xA000] =	vst v26;
	v26 =	vld [tilespmem:$0xA9F0]  }
0x2b8: {  	v5 =	vadd.f32 v5, v14;
	[tilespmem:$0x1FF90] =	vst v62;
	v62 =	vld [tilespmem:$0xA9B0]  }
0x2b9: {  	v17 =	vadd.f32 v17, v28;
	[tilespmem:$0x1FE30] =	vst v3;
	v3 =	vld [tilespmem:$0xA670]  }
0x2ba: {  	v5 =	vadd.f32 v58, v5;
	v58 =	vld [tilespmem:$0x1FE50]  }
0x2bb: {  	[tilespmem:$0xA010] =	vst v17;
	v17 =	vld [tilespmem:$0xA570]  }
0x2bc: {  	v44 =	vld [tilespmem:$0x1FDD0]  }
0x2bd: {  	[tilespmem:$0x1FFA0] =	vst v62;
	v62 =	vld [tilespmem:$0xAB30]  }
0x2be: {  	[tilespmem:$0x1FE40] =	vst v3;
	v3 =	vld [tilespmem:$0xA970]  }
0x2bf: {  	v18 =	vadd.f32 v18, v63;
	v63 =	vld [tilespmem:$0x1FEA0]  }
0x2c0: {  	v56 =	vadd.f32 v56, v55;
	v55 =	vld [tilespmem:$0x1FE20]  }
0x2c1: {  	v18 =	vadd.f32 v42, v18;
	v42 =	vld [tilespmem:$0x1FEC0]  }
0x2c2: {  	[tilespmem:$0x1FFC0] =	vst v62;
	v62 =	vld [tilespmem:$0xA0C0]  }
0x2c3: {  	v3 =	vadd.f32 v3, v10;
	v10 =	vld [tilespmem:$0xA0F0]  }
0x2c4: {  	v4 =	vadd.f32 v46, v4;
	v46 =	vld [tilespmem:$0x1FED0]  }
0x2c5: {  	v3 =	vadd.f32 v34, v3;
	v34 =	vld [tilespmem:$0x1FEB0]  }
0x2c6: {  	v4 =	vadd.f32 v4, v58;
	v58 =	vld [tilespmem:$0x1FF60]  }
0x2c7: {  	[tilespmem:$0x1FFF0] =	vst v62;
	v62 =	vadd.f32 v20, v19;
	v19 =	vld [tilespmem:$0xA9C0]  }
0x2c8: {  	v20 =	vadd.f32 v25, v24;
	v24 =	vld [tilespmem:$0xA3D0]  }
0x2c9: {  	v25 =	vadd.f32 v33, v32;
	v33 =	vld [tilespmem:$0xA9D0]  }
0x2ca: {  	v32 =	vadd.f32 v45, v40;
	v45 =	vld [tilespmem:$0x1FDE0]  }
0x2cb: {  	v40 =	vld [tilespmem:$0xA3E0]  }
0x2cc: {  	v16 =	vadd.f32 v21, v62;
	v21 =	vadd.f32 v29, v27;
	v27 =	vld [tilespmem:$0xA550]  }
0x2cd: {  	v29 =	vld [tilespmem:$0xA6D0]  }
0x2ce: {  	v20 =	vadd.f32 v20, v38;
	v38 =	vadd.f32 v36, v35;
	v35 =	vld [tilespmem:$0xAB50]  }
0x2cf: {  	v36 =	vld [tilespmem:$0xA0E0]  }
0x2d0: {  	v25 =	vadd.f32 v25, v43;
	v43 =	vld [tilespmem:$0xA560]  }
0x2d1: {  	v32 =	vadd.f32 v32, v54;
	v54 =	vadd.f32 v52, v51;
	v52 =	vld [tilespmem:$0x1FDF0]  }
0x2d2: {  	v62 =	vadd.f32 v60, v59;
	v59 =	vld [tilespmem:$0x1FE60]  }
0x2d3: {  	v60 =	vld [tilespmem:$0x1FE70]  }
0x2d4: {  	v51 =	vld [tilespmem:$0x1FEF0]  }
0x2d5: {  	v16 =	vadd.f32 v16, v50;
	v28 =	vadd.f32 v37, v38;
	v38 =	vld [tilespmem:$0xA260]  }
0x2d6: {  	v21 =	vadd.f32 v21, v30;
	v50 =	vadd.f32 v48, v47;
	v47 =	vld [tilespmem:$0xA860]  }
0x2d7: {  	v30 =	vadd.f32 v41, v39;
	v39 =	vadd.f32 v53, v54;
	v53 =	vld [tilespmem:$0x1FE00]  }
0x2d8: {  	v48 =	vld [tilespmem:$0xA9E0]  }
0x2d9: {  	v54 =	vld [tilespmem:$0x1FE10]  }
0x2da: {  	v41 =	vadd.f32 v57, v56;
	v56 =	vld [tilespmem:$0x1FE30]  }
0x2db: {  	v57 =	vld [tilespmem:$0x1FE40]  }
0x2dc: {  	[tilespmem:$0xA020] =	vst v20;
	v20 =	vld [tilespmem:$0xA870]  }
0x2dd: {  	[tilespmem:$0xA030] =	vst v25;
	v25 =	vadd.f32 v46, v42;
	v42 =	vld [tilespmem:$0xA100]  }
0x2de: {  	[tilespmem:$0xA640] =	vst v32;
	v32 =	vld [tilespmem:$0xA400]  }
0x2df: {  	v46 =	vld [tilespmem:$0xA580]  }
0x2e0: {  	v30 =	vadd.f32 v30, v45;
	v45 =	vld [tilespmem:$0xA6E0]  }
0x2e1: {  	v37 =	vadd.f32 v49, v50;
	v49 =	vld [tilespmem:$0xAB60]  }
0x2e2: {  	[tilespmem:$0xA610] =	vst v16;
	v16 =	vld [tilespmem:$0xA6F0]  }
0x2e3: {  	v28 =	vadd.f32 v28, v44;
	v44 =	vadd.f32 v61, v62;
	v61 =	vld [tilespmem:$0x1FE80]  }
0x2e4: {  	v15 =	vadd.f32 v19, v15;
	v62 =	vld [tilespmem:$0x1FE90]  }
0x2e5: {  	v50 =	vld [tilespmem:$0x1FEE0]  }
0x2e6: {  	v15 =	vadd.f32 v22, v15;
	v22 =	vld [tilespmem:$0xA110]  }
0x2e7: {  	v37 =	vadd.f32 v37, v52;
	v52 =	vld [tilespmem:$0x1FF00]  }
0x2e8: {  	[tilespmem:$0xA040] =	vst v30;
	v30 =	vld [tilespmem:$0xA280]  }
0x2e9: {  	v44 =	vadd.f32 v44, v55;
	v55 =	vld [tilespmem:$0x1FF30]  }
0x2ea: {  	v39 =	vadd.f32 v39, v53;
	v53 =	vld [tilespmem:$0x1FF10]  }
0x2eb: {  	v41 =	vadd.f32 v41, v54;
	v54 =	vld [tilespmem:$0x1FF20]  }
0x2ec: {  	v14 =	vadd.f32 v18, v56;
	v56 =	vld [tilespmem:$0x1FF40]  }
0x2ed: {  	v3 =	vadd.f32 v3, v57;
	v57 =	vld [tilespmem:$0x1FF50]  }
0x2ee: {  	v18 =	vadd.f32 v60, v59;
	v59 =	vld [tilespmem:$0x1FF70]  }
0x2ef: {  	v60 =	vld [tilespmem:$0x1FF80]  }
0x2f0: {  	v18 =	vadd.f32 v34, v18;
	v34 =	vld [tilespmem:$0xAB70]  }
0x2f1: {  	v5 =	vadd.f32 v5, v61;
	v61 =	vld [tilespmem:$0x1FF90]  }
0x2f2: {  	v8 =	vadd.f32 v12, v8;
	[tilespmem:$0xA620] =	vst v21;
	v21 =	vadd.f32 v63, v62;
	v62 =	vld [tilespmem:$0x1FFA0]  }
0x2f3: {  	[tilespmem:$0xA630] =	vst v28;
	v63 =	vld [tilespmem:$0x1FFB0]  }
0x2f4: {  	v6 =	vadd.f32 v6, v8;
	[tilespmem:$0xA670] =	vst v3;
	v3 =	vld [tilespmem:$0x1FFE0]  }
0x2f5: {  	v7 =	vadd.f32 v13, v7;
	[tilespmem:$0xA060] =	vst v41;
	v41 =	vld [tilespmem:$0xA2A0];
	v21 =	vadd.f32 v50, v21  }
0x2f6: {  	[tilespmem:$0xA660] =	vst v44;
	v28 =	vadd.f32 v52, v51;
	v50 =	vld [tilespmem:$0xA700];
	v44 =	vadd.f32 v32, v30  }
0x2f7: {  	v51 =	vld [tilespmem:$0xA880];
	v18 =	vadd.f32 v18, v53;
	v25 =	vadd.f32 v54, v25  }
0x2f8: {  	[tilespmem:$0xA050] =	vst v37;
	v52 =	vld [tilespmem:$0x1FFC0];
	v37 =	vadd.f32 v59, v58;
	v59 =	vadd.f32 v15, v11  }
0x2f9: {  	v53 =	vld [tilespmem:$0xAA00];
	v21 =	vadd.f32 v21, v55;
	v28 =	vadd.f32 v56, v28  }
0x2fa: {  	[tilespmem:$0xA650] =	vst v39;
	v54 =	vld [tilespmem:$0x1FFD0];
	v25 =	vadd.f32 v25, v57;
	v39 =	vadd.f32 v62, v61  }
0x2fb: {  	[tilespmem:$0xA080] =	vst v4;
	v58 =	vld [tilespmem:$0xA290];
	v37 =	vadd.f32 v63, v37;
	v57 =	vadd.f32 v24, v23  }
0x2fc: {  	[tilespmem:$0xA070] =	vst v14;
	v55 =	vld [tilespmem:$0xAB80];
	v62 =	vadd.f32 v40, v38;
	v40 =	vadd.f32 v26, v20  }
0x2fd: {  	[tilespmem:$0xA680] =	vst v5;
	v56 =	vld [tilespmem:$0x1FFF0];
	v28 =	vadd.f32 v28, v60;
	v60 =	vadd.f32 v33, v31  }
0x2fe: {  	v61 =	vld [tilespmem:$0xA410];
	[tilespmem:$0xA090] =	vst v18;
	v31 =	vadd.f32 v48, v47;
	v39 =	vadd.f32 v52, v39  }
0x2ff: {  	v63 =	vld [tilespmem:$0xA590];
	[tilespmem:$0xA6C0] =	vst v59;
	v47 =	vadd.f32 v34, v40;
	v14 =	vadd.f32 v37, v54  }
0x300: {  	v38 =	vld [tilespmem:$0xAA10];
	[tilespmem:$0xA690] =	vst v21;
	v11 =	vadd.f32 v35, v60;
	v35 =	vadd.f32 v43, v62  }
0x301: {  	v33 =	vld [tilespmem:$0xA710];
	[tilespmem:$0xA0A0] =	vst v25;
	v21 =	vadd.f32 v49, v31;
	v43 =	vadd.f32 v17, v7  }
0x302: {  	v48 =	vld [tilespmem:$0xA8A0];
	[tilespmem:$0xA6A0] =	vst v28;
	v12 =	vadd.f32 v53, v51;
	v3 =	vadd.f32 v39, v3  }
0x303: {  	v37 =	vld [tilespmem:$0xA890];
	v49 =	vadd.f32 v46, v44;
	v4 =	vadd.f32 v6, v56;
	[tilespmem:$0xA0B0] =	vst v14  }
0x304: {  	v51 =	vld [tilespmem:$0xAA20];
	v6 =	vadd.f32 v27, v57;
	v5 =	vadd.f32 v47, v16;
	[tilespmem:$0xA6B0] =	vst v3  }
0x305: {  	v39 =	vld [tilespmem:$0xAB90];
	v11 =	vadd.f32 v11, v29;
	v8 =	vadd.f32 v55, v12;
	[tilespmem:$0xA0C0] =	vst v4  }
0x306: {  	v6 =	vadd.f32 v6, v9;
	v3 =	vadd.f32 v21, v45;
	v45 =	vld [tilespmem:$0xA420];
	[tilespmem:$0xA6F0] =	vst v5  }
0x307: {  	v54 =	vld [tilespmem:$0xABA0];
	v53 =	vadd.f32 v61, v58;
	v9 =	vadd.f32 v35, v36;
	[tilespmem:$0xA6D0] =	vst v11  }
0x308: {  	v52 =	vld [tilespmem:$0xA5A0];
	v4 =	vadd.f32 v43, v10;
	[tilespmem:$0xA0D0] =	vst v6;
	v55 =	vadd.f32 v38, v37  }
0x309: {  	v59 =	vld [tilespmem:$0xA720];
	v57 =	vadd.f32 v63, v53;
	[tilespmem:$0xA6E0] =	vst v3;
	v3 =	vadd.f32 v8, v50  }
0x30a: {  	v56 =	vld [tilespmem:$0xA120];
	[tilespmem:$0xA0E0] =	vst v9;
	v7 =	vadd.f32 v51, v48;
	v60 =	vadd.f32 v39, v55  }
0x30b: {  	v6 =	vadd.f32 v49, v42;
	[tilespmem:$0xA0F0] =	vst v4;
	v58 =	vadd.f32 v45, v41  }
0x30c: {  	[tilespmem:$0xA700] =	vst v3;
	v62 =	vadd.f32 v54, v7;
	v3 =	vadd.f32 v60, v33  }
0x30d: {  	v4 =	vadd.f32 v57, v22;
	[tilespmem:$0xA100] =	vst v6;
	v61 =	vadd.f32 v52, v58  }
0x30e: {  	[tilespmem:$0xA710] =	vst v3;
	v3 =	vadd.f32 v62, v59  }
0x30f: {  	[tilespmem:$0xA110] =	vst v4;
	v63 =	vadd.f32 v61, v56  }
0x310: {  	[tilespmem:$0xA720] =	vst v3  }
0x311: {  	[tilespmem:$0xA120] =	vst v63  }
0x312: {  	[hbm4b:s9+s0] =	stream.strided.scatter [tilespmem:s19], [sflag:$0x7], $0x180, s1, s0, $0x38;
	[tilespmem:$0xAC00] =	vst v63  }
0x313: {  	s13 =	sadd.s32 $0x1, s13;
	_ =	swait.ge [sflag:s12], $0x180  }
0x314: {  	p0 =	sne.s32 s13, s11;
	[sflag:s12] =	ssyncset.done $0x0  }
.Ltmp3:
0x315: {  	[sflag:s12] =	ssyncadd.s32 $0xFFFFFE80;
	(pc) =	sbr.rel @p0 .LBB2_1-.Ltmp3, $4  }
0x316: {  	[hbm4b:s10+s0] =	stream.strided.scatter [tilespmem:s20], [sflag:$0x7], $0x180, s1, s0, $0x38;
	[tilespmem:$0xAC00] =	vst v63  }
0x317: {  	_ =	swait.ge [sflag:s12], $0x180  }
0x318: {  	[sflag:s12] =	ssyncset.done $0x0  }
0x319: {  	[sflag:s12] =	ssyncadd.s32 $0xFFFFFE80  }
0x31a: {  	_ =	sfence.sel $0x180000  }
0x31b: {  	[bflag:$0x0] =	sbarrier.arrive $0xFFFF  }
0x31c: {  	_ =	strace $0x90000047  }
0x31d: {  	s0 =	stileid.u32;
	[bflag:$0x2] =	sbarrier.arrive $0xFFFF  }
0x31e: {  	p0 =	sne.s32 s0, $0x0;
	s0 =	rddreg [dreg:$0x3]  }
0x31f: {  	s0 =	sadd.s32 @!p0 $0x100000, s0  }
0x320: {  	[sflag:s0] =	ssyncadd.tile.s32 @!p0 $0x1;
	_ =	shalt  }
.Lfunc_end2:
_tile_overlayer_lowered:
.L_overlay_start_2:
0x321: {  	(tag) =	ssettag $0x2  }
0x322: {  	s0 =	rddreg [dreg:$0x0];
	s2 =	stileid.u32  }
0x323: {  	s1 =	rddreg [dreg:$0x1];
	p0 =	sne.s32 s2, $0x0  }
0x324: {  	s3 =	rddreg [dreg:$0x2];
	[bflag:$0x3] =	sbarrier.arrive $0xFFFF;
	s2 =	simm.s32 @!p0 $0x1C07  }
0x325: {  	[timem:s3], [sflag:s2] =	dma.local @!p0 [hbm:s0], s1  }
0x326: {  	s0 =	simm.s32 @!p0 $0x7  }
0x327: {  	_ =	swait.ge @!p0 [sflag:s0], s1  }
0x328: {  	s1 =	ssub.s32 @!p0 $0x0, s1;
	[sflag:s0] =	ssyncset.done @!p0 $0x0  }
0x329: {  	[sflag:s0] =	ssyncadd.s32 @!p0 s1  }
0x32a: {  	[bflag:$0x3] =	sbarrier.arrive $0xFFFF  }
0x32b: {  	_ =	shalt  }

</sc_bundles>
